<compile_context>
chip_gen: v7x
topology: tpu7x:2x2x1
jax: 0.10.2.dev20260603
libtpu: 0.0.44.dev20260713+nightly
codegen_flags: <defaults>
</compile_context>

<pallas_src>
import functools

import jax
import jax.numpy as jnp
from jax import lax
from jax.experimental import pallas as pl
from jax.experimental.pallas import tpu as pltpu
from jax.experimental.pallas import tpu_sc as plsc

NUM_PLAIN = 27
PLAIN_VOCAB = 64
EMBED_DIM = 16
RING_VALS = [0, 3, 4, 5, 6, 7, 8]

N_ROWS = 100000
N_FIELDS = 30
TOTAL = N_ROWS * N_FIELDS

NC, NS, L = 2, 16, 16
NW = NC * NS

K = 128
PB = 4
BLK = K * PB
BPW = 184
PER_W = BPW * BLK
PADDED = NW * PER_W
NBLK128 = PADDED // K

RING_BASE = NUM_PLAIN * PLAIN_VOCAB
AROMA_BASE = RING_BASE + len(RING_VALS)
FUSED_BASE = AROMA_BASE + 2


def _row_index(v, pos):
    f = pos % N_FIELDS
    c63 = jnp.minimum(jnp.maximum(v, 0), PLAIN_VOCAB - 1)
    c1 = jnp.minimum(jnp.maximum(v, 0), 1)
    plain = f * PLAIN_VOCAB + c63
    m = jnp.zeros_like(v)
    for i, rv in enumerate(RING_VALS):
        if rv == 0:
            continue
        m = jnp.where(v == rv, i, m)
    ring = RING_BASE + m
    aroma = AROMA_BASE + c1
    fused = FUSED_BASE + c1
    out = jnp.where(f == NUM_PLAIN, ring, plain)
    out = jnp.where(f == NUM_PLAIN + 1, aroma, out)
    out = jnp.where(f == NUM_PLAIN + 2, fused, out)
    return out


def _sc_body(tab_hbm, in_hbm, out_hbm, tab_v, vals_v, idx_v, rows_v, sem):
    wid = lax.axis_index("s") * NC + lax.axis_index("c")
    base128 = wid * (BPW * PB)
    lane = lax.iota(jnp.int32, L)

    @pl.when(lax.axis_index("s") == 0)
    def _stage():
        pltpu.sync_copy(tab_hbm, tab_v)

    plsc.subcore_barrier()

    def body(g, carry):
        blk = base128 + g * PB
        pltpu.sync_copy(in_hbm.at[pl.ds(blk, PB)], vals_v)
        for q in range(PB):
            for r in range(K // L):
                v = vals_v[q, pl.ds(r * L, L)]
                pos = (blk + q) * K + r * L + lane
                idx_v[q, pl.ds(r * L, L)] = _row_index(v, pos)
        copies = [
            pltpu.async_copy(tab_v.at[idx_v.at[q]], rows_v.at[q], sem)
            for q in range(PB)
        ]
        for c in copies:
            c.wait()
        pltpu.sync_copy(rows_v, out_hbm.at[pl.ds(blk, PB)])
        return carry

    lax.fori_loop(0, BPW, body, 0)


@functools.partial(jax.jit, static_argnames=())
def _sc_gather(flat_tab, flat_in):
    mesh = plsc.VectorSubcoreMesh(core_axis_name="c", subcore_axis_name="s")
    fn = pl.kernel(
        _sc_body,
        mesh=mesh,
        compiler_params=pltpu.CompilerParams(use_tc_tiling_on_sc=False),
        out_type=jax.ShapeDtypeStruct((NBLK128, K, EMBED_DIM), jnp.float32),
        scratch_types=[
            pltpu.VMEM_SHARED((1739, EMBED_DIM), jnp.float32),
            pltpu.VMEM((PB, K), jnp.int32),
            pltpu.VMEM((PB, K), jnp.int32),
            pltpu.VMEM((PB, K, EMBED_DIM), jnp.float32),
            pltpu.SemaphoreType.DMA,
        ],
    )
    return fn(flat_tab, flat_in)


def kernel(atom_inputs, tables, ringsize_table, aroma_table, fused_table):
    n, nf = atom_inputs.shape
    assert n * nf == TOTAL
    flat_tab = jnp.concatenate(
        [tables.reshape(-1, EMBED_DIM), ringsize_table, aroma_table, fused_table],
        axis=0,
    )
    flat_in = jnp.pad(atom_inputs.reshape(-1), (0, PADDED - TOTAL))
    out = _sc_gather(flat_tab, flat_in.reshape(NBLK128, K))
    return out.reshape(-1, EMBED_DIM)[:TOTAL].reshape(n, nf * EMBED_DIM)

# --- scband reference (transcript-rebuilt; emitter-appended) ---
"""Pipeline reference for scband-atom-embedding-4303557231295 (READ-ONLY COPY).

The authoritative reference and input builder live on the scoring server;
editing this copy changes nothing except your own understanding.
"""

import jax, jax.numpy as jnp
import numpy as np

N = 100000
NUM_PLAIN = 27
PLAIN_VOCAB = 64
EMBED_DIM = 16
RING_VALS = [0, 3, 4, 5, 6, 7, 8]


def setup_inputs(seed: int = 0) -> dict:
    key = jax.random.key(seed)
    k1, k2, k3, k4, k5 = jax.random.split(key, 5)
    atom_inputs = jax.random.randint(k1, (N, 30), 0, 64, dtype=jnp.int32)
    tables = jax.random.normal(k2, (NUM_PLAIN, PLAIN_VOCAB, EMBED_DIM), dtype=jnp.float32) * 0.02
    ringsize_table = jax.random.normal(k3, (len(RING_VALS), EMBED_DIM), dtype=jnp.float32) * 0.02
    aroma_table = jax.random.normal(k4, (2, EMBED_DIM), dtype=jnp.float32) * 0.02
    fused_table = jax.random.normal(k5, (2, EMBED_DIM), dtype=jnp.float32) * 0.02
    return {"atom_inputs": atom_inputs, "tables": tables, "ringsize_table": ringsize_table, "aroma_table": aroma_table, "fused_table": fused_table}


def reference(atom_inputs, tables, ringsize_table, aroma_table, fused_table):
    n = atom_inputs.shape[0]
    # fields 0..26: clamp then embed with per-field tables, concat
    plain = jnp.clip(atom_inputs[:, :NUM_PLAIN], 0, PLAIN_VOCAB - 1)
    field_ids = jnp.arange(NUM_PLAIN)[None, :]
    x_plain = tables[field_ids, plain]  # [N, 27, EMBED_DIM]
    x_plain = x_plain.reshape(n, NUM_PLAIN * EMBED_DIM)
    # field 27: map known ring sizes to dense indices (unknown -> 0), clamp, embed
    raw27 = atom_inputs[:, 27]
    mapped27 = jnp.zeros_like(raw27)
    for idx, v in enumerate(RING_VALS):
        mapped27 = jnp.where(raw27 == v, idx, mapped27)
    mapped27 = jnp.clip(mapped27, 0, ringsize_table.shape[0] - 1)
    x27 = ringsize_table[mapped27]
    # field 28: aromaticity count embed
    raw28 = jnp.clip(atom_inputs[:, 28], 0, aroma_table.shape[0] - 1)
    x28 = aroma_table[raw28]
    # field 29: fused-ring flag embed
    raw29 = jnp.clip(atom_inputs[:, 29], 0, fused_table.shape[0] - 1)
    x29 = fused_table[raw29]
    out = jnp.concatenate([x_plain, x27, x28, x29], axis=-1)
    return out

if __name__ == "__main__":
    import jax
    _d = setup_inputs()
    print(jax.jit(kernel)(*tuple(_d.values())))

</pallas_src>

<mosaic_0001>
#map = affine_map<(d0, d1) -> (0, 0)>
#map1 = affine_map<(d0, d1) -> (0, 0, 0)>
module attributes {stable_mosaic.version = 14 : i64} {
  func.func @_sc_body(%arg0: i32, %arg1: i32, %arg2: memref<1739x16xf32, #tpu.memory_space<hbm>>, %arg3: memref<23552x128xi32, #tpu.memory_space<hbm>>, %arg4: memref<23552x128x16xf32, #tpu.memory_space<hbm>>, %arg5: memref<1739x16xf32, #tpu.memory_space<vmem_shared>>, %arg6: memref<4x128xi32, #tpu.memory_space<vmem>>, %arg7: memref<4x128xi32, #tpu.memory_space<vmem>>, %arg8: memref<4x128x16xf32, #tpu.memory_space<vmem>>, %arg9: memref<!tpu.dma_semaphore, #tpu.memory_space<semaphore_mem>>) attributes {dimension_semantics = [#tpu.dimension_semantics<core_parallel>, #tpu.dimension_semantics<subcore_parallel>], iteration_bounds = array<i64: 2, 16>, scalar_prefetch = 0 : i64, scratch_operands = 5 : i64, tpu.core_type = #tpu.core_type<sc_vector_subcore>, window_params = [{transform_indices = #map}, {transform_indices = #map}, {transform_indices = #map1}]} {
    %mul3A = arith.constant 2 : i32
    %mul3A_0 = arith.muli %arg1, %mul3A : i32
    %add3A = arith.addi %mul3A_0, %arg0 : i32
    %mul3A_1 = arith.constant 736 : i32
    %mul3A_2 = arith.muli %add3A, %mul3A_1 : i32
    %iota3A = tpu.iota {dimensions = array<i32: 0>} : vector<16xi32>
    %eq3A = arith.constant 0 : i32
    %eq3A_3 = arith.cmpi eq, %arg1, %eq3A : i32
    %convert_element_type3A = arith.extui %eq3A_3 : i1 to i32
    %cond3A = arith.constant 0 : i32
    %cond3A_4 = arith.cmpi ne, %convert_element_type3A, %cond3A : i32
    scf.if %cond3A_4 {
      "tpu.region"() ({
        %run_scoped3A = tpu.sem_alloc : memref<!tpu.dma_semaphore, #tpu.memory_space<semaphore_mem>>
        tpu.enqueue_dma source(%arg2 : memref<1739x16xf32, #tpu.memory_space<hbm>>) target(%arg5 : memref<1739x16xf32, #tpu.memory_space<vmem_shared>>) target_semaphore(%run_scoped3A : memref<!tpu.dma_semaphore, #tpu.memory_space<semaphore_mem>>)
        tpu.wait_dma2 semaphore(%run_scoped3A : memref<!tpu.dma_semaphore, #tpu.memory_space<semaphore_mem>>) src(%arg2 : memref<1739x16xf32, #tpu.memory_space<hbm>>) dst(%arg5 : memref<1739x16xf32, #tpu.memory_space<vmem_shared>>)
        tpu.yield
      }) : () -> ()
    } else {
    }
    %barrier3A = arith.constant 0 : index
    tpu.barrier barrier_id(%barrier3A)
    %scan3A = arith.constant 0 : i32
    %scan3A_5 = arith.constant 0 : i32
    %scan3A_6 = arith.constant 184 : i32
    %scan3A_7 = arith.addi %scan3A_5, %scan3A_6 : i32
    %scan3A_8 = arith.constant 1 : i32
    scf.for %scan3A_10 = %scan3A_5 to %scan3A_7 step %scan3A_8  : i32 {
      %mul3A_11 = arith.constant 4 : i32
      %mul3A_12 = arith.muli %scan3A_10, %mul3A_11 : i32
      %add3A_13 = arith.addi %mul3A_2, %mul3A_12 : i32
      "tpu.region"() ({
        %run_scoped3A = tpu.sem_alloc : memref<!tpu.dma_semaphore, #tpu.memory_space<semaphore_mem>>
        %dma_start3A_3809 = arith.constant 0 : i32
        %dma_start3A_3810 = tpu.memref_slice %arg3[%add3A_13, %dma_start3A_3809] : memref<23552x128xi32, #tpu.memory_space<hbm>> -> memref<4x128xi32, #tpu.memory_space<hbm>>
        %dma_start3A_3811 = arith.constant 0 : i32
        %dma_start3A_3812 = tpu.memref_slice %arg3[%add3A_13, %dma_start3A_3811] : memref<23552x128xi32, #tpu.memory_space<hbm>> -> memref<4x128xi32, #tpu.memory_space<hbm>>
        tpu.enqueue_dma source(%dma_start3A_3812 : memref<4x128xi32, #tpu.memory_space<hbm>>) target(%arg6 : memref<4x128xi32, #tpu.memory_space<vmem>>) target_semaphore(%run_scoped3A : memref<!tpu.dma_semaphore, #tpu.memory_space<semaphore_mem>>)
        %dma_wait3A_3813 = arith.constant 0 : i32
        %dma_wait3A_3814 = tpu.memref_slice %arg3[%add3A_13, %dma_wait3A_3813] : memref<23552x128xi32, #tpu.memory_space<hbm>> -> memref<4x128xi32, #tpu.memory_space<hbm>>
        %dma_wait3A_3815 = arith.constant 0 : i32
        %dma_wait3A_3816 = tpu.memref_slice %arg3[%add3A_13, %dma_wait3A_3815] : memref<23552x128xi32, #tpu.memory_space<hbm>> -> memref<4x128xi32, #tpu.memory_space<hbm>>
        tpu.wait_dma2 semaphore(%run_scoped3A : memref<!tpu.dma_semaphore, #tpu.memory_space<semaphore_mem>>) src(%dma_wait3A_3816 : memref<4x128xi32, #tpu.memory_space<hbm>>) dst(%arg6 : memref<4x128xi32, #tpu.memory_space<vmem>>)
        tpu.yield
      }) : () -> ()
      %get3A = arith.constant 0 : i32
      %get3A_14 = arith.index_cast %get3A : i32 to index
      %get3A_15 = arith.constant 0 : index
      %get3A_16 = tpu.vector_load %arg6[%get3A_14, %get3A_15] {strides = array<i32>} : memref<4x128xi32, #tpu.memory_space<vmem>>, vector<1x16xi32>,
      %get3A_17 = vector.shape_cast %get3A_16 : vector<1x16xi32> to vector<16xi32>
      %add3A_18 = arith.constant 0 : i32
      %add3A_19 = arith.addi %add3A_13, %add3A_18 : i32
      %mul3A_20 = arith.constant 128 : i32
      %mul3A_21 = arith.muli %add3A_19, %mul3A_20 : i32
      %add3A_22 = arith.constant 0 : i32
      %add3A_23 = arith.addi %mul3A_21, %add3A_22 : i32
      %add3A_24 = vector.broadcast %add3A_23 : i32 to vector<16xi32>
      %add3A_25 = arith.addi %add3A_24, %iota3A : vector<16xi32>
      %jit3A = arith.constant 30 : i32
      %eq3A_26 = arith.constant 0 : i32
      %eq3A_27 = arith.cmpi eq, %jit3A, %eq3A_26 : i32
      %jit3A_28 = arith.constant 1 : i32
      %select_n3A = arith.select %eq3A_27, %jit3A_28, %jit3A : i32
      %rem3A = vector.broadcast %select_n3A : i32 to vector<16xi32>
      %rem3A_29 = arith.remsi %add3A_25, %rem3A : vector<16xi32>
      %ne3A = arith.constant 0 : i32
      %ne3A_30 = vector.broadcast %ne3A : i32 to vector<16xi32>
      %ne3A_31 = arith.cmpi ne, %rem3A_29, %ne3A_30 : vector<16xi32>
      %lt3A = arith.constant 0 : i32
      %lt3A_32 = vector.broadcast %lt3A : i32 to vector<16xi32>
      %lt3A_33 = arith.cmpi slt, %rem3A_29, %lt3A_32 : vector<16xi32>
      %lt3A_34 = arith.constant 0 : i32
      %lt3A_35 = arith.cmpi slt, %select_n3A, %lt3A_34 : i32
      %ne3A_36 = vector.broadcast %lt3A_35 : i1 to vector<16xi1>
      %ne3A_37 = vector.broadcast %ne3A_36 : vector<16xi1> to vector<16xi1>
      %ne3A_38 = arith.xori %lt3A_33, %ne3A_37 : vector<16xi1>
      %and3A = arith.andi %ne3A_38, %ne3A_31 : vector<16xi1>
      %add3A_39 = vector.broadcast %select_n3A : i32 to vector<16xi32>
      %add3A_40 = arith.addi %rem3A_29, %add3A_39 : vector<16xi32>
      %select_n3A_41 = arith.select %and3A, %add3A_40, %rem3A_29 : vector<16xi1>, vector<16xi32>
      %max3A = arith.constant 0 : i32
      %max3A_42 = vector.broadcast %max3A : i32 to vector<16xi32>
      %max3A_43 = arith.maxsi %get3A_17, %max3A_42 : vector<16xi32>
      %min3A = arith.constant 63 : i32
      %min3A_44 = vector.broadcast %min3A : i32 to vector<16xi32>
      %min3A_45 = arith.minsi %max3A_43, %min3A_44 : vector<16xi32>
      %max3A_46 = arith.constant 0 : i32
      %max3A_47 = vector.broadcast %max3A_46 : i32 to vector<16xi32>
      %max3A_48 = arith.maxsi %get3A_17, %max3A_47 : vector<16xi32>
      %min3A_49 = arith.constant 1 : i32
      %min3A_50 = vector.broadcast %min3A_49 : i32 to vector<16xi32>
      %min3A_51 = arith.minsi %max3A_48, %min3A_50 : vector<16xi32>
      %mul3A_52 = arith.constant 64 : i32
      %mul3A_53 = vector.broadcast %mul3A_52 : i32 to vector<16xi32>
      %mul3A_54 = arith.muli %select_n3A_41, %mul3A_53 : vector<16xi32>
      %add3A_55 = arith.addi %mul3A_54, %min3A_45 : vector<16xi32>
      %broadcast_in_dim3A = arith.constant 0 : i32
      %broadcast_in_dim3A_56 = vector.broadcast %broadcast_in_dim3A : i32 to vector<16xi32>
      %eq3A_57 = arith.constant 3 : i32
      %eq3A_58 = vector.broadcast %eq3A_57 : i32 to vector<16xi32>
      %eq3A_59 = arith.cmpi eq, %get3A_17, %eq3A_58 : vector<16xi32>
      %jit3A_60 = arith.constant 1 : i32
      %broadcast_in_dim3A_61 = vector.broadcast %jit3A_60 : i32 to vector<16xi32>
      %select_n3A_62 = arith.select %eq3A_59, %broadcast_in_dim3A_61, %broadcast_in_dim3A_56 : vector<16xi1>, vector<16xi32>
      %eq3A_63 = arith.constant 4 : i32
      %eq3A_64 = vector.broadcast %eq3A_63 : i32 to vector<16xi32>
      %eq3A_65 = arith.cmpi eq, %get3A_17, %eq3A_64 : vector<16xi32>
      %jit3A_66 = arith.constant 2 : i32
      %broadcast_in_dim3A_67 = vector.broadcast %jit3A_66 : i32 to vector<16xi32>
      %select_n3A_68 = arith.select %eq3A_65, %broadcast_in_dim3A_67, %select_n3A_62 : vector<16xi1>, vector<16xi32>
      %eq3A_69 = arith.constant 5 : i32
      %eq3A_70 = vector.broadcast %eq3A_69 : i32 to vector<16xi32>
      %eq3A_71 = arith.cmpi eq, %get3A_17, %eq3A_70 : vector<16xi32>
      %jit3A_72 = arith.constant 3 : i32
      %broadcast_in_dim3A_73 = vector.broadcast %jit3A_72 : i32 to vector<16xi32>
      %select_n3A_74 = arith.select %eq3A_71, %broadcast_in_dim3A_73, %select_n3A_68 : vector<16xi1>, vector<16xi32>
      %eq3A_75 = arith.constant 6 : i32
      %eq3A_76 = vector.broadcast %eq3A_75 : i32 to vector<16xi32>
      %eq3A_77 = arith.cmpi eq, %get3A_17, %eq3A_76 : vector<16xi32>
      %jit3A_78 = arith.constant 4 : i32
      %broadcast_in_dim3A_79 = vector.broadcast %jit3A_78 : i32 to vector<16xi32>
      %select_n3A_80 = arith.select %eq3A_77, %broadcast_in_dim3A_79, %select_n3A_74 : vector<16xi1>, vector<16xi32>
      %eq3A_81 = arith.constant 7 : i32
      %eq3A_82 = vector.broadcast %eq3A_81 : i32 to vector<16xi32>
      %eq3A_83 = arith.cmpi eq, %get3A_17, %eq3A_82 : vector<16xi32>
      %jit3A_84 = arith.constant 5 : i32
      %broadcast_in_dim3A_85 = vector.broadcast %jit3A_84 : i32 to vector<16xi32>
      %select_n3A_86 = arith.select %eq3A_83, %broadcast_in_dim3A_85, %select_n3A_80 : vector<16xi1>, vector<16xi32>
      %eq3A_87 = arith.constant 8 : i32
      %eq3A_88 = vector.broadcast %eq3A_87 : i32 to vector<16xi32>
      %eq3A_89 = arith.cmpi eq, %get3A_17, %eq3A_88 : vector<16xi32>
      %jit3A_90 = arith.constant 6 : i32
      %broadcast_in_dim3A_91 = vector.broadcast %jit3A_90 : i32 to vector<16xi32>
      %select_n3A_92 = arith.select %eq3A_89, %broadcast_in_dim3A_91, %select_n3A_86 : vector<16xi1>, vector<16xi32>
      %add3A_93 = arith.constant 1728 : i32
      %add3A_94 = vector.broadcast %add3A_93 : i32 to vector<16xi32>
      %add3A_95 = arith.addi %add3A_94, %select_n3A_92 : vector<16xi32>
      %add3A_96 = arith.constant 1735 : i32
      %add3A_97 = vector.broadcast %add3A_96 : i32 to vector<16xi32>
      %add3A_98 = arith.addi %add3A_97, %min3A_51 : vector<16xi32>
      %add3A_99 = arith.constant 1737 : i32
      %add3A_100 = vector.broadcast %add3A_99 : i32 to vector<16xi32>
      %add3A_101 = arith.addi %add3A_100, %min3A_51 : vector<16xi32>
      %eq3A_102 = arith.constant 27 : i32
      %eq3A_103 = vector.broadcast %eq3A_102 : i32 to vector<16xi32>
      %eq3A_104 = arith.cmpi eq, %select_n3A_41, %eq3A_103 : vector<16xi32>
      %select_n3A_105 = arith.select %eq3A_104, %add3A_95, %add3A_55 : vector<16xi1>, vector<16xi32>
      %eq3A_106 = arith.constant 28 : i32
      %eq3A_107 = vector.broadcast %eq3A_106 : i32 to vector<16xi32>
      %eq3A_108 = arith.cmpi eq, %select_n3A_41, %eq3A_107 : vector<16xi32>
      %select_n3A_109 = arith.select %eq3A_108, %add3A_98, %select_n3A_105 : vector<16xi1>, vector<16xi32>
      %eq3A_110 = arith.constant 29 : i32
      %eq3A_111 = vector.broadcast %eq3A_110 : i32 to vector<16xi32>
      %eq3A_112 = arith.cmpi eq, %select_n3A_41, %eq3A_111 : vector<16xi32>
      %select_n3A_113 = arith.select %eq3A_112, %add3A_101, %select_n3A_109 : vector<16xi1>, vector<16xi32>
      %swap3A = arith.constant 0 : i32
      %swap3A_114 = arith.index_cast %swap3A : i32 to index
      %swap3A_115 = arith.constant 0 : index
      %swap3A_116 = tpu.vector_load %arg7[%swap3A_114, %swap3A_115] {strides = array<i32>} : memref<4x128xi32, #tpu.memory_space<vmem>>, vector<1x16xi32>,
      %swap3A_117 = vector.shape_cast %swap3A_116 : vector<1x16xi32> to vector<16xi32>
      %swap3A_118 = vector.shape_cast %select_n3A_113 : vector<16xi32> to vector<1x16xi32>
      tpu.vector_store %arg7[%swap3A_114, %swap3A_115], %swap3A_118 {strides = array<i32>} : memref<4x128xi32, #tpu.memory_space<vmem>>, vector<1x16xi32>,
      %get3A_119 = arith.constant 0 : i32
      %get3A_120 = arith.index_cast %get3A_119 : i32 to index
      %get3A_121 = arith.constant 16 : index
      %get3A_122 = tpu.vector_load %arg6[%get3A_120, %get3A_121] {strides = array<i32>} : memref<4x128xi32, #tpu.memory_space<vmem>>, vector<1x16xi32>,
      %get3A_123 = vector.shape_cast %get3A_122 : vector<1x16xi32> to vector<16xi32>
      %add3A_124 = arith.constant 0 : i32
      %add3A_125 = arith.addi %add3A_13, %add3A_124 : i32
      %mul3A_126 = arith.constant 128 : i32
      %mul3A_127 = arith.muli %add3A_125, %mul3A_126 : i32
      %add3A_128 = arith.constant 16 : i32
      %add3A_129 = arith.addi %mul3A_127, %add3A_128 : i32
      %add3A_130 = vector.broadcast %add3A_129 : i32 to vector<16xi32>
      %add3A_131 = arith.addi %add3A_130, %iota3A : vector<16xi32>
      %jit3A_132 = arith.constant 30 : i32
      %eq3A_133 = arith.constant 0 : i32
      %eq3A_134 = arith.cmpi eq, %jit3A_132, %eq3A_133 : i32
      %jit3A_135 = arith.constant 1 : i32
      %select_n3A_136 = arith.select %eq3A_134, %jit3A_135, %jit3A_132 : i32
      %rem3A_137 = vector.broadcast %select_n3A_136 : i32 to vector<16xi32>
      %rem3A_138 = arith.remsi %add3A_131, %rem3A_137 : vector<16xi32>
      %ne3A_139 = arith.constant 0 : i32
      %ne3A_140 = vector.broadcast %ne3A_139 : i32 to vector<16xi32>
      %ne3A_141 = arith.cmpi ne, %rem3A_138, %ne3A_140 : vector<16xi32>
      %lt3A_142 = arith.constant 0 : i32
      %lt3A_143 = vector.broadcast %lt3A_142 : i32 to vector<16xi32>
      %lt3A_144 = arith.cmpi slt, %rem3A_138, %lt3A_143 : vector<16xi32>
      %lt3A_145 = arith.constant 0 : i32
      %lt3A_146 = arith.cmpi slt, %select_n3A_136, %lt3A_145 : i32
      %ne3A_147 = vector.broadcast %lt3A_146 : i1 to vector<16xi1>
      %ne3A_148 = vector.broadcast %ne3A_147 : vector<16xi1> to vector<16xi1>
      %ne3A_149 = arith.xori %lt3A_144, %ne3A_148 : vector<16xi1>
      %and3A_150 = arith.andi %ne3A_149, %ne3A_141 : vector<16xi1>
      %add3A_151 = vector.broadcast %select_n3A_136 : i32 to vector<16xi32>
      %add3A_152 = arith.addi %rem3A_138, %add3A_151 : vector<16xi32>
      %select_n3A_153 = arith.select %and3A_150, %add3A_152, %rem3A_138 : vector<16xi1>, vector<16xi32>
      %max3A_154 = arith.constant 0 : i32
      %max3A_155 = vector.broadcast %max3A_154 : i32 to vector<16xi32>
      %max3A_156 = arith.maxsi %get3A_123, %max3A_155 : vector<16xi32>
      %min3A_157 = arith.constant 63 : i32
      %min3A_158 = vector.broadcast %min3A_157 : i32 to vector<16xi32>
      %min3A_159 = arith.minsi %max3A_156, %min3A_158 : vector<16xi32>
      %max3A_160 = arith.constant 0 : i32
      %max3A_161 = vector.broadcast %max3A_160 : i32 to vector<16xi32>
      %max3A_162 = arith.maxsi %get3A_123, %max3A_161 : vector<16xi32>
      %min3A_163 = arith.constant 1 : i32
      %min3A_164 = vector.broadcast %min3A_163 : i32 to vector<16xi32>
      %min3A_165 = arith.minsi %max3A_162, %min3A_164 : vector<16xi32>
      %mul3A_166 = arith.constant 64 : i32
      %mul3A_167 = vector.broadcast %mul3A_166 : i32 to vector<16xi32>
      %mul3A_168 = arith.muli %select_n3A_153, %mul3A_167 : vector<16xi32>
      %add3A_169 = arith.addi %mul3A_168, %min3A_159 : vector<16xi32>
      %broadcast_in_dim3A_170 = arith.constant 0 : i32
      %broadcast_in_dim3A_171 = vector.broadcast %broadcast_in_dim3A_170 : i32 to vector<16xi32>
      %eq3A_172 = arith.constant 3 : i32
      %eq3A_173 = vector.broadcast %eq3A_172 : i32 to vector<16xi32>
      %eq3A_174 = arith.cmpi eq, %get3A_123, %eq3A_173 : vector<16xi32>
      %jit3A_175 = arith.constant 1 : i32
      %broadcast_in_dim3A_176 = vector.broadcast %jit3A_175 : i32 to vector<16xi32>
      %select_n3A_177 = arith.select %eq3A_174, %broadcast_in_dim3A_176, %broadcast_in_dim3A_171 : vector<16xi1>, vector<16xi32>
      %eq3A_178 = arith.constant 4 : i32
      %eq3A_179 = vector.broadcast %eq3A_178 : i32 to vector<16xi32>
      %eq3A_180 = arith.cmpi eq, %get3A_123, %eq3A_179 : vector<16xi32>
      %jit3A_181 = arith.constant 2 : i32
      %broadcast_in_dim3A_182 = vector.broadcast %jit3A_181 : i32 to vector<16xi32>
      %select_n3A_183 = arith.select %eq3A_180, %broadcast_in_dim3A_182, %select_n3A_177 : vector<16xi1>, vector<16xi32>
      %eq3A_184 = arith.constant 5 : i32
      %eq3A_185 = vector.broadcast %eq3A_184 : i32 to vector<16xi32>
      %eq3A_186 = arith.cmpi eq, %get3A_123, %eq3A_185 : vector<16xi32>
      %jit3A_187 = arith.constant 3 : i32
      %broadcast_in_dim3A_188 = vector.broadcast %jit3A_187 : i32 to vector<16xi32>
      %select_n3A_189 = arith.select %eq3A_186, %broadcast_in_dim3A_188, %select_n3A_183 : vector<16xi1>, vector<16xi32>
      %eq3A_190 = arith.constant 6 : i32
      %eq3A_191 = vector.broadcast %eq3A_190 : i32 to vector<16xi32>
      %eq3A_192 = arith.cmpi eq, %get3A_123, %eq3A_191 : vector<16xi32>
      %jit3A_193 = arith.constant 4 : i32
      %broadcast_in_dim3A_194 = vector.broadcast %jit3A_193 : i32 to vector<16xi32>
      %select_n3A_195 = arith.select %eq3A_192, %broadcast_in_dim3A_194, %select_n3A_189 : vector<16xi1>, vector<16xi32>
      %eq3A_196 = arith.constant 7 : i32
      %eq3A_197 = vector.broadcast %eq3A_196 : i32 to vector<16xi32>
      %eq3A_198 = arith.cmpi eq, %get3A_123, %eq3A_197 : vector<16xi32>
      %jit3A_199 = arith.constant 5 : i32
      %broadcast_in_dim3A_200 = vector.broadcast %jit3A_199 : i32 to vector<16xi32>
      %select_n3A_201 = arith.select %eq3A_198, %broadcast_in_dim3A_200, %select_n3A_195 : vector<16xi1>, vector<16xi32>
      %eq3A_202 = arith.constant 8 : i32
      %eq3A_203 = vector.broadcast %eq3A_202 : i32 to vector<16xi32>
      %eq3A_204 = arith.cmpi eq, %get3A_123, %eq3A_203 : vector<16xi32>
      %jit3A_205 = arith.constant 6 : i32
      %broadcast_in_dim3A_206 = vector.broadcast %jit3A_205 : i32 to vector<16xi32>
      %select_n3A_207 = arith.select %eq3A_204, %broadcast_in_dim3A_206, %select_n3A_201 : vector<16xi1>, vector<16xi32>
      %add3A_208 = arith.constant 1728 : i32
      %add3A_209 = vector.broadcast %add3A_208 : i32 to vector<16xi32>
      %add3A_210 = arith.addi %add3A_209, %select_n3A_207 : vector<16xi32>
      %add3A_211 = arith.constant 1735 : i32
      %add3A_212 = vector.broadcast %add3A_211 : i32 to vector<16xi32>
      %add3A_213 = arith.addi %add3A_212, %min3A_165 : vector<16xi32>
      %add3A_214 = arith.constant 1737 : i32
      %add3A_215 = vector.broadcast %add3A_214 : i32 to vector<16xi32>
      %add3A_216 = arith.addi %add3A_215, %min3A_165 : vector<16xi32>
      %eq3A_217 = arith.constant 27 : i32
      %eq3A_218 = vector.broadcast %eq3A_217 : i32 to vector<16xi32>
      %eq3A_219 = arith.cmpi eq, %select_n3A_153, %eq3A_218 : vector<16xi32>
      %select_n3A_220 = arith.select %eq3A_219, %add3A_210, %add3A_169 : vector<16xi1>, vector<16xi32>
      %eq3A_221 = arith.constant 28 : i32
      %eq3A_222 = vector.broadcast %eq3A_221 : i32 to vector<16xi32>
      %eq3A_223 = arith.cmpi eq, %select_n3A_153, %eq3A_222 : vector<16xi32>
      %select_n3A_224 = arith.select %eq3A_223, %add3A_213, %select_n3A_220 : vector<16xi1>, vector<16xi32>
      %eq3A_225 = arith.constant 29 : i32
      %eq3A_226 = vector.broadcast %eq3A_225 : i32 to vector<16xi32>
      %eq3A_227 = arith.cmpi eq, %select_n3A_153, %eq3A_226 : vector<16xi32>
      %select_n3A_228 = arith.select %eq3A_227, %add3A_216, %select_n3A_224 : vector<16xi1>, vector<16xi32>
      %swap3A_229 = arith.constant 0 : i32
      %swap3A_230 = arith.index_cast %swap3A_229 : i32 to index
      %swap3A_231 = arith.constant 16 : index
      %swap3A_232 = tpu.vector_load %arg7[%swap3A_230, %swap3A_231] {strides = array<i32>} : memref<4x128xi32, #tpu.memory_space<vmem>>, vector<1x16xi32>,
      %swap3A_233 = vector.shape_cast %swap3A_232 : vector<1x16xi32> to vector<16xi32>
      %swap3A_234 = vector.shape_cast %select_n3A_228 : vector<16xi32> to vector<1x16xi32>
      tpu.vector_store %arg7[%swap3A_230, %swap3A_231], %swap3A_234 {strides = array<i32>} : memref<4x128xi32, #tpu.memory_space<vmem>>, vector<1x16xi32>,
      %get3A_235 = arith.constant 0 : i32
      %get3A_236 = arith.index_cast %get3A_235 : i32 to index
      %get3A_237 = arith.constant 32 : index
      %get3A_238 = tpu.vector_load %arg6[%get3A_236, %get3A_237] {strides = array<i32>} : memref<4x128xi32, #tpu.memory_space<vmem>>, vector<1x16xi32>,
      %get3A_239 = vector.shape_cast %get3A_238 : vector<1x16xi32> to vector<16xi32>
      %add3A_240 = arith.constant 0 : i32
      %add3A_241 = arith.addi %add3A_13, %add3A_240 : i32
      %mul3A_242 = arith.constant 128 : i32
      %mul3A_243 = arith.muli %add3A_241, %mul3A_242 : i32
      %add3A_244 = arith.constant 32 : i32
      %add3A_245 = arith.addi %mul3A_243, %add3A_244 : i32
      %add3A_246 = vector.broadcast %add3A_245 : i32 to vector<16xi32>
      %add3A_247 = arith.addi %add3A_246, %iota3A : vector<16xi32>
      %jit3A_248 = arith.constant 30 : i32
      %eq3A_249 = arith.constant 0 : i32
      %eq3A_250 = arith.cmpi eq, %jit3A_248, %eq3A_249 : i32
      %jit3A_251 = arith.constant 1 : i32
      %select_n3A_252 = arith.select %eq3A_250, %jit3A_251, %jit3A_248 : i32
      %rem3A_253 = vector.broadcast %select_n3A_252 : i32 to vector<16xi32>
      %rem3A_254 = arith.remsi %add3A_247, %rem3A_253 : vector<16xi32>
      %ne3A_255 = arith.constant 0 : i32
      %ne3A_256 = vector.broadcast %ne3A_255 : i32 to vector<16xi32>
      %ne3A_257 = arith.cmpi ne, %rem3A_254, %ne3A_256 : vector<16xi32>
      %lt3A_258 = arith.constant 0 : i32
      %lt3A_259 = vector.broadcast %lt3A_258 : i32 to vector<16xi32>
      %lt3A_260 = arith.cmpi slt, %rem3A_254, %lt3A_259 : vector<16xi32>
      %lt3A_261 = arith.constant 0 : i32
      %lt3A_262 = arith.cmpi slt, %select_n3A_252, %lt3A_261 : i32
      %ne3A_263 = vector.broadcast %lt3A_262 : i1 to vector<16xi1>
      %ne3A_264 = vector.broadcast %ne3A_263 : vector<16xi1> to vector<16xi1>
      %ne3A_265 = arith.xori %lt3A_260, %ne3A_264 : vector<16xi1>
      %and3A_266 = arith.andi %ne3A_265, %ne3A_257 : vector<16xi1>
      %add3A_267 = vector.broadcast %select_n3A_252 : i32 to vector<16xi32>
      %add3A_268 = arith.addi %rem3A_254, %add3A_267 : vector<16xi32>
      %select_n3A_269 = arith.select %and3A_266, %add3A_268, %rem3A_254 : vector<16xi1>, vector<16xi32>
      %max3A_270 = arith.constant 0 : i32
      %max3A_271 = vector.broadcast %max3A_270 : i32 to vector<16xi32>
      %max3A_272 = arith.maxsi %get3A_239, %max3A_271 : vector<16xi32>
      %min3A_273 = arith.constant 63 : i32
      %min3A_274 = vector.broadcast %min3A_273 : i32 to vector<16xi32>
      %min3A_275 = arith.minsi %max3A_272, %min3A_274 : vector<16xi32>
      %max3A_276 = arith.constant 0 : i32
      %max3A_277 = vector.broadcast %max3A_276 : i32 to vector<16xi32>
      %max3A_278 = arith.maxsi %get3A_239, %max3A_277 : vector<16xi32>
      %min3A_279 = arith.constant 1 : i32
      %min3A_280 = vector.broadcast %min3A_279 : i32 to vector<16xi32>
      %min3A_281 = arith.minsi %max3A_278, %min3A_280 : vector<16xi32>
      %mul3A_282 = arith.constant 64 : i32
      %mul3A_283 = vector.broadcast %mul3A_282 : i32 to vector<16xi32>
      %mul3A_284 = arith.muli %select_n3A_269, %mul3A_283 : vector<16xi32>
      %add3A_285 = arith.addi %mul3A_284, %min3A_275 : vector<16xi32>
      %broadcast_in_dim3A_286 = arith.constant 0 : i32
      %broadcast_in_dim3A_287 = vector.broadcast %broadcast_in_dim3A_286 : i32 to vector<16xi32>
      %eq3A_288 = arith.constant 3 : i32
      %eq3A_289 = vector.broadcast %eq3A_288 : i32 to vector<16xi32>
      %eq3A_290 = arith.cmpi eq, %get3A_239, %eq3A_289 : vector<16xi32>
      %jit3A_291 = arith.constant 1 : i32
      %broadcast_in_dim3A_292 = vector.broadcast %jit3A_291 : i32 to vector<16xi32>
      %select_n3A_293 = arith.select %eq3A_290, %broadcast_in_dim3A_292, %broadcast_in_dim3A_287 : vector<16xi1>, vector<16xi32>
      %eq3A_294 = arith.constant 4 : i32
      %eq3A_295 = vector.broadcast %eq3A_294 : i32 to vector<16xi32>
      %eq3A_296 = arith.cmpi eq, %get3A_239, %eq3A_295 : vector<16xi32>
      %jit3A_297 = arith.constant 2 : i32
      %broadcast_in_dim3A_298 = vector.broadcast %jit3A_297 : i32 to vector<16xi32>
      %select_n3A_299 = arith.select %eq3A_296, %broadcast_in_dim3A_298, %select_n3A_293 : vector<16xi1>, vector<16xi32>
      %eq3A_300 = arith.constant 5 : i32
      %eq3A_301 = vector.broadcast %eq3A_300 : i32 to vector<16xi32>
      %eq3A_302 = arith.cmpi eq, %get3A_239, %eq3A_301 : vector<16xi32>
      %jit3A_303 = arith.constant 3 : i32
      %broadcast_in_dim3A_304 = vector.broadcast %jit3A_303 : i32 to vector<16xi32>
      %select_n3A_305 = arith.select %eq3A_302, %broadcast_in_dim3A_304, %select_n3A_299 : vector<16xi1>, vector<16xi32>
      %eq3A_306 = arith.constant 6 : i32
      %eq3A_307 = vector.broadcast %eq3A_306 : i32 to vector<16xi32>
      %eq3A_308 = arith.cmpi eq, %get3A_239, %eq3A_307 : vector<16xi32>
      %jit3A_309 = arith.constant 4 : i32
      %broadcast_in_dim3A_310 = vector.broadcast %jit3A_309 : i32 to vector<16xi32>
      %select_n3A_311 = arith.select %eq3A_308, %broadcast_in_dim3A_310, %select_n3A_305 : vector<16xi1>, vector<16xi32>
      %eq3A_312 = arith.constant 7 : i32
      %eq3A_313 = vector.broadcast %eq3A_312 : i32 to vector<16xi32>
      %eq3A_314 = arith.cmpi eq, %get3A_239, %eq3A_313 : vector<16xi32>
      %jit3A_315 = arith.constant 5 : i32
      %broadcast_in_dim3A_316 = vector.broadcast %jit3A_315 : i32 to vector<16xi32>
      %select_n3A_317 = arith.select %eq3A_314, %broadcast_in_dim3A_316, %select_n3A_311 : vector<16xi1>, vector<16xi32>
      %eq3A_318 = arith.constant 8 : i32
      %eq3A_319 = vector.broadcast %eq3A_318 : i32 to vector<16xi32>
      %eq3A_320 = arith.cmpi eq, %get3A_239, %eq3A_319 : vector<16xi32>
      %jit3A_321 = arith.constant 6 : i32
      %broadcast_in_dim3A_322 = vector.broadcast %jit3A_321 : i32 to vector<16xi32>
      %select_n3A_323 = arith.select %eq3A_320, %broadcast_in_dim3A_322, %select_n3A_317 : vector<16xi1>, vector<16xi32>
      %add3A_324 = arith.constant 1728 : i32
      %add3A_325 = vector.broadcast %add3A_324 : i32 to vector<16xi32>
      %add3A_326 = arith.addi %add3A_325, %select_n3A_323 : vector<16xi32>
      %add3A_327 = arith.constant 1735 : i32
      %add3A_328 = vector.broadcast %add3A_327 : i32 to vector<16xi32>
      %add3A_329 = arith.addi %add3A_328, %min3A_281 : vector<16xi32>
      %add3A_330 = arith.constant 1737 : i32
      %add3A_331 = vector.broadcast %add3A_330 : i32 to vector<16xi32>
      %add3A_332 = arith.addi %add3A_331, %min3A_281 : vector<16xi32>
      %eq3A_333 = arith.constant 27 : i32
      %eq3A_334 = vector.broadcast %eq3A_333 : i32 to vector<16xi32>
      %eq3A_335 = arith.cmpi eq, %select_n3A_269, %eq3A_334 : vector<16xi32>
      %select_n3A_336 = arith.select %eq3A_335, %add3A_326, %add3A_285 : vector<16xi1>, vector<16xi32>
      %eq3A_337 = arith.constant 28 : i32
      %eq3A_338 = vector.broadcast %eq3A_337 : i32 to vector<16xi32>
      %eq3A_339 = arith.cmpi eq, %select_n3A_269, %eq3A_338 : vector<16xi32>
      %select_n3A_340 = arith.select %eq3A_339, %add3A_329, %select_n3A_336 : vector<16xi1>, vector<16xi32>
      %eq3A_341 = arith.constant 29 : i32
      %eq3A_342 = vector.broadcast %eq3A_341 : i32 to vector<16xi32>
      %eq3A_343 = arith.cmpi eq, %select_n3A_269, %eq3A_342 : vector<16xi32>
      %select_n3A_344 = arith.select %eq3A_343, %add3A_332, %select_n3A_340 : vector<16xi1>, vector<16xi32>
      %swap3A_345 = arith.constant 0 : i32
      %swap3A_346 = arith.index_cast %swap3A_345 : i32 to index
      %swap3A_347 = arith.constant 32 : index
      %swap3A_348 = tpu.vector_load %arg7[%swap3A_346, %swap3A_347] {strides = array<i32>} : memref<4x128xi32, #tpu.memory_space<vmem>>, vector<1x16xi32>,
      %swap3A_349 = vector.shape_cast %swap3A_348 : vector<1x16xi32> to vector<16xi32>
      %swap3A_350 = vector.shape_cast %select_n3A_344 : vector<16xi32> to vector<1x16xi32>
      tpu.vector_store %arg7[%swap3A_346, %swap3A_347], %swap3A_350 {strides = array<i32>} : memref<4x128xi32, #tpu.memory_space<vmem>>, vector<1x16xi32>,
      %get3A_351 = arith.constant 0 : i32
      %get3A_352 = arith.index_cast %get3A_351 : i32 to index
      %get3A_353 = arith.constant 48 : index
      %get3A_354 = tpu.vector_load %arg6[%get3A_352, %get3A_353] {strides = array<i32>} : memref<4x128xi32, #tpu.memory_space<vmem>>, vector<1x16xi32>,
      %get3A_355 = vector.shape_cast %get3A_354 : vector<1x16xi32> to vector<16xi32>
      %add3A_356 = arith.constant 0 : i32
      %add3A_357 = arith.addi %add3A_13, %add3A_356 : i32
      %mul3A_358 = arith.constant 128 : i32
      %mul3A_359 = arith.muli %add3A_357, %mul3A_358 : i32
      %add3A_360 = arith.constant 48 : i32
      %add3A_361 = arith.addi %mul3A_359, %add3A_360 : i32
      %add3A_362 = vector.broadcast %add3A_361 : i32 to vector<16xi32>
      %add3A_363 = arith.addi %add3A_362, %iota3A : vector<16xi32>
      %jit3A_364 = arith.constant 30 : i32
      %eq3A_365 = arith.constant 0 : i32
      %eq3A_366 = arith.cmpi eq, %jit3A_364, %eq3A_365 : i32
      %jit3A_367 = arith.constant 1 : i32
      %select_n3A_368 = arith.select %eq3A_366, %jit3A_367, %jit3A_364 : i32
      %rem3A_369 = vector.broadcast %select_n3A_368 : i32 to vector<16xi32>
      %rem3A_370 = arith.remsi %add3A_363, %rem3A_369 : vector<16xi32>
      %ne3A_371 = arith.constant 0 : i32
      %ne3A_372 = vector.broadcast %ne3A_371 : i32 to vector<16xi32>
      %ne3A_373 = arith.cmpi ne, %rem3A_370, %ne3A_372 : vector<16xi32>
      %lt3A_374 = arith.constant 0 : i32
      %lt3A_375 = vector.broadcast %lt3A_374 : i32 to vector<16xi32>
      %lt3A_376 = arith.cmpi slt, %rem3A_370, %lt3A_375 : vector<16xi32>
      %lt3A_377 = arith.constant 0 : i32
      %lt3A_378 = arith.cmpi slt, %select_n3A_368, %lt3A_377 : i32
      %ne3A_379 = vector.broadcast %lt3A_378 : i1 to vector<16xi1>
      %ne3A_380 = vector.broadcast %ne3A_379 : vector<16xi1> to vector<16xi1>
      %ne3A_381 = arith.xori %lt3A_376, %ne3A_380 : vector<16xi1>
      %and3A_382 = arith.andi %ne3A_381, %ne3A_373 : vector<16xi1>
      %add3A_383 = vector.broadcast %select_n3A_368 : i32 to vector<16xi32>
      %add3A_384 = arith.addi %rem3A_370, %add3A_383 : vector<16xi32>
      %select_n3A_385 = arith.select %and3A_382, %add3A_384, %rem3A_370 : vector<16xi1>, vector<16xi32>
      %max3A_386 = arith.constant 0 : i32
      %max3A_387 = vector.broadcast %max3A_386 : i32 to vector<16xi32>
      %max3A_388 = arith.maxsi %get3A_355, %max3A_387 : vector<16xi32>
      %min3A_389 = arith.constant 63 : i32
      %min3A_390 = vector.broadcast %min3A_389 : i32 to vector<16xi32>
      %min3A_391 = arith.minsi %max3A_388, %min3A_390 : vector<16xi32>
      %max3A_392 = arith.constant 0 : i32
      %max3A_393 = vector.broadcast %max3A_392 : i32 to vector<16xi32>
      %max3A_394 = arith.maxsi %get3A_355, %max3A_393 : vector<16xi32>
      %min3A_395 = arith.constant 1 : i32
      %min3A_396 = vector.broadcast %min3A_395 : i32 to vector<16xi32>
      %min3A_397 = arith.minsi %max3A_394, %min3A_396 : vector<16xi32>
      %mul3A_398 = arith.constant 64 : i32
      %mul3A_399 = vector.broadcast %mul3A_398 : i32 to vector<16xi32>
      %mul3A_400 = arith.muli %select_n3A_385, %mul3A_399 : vector<16xi32>
      %add3A_401 = arith.addi %mul3A_400, %min3A_391 : vector<16xi32>
      %broadcast_in_dim3A_402 = arith.constant 0 : i32
      %broadcast_in_dim3A_403 = vector.broadcast %broadcast_in_dim3A_402 : i32 to vector<16xi32>
      %eq3A_404 = arith.constant 3 : i32
      %eq3A_405 = vector.broadcast %eq3A_404 : i32 to vector<16xi32>
      %eq3A_406 = arith.cmpi eq, %get3A_355, %eq3A_405 : vector<16xi32>
      %jit3A_407 = arith.constant 1 : i32
      %broadcast_in_dim3A_408 = vector.broadcast %jit3A_407 : i32 to vector<16xi32>
      %select_n3A_409 = arith.select %eq3A_406, %broadcast_in_dim3A_408, %broadcast_in_dim3A_403 : vector<16xi1>, vector<16xi32>
      %eq3A_410 = arith.constant 4 : i32
      %eq3A_411 = vector.broadcast %eq3A_410 : i32 to vector<16xi32>
      %eq3A_412 = arith.cmpi eq, %get3A_355, %eq3A_411 : vector<16xi32>
      %jit3A_413 = arith.constant 2 : i32
      %broadcast_in_dim3A_414 = vector.broadcast %jit3A_413 : i32 to vector<16xi32>
      %select_n3A_415 = arith.select %eq3A_412, %broadcast_in_dim3A_414, %select_n3A_409 : vector<16xi1>, vector<16xi32>
      %eq3A_416 = arith.constant 5 : i32
      %eq3A_417 = vector.broadcast %eq3A_416 : i32 to vector<16xi32>
      %eq3A_418 = arith.cmpi eq, %get3A_355, %eq3A_417 : vector<16xi32>
      %jit3A_419 = arith.constant 3 : i32
      %broadcast_in_dim3A_420 = vector.broadcast %jit3A_419 : i32 to vector<16xi32>
      %select_n3A_421 = arith.select %eq3A_418, %broadcast_in_dim3A_420, %select_n3A_415 : vector<16xi1>, vector<16xi32>
      %eq3A_422 = arith.constant 6 : i32
      %eq3A_423 = vector.broadcast %eq3A_422 : i32 to vector<16xi32>
      %eq3A_424 = arith.cmpi eq, %get3A_355, %eq3A_423 : vector<16xi32>
      %jit3A_425 = arith.constant 4 : i32
      %broadcast_in_dim3A_426 = vector.broadcast %jit3A_425 : i32 to vector<16xi32>
      %select_n3A_427 = arith.select %eq3A_424, %broadcast_in_dim3A_426, %select_n3A_421 : vector<16xi1>, vector<16xi32>
      %eq3A_428 = arith.constant 7 : i32
      %eq3A_429 = vector.broadcast %eq3A_428 : i32 to vector<16xi32>
      %eq3A_430 = arith.cmpi eq, %get3A_355, %eq3A_429 : vector<16xi32>
      %jit3A_431 = arith.constant 5 : i32
      %broadcast_in_dim3A_432 = vector.broadcast %jit3A_431 : i32 to vector<16xi32>
      %select_n3A_433 = arith.select %eq3A_430, %broadcast_in_dim3A_432, %select_n3A_427 : vector<16xi1>, vector<16xi32>
      %eq3A_434 = arith.constant 8 : i32
      %eq3A_435 = vector.broadcast %eq3A_434 : i32 to vector<16xi32>
      %eq3A_436 = arith.cmpi eq, %get3A_355, %eq3A_435 : vector<16xi32>
      %jit3A_437 = arith.constant 6 : i32
      %broadcast_in_dim3A_438 = vector.broadcast %jit3A_437 : i32 to vector<16xi32>
      %select_n3A_439 = arith.select %eq3A_436, %broadcast_in_dim3A_438, %select_n3A_433 : vector<16xi1>, vector<16xi32>
      %add3A_440 = arith.constant 1728 : i32
      %add3A_441 = vector.broadcast %add3A_440 : i32 to vector<16xi32>
      %add3A_442 = arith.addi %add3A_441, %select_n3A_439 : vector<16xi32>
      %add3A_443 = arith.constant 1735 : i32
      %add3A_444 = vector.broadcast %add3A_443 : i32 to vector<16xi32>
      %add3A_445 = arith.addi %add3A_444, %min3A_397 : vector<16xi32>
      %add3A_446 = arith.constant 1737 : i32
      %add3A_447 = vector.broadcast %add3A_446 : i32 to vector<16xi32>
      %add3A_448 = arith.addi %add3A_447, %min3A_397 : vector<16xi32>
      %eq3A_449 = arith.constant 27 : i32
      %eq3A_450 = vector.broadcast %eq3A_449 : i32 to vector<16xi32>
      %eq3A_451 = arith.cmpi eq, %select_n3A_385, %eq3A_450 : vector<16xi32>
      %select_n3A_452 = arith.select %eq3A_451, %add3A_442, %add3A_401 : vector<16xi1>, vector<16xi32>
      %eq3A_453 = arith.constant 28 : i32
      %eq3A_454 = vector.broadcast %eq3A_453 : i32 to vector<16xi32>
      %eq3A_455 = arith.cmpi eq, %select_n3A_385, %eq3A_454 : vector<16xi32>
      %select_n3A_456 = arith.select %eq3A_455, %add3A_445, %select_n3A_452 : vector<16xi1>, vector<16xi32>
      %eq3A_457 = arith.constant 29 : i32
      %eq3A_458 = vector.broadcast %eq3A_457 : i32 to vector<16xi32>
      %eq3A_459 = arith.cmpi eq, %select_n3A_385, %eq3A_458 : vector<16xi32>
      %select_n3A_460 = arith.select %eq3A_459, %add3A_448, %select_n3A_456 : vector<16xi1>, vector<16xi32>
      %swap3A_461 = arith.constant 0 : i32
      %swap3A_462 = arith.index_cast %swap3A_461 : i32 to index
      %swap3A_463 = arith.constant 48 : index
      %swap3A_464 = tpu.vector_load %arg7[%swap3A_462, %swap3A_463] {strides = array<i32>} : memref<4x128xi32, #tpu.memory_space<vmem>>, vector<1x16xi32>,
      %swap3A_465 = vector.shape_cast %swap3A_464 : vector<1x16xi32> to vector<16xi32>
      %swap3A_466 = vector.shape_cast %select_n3A_460 : vector<16xi32> to vector<1x16xi32>
      tpu.vector_store %arg7[%swap3A_462, %swap3A_463], %swap3A_466 {strides = array<i32>} : memref<4x128xi32, #tpu.memory_space<vmem>>, vector<1x16xi32>,
      %get3A_467 = arith.constant 0 : i32
      %get3A_468 = arith.index_cast %get3A_467 : i32 to index
      %get3A_469 = arith.constant 64 : index
      %get3A_470 = tpu.vector_load %arg6[%get3A_468, %get3A_469] {strides = array<i32>} : memref<4x128xi32, #tpu.memory_space<vmem>>, vector<1x16xi32>,
      %get3A_471 = vector.shape_cast %get3A_470 : vector<1x16xi32> to vector<16xi32>
      %add3A_472 = arith.constant 0 : i32
      %add3A_473 = arith.addi %add3A_13, %add3A_472 : i32
      %mul3A_474 = arith.constant 128 : i32
      %mul3A_475 = arith.muli %add3A_473, %mul3A_474 : i32
      %add3A_476 = arith.constant 64 : i32
      %add3A_477 = arith.addi %mul3A_475, %add3A_476 : i32
      %add3A_478 = vector.broadcast %add3A_477 : i32 to vector<16xi32>
      %add3A_479 = arith.addi %add3A_478, %iota3A : vector<16xi32>
      %jit3A_480 = arith.constant 30 : i32
      %eq3A_481 = arith.constant 0 : i32
      %eq3A_482 = arith.cmpi eq, %jit3A_480, %eq3A_481 : i32
      %jit3A_483 = arith.constant 1 : i32
      %select_n3A_484 = arith.select %eq3A_482, %jit3A_483, %jit3A_480 : i32
      %rem3A_485 = vector.broadcast %select_n3A_484 : i32 to vector<16xi32>
      %rem3A_486 = arith.remsi %add3A_479, %rem3A_485 : vector<16xi32>
      %ne3A_487 = arith.constant 0 : i32
      %ne3A_488 = vector.broadcast %ne3A_487 : i32 to vector<16xi32>
      %ne3A_489 = arith.cmpi ne, %rem3A_486, %ne3A_488 : vector<16xi32>
      %lt3A_490 = arith.constant 0 : i32
      %lt3A_491 = vector.broadcast %lt3A_490 : i32 to vector<16xi32>
      %lt3A_492 = arith.cmpi slt, %rem3A_486, %lt3A_491 : vector<16xi32>
      %lt3A_493 = arith.constant 0 : i32
      %lt3A_494 = arith.cmpi slt, %select_n3A_484, %lt3A_493 : i32
      %ne3A_495 = vector.broadcast %lt3A_494 : i1 to vector<16xi1>
      %ne3A_496 = vector.broadcast %ne3A_495 : vector<16xi1> to vector<16xi1>
      %ne3A_497 = arith.xori %lt3A_492, %ne3A_496 : vector<16xi1>
      %and3A_498 = arith.andi %ne3A_497, %ne3A_489 : vector<16xi1>
      %add3A_499 = vector.broadcast %select_n3A_484 : i32 to vector<16xi32>
      %add3A_500 = arith.addi %rem3A_486, %add3A_499 : vector<16xi32>
      %select_n3A_501 = arith.select %and3A_498, %add3A_500, %rem3A_486 : vector<16xi1>, vector<16xi32>
      %max3A_502 = arith.constant 0 : i32
      %max3A_503 = vector.broadcast %max3A_502 : i32 to vector<16xi32>
      %max3A_504 = arith.maxsi %get3A_471, %max3A_503 : vector<16xi32>
      %min3A_505 = arith.constant 63 : i32
      %min3A_506 = vector.broadcast %min3A_505 : i32 to vector<16xi32>
      %min3A_507 = arith.minsi %max3A_504, %min3A_506 : vector<16xi32>
      %max3A_508 = arith.constant 0 : i32
      %max3A_509 = vector.broadcast %max3A_508 : i32 to vector<16xi32>
      %max3A_510 = arith.maxsi %get3A_471, %max3A_509 : vector<16xi32>
      %min3A_511 = arith.constant 1 : i32
      %min3A_512 = vector.broadcast %min3A_511 : i32 to vector<16xi32>
      %min3A_513 = arith.minsi %max3A_510, %min3A_512 : vector<16xi32>
      %mul3A_514 = arith.constant 64 : i32
      %mul3A_515 = vector.broadcast %mul3A_514 : i32 to vector<16xi32>
      %mul3A_516 = arith.muli %select_n3A_501, %mul3A_515 : vector<16xi32>
      %add3A_517 = arith.addi %mul3A_516, %min3A_507 : vector<16xi32>
      %broadcast_in_dim3A_518 = arith.constant 0 : i32
      %broadcast_in_dim3A_519 = vector.broadcast %broadcast_in_dim3A_518 : i32 to vector<16xi32>
      %eq3A_520 = arith.constant 3 : i32
      %eq3A_521 = vector.broadcast %eq3A_520 : i32 to vector<16xi32>
      %eq3A_522 = arith.cmpi eq, %get3A_471, %eq3A_521 : vector<16xi32>
      %jit3A_523 = arith.constant 1 : i32
      %broadcast_in_dim3A_524 = vector.broadcast %jit3A_523 : i32 to vector<16xi32>
      %select_n3A_525 = arith.select %eq3A_522, %broadcast_in_dim3A_524, %broadcast_in_dim3A_519 : vector<16xi1>, vector<16xi32>
      %eq3A_526 = arith.constant 4 : i32
      %eq3A_527 = vector.broadcast %eq3A_526 : i32 to vector<16xi32>
      %eq3A_528 = arith.cmpi eq, %get3A_471, %eq3A_527 : vector<16xi32>
      %jit3A_529 = arith.constant 2 : i32
      %broadcast_in_dim3A_530 = vector.broadcast %jit3A_529 : i32 to vector<16xi32>
      %select_n3A_531 = arith.select %eq3A_528, %broadcast_in_dim3A_530, %select_n3A_525 : vector<16xi1>, vector<16xi32>
      %eq3A_532 = arith.constant 5 : i32
      %eq3A_533 = vector.broadcast %eq3A_532 : i32 to vector<16xi32>
      %eq3A_534 = arith.cmpi eq, %get3A_471, %eq3A_533 : vector<16xi32>
      %jit3A_535 = arith.constant 3 : i32
      %broadcast_in_dim3A_536 = vector.broadcast %jit3A_535 : i32 to vector<16xi32>
      %select_n3A_537 = arith.select %eq3A_534, %broadcast_in_dim3A_536, %select_n3A_531 : vector<16xi1>, vector<16xi32>
      %eq3A_538 = arith.constant 6 : i32
      %eq3A_539 = vector.broadcast %eq3A_538 : i32 to vector<16xi32>
      %eq3A_540 = arith.cmpi eq, %get3A_471, %eq3A_539 : vector<16xi32>
      %jit3A_541 = arith.constant 4 : i32
      %broadcast_in_dim3A_542 = vector.broadcast %jit3A_541 : i32 to vector<16xi32>
      %select_n3A_543 = arith.select %eq3A_540, %broadcast_in_dim3A_542, %select_n3A_537 : vector<16xi1>, vector<16xi32>
      %eq3A_544 = arith.constant 7 : i32
      %eq3A_545 = vector.broadcast %eq3A_544 : i32 to vector<16xi32>
      %eq3A_546 = arith.cmpi eq, %get3A_471, %eq3A_545 : vector<16xi32>
      %jit3A_547 = arith.constant 5 : i32
      %broadcast_in_dim3A_548 = vector.broadcast %jit3A_547 : i32 to vector<16xi32>
      %select_n3A_549 = arith.select %eq3A_546, %broadcast_in_dim3A_548, %select_n3A_543 : vector<16xi1>, vector<16xi32>
      %eq3A_550 = arith.constant 8 : i32
      %eq3A_551 = vector.broadcast %eq3A_550 : i32 to vector<16xi32>
      %eq3A_552 = arith.cmpi eq, %get3A_471, %eq3A_551 : vector<16xi32>
      %jit3A_553 = arith.constant 6 : i32
      %broadcast_in_dim3A_554 = vector.broadcast %jit3A_553 : i32 to vector<16xi32>
      %select_n3A_555 = arith.select %eq3A_552, %broadcast_in_dim3A_554, %select_n3A_549 : vector<16xi1>, vector<16xi32>
      %add3A_556 = arith.constant 1728 : i32
      %add3A_557 = vector.broadcast %add3A_556 : i32 to vector<16xi32>
      %add3A_558 = arith.addi %add3A_557, %select_n3A_555 : vector<16xi32>
      %add3A_559 = arith.constant 1735 : i32
      %add3A_560 = vector.broadcast %add3A_559 : i32 to vector<16xi32>
      %add3A_561 = arith.addi %add3A_560, %min3A_513 : vector<16xi32>
      %add3A_562 = arith.constant 1737 : i32
      %add3A_563 = vector.broadcast %add3A_562 : i32 to vector<16xi32>
      %add3A_564 = arith.addi %add3A_563, %min3A_513 : vector<16xi32>
      %eq3A_565 = arith.constant 27 : i32
      %eq3A_566 = vector.broadcast %eq3A_565 : i32 to vector<16xi32>
      %eq3A_567 = arith.cmpi eq, %select_n3A_501, %eq3A_566 : vector<16xi32>
      %select_n3A_568 = arith.select %eq3A_567, %add3A_558, %add3A_517 : vector<16xi1>, vector<16xi32>
      %eq3A_569 = arith.constant 28 : i32
      %eq3A_570 = vector.broadcast %eq3A_569 : i32 to vector<16xi32>
      %eq3A_571 = arith.cmpi eq, %select_n3A_501, %eq3A_570 : vector<16xi32>
      %select_n3A_572 = arith.select %eq3A_571, %add3A_561, %select_n3A_568 : vector<16xi1>, vector<16xi32>
      %eq3A_573 = arith.constant 29 : i32
      %eq3A_574 = vector.broadcast %eq3A_573 : i32 to vector<16xi32>
      %eq3A_575 = arith.cmpi eq, %select_n3A_501, %eq3A_574 : vector<16xi32>
      %select_n3A_576 = arith.select %eq3A_575, %add3A_564, %select_n3A_572 : vector<16xi1>, vector<16xi32>
      %swap3A_577 = arith.constant 0 : i32
      %swap3A_578 = arith.index_cast %swap3A_577 : i32 to index
      %swap3A_579 = arith.constant 64 : index
      %swap3A_580 = tpu.vector_load %arg7[%swap3A_578, %swap3A_579] {strides = array<i32>} : memref<4x128xi32, #tpu.memory_space<vmem>>, vector<1x16xi32>,
      %swap3A_581 = vector.shape_cast %swap3A_580 : vector<1x16xi32> to vector<16xi32>
      %swap3A_582 = vector.shape_cast %select_n3A_576 : vector<16xi32> to vector<1x16xi32>
      tpu.vector_store %arg7[%swap3A_578, %swap3A_579], %swap3A_582 {strides = array<i32>} : memref<4x128xi32, #tpu.memory_space<vmem>>, vector<1x16xi32>,
      %get3A_583 = arith.constant 0 : i32
      %get3A_584 = arith.index_cast %get3A_583 : i32 to index
      %get3A_585 = arith.constant 80 : index
      %get3A_586 = tpu.vector_load %arg6[%get3A_584, %get3A_585] {strides = array<i32>} : memref<4x128xi32, #tpu.memory_space<vmem>>, vector<1x16xi32>,
      %get3A_587 = vector.shape_cast %get3A_586 : vector<1x16xi32> to vector<16xi32>
      %add3A_588 = arith.constant 0 : i32
      %add3A_589 = arith.addi %add3A_13, %add3A_588 : i32
      %mul3A_590 = arith.constant 128 : i32
      %mul3A_591 = arith.muli %add3A_589, %mul3A_590 : i32
      %add3A_592 = arith.constant 80 : i32
      %add3A_593 = arith.addi %mul3A_591, %add3A_592 : i32
      %add3A_594 = vector.broadcast %add3A_593 : i32 to vector<16xi32>
      %add3A_595 = arith.addi %add3A_594, %iota3A : vector<16xi32>
      %jit3A_596 = arith.constant 30 : i32
      %eq3A_597 = arith.constant 0 : i32
      %eq3A_598 = arith.cmpi eq, %jit3A_596, %eq3A_597 : i32
      %jit3A_599 = arith.constant 1 : i32
      %select_n3A_600 = arith.select %eq3A_598, %jit3A_599, %jit3A_596 : i32
      %rem3A_601 = vector.broadcast %select_n3A_600 : i32 to vector<16xi32>
      %rem3A_602 = arith.remsi %add3A_595, %rem3A_601 : vector<16xi32>
      %ne3A_603 = arith.constant 0 : i32
      %ne3A_604 = vector.broadcast %ne3A_603 : i32 to vector<16xi32>
      %ne3A_605 = arith.cmpi ne, %rem3A_602, %ne3A_604 : vector<16xi32>
      %lt3A_606 = arith.constant 0 : i32
      %lt3A_607 = vector.broadcast %lt3A_606 : i32 to vector<16xi32>
      %lt3A_608 = arith.cmpi slt, %rem3A_602, %lt3A_607 : vector<16xi32>
      %lt3A_609 = arith.constant 0 : i32
      %lt3A_610 = arith.cmpi slt, %select_n3A_600, %lt3A_609 : i32
      %ne3A_611 = vector.broadcast %lt3A_610 : i1 to vector<16xi1>
      %ne3A_612 = vector.broadcast %ne3A_611 : vector<16xi1> to vector<16xi1>
      %ne3A_613 = arith.xori %lt3A_608, %ne3A_612 : vector<16xi1>
      %and3A_614 = arith.andi %ne3A_613, %ne3A_605 : vector<16xi1>
      %add3A_615 = vector.broadcast %select_n3A_600 : i32 to vector<16xi32>
      %add3A_616 = arith.addi %rem3A_602, %add3A_615 : vector<16xi32>
      %select_n3A_617 = arith.select %and3A_614, %add3A_616, %rem3A_602 : vector<16xi1>, vector<16xi32>
      %max3A_618 = arith.constant 0 : i32
      %max3A_619 = vector.broadcast %max3A_618 : i32 to vector<16xi32>
      %max3A_620 = arith.maxsi %get3A_587, %max3A_619 : vector<16xi32>
      %min3A_621 = arith.constant 63 : i32
      %min3A_622 = vector.broadcast %min3A_621 : i32 to vector<16xi32>
      %min3A_623 = arith.minsi %max3A_620, %min3A_622 : vector<16xi32>
      %max3A_624 = arith.constant 0 : i32
      %max3A_625 = vector.broadcast %max3A_624 : i32 to vector<16xi32>
      %max3A_626 = arith.maxsi %get3A_587, %max3A_625 : vector<16xi32>
      %min3A_627 = arith.constant 1 : i32
      %min3A_628 = vector.broadcast %min3A_627 : i32 to vector<16xi32>
      %min3A_629 = arith.minsi %max3A_626, %min3A_628 : vector<16xi32>
      %mul3A_630 = arith.constant 64 : i32
      %mul3A_631 = vector.broadcast %mul3A_630 : i32 to vector<16xi32>
      %mul3A_632 = arith.muli %select_n3A_617, %mul3A_631 : vector<16xi32>
      %add3A_633 = arith.addi %mul3A_632, %min3A_623 : vector<16xi32>
      %broadcast_in_dim3A_634 = arith.constant 0 : i32
      %broadcast_in_dim3A_635 = vector.broadcast %broadcast_in_dim3A_634 : i32 to vector<16xi32>
      %eq3A_636 = arith.constant 3 : i32
      %eq3A_637 = vector.broadcast %eq3A_636 : i32 to vector<16xi32>
      %eq3A_638 = arith.cmpi eq, %get3A_587, %eq3A_637 : vector<16xi32>
      %jit3A_639 = arith.constant 1 : i32
      %broadcast_in_dim3A_640 = vector.broadcast %jit3A_639 : i32 to vector<16xi32>
      %select_n3A_641 = arith.select %eq3A_638, %broadcast_in_dim3A_640, %broadcast_in_dim3A_635 : vector<16xi1>, vector<16xi32>
      %eq3A_642 = arith.constant 4 : i32
      %eq3A_643 = vector.broadcast %eq3A_642 : i32 to vector<16xi32>
      %eq3A_644 = arith.cmpi eq, %get3A_587, %eq3A_643 : vector<16xi32>
      %jit3A_645 = arith.constant 2 : i32
      %broadcast_in_dim3A_646 = vector.broadcast %jit3A_645 : i32 to vector<16xi32>
      %select_n3A_647 = arith.select %eq3A_644, %broadcast_in_dim3A_646, %select_n3A_641 : vector<16xi1>, vector<16xi32>
      %eq3A_648 = arith.constant 5 : i32
      %eq3A_649 = vector.broadcast %eq3A_648 : i32 to vector<16xi32>
      %eq3A_650 = arith.cmpi eq, %get3A_587, %eq3A_649 : vector<16xi32>
      %jit3A_651 = arith.constant 3 : i32
      %broadcast_in_dim3A_652 = vector.broadcast %jit3A_651 : i32 to vector<16xi32>
      %select_n3A_653 = arith.select %eq3A_650, %broadcast_in_dim3A_652, %select_n3A_647 : vector<16xi1>, vector<16xi32>
      %eq3A_654 = arith.constant 6 : i32
      %eq3A_655 = vector.broadcast %eq3A_654 : i32 to vector<16xi32>
      %eq3A_656 = arith.cmpi eq, %get3A_587, %eq3A_655 : vector<16xi32>
      %jit3A_657 = arith.constant 4 : i32
      %broadcast_in_dim3A_658 = vector.broadcast %jit3A_657 : i32 to vector<16xi32>
      %select_n3A_659 = arith.select %eq3A_656, %broadcast_in_dim3A_658, %select_n3A_653 : vector<16xi1>, vector<16xi32>
      %eq3A_660 = arith.constant 7 : i32
      %eq3A_661 = vector.broadcast %eq3A_660 : i32 to vector<16xi32>
      %eq3A_662 = arith.cmpi eq, %get3A_587, %eq3A_661 : vector<16xi32>
      %jit3A_663 = arith.constant 5 : i32
      %broadcast_in_dim3A_664 = vector.broadcast %jit3A_663 : i32 to vector<16xi32>
      %select_n3A_665 = arith.select %eq3A_662, %broadcast_in_dim3A_664, %select_n3A_659 : vector<16xi1>, vector<16xi32>
      %eq3A_666 = arith.constant 8 : i32
      %eq3A_667 = vector.broadcast %eq3A_666 : i32 to vector<16xi32>
      %eq3A_668 = arith.cmpi eq, %get3A_587, %eq3A_667 : vector<16xi32>
      %jit3A_669 = arith.constant 6 : i32
      %broadcast_in_dim3A_670 = vector.broadcast %jit3A_669 : i32 to vector<16xi32>
      %select_n3A_671 = arith.select %eq3A_668, %broadcast_in_dim3A_670, %select_n3A_665 : vector<16xi1>, vector<16xi32>
      %add3A_672 = arith.constant 1728 : i32
      %add3A_673 = vector.broadcast %add3A_672 : i32 to vector<16xi32>
      %add3A_674 = arith.addi %add3A_673, %select_n3A_671 : vector<16xi32>
      %add3A_675 = arith.constant 1735 : i32
      %add3A_676 = vector.broadcast %add3A_675 : i32 to vector<16xi32>
      %add3A_677 = arith.addi %add3A_676, %min3A_629 : vector<16xi32>
      %add3A_678 = arith.constant 1737 : i32
      %add3A_679 = vector.broadcast %add3A_678 : i32 to vector<16xi32>
      %add3A_680 = arith.addi %add3A_679, %min3A_629 : vector<16xi32>
      %eq3A_681 = arith.constant 27 : i32
      %eq3A_682 = vector.broadcast %eq3A_681 : i32 to vector<16xi32>
      %eq3A_683 = arith.cmpi eq, %select_n3A_617, %eq3A_682 : vector<16xi32>
      %select_n3A_684 = arith.select %eq3A_683, %add3A_674, %add3A_633 : vector<16xi1>, vector<16xi32>
      %eq3A_685 = arith.constant 28 : i32
      %eq3A_686 = vector.broadcast %eq3A_685 : i32 to vector<16xi32>
      %eq3A_687 = arith.cmpi eq, %select_n3A_617, %eq3A_686 : vector<16xi32>
      %select_n3A_688 = arith.select %eq3A_687, %add3A_677, %select_n3A_684 : vector<16xi1>, vector<16xi32>
      %eq3A_689 = arith.constant 29 : i32
      %eq3A_690 = vector.broadcast %eq3A_689 : i32 to vector<16xi32>
      %eq3A_691 = arith.cmpi eq, %select_n3A_617, %eq3A_690 : vector<16xi32>
      %select_n3A_692 = arith.select %eq3A_691, %add3A_680, %select_n3A_688 : vector<16xi1>, vector<16xi32>
      %swap3A_693 = arith.constant 0 : i32
      %swap3A_694 = arith.index_cast %swap3A_693 : i32 to index
      %swap3A_695 = arith.constant 80 : index
      %swap3A_696 = tpu.vector_load %arg7[%swap3A_694, %swap3A_695] {strides = array<i32>} : memref<4x128xi32, #tpu.memory_space<vmem>>, vector<1x16xi32>,
      %swap3A_697 = vector.shape_cast %swap3A_696 : vector<1x16xi32> to vector<16xi32>
      %swap3A_698 = vector.shape_cast %select_n3A_692 : vector<16xi32> to vector<1x16xi32>
      tpu.vector_store %arg7[%swap3A_694, %swap3A_695], %swap3A_698 {strides = array<i32>} : memref<4x128xi32, #tpu.memory_space<vmem>>, vector<1x16xi32>,
      %get3A_699 = arith.constant 0 : i32
      %get3A_700 = arith.index_cast %get3A_699 : i32 to index
      %get3A_701 = arith.constant 96 : index
      %get3A_702 = tpu.vector_load %arg6[%get3A_700, %get3A_701] {strides = array<i32>} : memref<4x128xi32, #tpu.memory_space<vmem>>, vector<1x16xi32>,
      %get3A_703 = vector.shape_cast %get3A_702 : vector<1x16xi32> to vector<16xi32>
      %add3A_704 = arith.constant 0 : i32
      %add3A_705 = arith.addi %add3A_13, %add3A_704 : i32
      %mul3A_706 = arith.constant 128 : i32
      %mul3A_707 = arith.muli %add3A_705, %mul3A_706 : i32
      %add3A_708 = arith.constant 96 : i32
      %add3A_709 = arith.addi %mul3A_707, %add3A_708 : i32
      %add3A_710 = vector.broadcast %add3A_709 : i32 to vector<16xi32>
      %add3A_711 = arith.addi %add3A_710, %iota3A : vector<16xi32>
      %jit3A_712 = arith.constant 30 : i32
      %eq3A_713 = arith.constant 0 : i32
      %eq3A_714 = arith.cmpi eq, %jit3A_712, %eq3A_713 : i32
      %jit3A_715 = arith.constant 1 : i32
      %select_n3A_716 = arith.select %eq3A_714, %jit3A_715, %jit3A_712 : i32
      %rem3A_717 = vector.broadcast %select_n3A_716 : i32 to vector<16xi32>
      %rem3A_718 = arith.remsi %add3A_711, %rem3A_717 : vector<16xi32>
      %ne3A_719 = arith.constant 0 : i32
      %ne3A_720 = vector.broadcast %ne3A_719 : i32 to vector<16xi32>
      %ne3A_721 = arith.cmpi ne, %rem3A_718, %ne3A_720 : vector<16xi32>
      %lt3A_722 = arith.constant 0 : i32
      %lt3A_723 = vector.broadcast %lt3A_722 : i32 to vector<16xi32>
      %lt3A_724 = arith.cmpi slt, %rem3A_718, %lt3A_723 : vector<16xi32>
      %lt3A_725 = arith.constant 0 : i32
      %lt3A_726 = arith.cmpi slt, %select_n3A_716, %lt3A_725 : i32
      %ne3A_727 = vector.broadcast %lt3A_726 : i1 to vector<16xi1>
      %ne3A_728 = vector.broadcast %ne3A_727 : vector<16xi1> to vector<16xi1>
      %ne3A_729 = arith.xori %lt3A_724, %ne3A_728 : vector<16xi1>
      %and3A_730 = arith.andi %ne3A_729, %ne3A_721 : vector<16xi1>
      %add3A_731 = vector.broadcast %select_n3A_716 : i32 to vector<16xi32>
      %add3A_732 = arith.addi %rem3A_718, %add3A_731 : vector<16xi32>
      %select_n3A_733 = arith.select %and3A_730, %add3A_732, %rem3A_718 : vector<16xi1>, vector<16xi32>
      %max3A_734 = arith.constant 0 : i32
      %max3A_735 = vector.broadcast %max3A_734 : i32 to vector<16xi32>
      %max3A_736 = arith.maxsi %get3A_703, %max3A_735 : vector<16xi32>
      %min3A_737 = arith.constant 63 : i32
      %min3A_738 = vector.broadcast %min3A_737 : i32 to vector<16xi32>
      %min3A_739 = arith.minsi %max3A_736, %min3A_738 : vector<16xi32>
      %max3A_740 = arith.constant 0 : i32
      %max3A_741 = vector.broadcast %max3A_740 : i32 to vector<16xi32>
      %max3A_742 = arith.maxsi %get3A_703, %max3A_741 : vector<16xi32>
      %min3A_743 = arith.constant 1 : i32
      %min3A_744 = vector.broadcast %min3A_743 : i32 to vector<16xi32>
      %min3A_745 = arith.minsi %max3A_742, %min3A_744 : vector<16xi32>
      %mul3A_746 = arith.constant 64 : i32
      %mul3A_747 = vector.broadcast %mul3A_746 : i32 to vector<16xi32>
      %mul3A_748 = arith.muli %select_n3A_733, %mul3A_747 : vector<16xi32>
      %add3A_749 = arith.addi %mul3A_748, %min3A_739 : vector<16xi32>
      %broadcast_in_dim3A_750 = arith.constant 0 : i32
      %broadcast_in_dim3A_751 = vector.broadcast %broadcast_in_dim3A_750 : i32 to vector<16xi32>
      %eq3A_752 = arith.constant 3 : i32
      %eq3A_753 = vector.broadcast %eq3A_752 : i32 to vector<16xi32>
      %eq3A_754 = arith.cmpi eq, %get3A_703, %eq3A_753 : vector<16xi32>
      %jit3A_755 = arith.constant 1 : i32
      %broadcast_in_dim3A_756 = vector.broadcast %jit3A_755 : i32 to vector<16xi32>
      %select_n3A_757 = arith.select %eq3A_754, %broadcast_in_dim3A_756, %broadcast_in_dim3A_751 : vector<16xi1>, vector<16xi32>
      %eq3A_758 = arith.constant 4 : i32
      %eq3A_759 = vector.broadcast %eq3A_758 : i32 to vector<16xi32>
      %eq3A_760 = arith.cmpi eq, %get3A_703, %eq3A_759 : vector<16xi32>
      %jit3A_761 = arith.constant 2 : i32
      %broadcast_in_dim3A_762 = vector.broadcast %jit3A_761 : i32 to vector<16xi32>
      %select_n3A_763 = arith.select %eq3A_760, %broadcast_in_dim3A_762, %select_n3A_757 : vector<16xi1>, vector<16xi32>
      %eq3A_764 = arith.constant 5 : i32
      %eq3A_765 = vector.broadcast %eq3A_764 : i32 to vector<16xi32>
      %eq3A_766 = arith.cmpi eq, %get3A_703, %eq3A_765 : vector<16xi32>
      %jit3A_767 = arith.constant 3 : i32
      %broadcast_in_dim3A_768 = vector.broadcast %jit3A_767 : i32 to vector<16xi32>
      %select_n3A_769 = arith.select %eq3A_766, %broadcast_in_dim3A_768, %select_n3A_763 : vector<16xi1>, vector<16xi32>
      %eq3A_770 = arith.constant 6 : i32
      %eq3A_771 = vector.broadcast %eq3A_770 : i32 to vector<16xi32>
      %eq3A_772 = arith.cmpi eq, %get3A_703, %eq3A_771 : vector<16xi32>
      %jit3A_773 = arith.constant 4 : i32
      %broadcast_in_dim3A_774 = vector.broadcast %jit3A_773 : i32 to vector<16xi32>
      %select_n3A_775 = arith.select %eq3A_772, %broadcast_in_dim3A_774, %select_n3A_769 : vector<16xi1>, vector<16xi32>
      %eq3A_776 = arith.constant 7 : i32
      %eq3A_777 = vector.broadcast %eq3A_776 : i32 to vector<16xi32>
      %eq3A_778 = arith.cmpi eq, %get3A_703, %eq3A_777 : vector<16xi32>
      %jit3A_779 = arith.constant 5 : i32
      %broadcast_in_dim3A_780 = vector.broadcast %jit3A_779 : i32 to vector<16xi32>
      %select_n3A_781 = arith.select %eq3A_778, %broadcast_in_dim3A_780, %select_n3A_775 : vector<16xi1>, vector<16xi32>
      %eq3A_782 = arith.constant 8 : i32
      %eq3A_783 = vector.broadcast %eq3A_782 : i32 to vector<16xi32>
      %eq3A_784 = arith.cmpi eq, %get3A_703, %eq3A_783 : vector<16xi32>
      %jit3A_785 = arith.constant 6 : i32
      %broadcast_in_dim3A_786 = vector.broadcast %jit3A_785 : i32 to vector<16xi32>
      %select_n3A_787 = arith.select %eq3A_784, %broadcast_in_dim3A_786, %select_n3A_781 : vector<16xi1>, vector<16xi32>
      %add3A_788 = arith.constant 1728 : i32
      %add3A_789 = vector.broadcast %add3A_788 : i32 to vector<16xi32>
      %add3A_790 = arith.addi %add3A_789, %select_n3A_787 : vector<16xi32>
      %add3A_791 = arith.constant 1735 : i32
      %add3A_792 = vector.broadcast %add3A_791 : i32 to vector<16xi32>
      %add3A_793 = arith.addi %add3A_792, %min3A_745 : vector<16xi32>
      %add3A_794 = arith.constant 1737 : i32
      %add3A_795 = vector.broadcast %add3A_794 : i32 to vector<16xi32>
      %add3A_796 = arith.addi %add3A_795, %min3A_745 : vector<16xi32>
      %eq3A_797 = arith.constant 27 : i32
      %eq3A_798 = vector.broadcast %eq3A_797 : i32 to vector<16xi32>
      %eq3A_799 = arith.cmpi eq, %select_n3A_733, %eq3A_798 : vector<16xi32>
      %select_n3A_800 = arith.select %eq3A_799, %add3A_790, %add3A_749 : vector<16xi1>, vector<16xi32>
      %eq3A_801 = arith.constant 28 : i32
      %eq3A_802 = vector.broadcast %eq3A_801 : i32 to vector<16xi32>
      %eq3A_803 = arith.cmpi eq, %select_n3A_733, %eq3A_802 : vector<16xi32>
      %select_n3A_804 = arith.select %eq3A_803, %add3A_793, %select_n3A_800 : vector<16xi1>, vector<16xi32>
      %eq3A_805 = arith.constant 29 : i32
      %eq3A_806 = vector.broadcast %eq3A_805 : i32 to vector<16xi32>
      %eq3A_807 = arith.cmpi eq, %select_n3A_733, %eq3A_806 : vector<16xi32>
      %select_n3A_808 = arith.select %eq3A_807, %add3A_796, %select_n3A_804 : vector<16xi1>, vector<16xi32>
      %swap3A_809 = arith.constant 0 : i32
      %swap3A_810 = arith.index_cast %swap3A_809 : i32 to index
      %swap3A_811 = arith.constant 96 : index
      %swap3A_812 = tpu.vector_load %arg7[%swap3A_810, %swap3A_811] {strides = array<i32>} : memref<4x128xi32, #tpu.memory_space<vmem>>, vector<1x16xi32>,
      %swap3A_813 = vector.shape_cast %swap3A_812 : vector<1x16xi32> to vector<16xi32>
      %swap3A_814 = vector.shape_cast %select_n3A_808 : vector<16xi32> to vector<1x16xi32>
      tpu.vector_store %arg7[%swap3A_810, %swap3A_811], %swap3A_814 {strides = array<i32>} : memref<4x128xi32, #tpu.memory_space<vmem>>, vector<1x16xi32>,
      %get3A_815 = arith.constant 0 : i32
      %get3A_816 = arith.index_cast %get3A_815 : i32 to index
      %get3A_817 = arith.constant 112 : index
      %get3A_818 = tpu.vector_load %arg6[%get3A_816, %get3A_817] {strides = array<i32>} : memref<4x128xi32, #tpu.memory_space<vmem>>, vector<1x16xi32>,
      %get3A_819 = vector.shape_cast %get3A_818 : vector<1x16xi32> to vector<16xi32>
      %add3A_820 = arith.constant 0 : i32
      %add3A_821 = arith.addi %add3A_13, %add3A_820 : i32
      %mul3A_822 = arith.constant 128 : i32
      %mul3A_823 = arith.muli %add3A_821, %mul3A_822 : i32
      %add3A_824 = arith.constant 112 : i32
      %add3A_825 = arith.addi %mul3A_823, %add3A_824 : i32
      %add3A_826 = vector.broadcast %add3A_825 : i32 to vector<16xi32>
      %add3A_827 = arith.addi %add3A_826, %iota3A : vector<16xi32>
      %jit3A_828 = arith.constant 30 : i32
      %eq3A_829 = arith.constant 0 : i32
      %eq3A_830 = arith.cmpi eq, %jit3A_828, %eq3A_829 : i32
      %jit3A_831 = arith.constant 1 : i32
      %select_n3A_832 = arith.select %eq3A_830, %jit3A_831, %jit3A_828 : i32
      %rem3A_833 = vector.broadcast %select_n3A_832 : i32 to vector<16xi32>
      %rem3A_834 = arith.remsi %add3A_827, %rem3A_833 : vector<16xi32>
      %ne3A_835 = arith.constant 0 : i32
      %ne3A_836 = vector.broadcast %ne3A_835 : i32 to vector<16xi32>
      %ne3A_837 = arith.cmpi ne, %rem3A_834, %ne3A_836 : vector<16xi32>
      %lt3A_838 = arith.constant 0 : i32
      %lt3A_839 = vector.broadcast %lt3A_838 : i32 to vector<16xi32>
      %lt3A_840 = arith.cmpi slt, %rem3A_834, %lt3A_839 : vector<16xi32>
      %lt3A_841 = arith.constant 0 : i32
      %lt3A_842 = arith.cmpi slt, %select_n3A_832, %lt3A_841 : i32
      %ne3A_843 = vector.broadcast %lt3A_842 : i1 to vector<16xi1>
      %ne3A_844 = vector.broadcast %ne3A_843 : vector<16xi1> to vector<16xi1>
      %ne3A_845 = arith.xori %lt3A_840, %ne3A_844 : vector<16xi1>
      %and3A_846 = arith.andi %ne3A_845, %ne3A_837 : vector<16xi1>
      %add3A_847 = vector.broadcast %select_n3A_832 : i32 to vector<16xi32>
      %add3A_848 = arith.addi %rem3A_834, %add3A_847 : vector<16xi32>
      %select_n3A_849 = arith.select %and3A_846, %add3A_848, %rem3A_834 : vector<16xi1>, vector<16xi32>
      %max3A_850 = arith.constant 0 : i32
      %max3A_851 = vector.broadcast %max3A_850 : i32 to vector<16xi32>
      %max3A_852 = arith.maxsi %get3A_819, %max3A_851 : vector<16xi32>
      %min3A_853 = arith.constant 63 : i32
      %min3A_854 = vector.broadcast %min3A_853 : i32 to vector<16xi32>
      %min3A_855 = arith.minsi %max3A_852, %min3A_854 : vector<16xi32>
      %max3A_856 = arith.constant 0 : i32
      %max3A_857 = vector.broadcast %max3A_856 : i32 to vector<16xi32>
      %max3A_858 = arith.maxsi %get3A_819, %max3A_857 : vector<16xi32>
      %min3A_859 = arith.constant 1 : i32
      %min3A_860 = vector.broadcast %min3A_859 : i32 to vector<16xi32>
      %min3A_861 = arith.minsi %max3A_858, %min3A_860 : vector<16xi32>
      %mul3A_862 = arith.constant 64 : i32
      %mul3A_863 = vector.broadcast %mul3A_862 : i32 to vector<16xi32>
      %mul3A_864 = arith.muli %select_n3A_849, %mul3A_863 : vector<16xi32>
      %add3A_865 = arith.addi %mul3A_864, %min3A_855 : vector<16xi32>
      %broadcast_in_dim3A_866 = arith.constant 0 : i32
      %broadcast_in_dim3A_867 = vector.broadcast %broadcast_in_dim3A_866 : i32 to vector<16xi32>
      %eq3A_868 = arith.constant 3 : i32
      %eq3A_869 = vector.broadcast %eq3A_868 : i32 to vector<16xi32>
      %eq3A_870 = arith.cmpi eq, %get3A_819, %eq3A_869 : vector<16xi32>
      %jit3A_871 = arith.constant 1 : i32
      %broadcast_in_dim3A_872 = vector.broadcast %jit3A_871 : i32 to vector<16xi32>
      %select_n3A_873 = arith.select %eq3A_870, %broadcast_in_dim3A_872, %broadcast_in_dim3A_867 : vector<16xi1>, vector<16xi32>
      %eq3A_874 = arith.constant 4 : i32
      %eq3A_875 = vector.broadcast %eq3A_874 : i32 to vector<16xi32>
      %eq3A_876 = arith.cmpi eq, %get3A_819, %eq3A_875 : vector<16xi32>
      %jit3A_877 = arith.constant 2 : i32
      %broadcast_in_dim3A_878 = vector.broadcast %jit3A_877 : i32 to vector<16xi32>
      %select_n3A_879 = arith.select %eq3A_876, %broadcast_in_dim3A_878, %select_n3A_873 : vector<16xi1>, vector<16xi32>
      %eq3A_880 = arith.constant 5 : i32
      %eq3A_881 = vector.broadcast %eq3A_880 : i32 to vector<16xi32>
      %eq3A_882 = arith.cmpi eq, %get3A_819, %eq3A_881 : vector<16xi32>
      %jit3A_883 = arith.constant 3 : i32
      %broadcast_in_dim3A_884 = vector.broadcast %jit3A_883 : i32 to vector<16xi32>
      %select_n3A_885 = arith.select %eq3A_882, %broadcast_in_dim3A_884, %select_n3A_879 : vector<16xi1>, vector<16xi32>
      %eq3A_886 = arith.constant 6 : i32
      %eq3A_887 = vector.broadcast %eq3A_886 : i32 to vector<16xi32>
      %eq3A_888 = arith.cmpi eq, %get3A_819, %eq3A_887 : vector<16xi32>
      %jit3A_889 = arith.constant 4 : i32
      %broadcast_in_dim3A_890 = vector.broadcast %jit3A_889 : i32 to vector<16xi32>
      %select_n3A_891 = arith.select %eq3A_888, %broadcast_in_dim3A_890, %select_n3A_885 : vector<16xi1>, vector<16xi32>
      %eq3A_892 = arith.constant 7 : i32
      %eq3A_893 = vector.broadcast %eq3A_892 : i32 to vector<16xi32>
      %eq3A_894 = arith.cmpi eq, %get3A_819, %eq3A_893 : vector<16xi32>
      %jit3A_895 = arith.constant 5 : i32
      %broadcast_in_dim3A_896 = vector.broadcast %jit3A_895 : i32 to vector<16xi32>
      %select_n3A_897 = arith.select %eq3A_894, %broadcast_in_dim3A_896, %select_n3A_891 : vector<16xi1>, vector<16xi32>
      %eq3A_898 = arith.constant 8 : i32
      %eq3A_899 = vector.broadcast %eq3A_898 : i32 to vector<16xi32>
      %eq3A_900 = arith.cmpi eq, %get3A_819, %eq3A_899 : vector<16xi32>
      %jit3A_901 = arith.constant 6 : i32
      %broadcast_in_dim3A_902 = vector.broadcast %jit3A_901 : i32 to vector<16xi32>
      %select_n3A_903 = arith.select %eq3A_900, %broadcast_in_dim3A_902, %select_n3A_897 : vector<16xi1>, vector<16xi32>
      %add3A_904 = arith.constant 1728 : i32
      %add3A_905 = vector.broadcast %add3A_904 : i32 to vector<16xi32>
      %add3A_906 = arith.addi %add3A_905, %select_n3A_903 : vector<16xi32>
      %add3A_907 = arith.constant 1735 : i32
      %add3A_908 = vector.broadcast %add3A_907 : i32 to vector<16xi32>
      %add3A_909 = arith.addi %add3A_908, %min3A_861 : vector<16xi32>
      %add3A_910 = arith.constant 1737 : i32
      %add3A_911 = vector.broadcast %add3A_910 : i32 to vector<16xi32>
      %add3A_912 = arith.addi %add3A_911, %min3A_861 : vector<16xi32>
      %eq3A_913 = arith.constant 27 : i32
      %eq3A_914 = vector.broadcast %eq3A_913 : i32 to vector<16xi32>
      %eq3A_915 = arith.cmpi eq, %select_n3A_849, %eq3A_914 : vector<16xi32>
      %select_n3A_916 = arith.select %eq3A_915, %add3A_906, %add3A_865 : vector<16xi1>, vector<16xi32>
      %eq3A_917 = arith.constant 28 : i32
      %eq3A_918 = vector.broadcast %eq3A_917 : i32 to vector<16xi32>
      %eq3A_919 = arith.cmpi eq, %select_n3A_849, %eq3A_918 : vector<16xi32>
      %select_n3A_920 = arith.select %eq3A_919, %add3A_909, %select_n3A_916 : vector<16xi1>, vector<16xi32>
      %eq3A_921 = arith.constant 29 : i32
      %eq3A_922 = vector.broadcast %eq3A_921 : i32 to vector<16xi32>
      %eq3A_923 = arith.cmpi eq, %select_n3A_849, %eq3A_922 : vector<16xi32>
      %select_n3A_924 = arith.select %eq3A_923, %add3A_912, %select_n3A_920 : vector<16xi1>, vector<16xi32>
      %swap3A_925 = arith.constant 0 : i32
      %swap3A_926 = arith.index_cast %swap3A_925 : i32 to index
      %swap3A_927 = arith.constant 112 : index
      %swap3A_928 = tpu.vector_load %arg7[%swap3A_926, %swap3A_927] {strides = array<i32>} : memref<4x128xi32, #tpu.memory_space<vmem>>, vector<1x16xi32>,
      %swap3A_929 = vector.shape_cast %swap3A_928 : vector<1x16xi32> to vector<16xi32>
      %swap3A_930 = vector.shape_cast %select_n3A_924 : vector<16xi32> to vector<1x16xi32>
      tpu.vector_store %arg7[%swap3A_926, %swap3A_927], %swap3A_930 {strides = array<i32>} : memref<4x128xi32, #tpu.memory_space<vmem>>, vector<1x16xi32>,
      %get3A_931 = arith.constant 1 : i32
      %get3A_932 = arith.index_cast %get3A_931 : i32 to index
      %get3A_933 = arith.constant 0 : index
      %get3A_934 = tpu.vector_load %arg6[%get3A_932, %get3A_933] {strides = array<i32>} : memref<4x128xi32, #tpu.memory_space<vmem>>, vector<1x16xi32>,
      %get3A_935 = vector.shape_cast %get3A_934 : vector<1x16xi32> to vector<16xi32>
      %add3A_936 = arith.constant 1 : i32
      %add3A_937 = arith.addi %add3A_13, %add3A_936 : i32
      %mul3A_938 = arith.constant 128 : i32
      %mul3A_939 = arith.muli %add3A_937, %mul3A_938 : i32
      %add3A_940 = arith.constant 0 : i32
      %add3A_941 = arith.addi %mul3A_939, %add3A_940 : i32
      %add3A_942 = vector.broadcast %add3A_941 : i32 to vector<16xi32>
      %add3A_943 = arith.addi %add3A_942, %iota3A : vector<16xi32>
      %jit3A_944 = arith.constant 30 : i32
      %eq3A_945 = arith.constant 0 : i32
      %eq3A_946 = arith.cmpi eq, %jit3A_944, %eq3A_945 : i32
      %jit3A_947 = arith.constant 1 : i32
      %select_n3A_948 = arith.select %eq3A_946, %jit3A_947, %jit3A_944 : i32
      %rem3A_949 = vector.broadcast %select_n3A_948 : i32 to vector<16xi32>
      %rem3A_950 = arith.remsi %add3A_943, %rem3A_949 : vector<16xi32>
      %ne3A_951 = arith.constant 0 : i32
      %ne3A_952 = vector.broadcast %ne3A_951 : i32 to vector<16xi32>
      %ne3A_953 = arith.cmpi ne, %rem3A_950, %ne3A_952 : vector<16xi32>
      %lt3A_954 = arith.constant 0 : i32
      %lt3A_955 = vector.broadcast %lt3A_954 : i32 to vector<16xi32>
      %lt3A_956 = arith.cmpi slt, %rem3A_950, %lt3A_955 : vector<16xi32>
      %lt3A_957 = arith.constant 0 : i32
      %lt3A_958 = arith.cmpi slt, %select_n3A_948, %lt3A_957 : i32
      %ne3A_959 = vector.broadcast %lt3A_958 : i1 to vector<16xi1>
      %ne3A_960 = vector.broadcast %ne3A_959 : vector<16xi1> to vector<16xi1>
      %ne3A_961 = arith.xori %lt3A_956, %ne3A_960 : vector<16xi1>
      %and3A_962 = arith.andi %ne3A_961, %ne3A_953 : vector<16xi1>
      %add3A_963 = vector.broadcast %select_n3A_948 : i32 to vector<16xi32>
      %add3A_964 = arith.addi %rem3A_950, %add3A_963 : vector<16xi32>
      %select_n3A_965 = arith.select %and3A_962, %add3A_964, %rem3A_950 : vector<16xi1>, vector<16xi32>
      %max3A_966 = arith.constant 0 : i32
      %max3A_967 = vector.broadcast %max3A_966 : i32 to vector<16xi32>
      %max3A_968 = arith.maxsi %get3A_935, %max3A_967 : vector<16xi32>
      %min3A_969 = arith.constant 63 : i32
      %min3A_970 = vector.broadcast %min3A_969 : i32 to vector<16xi32>
      %min3A_971 = arith.minsi %max3A_968, %min3A_970 : vector<16xi32>
      %max3A_972 = arith.constant 0 : i32
      %max3A_973 = vector.broadcast %max3A_972 : i32 to vector<16xi32>
      %max3A_974 = arith.maxsi %get3A_935, %max3A_973 : vector<16xi32>
      %min3A_975 = arith.constant 1 : i32
      %min3A_976 = vector.broadcast %min3A_975 : i32 to vector<16xi32>
      %min3A_977 = arith.minsi %max3A_974, %min3A_976 : vector<16xi32>
      %mul3A_978 = arith.constant 64 : i32
      %mul3A_979 = vector.broadcast %mul3A_978 : i32 to vector<16xi32>
      %mul3A_980 = arith.muli %select_n3A_965, %mul3A_979 : vector<16xi32>
      %add3A_981 = arith.addi %mul3A_980, %min3A_971 : vector<16xi32>
      %broadcast_in_dim3A_982 = arith.constant 0 : i32
      %broadcast_in_dim3A_983 = vector.broadcast %broadcast_in_dim3A_982 : i32 to vector<16xi32>
      %eq3A_984 = arith.constant 3 : i32
      %eq3A_985 = vector.broadcast %eq3A_984 : i32 to vector<16xi32>
      %eq3A_986 = arith.cmpi eq, %get3A_935, %eq3A_985 : vector<16xi32>
      %jit3A_987 = arith.constant 1 : i32
      %broadcast_in_dim3A_988 = vector.broadcast %jit3A_987 : i32 to vector<16xi32>
      %select_n3A_989 = arith.select %eq3A_986, %broadcast_in_dim3A_988, %broadcast_in_dim3A_983 : vector<16xi1>, vector<16xi32>
      %eq3A_990 = arith.constant 4 : i32
      %eq3A_991 = vector.broadcast %eq3A_990 : i32 to vector<16xi32>
      %eq3A_992 = arith.cmpi eq, %get3A_935, %eq3A_991 : vector<16xi32>
      %jit3A_993 = arith.constant 2 : i32
      %broadcast_in_dim3A_994 = vector.broadcast %jit3A_993 : i32 to vector<16xi32>
      %select_n3A_995 = arith.select %eq3A_992, %broadcast_in_dim3A_994, %select_n3A_989 : vector<16xi1>, vector<16xi32>
      %eq3A_996 = arith.constant 5 : i32
      %eq3A_997 = vector.broadcast %eq3A_996 : i32 to vector<16xi32>
      %eq3A_998 = arith.cmpi eq, %get3A_935, %eq3A_997 : vector<16xi32>
      %jit3A_999 = arith.constant 3 : i32
      %broadcast_in_dim3A_1000 = vector.broadcast %jit3A_999 : i32 to vector<16xi32>
      %select_n3A_1001 = arith.select %eq3A_998, %broadcast_in_dim3A_1000, %select_n3A_995 : vector<16xi1>, vector<16xi32>
      %eq3A_1002 = arith.constant 6 : i32
      %eq3A_1003 = vector.broadcast %eq3A_1002 : i32 to vector<16xi32>
      %eq3A_1004 = arith.cmpi eq, %get3A_935, %eq3A_1003 : vector<16xi32>
      %jit3A_1005 = arith.constant 4 : i32
      %broadcast_in_dim3A_1006 = vector.broadcast %jit3A_1005 : i32 to vector<16xi32>
      %select_n3A_1007 = arith.select %eq3A_1004, %broadcast_in_dim3A_1006, %select_n3A_1001 : vector<16xi1>, vector<16xi32>
      %eq3A_1008 = arith.constant 7 : i32
      %eq3A_1009 = vector.broadcast %eq3A_1008 : i32 to vector<16xi32>
      %eq3A_1010 = arith.cmpi eq, %get3A_935, %eq3A_1009 : vector<16xi32>
      %jit3A_1011 = arith.constant 5 : i32
      %broadcast_in_dim3A_1012 = vector.broadcast %jit3A_1011 : i32 to vector<16xi32>
      %select_n3A_1013 = arith.select %eq3A_1010, %broadcast_in_dim3A_1012, %select_n3A_1007 : vector<16xi1>, vector<16xi32>
      %eq3A_1014 = arith.constant 8 : i32
      %eq3A_1015 = vector.broadcast %eq3A_1014 : i32 to vector<16xi32>
      %eq3A_1016 = arith.cmpi eq, %get3A_935, %eq3A_1015 : vector<16xi32>
      %jit3A_1017 = arith.constant 6 : i32
      %broadcast_in_dim3A_1018 = vector.broadcast %jit3A_1017 : i32 to vector<16xi32>
      %select_n3A_1019 = arith.select %eq3A_1016, %broadcast_in_dim3A_1018, %select_n3A_1013 : vector<16xi1>, vector<16xi32>
      %add3A_1020 = arith.constant 1728 : i32
      %add3A_1021 = vector.broadcast %add3A_1020 : i32 to vector<16xi32>
      %add3A_1022 = arith.addi %add3A_1021, %select_n3A_1019 : vector<16xi32>
      %add3A_1023 = arith.constant 1735 : i32
      %add3A_1024 = vector.broadcast %add3A_1023 : i32 to vector<16xi32>
      %add3A_1025 = arith.addi %add3A_1024, %min3A_977 : vector<16xi32>
      %add3A_1026 = arith.constant 1737 : i32
      %add3A_1027 = vector.broadcast %add3A_1026 : i32 to vector<16xi32>
      %add3A_1028 = arith.addi %add3A_1027, %min3A_977 : vector<16xi32>
      %eq3A_1029 = arith.constant 27 : i32
      %eq3A_1030 = vector.broadcast %eq3A_1029 : i32 to vector<16xi32>
      %eq3A_1031 = arith.cmpi eq, %select_n3A_965, %eq3A_1030 : vector<16xi32>
      %select_n3A_1032 = arith.select %eq3A_1031, %add3A_1022, %add3A_981 : vector<16xi1>, vector<16xi32>
      %eq3A_1033 = arith.constant 28 : i32
      %eq3A_1034 = vector.broadcast %eq3A_1033 : i32 to vector<16xi32>
      %eq3A_1035 = arith.cmpi eq, %select_n3A_965, %eq3A_1034 : vector<16xi32>
      %select_n3A_1036 = arith.select %eq3A_1035, %add3A_1025, %select_n3A_1032 : vector<16xi1>, vector<16xi32>
      %eq3A_1037 = arith.constant 29 : i32
      %eq3A_1038 = vector.broadcast %eq3A_1037 : i32 to vector<16xi32>
      %eq3A_1039 = arith.cmpi eq, %select_n3A_965, %eq3A_1038 : vector<16xi32>
      %select_n3A_1040 = arith.select %eq3A_1039, %add3A_1028, %select_n3A_1036 : vector<16xi1>, vector<16xi32>
      %swap3A_1041 = arith.constant 1 : i32
      %swap3A_1042 = arith.index_cast %swap3A_1041 : i32 to index
      %swap3A_1043 = arith.constant 0 : index
      %swap3A_1044 = tpu.vector_load %arg7[%swap3A_1042, %swap3A_1043] {strides = array<i32>} : memref<4x128xi32, #tpu.memory_space<vmem>>, vector<1x16xi32>,
      %swap3A_1045 = vector.shape_cast %swap3A_1044 : vector<1x16xi32> to vector<16xi32>
      %swap3A_1046 = vector.shape_cast %select_n3A_1040 : vector<16xi32> to vector<1x16xi32>
      tpu.vector_store %arg7[%swap3A_1042, %swap3A_1043], %swap3A_1046 {strides = array<i32>} : memref<4x128xi32, #tpu.memory_space<vmem>>, vector<1x16xi32>,
      %get3A_1047 = arith.constant 1 : i32
      %get3A_1048 = arith.index_cast %get3A_1047 : i32 to index
      %get3A_1049 = arith.constant 16 : index
      %get3A_1050 = tpu.vector_load %arg6[%get3A_1048, %get3A_1049] {strides = array<i32>} : memref<4x128xi32, #tpu.memory_space<vmem>>, vector<1x16xi32>,
      %get3A_1051 = vector.shape_cast %get3A_1050 : vector<1x16xi32> to vector<16xi32>
      %add3A_1052 = arith.constant 1 : i32
      %add3A_1053 = arith.addi %add3A_13, %add3A_1052 : i32
      %mul3A_1054 = arith.constant 128 : i32
      %mul3A_1055 = arith.muli %add3A_1053, %mul3A_1054 : i32
      %add3A_1056 = arith.constant 16 : i32
      %add3A_1057 = arith.addi %mul3A_1055, %add3A_1056 : i32
      %add3A_1058 = vector.broadcast %add3A_1057 : i32 to vector<16xi32>
      %add3A_1059 = arith.addi %add3A_1058, %iota3A : vector<16xi32>
      %jit3A_1060 = arith.constant 30 : i32
      %eq3A_1061 = arith.constant 0 : i32
      %eq3A_1062 = arith.cmpi eq, %jit3A_1060, %eq3A_1061 : i32
      %jit3A_1063 = arith.constant 1 : i32
      %select_n3A_1064 = arith.select %eq3A_1062, %jit3A_1063, %jit3A_1060 : i32
      %rem3A_1065 = vector.broadcast %select_n3A_1064 : i32 to vector<16xi32>
      %rem3A_1066 = arith.remsi %add3A_1059, %rem3A_1065 : vector<16xi32>
      %ne3A_1067 = arith.constant 0 : i32
      %ne3A_1068 = vector.broadcast %ne3A_1067 : i32 to vector<16xi32>
      %ne3A_1069 = arith.cmpi ne, %rem3A_1066, %ne3A_1068 : vector<16xi32>
      %lt3A_1070 = arith.constant 0 : i32
      %lt3A_1071 = vector.broadcast %lt3A_1070 : i32 to vector<16xi32>
      %lt3A_1072 = arith.cmpi slt, %rem3A_1066, %lt3A_1071 : vector<16xi32>
      %lt3A_1073 = arith.constant 0 : i32
      %lt3A_1074 = arith.cmpi slt, %select_n3A_1064, %lt3A_1073 : i32
      %ne3A_1075 = vector.broadcast %lt3A_1074 : i1 to vector<16xi1>
      %ne3A_1076 = vector.broadcast %ne3A_1075 : vector<16xi1> to vector<16xi1>
      %ne3A_1077 = arith.xori %lt3A_1072, %ne3A_1076 : vector<16xi1>
      %and3A_1078 = arith.andi %ne3A_1077, %ne3A_1069 : vector<16xi1>
      %add3A_1079 = vector.broadcast %select_n3A_1064 : i32 to vector<16xi32>
      %add3A_1080 = arith.addi %rem3A_1066, %add3A_1079 : vector<16xi32>
      %select_n3A_1081 = arith.select %and3A_1078, %add3A_1080, %rem3A_1066 : vector<16xi1>, vector<16xi32>
      %max3A_1082 = arith.constant 0 : i32
      %max3A_1083 = vector.broadcast %max3A_1082 : i32 to vector<16xi32>
      %max3A_1084 = arith.maxsi %get3A_1051, %max3A_1083 : vector<16xi32>
      %min3A_1085 = arith.constant 63 : i32
      %min3A_1086 = vector.broadcast %min3A_1085 : i32 to vector<16xi32>
      %min3A_1087 = arith.minsi %max3A_1084, %min3A_1086 : vector<16xi32>
      %max3A_1088 = arith.constant 0 : i32
      %max3A_1089 = vector.broadcast %max3A_1088 : i32 to vector<16xi32>
      %max3A_1090 = arith.maxsi %get3A_1051, %max3A_1089 : vector<16xi32>
      %min3A_1091 = arith.constant 1 : i32
      %min3A_1092 = vector.broadcast %min3A_1091 : i32 to vector<16xi32>
      %min3A_1093 = arith.minsi %max3A_1090, %min3A_1092 : vector<16xi32>
      %mul3A_1094 = arith.constant 64 : i32
      %mul3A_1095 = vector.broadcast %mul3A_1094 : i32 to vector<16xi32>
      %mul3A_1096 = arith.muli %select_n3A_1081, %mul3A_1095 : vector<16xi32>
      %add3A_1097 = arith.addi %mul3A_1096, %min3A_1087 : vector<16xi32>
      %broadcast_in_dim3A_1098 = arith.constant 0 : i32
      %broadcast_in_dim3A_1099 = vector.broadcast %broadcast_in_dim3A_1098 : i32 to vector<16xi32>
      %eq3A_1100 = arith.constant 3 : i32
      %eq3A_1101 = vector.broadcast %eq3A_1100 : i32 to vector<16xi32>
      %eq3A_1102 = arith.cmpi eq, %get3A_1051, %eq3A_1101 : vector<16xi32>
      %jit3A_1103 = arith.constant 1 : i32
      %broadcast_in_dim3A_1104 = vector.broadcast %jit3A_1103 : i32 to vector<16xi32>
      %select_n3A_1105 = arith.select %eq3A_1102, %broadcast_in_dim3A_1104, %broadcast_in_dim3A_1099 : vector<16xi1>, vector<16xi32>
      %eq3A_1106 = arith.constant 4 : i32
      %eq3A_1107 = vector.broadcast %eq3A_1106 : i32 to vector<16xi32>
      %eq3A_1108 = arith.cmpi eq, %get3A_1051, %eq3A_1107 : vector<16xi32>
      %jit3A_1109 = arith.constant 2 : i32
      %broadcast_in_dim3A_1110 = vector.broadcast %jit3A_1109 : i32 to vector<16xi32>
      %select_n3A_1111 = arith.select %eq3A_1108, %broadcast_in_dim3A_1110, %select_n3A_1105 : vector<16xi1>, vector<16xi32>
      %eq3A_1112 = arith.constant 5 : i32
      %eq3A_1113 = vector.broadcast %eq3A_1112 : i32 to vector<16xi32>
      %eq3A_1114 = arith.cmpi eq, %get3A_1051, %eq3A_1113 : vector<16xi32>
      %jit3A_1115 = arith.constant 3 : i32
      %broadcast_in_dim3A_1116 = vector.broadcast %jit3A_1115 : i32 to vector<16xi32>
      %select_n3A_1117 = arith.select %eq3A_1114, %broadcast_in_dim3A_1116, %select_n3A_1111 : vector<16xi1>, vector<16xi32>
      %eq3A_1118 = arith.constant 6 : i32
      %eq3A_1119 = vector.broadcast %eq3A_1118 : i32 to vector<16xi32>
      %eq3A_1120 = arith.cmpi eq, %get3A_1051, %eq3A_1119 : vector<16xi32>
      %jit3A_1121 = arith.constant 4 : i32
      %broadcast_in_dim3A_1122 = vector.broadcast %jit3A_1121 : i32 to vector<16xi32>
      %select_n3A_1123 = arith.select %eq3A_1120, %broadcast_in_dim3A_1122, %select_n3A_1117 : vector<16xi1>, vector<16xi32>
      %eq3A_1124 = arith.constant 7 : i32
      %eq3A_1125 = vector.broadcast %eq3A_1124 : i32 to vector<16xi32>
      %eq3A_1126 = arith.cmpi eq, %get3A_1051, %eq3A_1125 : vector<16xi32>
      %jit3A_1127 = arith.constant 5 : i32
      %broadcast_in_dim3A_1128 = vector.broadcast %jit3A_1127 : i32 to vector<16xi32>
      %select_n3A_1129 = arith.select %eq3A_1126, %broadcast_in_dim3A_1128, %select_n3A_1123 : vector<16xi1>, vector<16xi32>
      %eq3A_1130 = arith.constant 8 : i32
      %eq3A_1131 = vector.broadcast %eq3A_1130 : i32 to vector<16xi32>
      %eq3A_1132 = arith.cmpi eq, %get3A_1051, %eq3A_1131 : vector<16xi32>
      %jit3A_1133 = arith.constant 6 : i32
      %broadcast_in_dim3A_1134 = vector.broadcast %jit3A_1133 : i32 to vector<16xi32>
      %select_n3A_1135 = arith.select %eq3A_1132, %broadcast_in_dim3A_1134, %select_n3A_1129 : vector<16xi1>, vector<16xi32>
      %add3A_1136 = arith.constant 1728 : i32
      %add3A_1137 = vector.broadcast %add3A_1136 : i32 to vector<16xi32>
      %add3A_1138 = arith.addi %add3A_1137, %select_n3A_1135 : vector<16xi32>
      %add3A_1139 = arith.constant 1735 : i32
      %add3A_1140 = vector.broadcast %add3A_1139 : i32 to vector<16xi32>
      %add3A_1141 = arith.addi %add3A_1140, %min3A_1093 : vector<16xi32>
      %add3A_1142 = arith.constant 1737 : i32
      %add3A_1143 = vector.broadcast %add3A_1142 : i32 to vector<16xi32>
      %add3A_1144 = arith.addi %add3A_1143, %min3A_1093 : vector<16xi32>
      %eq3A_1145 = arith.constant 27 : i32
      %eq3A_1146 = vector.broadcast %eq3A_1145 : i32 to vector<16xi32>
      %eq3A_1147 = arith.cmpi eq, %select_n3A_1081, %eq3A_1146 : vector<16xi32>
      %select_n3A_1148 = arith.select %eq3A_1147, %add3A_1138, %add3A_1097 : vector<16xi1>, vector<16xi32>
      %eq3A_1149 = arith.constant 28 : i32
      %eq3A_1150 = vector.broadcast %eq3A_1149 : i32 to vector<16xi32>
      %eq3A_1151 = arith.cmpi eq, %select_n3A_1081, %eq3A_1150 : vector<16xi32>
      %select_n3A_1152 = arith.select %eq3A_1151, %add3A_1141, %select_n3A_1148 : vector<16xi1>, vector<16xi32>
      %eq3A_1153 = arith.constant 29 : i32
      %eq3A_1154 = vector.broadcast %eq3A_1153 : i32 to vector<16xi32>
      %eq3A_1155 = arith.cmpi eq, %select_n3A_1081, %eq3A_1154 : vector<16xi32>
      %select_n3A_1156 = arith.select %eq3A_1155, %add3A_1144, %select_n3A_1152 : vector<16xi1>, vector<16xi32>
      %swap3A_1157 = arith.constant 1 : i32
      %swap3A_1158 = arith.index_cast %swap3A_1157 : i32 to index
      %swap3A_1159 = arith.constant 16 : index
      %swap3A_1160 = tpu.vector_load %arg7[%swap3A_1158, %swap3A_1159] {strides = array<i32>} : memref<4x128xi32, #tpu.memory_space<vmem>>, vector<1x16xi32>,
      %swap3A_1161 = vector.shape_cast %swap3A_1160 : vector<1x16xi32> to vector<16xi32>
      %swap3A_1162 = vector.shape_cast %select_n3A_1156 : vector<16xi32> to vector<1x16xi32>
      tpu.vector_store %arg7[%swap3A_1158, %swap3A_1159], %swap3A_1162 {strides = array<i32>} : memref<4x128xi32, #tpu.memory_space<vmem>>, vector<1x16xi32>,
      %get3A_1163 = arith.constant 1 : i32
      %get3A_1164 = arith.index_cast %get3A_1163 : i32 to index
      %get3A_1165 = arith.constant 32 : index
      %get3A_1166 = tpu.vector_load %arg6[%get3A_1164, %get3A_1165] {strides = array<i32>} : memref<4x128xi32, #tpu.memory_space<vmem>>, vector<1x16xi32>,
      %get3A_1167 = vector.shape_cast %get3A_1166 : vector<1x16xi32> to vector<16xi32>
      %add3A_1168 = arith.constant 1 : i32
      %add3A_1169 = arith.addi %add3A_13, %add3A_1168 : i32
      %mul3A_1170 = arith.constant 128 : i32
      %mul3A_1171 = arith.muli %add3A_1169, %mul3A_1170 : i32
      %add3A_1172 = arith.constant 32 : i32
      %add3A_1173 = arith.addi %mul3A_1171, %add3A_1172 : i32
      %add3A_1174 = vector.broadcast %add3A_1173 : i32 to vector<16xi32>
      %add3A_1175 = arith.addi %add3A_1174, %iota3A : vector<16xi32>
      %jit3A_1176 = arith.constant 30 : i32
      %eq3A_1177 = arith.constant 0 : i32
      %eq3A_1178 = arith.cmpi eq, %jit3A_1176, %eq3A_1177 : i32
      %jit3A_1179 = arith.constant 1 : i32
      %select_n3A_1180 = arith.select %eq3A_1178, %jit3A_1179, %jit3A_1176 : i32
      %rem3A_1181 = vector.broadcast %select_n3A_1180 : i32 to vector<16xi32>
      %rem3A_1182 = arith.remsi %add3A_1175, %rem3A_1181 : vector<16xi32>
      %ne3A_1183 = arith.constant 0 : i32
      %ne3A_1184 = vector.broadcast %ne3A_1183 : i32 to vector<16xi32>
      %ne3A_1185 = arith.cmpi ne, %rem3A_1182, %ne3A_1184 : vector<16xi32>
      %lt3A_1186 = arith.constant 0 : i32
      %lt3A_1187 = vector.broadcast %lt3A_1186 : i32 to vector<16xi32>
      %lt3A_1188 = arith.cmpi slt, %rem3A_1182, %lt3A_1187 : vector<16xi32>
      %lt3A_1189 = arith.constant 0 : i32
      %lt3A_1190 = arith.cmpi slt, %select_n3A_1180, %lt3A_1189 : i32
      %ne3A_1191 = vector.broadcast %lt3A_1190 : i1 to vector<16xi1>
      %ne3A_1192 = vector.broadcast %ne3A_1191 : vector<16xi1> to vector<16xi1>
      %ne3A_1193 = arith.xori %lt3A_1188, %ne3A_1192 : vector<16xi1>
      %and3A_1194 = arith.andi %ne3A_1193, %ne3A_1185 : vector<16xi1>
      %add3A_1195 = vector.broadcast %select_n3A_1180 : i32 to vector<16xi32>
      %add3A_1196 = arith.addi %rem3A_1182, %add3A_1195 : vector<16xi32>
      %select_n3A_1197 = arith.select %and3A_1194, %add3A_1196, %rem3A_1182 : vector<16xi1>, vector<16xi32>
      %max3A_1198 = arith.constant 0 : i32
      %max3A_1199 = vector.broadcast %max3A_1198 : i32 to vector<16xi32>
      %max3A_1200 = arith.maxsi %get3A_1167, %max3A_1199 : vector<16xi32>
      %min3A_1201 = arith.constant 63 : i32
      %min3A_1202 = vector.broadcast %min3A_1201 : i32 to vector<16xi32>
      %min3A_1203 = arith.minsi %max3A_1200, %min3A_1202 : vector<16xi32>
      %max3A_1204 = arith.constant 0 : i32
      %max3A_1205 = vector.broadcast %max3A_1204 : i32 to vector<16xi32>
      %max3A_1206 = arith.maxsi %get3A_1167, %max3A_1205 : vector<16xi32>
      %min3A_1207 = arith.constant 1 : i32
      %min3A_1208 = vector.broadcast %min3A_1207 : i32 to vector<16xi32>
      %min3A_1209 = arith.minsi %max3A_1206, %min3A_1208 : vector<16xi32>
      %mul3A_1210 = arith.constant 64 : i32
      %mul3A_1211 = vector.broadcast %mul3A_1210 : i32 to vector<16xi32>
      %mul3A_1212 = arith.muli %select_n3A_1197, %mul3A_1211 : vector<16xi32>
      %add3A_1213 = arith.addi %mul3A_1212, %min3A_1203 : vector<16xi32>
      %broadcast_in_dim3A_1214 = arith.constant 0 : i32
      %broadcast_in_dim3A_1215 = vector.broadcast %broadcast_in_dim3A_1214 : i32 to vector<16xi32>
      %eq3A_1216 = arith.constant 3 : i32
      %eq3A_1217 = vector.broadcast %eq3A_1216 : i32 to vector<16xi32>
      %eq3A_1218 = arith.cmpi eq, %get3A_1167, %eq3A_1217 : vector<16xi32>
      %jit3A_1219 = arith.constant 1 : i32
      %broadcast_in_dim3A_1220 = vector.broadcast %jit3A_1219 : i32 to vector<16xi32>
      %select_n3A_1221 = arith.select %eq3A_1218, %broadcast_in_dim3A_1220, %broadcast_in_dim3A_1215 : vector<16xi1>, vector<16xi32>
      %eq3A_1222 = arith.constant 4 : i32
      %eq3A_1223 = vector.broadcast %eq3A_1222 : i32 to vector<16xi32>
      %eq3A_1224 = arith.cmpi eq, %get3A_1167, %eq3A_1223 : vector<16xi32>
      %jit3A_1225 = arith.constant 2 : i32
      %broadcast_in_dim3A_1226 = vector.broadcast %jit3A_1225 : i32 to vector<16xi32>
      %select_n3A_1227 = arith.select %eq3A_1224, %broadcast_in_dim3A_1226, %select_n3A_1221 : vector<16xi1>, vector<16xi32>
      %eq3A_1228 = arith.constant 5 : i32
      %eq3A_1229 = vector.broadcast %eq3A_1228 : i32 to vector<16xi32>
      %eq3A_1230 = arith.cmpi eq, %get3A_1167, %eq3A_1229 : vector<16xi32>
      %jit3A_1231 = arith.constant 3 : i32
      %broadcast_in_dim3A_1232 = vector.broadcast %jit3A_1231 : i32 to vector<16xi32>
      %select_n3A_1233 = arith.select %eq3A_1230, %broadcast_in_dim3A_1232, %select_n3A_1227 : vector<16xi1>, vector<16xi32>
      %eq3A_1234 = arith.constant 6 : i32
      %eq3A_1235 = vector.broadcast %eq3A_1234 : i32 to vector<16xi32>
      %eq3A_1236 = arith.cmpi eq, %get3A_1167, %eq3A_1235 : vector<16xi32>
      %jit3A_1237 = arith.constant 4 : i32
      %broadcast_in_dim3A_1238 = vector.broadcast %jit3A_1237 : i32 to vector<16xi32>
      %select_n3A_1239 = arith.select %eq3A_1236, %broadcast_in_dim3A_1238, %select_n3A_1233 : vector<16xi1>, vector<16xi32>
      %eq3A_1240 = arith.constant 7 : i32
      %eq3A_1241 = vector.broadcast %eq3A_1240 : i32 to vector<16xi32>
      %eq3A_1242 = arith.cmpi eq, %get3A_1167, %eq3A_1241 : vector<16xi32>
      %jit3A_1243 = arith.constant 5 : i32
      %broadcast_in_dim3A_1244 = vector.broadcast %jit3A_1243 : i32 to vector<16xi32>
      %select_n3A_1245 = arith.select %eq3A_1242, %broadcast_in_dim3A_1244, %select_n3A_1239 : vector<16xi1>, vector<16xi32>
      %eq3A_1246 = arith.constant 8 : i32
      %eq3A_1247 = vector.broadcast %eq3A_1246 : i32 to vector<16xi32>
      %eq3A_1248 = arith.cmpi eq, %get3A_1167, %eq3A_1247 : vector<16xi32>
      %jit3A_1249 = arith.constant 6 : i32
      %broadcast_in_dim3A_1250 = vector.broadcast %jit3A_1249 : i32 to vector<16xi32>
      %select_n3A_1251 = arith.select %eq3A_1248, %broadcast_in_dim3A_1250, %select_n3A_1245 : vector<16xi1>, vector<16xi32>
      %add3A_1252 = arith.constant 1728 : i32
      %add3A_1253 = vector.broadcast %add3A_1252 : i32 to vector<16xi32>
      %add3A_1254 = arith.addi %add3A_1253, %select_n3A_1251 : vector<16xi32>
      %add3A_1255 = arith.constant 1735 : i32
      %add3A_1256 = vector.broadcast %add3A_1255 : i32 to vector<16xi32>
      %add3A_1257 = arith.addi %add3A_1256, %min3A_1209 : vector<16xi32>
      %add3A_1258 = arith.constant 1737 : i32
      %add3A_1259 = vector.broadcast %add3A_1258 : i32 to vector<16xi32>
      %add3A_1260 = arith.addi %add3A_1259, %min3A_1209 : vector<16xi32>
      %eq3A_1261 = arith.constant 27 : i32
      %eq3A_1262 = vector.broadcast %eq3A_1261 : i32 to vector<16xi32>
      %eq3A_1263 = arith.cmpi eq, %select_n3A_1197, %eq3A_1262 : vector<16xi32>
      %select_n3A_1264 = arith.select %eq3A_1263, %add3A_1254, %add3A_1213 : vector<16xi1>, vector<16xi32>
      %eq3A_1265 = arith.constant 28 : i32
      %eq3A_1266 = vector.broadcast %eq3A_1265 : i32 to vector<16xi32>
      %eq3A_1267 = arith.cmpi eq, %select_n3A_1197, %eq3A_1266 : vector<16xi32>
      %select_n3A_1268 = arith.select %eq3A_1267, %add3A_1257, %select_n3A_1264 : vector<16xi1>, vector<16xi32>
      %eq3A_1269 = arith.constant 29 : i32
      %eq3A_1270 = vector.broadcast %eq3A_1269 : i32 to vector<16xi32>
      %eq3A_1271 = arith.cmpi eq, %select_n3A_1197, %eq3A_1270 : vector<16xi32>
      %select_n3A_1272 = arith.select %eq3A_1271, %add3A_1260, %select_n3A_1268 : vector<16xi1>, vector<16xi32>
      %swap3A_1273 = arith.constant 1 : i32
      %swap3A_1274 = arith.index_cast %swap3A_1273 : i32 to index
      %swap3A_1275 = arith.constant 32 : index
      %swap3A_1276 = tpu.vector_load %arg7[%swap3A_1274, %swap3A_1275] {strides = array<i32>} : memref<4x128xi32, #tpu.memory_space<vmem>>, vector<1x16xi32>,
      %swap3A_1277 = vector.shape_cast %swap3A_1276 : vector<1x16xi32> to vector<16xi32>
      %swap3A_1278 = vector.shape_cast %select_n3A_1272 : vector<16xi32> to vector<1x16xi32>
      tpu.vector_store %arg7[%swap3A_1274, %swap3A_1275], %swap3A_1278 {strides = array<i32>} : memref<4x128xi32, #tpu.memory_space<vmem>>, vector<1x16xi32>,
      %get3A_1279 = arith.constant 1 : i32
      %get3A_1280 = arith.index_cast %get3A_1279 : i32 to index
      %get3A_1281 = arith.constant 48 : index
      %get3A_1282 = tpu.vector_load %arg6[%get3A_1280, %get3A_1281] {strides = array<i32>} : memref<4x128xi32, #tpu.memory_space<vmem>>, vector<1x16xi32>,
      %get3A_1283 = vector.shape_cast %get3A_1282 : vector<1x16xi32> to vector<16xi32>
      %add3A_1284 = arith.constant 1 : i32
      %add3A_1285 = arith.addi %add3A_13, %add3A_1284 : i32
      %mul3A_1286 = arith.constant 128 : i32
      %mul3A_1287 = arith.muli %add3A_1285, %mul3A_1286 : i32
      %add3A_1288 = arith.constant 48 : i32
      %add3A_1289 = arith.addi %mul3A_1287, %add3A_1288 : i32
      %add3A_1290 = vector.broadcast %add3A_1289 : i32 to vector<16xi32>
      %add3A_1291 = arith.addi %add3A_1290, %iota3A : vector<16xi32>
      %jit3A_1292 = arith.constant 30 : i32
      %eq3A_1293 = arith.constant 0 : i32
      %eq3A_1294 = arith.cmpi eq, %jit3A_1292, %eq3A_1293 : i32
      %jit3A_1295 = arith.constant 1 : i32
      %select_n3A_1296 = arith.select %eq3A_1294, %jit3A_1295, %jit3A_1292 : i32
      %rem3A_1297 = vector.broadcast %select_n3A_1296 : i32 to vector<16xi32>
      %rem3A_1298 = arith.remsi %add3A_1291, %rem3A_1297 : vector<16xi32>
      %ne3A_1299 = arith.constant 0 : i32
      %ne3A_1300 = vector.broadcast %ne3A_1299 : i32 to vector<16xi32>
      %ne3A_1301 = arith.cmpi ne, %rem3A_1298, %ne3A_1300 : vector<16xi32>
      %lt3A_1302 = arith.constant 0 : i32
      %lt3A_1303 = vector.broadcast %lt3A_1302 : i32 to vector<16xi32>
      %lt3A_1304 = arith.cmpi slt, %rem3A_1298, %lt3A_1303 : vector<16xi32>
      %lt3A_1305 = arith.constant 0 : i32
      %lt3A_1306 = arith.cmpi slt, %select_n3A_1296, %lt3A_1305 : i32
      %ne3A_1307 = vector.broadcast %lt3A_1306 : i1 to vector<16xi1>
      %ne3A_1308 = vector.broadcast %ne3A_1307 : vector<16xi1> to vector<16xi1>
      %ne3A_1309 = arith.xori %lt3A_1304, %ne3A_1308 : vector<16xi1>
      %and3A_1310 = arith.andi %ne3A_1309, %ne3A_1301 : vector<16xi1>
      %add3A_1311 = vector.broadcast %select_n3A_1296 : i32 to vector<16xi32>
      %add3A_1312 = arith.addi %rem3A_1298, %add3A_1311 : vector<16xi32>
      %select_n3A_1313 = arith.select %and3A_1310, %add3A_1312, %rem3A_1298 : vector<16xi1>, vector<16xi32>
      %max3A_1314 = arith.constant 0 : i32
      %max3A_1315 = vector.broadcast %max3A_1314 : i32 to vector<16xi32>
      %max3A_1316 = arith.maxsi %get3A_1283, %max3A_1315 : vector<16xi32>
      %min3A_1317 = arith.constant 63 : i32
      %min3A_1318 = vector.broadcast %min3A_1317 : i32 to vector<16xi32>
      %min3A_1319 = arith.minsi %max3A_1316, %min3A_1318 : vector<16xi32>
      %max3A_1320 = arith.constant 0 : i32
      %max3A_1321 = vector.broadcast %max3A_1320 : i32 to vector<16xi32>
      %max3A_1322 = arith.maxsi %get3A_1283, %max3A_1321 : vector<16xi32>
      %min3A_1323 = arith.constant 1 : i32
      %min3A_1324 = vector.broadcast %min3A_1323 : i32 to vector<16xi32>
      %min3A_1325 = arith.minsi %max3A_1322, %min3A_1324 : vector<16xi32>
      %mul3A_1326 = arith.constant 64 : i32
      %mul3A_1327 = vector.broadcast %mul3A_1326 : i32 to vector<16xi32>
      %mul3A_1328 = arith.muli %select_n3A_1313, %mul3A_1327 : vector<16xi32>
      %add3A_1329 = arith.addi %mul3A_1328, %min3A_1319 : vector<16xi32>
      %broadcast_in_dim3A_1330 = arith.constant 0 : i32
      %broadcast_in_dim3A_1331 = vector.broadcast %broadcast_in_dim3A_1330 : i32 to vector<16xi32>
      %eq3A_1332 = arith.constant 3 : i32
      %eq3A_1333 = vector.broadcast %eq3A_1332 : i32 to vector<16xi32>
      %eq3A_1334 = arith.cmpi eq, %get3A_1283, %eq3A_1333 : vector<16xi32>
      %jit3A_1335 = arith.constant 1 : i32
      %broadcast_in_dim3A_1336 = vector.broadcast %jit3A_1335 : i32 to vector<16xi32>
      %select_n3A_1337 = arith.select %eq3A_1334, %broadcast_in_dim3A_1336, %broadcast_in_dim3A_1331 : vector<16xi1>, vector<16xi32>
      %eq3A_1338 = arith.constant 4 : i32
      %eq3A_1339 = vector.broadcast %eq3A_1338 : i32 to vector<16xi32>
      %eq3A_1340 = arith.cmpi eq, %get3A_1283, %eq3A_1339 : vector<16xi32>
      %jit3A_1341 = arith.constant 2 : i32
      %broadcast_in_dim3A_1342 = vector.broadcast %jit3A_1341 : i32 to vector<16xi32>
      %select_n3A_1343 = arith.select %eq3A_1340, %broadcast_in_dim3A_1342, %select_n3A_1337 : vector<16xi1>, vector<16xi32>
      %eq3A_1344 = arith.constant 5 : i32
      %eq3A_1345 = vector.broadcast %eq3A_1344 : i32 to vector<16xi32>
      %eq3A_1346 = arith.cmpi eq, %get3A_1283, %eq3A_1345 : vector<16xi32>
      %jit3A_1347 = arith.constant 3 : i32
      %broadcast_in_dim3A_1348 = vector.broadcast %jit3A_1347 : i32 to vector<16xi32>
      %select_n3A_1349 = arith.select %eq3A_1346, %broadcast_in_dim3A_1348, %select_n3A_1343 : vector<16xi1>, vector<16xi32>
      %eq3A_1350 = arith.constant 6 : i32
      %eq3A_1351 = vector.broadcast %eq3A_1350 : i32 to vector<16xi32>
      %eq3A_1352 = arith.cmpi eq, %get3A_1283, %eq3A_1351 : vector<16xi32>
      %jit3A_1353 = arith.constant 4 : i32
      %broadcast_in_dim3A_1354 = vector.broadcast %jit3A_1353 : i32 to vector<16xi32>
      %select_n3A_1355 = arith.select %eq3A_1352, %broadcast_in_dim3A_1354, %select_n3A_1349 : vector<16xi1>, vector<16xi32>
      %eq3A_1356 = arith.constant 7 : i32
      %eq3A_1357 = vector.broadcast %eq3A_1356 : i32 to vector<16xi32>
      %eq3A_1358 = arith.cmpi eq, %get3A_1283, %eq3A_1357 : vector<16xi32>
      %jit3A_1359 = arith.constant 5 : i32
      %broadcast_in_dim3A_1360 = vector.broadcast %jit3A_1359 : i32 to vector<16xi32>
      %select_n3A_1361 = arith.select %eq3A_1358, %broadcast_in_dim3A_1360, %select_n3A_1355 : vector<16xi1>, vector<16xi32>
      %eq3A_1362 = arith.constant 8 : i32
      %eq3A_1363 = vector.broadcast %eq3A_1362 : i32 to vector<16xi32>
      %eq3A_1364 = arith.cmpi eq, %get3A_1283, %eq3A_1363 : vector<16xi32>
      %jit3A_1365 = arith.constant 6 : i32
      %broadcast_in_dim3A_1366 = vector.broadcast %jit3A_1365 : i32 to vector<16xi32>
      %select_n3A_1367 = arith.select %eq3A_1364, %broadcast_in_dim3A_1366, %select_n3A_1361 : vector<16xi1>, vector<16xi32>
      %add3A_1368 = arith.constant 1728 : i32
      %add3A_1369 = vector.broadcast %add3A_1368 : i32 to vector<16xi32>
      %add3A_1370 = arith.addi %add3A_1369, %select_n3A_1367 : vector<16xi32>
      %add3A_1371 = arith.constant 1735 : i32
      %add3A_1372 = vector.broadcast %add3A_1371 : i32 to vector<16xi32>
      %add3A_1373 = arith.addi %add3A_1372, %min3A_1325 : vector<16xi32>
      %add3A_1374 = arith.constant 1737 : i32
      %add3A_1375 = vector.broadcast %add3A_1374 : i32 to vector<16xi32>
      %add3A_1376 = arith.addi %add3A_1375, %min3A_1325 : vector<16xi32>
      %eq3A_1377 = arith.constant 27 : i32
      %eq3A_1378 = vector.broadcast %eq3A_1377 : i32 to vector<16xi32>
      %eq3A_1379 = arith.cmpi eq, %select_n3A_1313, %eq3A_1378 : vector<16xi32>
      %select_n3A_1380 = arith.select %eq3A_1379, %add3A_1370, %add3A_1329 : vector<16xi1>, vector<16xi32>
      %eq3A_1381 = arith.constant 28 : i32
      %eq3A_1382 = vector.broadcast %eq3A_1381 : i32 to vector<16xi32>
      %eq3A_1383 = arith.cmpi eq, %select_n3A_1313, %eq3A_1382 : vector<16xi32>
      %select_n3A_1384 = arith.select %eq3A_1383, %add3A_1373, %select_n3A_1380 : vector<16xi1>, vector<16xi32>
      %eq3A_1385 = arith.constant 29 : i32
      %eq3A_1386 = vector.broadcast %eq3A_1385 : i32 to vector<16xi32>
      %eq3A_1387 = arith.cmpi eq, %select_n3A_1313, %eq3A_1386 : vector<16xi32>
      %select_n3A_1388 = arith.select %eq3A_1387, %add3A_1376, %select_n3A_1384 : vector<16xi1>, vector<16xi32>
      %swap3A_1389 = arith.constant 1 : i32
      %swap3A_1390 = arith.index_cast %swap3A_1389 : i32 to index
      %swap3A_1391 = arith.constant 48 : index
      %swap3A_1392 = tpu.vector_load %arg7[%swap3A_1390, %swap3A_1391] {strides = array<i32>} : memref<4x128xi32, #tpu.memory_space<vmem>>, vector<1x16xi32>,
      %swap3A_1393 = vector.shape_cast %swap3A_1392 : vector<1x16xi32> to vector<16xi32>
      %swap3A_1394 = vector.shape_cast %select_n3A_1388 : vector<16xi32> to vector<1x16xi32>
      tpu.vector_store %arg7[%swap3A_1390, %swap3A_1391], %swap3A_1394 {strides = array<i32>} : memref<4x128xi32, #tpu.memory_space<vmem>>, vector<1x16xi32>,
      %get3A_1395 = arith.constant 1 : i32
      %get3A_1396 = arith.index_cast %get3A_1395 : i32 to index
      %get3A_1397 = arith.constant 64 : index
      %get3A_1398 = tpu.vector_load %arg6[%get3A_1396, %get3A_1397] {strides = array<i32>} : memref<4x128xi32, #tpu.memory_space<vmem>>, vector<1x16xi32>,
      %get3A_1399 = vector.shape_cast %get3A_1398 : vector<1x16xi32> to vector<16xi32>
      %add3A_1400 = arith.constant 1 : i32
      %add3A_1401 = arith.addi %add3A_13, %add3A_1400 : i32
      %mul3A_1402 = arith.constant 128 : i32
      %mul3A_1403 = arith.muli %add3A_1401, %mul3A_1402 : i32
      %add3A_1404 = arith.constant 64 : i32
      %add3A_1405 = arith.addi %mul3A_1403, %add3A_1404 : i32
      %add3A_1406 = vector.broadcast %add3A_1405 : i32 to vector<16xi32>
      %add3A_1407 = arith.addi %add3A_1406, %iota3A : vector<16xi32>
      %jit3A_1408 = arith.constant 30 : i32
      %eq3A_1409 = arith.constant 0 : i32
      %eq3A_1410 = arith.cmpi eq, %jit3A_1408, %eq3A_1409 : i32
      %jit3A_1411 = arith.constant 1 : i32
      %select_n3A_1412 = arith.select %eq3A_1410, %jit3A_1411, %jit3A_1408 : i32
      %rem3A_1413 = vector.broadcast %select_n3A_1412 : i32 to vector<16xi32>
      %rem3A_1414 = arith.remsi %add3A_1407, %rem3A_1413 : vector<16xi32>
      %ne3A_1415 = arith.constant 0 : i32
      %ne3A_1416 = vector.broadcast %ne3A_1415 : i32 to vector<16xi32>
      %ne3A_1417 = arith.cmpi ne, %rem3A_1414, %ne3A_1416 : vector<16xi32>
      %lt3A_1418 = arith.constant 0 : i32
      %lt3A_1419 = vector.broadcast %lt3A_1418 : i32 to vector<16xi32>
      %lt3A_1420 = arith.cmpi slt, %rem3A_1414, %lt3A_1419 : vector<16xi32>
      %lt3A_1421 = arith.constant 0 : i32
      %lt3A_1422 = arith.cmpi slt, %select_n3A_1412, %lt3A_1421 : i32
      %ne3A_1423 = vector.broadcast %lt3A_1422 : i1 to vector<16xi1>
      %ne3A_1424 = vector.broadcast %ne3A_1423 : vector<16xi1> to vector<16xi1>
      %ne3A_1425 = arith.xori %lt3A_1420, %ne3A_1424 : vector<16xi1>
      %and3A_1426 = arith.andi %ne3A_1425, %ne3A_1417 : vector<16xi1>
      %add3A_1427 = vector.broadcast %select_n3A_1412 : i32 to vector<16xi32>
      %add3A_1428 = arith.addi %rem3A_1414, %add3A_1427 : vector<16xi32>
      %select_n3A_1429 = arith.select %and3A_1426, %add3A_1428, %rem3A_1414 : vector<16xi1>, vector<16xi32>
      %max3A_1430 = arith.constant 0 : i32
      %max3A_1431 = vector.broadcast %max3A_1430 : i32 to vector<16xi32>
      %max3A_1432 = arith.maxsi %get3A_1399, %max3A_1431 : vector<16xi32>
      %min3A_1433 = arith.constant 63 : i32
      %min3A_1434 = vector.broadcast %min3A_1433 : i32 to vector<16xi32>
      %min3A_1435 = arith.minsi %max3A_1432, %min3A_1434 : vector<16xi32>
      %max3A_1436 = arith.constant 0 : i32
      %max3A_1437 = vector.broadcast %max3A_1436 : i32 to vector<16xi32>
      %max3A_1438 = arith.maxsi %get3A_1399, %max3A_1437 : vector<16xi32>
      %min3A_1439 = arith.constant 1 : i32
      %min3A_1440 = vector.broadcast %min3A_1439 : i32 to vector<16xi32>
      %min3A_1441 = arith.minsi %max3A_1438, %min3A_1440 : vector<16xi32>
      %mul3A_1442 = arith.constant 64 : i32
      %mul3A_1443 = vector.broadcast %mul3A_1442 : i32 to vector<16xi32>
      %mul3A_1444 = arith.muli %select_n3A_1429, %mul3A_1443 : vector<16xi32>
      %add3A_1445 = arith.addi %mul3A_1444, %min3A_1435 : vector<16xi32>
      %broadcast_in_dim3A_1446 = arith.constant 0 : i32
      %broadcast_in_dim3A_1447 = vector.broadcast %broadcast_in_dim3A_1446 : i32 to vector<16xi32>
      %eq3A_1448 = arith.constant 3 : i32
      %eq3A_1449 = vector.broadcast %eq3A_1448 : i32 to vector<16xi32>
      %eq3A_1450 = arith.cmpi eq, %get3A_1399, %eq3A_1449 : vector<16xi32>
      %jit3A_1451 = arith.constant 1 : i32
      %broadcast_in_dim3A_1452 = vector.broadcast %jit3A_1451 : i32 to vector<16xi32>
      %select_n3A_1453 = arith.select %eq3A_1450, %broadcast_in_dim3A_1452, %broadcast_in_dim3A_1447 : vector<16xi1>, vector<16xi32>
      %eq3A_1454 = arith.constant 4 : i32
      %eq3A_1455 = vector.broadcast %eq3A_1454 : i32 to vector<16xi32>
      %eq3A_1456 = arith.cmpi eq, %get3A_1399, %eq3A_1455 : vector<16xi32>
      %jit3A_1457 = arith.constant 2 : i32
      %broadcast_in_dim3A_1458 = vector.broadcast %jit3A_1457 : i32 to vector<16xi32>
      %select_n3A_1459 = arith.select %eq3A_1456, %broadcast_in_dim3A_1458, %select_n3A_1453 : vector<16xi1>, vector<16xi32>
      %eq3A_1460 = arith.constant 5 : i32
      %eq3A_1461 = vector.broadcast %eq3A_1460 : i32 to vector<16xi32>
      %eq3A_1462 = arith.cmpi eq, %get3A_1399, %eq3A_1461 : vector<16xi32>
      %jit3A_1463 = arith.constant 3 : i32
      %broadcast_in_dim3A_1464 = vector.broadcast %jit3A_1463 : i32 to vector<16xi32>
      %select_n3A_1465 = arith.select %eq3A_1462, %broadcast_in_dim3A_1464, %select_n3A_1459 : vector<16xi1>, vector<16xi32>
      %eq3A_1466 = arith.constant 6 : i32
      %eq3A_1467 = vector.broadcast %eq3A_1466 : i32 to vector<16xi32>
      %eq3A_1468 = arith.cmpi eq, %get3A_1399, %eq3A_1467 : vector<16xi32>
      %jit3A_1469 = arith.constant 4 : i32
      %broadcast_in_dim3A_1470 = vector.broadcast %jit3A_1469 : i32 to vector<16xi32>
      %select_n3A_1471 = arith.select %eq3A_1468, %broadcast_in_dim3A_1470, %select_n3A_1465 : vector<16xi1>, vector<16xi32>
      %eq3A_1472 = arith.constant 7 : i32
      %eq3A_1473 = vector.broadcast %eq3A_1472 : i32 to vector<16xi32>
      %eq3A_1474 = arith.cmpi eq, %get3A_1399, %eq3A_1473 : vector<16xi32>
      %jit3A_1475 = arith.constant 5 : i32
      %broadcast_in_dim3A_1476 = vector.broadcast %jit3A_1475 : i32 to vector<16xi32>
      %select_n3A_1477 = arith.select %eq3A_1474, %broadcast_in_dim3A_1476, %select_n3A_1471 : vector<16xi1>, vector<16xi32>
      %eq3A_1478 = arith.constant 8 : i32
      %eq3A_1479 = vector.broadcast %eq3A_1478 : i32 to vector<16xi32>
      %eq3A_1480 = arith.cmpi eq, %get3A_1399, %eq3A_1479 : vector<16xi32>
      %jit3A_1481 = arith.constant 6 : i32
      %broadcast_in_dim3A_1482 = vector.broadcast %jit3A_1481 : i32 to vector<16xi32>
      %select_n3A_1483 = arith.select %eq3A_1480, %broadcast_in_dim3A_1482, %select_n3A_1477 : vector<16xi1>, vector<16xi32>
      %add3A_1484 = arith.constant 1728 : i32
      %add3A_1485 = vector.broadcast %add3A_1484 : i32 to vector<16xi32>
      %add3A_1486 = arith.addi %add3A_1485, %select_n3A_1483 : vector<16xi32>
      %add3A_1487 = arith.constant 1735 : i32
      %add3A_1488 = vector.broadcast %add3A_1487 : i32 to vector<16xi32>
      %add3A_1489 = arith.addi %add3A_1488, %min3A_1441 : vector<16xi32>
      %add3A_1490 = arith.constant 1737 : i32
      %add3A_1491 = vector.broadcast %add3A_1490 : i32 to vector<16xi32>
      %add3A_1492 = arith.addi %add3A_1491, %min3A_1441 : vector<16xi32>
      %eq3A_1493 = arith.constant 27 : i32
      %eq3A_1494 = vector.broadcast %eq3A_1493 : i32 to vector<16xi32>
      %eq3A_1495 = arith.cmpi eq, %select_n3A_1429, %eq3A_1494 : vector<16xi32>
      %select_n3A_1496 = arith.select %eq3A_1495, %add3A_1486, %add3A_1445 : vector<16xi1>, vector<16xi32>
      %eq3A_1497 = arith.constant 28 : i32
      %eq3A_1498 = vector.broadcast %eq3A_1497 : i32 to vector<16xi32>
      %eq3A_1499 = arith.cmpi eq, %select_n3A_1429, %eq3A_1498 : vector<16xi32>
      %select_n3A_1500 = arith.select %eq3A_1499, %add3A_1489, %select_n3A_1496 : vector<16xi1>, vector<16xi32>
      %eq3A_1501 = arith.constant 29 : i32
      %eq3A_1502 = vector.broadcast %eq3A_1501 : i32 to vector<16xi32>
      %eq3A_1503 = arith.cmpi eq, %select_n3A_1429, %eq3A_1502 : vector<16xi32>
      %select_n3A_1504 = arith.select %eq3A_1503, %add3A_1492, %select_n3A_1500 : vector<16xi1>, vector<16xi32>
      %swap3A_1505 = arith.constant 1 : i32
      %swap3A_1506 = arith.index_cast %swap3A_1505 : i32 to index
      %swap3A_1507 = arith.constant 64 : index
      %swap3A_1508 = tpu.vector_load %arg7[%swap3A_1506, %swap3A_1507] {strides = array<i32>} : memref<4x128xi32, #tpu.memory_space<vmem>>, vector<1x16xi32>,
      %swap3A_1509 = vector.shape_cast %swap3A_1508 : vector<1x16xi32> to vector<16xi32>
      %swap3A_1510 = vector.shape_cast %select_n3A_1504 : vector<16xi32> to vector<1x16xi32>
      tpu.vector_store %arg7[%swap3A_1506, %swap3A_1507], %swap3A_1510 {strides = array<i32>} : memref<4x128xi32, #tpu.memory_space<vmem>>, vector<1x16xi32>,
      %get3A_1511 = arith.constant 1 : i32
      %get3A_1512 = arith.index_cast %get3A_1511 : i32 to index
      %get3A_1513 = arith.constant 80 : index
      %get3A_1514 = tpu.vector_load %arg6[%get3A_1512, %get3A_1513] {strides = array<i32>} : memref<4x128xi32, #tpu.memory_space<vmem>>, vector<1x16xi32>,
      %get3A_1515 = vector.shape_cast %get3A_1514 : vector<1x16xi32> to vector<16xi32>
      %add3A_1516 = arith.constant 1 : i32
      %add3A_1517 = arith.addi %add3A_13, %add3A_1516 : i32
      %mul3A_1518 = arith.constant 128 : i32
      %mul3A_1519 = arith.muli %add3A_1517, %mul3A_1518 : i32
      %add3A_1520 = arith.constant 80 : i32
      %add3A_1521 = arith.addi %mul3A_1519, %add3A_1520 : i32
      %add3A_1522 = vector.broadcast %add3A_1521 : i32 to vector<16xi32>
      %add3A_1523 = arith.addi %add3A_1522, %iota3A : vector<16xi32>
      %jit3A_1524 = arith.constant 30 : i32
      %eq3A_1525 = arith.constant 0 : i32
      %eq3A_1526 = arith.cmpi eq, %jit3A_1524, %eq3A_1525 : i32
      %jit3A_1527 = arith.constant 1 : i32
      %select_n3A_1528 = arith.select %eq3A_1526, %jit3A_1527, %jit3A_1524 : i32
      %rem3A_1529 = vector.broadcast %select_n3A_1528 : i32 to vector<16xi32>
      %rem3A_1530 = arith.remsi %add3A_1523, %rem3A_1529 : vector<16xi32>
      %ne3A_1531 = arith.constant 0 : i32
      %ne3A_1532 = vector.broadcast %ne3A_1531 : i32 to vector<16xi32>
      %ne3A_1533 = arith.cmpi ne, %rem3A_1530, %ne3A_1532 : vector<16xi32>
      %lt3A_1534 = arith.constant 0 : i32
      %lt3A_1535 = vector.broadcast %lt3A_1534 : i32 to vector<16xi32>
      %lt3A_1536 = arith.cmpi slt, %rem3A_1530, %lt3A_1535 : vector<16xi32>
      %lt3A_1537 = arith.constant 0 : i32
      %lt3A_1538 = arith.cmpi slt, %select_n3A_1528, %lt3A_1537 : i32
      %ne3A_1539 = vector.broadcast %lt3A_1538 : i1 to vector<16xi1>
      %ne3A_1540 = vector.broadcast %ne3A_1539 : vector<16xi1> to vector<16xi1>
      %ne3A_1541 = arith.xori %lt3A_1536, %ne3A_1540 : vector<16xi1>
      %and3A_1542 = arith.andi %ne3A_1541, %ne3A_1533 : vector<16xi1>
      %add3A_1543 = vector.broadcast %select_n3A_1528 : i32 to vector<16xi32>
      %add3A_1544 = arith.addi %rem3A_1530, %add3A_1543 : vector<16xi32>
      %select_n3A_1545 = arith.select %and3A_1542, %add3A_1544, %rem3A_1530 : vector<16xi1>, vector<16xi32>
      %max3A_1546 = arith.constant 0 : i32
      %max3A_1547 = vector.broadcast %max3A_1546 : i32 to vector<16xi32>
      %max3A_1548 = arith.maxsi %get3A_1515, %max3A_1547 : vector<16xi32>
      %min3A_1549 = arith.constant 63 : i32
      %min3A_1550 = vector.broadcast %min3A_1549 : i32 to vector<16xi32>
      %min3A_1551 = arith.minsi %max3A_1548, %min3A_1550 : vector<16xi32>
      %max3A_1552 = arith.constant 0 : i32
      %max3A_1553 = vector.broadcast %max3A_1552 : i32 to vector<16xi32>
      %max3A_1554 = arith.maxsi %get3A_1515, %max3A_1553 : vector<16xi32>
      %min3A_1555 = arith.constant 1 : i32
      %min3A_1556 = vector.broadcast %min3A_1555 : i32 to vector<16xi32>
      %min3A_1557 = arith.minsi %max3A_1554, %min3A_1556 : vector<16xi32>
      %mul3A_1558 = arith.constant 64 : i32
      %mul3A_1559 = vector.broadcast %mul3A_1558 : i32 to vector<16xi32>
      %mul3A_1560 = arith.muli %select_n3A_1545, %mul3A_1559 : vector<16xi32>
      %add3A_1561 = arith.addi %mul3A_1560, %min3A_1551 : vector<16xi32>
      %broadcast_in_dim3A_1562 = arith.constant 0 : i32
      %broadcast_in_dim3A_1563 = vector.broadcast %broadcast_in_dim3A_1562 : i32 to vector<16xi32>
      %eq3A_1564 = arith.constant 3 : i32
      %eq3A_1565 = vector.broadcast %eq3A_1564 : i32 to vector<16xi32>
      %eq3A_1566 = arith.cmpi eq, %get3A_1515, %eq3A_1565 : vector<16xi32>
      %jit3A_1567 = arith.constant 1 : i32
      %broadcast_in_dim3A_1568 = vector.broadcast %jit3A_1567 : i32 to vector<16xi32>
      %select_n3A_1569 = arith.select %eq3A_1566, %broadcast_in_dim3A_1568, %broadcast_in_dim3A_1563 : vector<16xi1>, vector<16xi32>
      %eq3A_1570 = arith.constant 4 : i32
      %eq3A_1571 = vector.broadcast %eq3A_1570 : i32 to vector<16xi32>
      %eq3A_1572 = arith.cmpi eq, %get3A_1515, %eq3A_1571 : vector<16xi32>
      %jit3A_1573 = arith.constant 2 : i32
      %broadcast_in_dim3A_1574 = vector.broadcast %jit3A_1573 : i32 to vector<16xi32>
      %select_n3A_1575 = arith.select %eq3A_1572, %broadcast_in_dim3A_1574, %select_n3A_1569 : vector<16xi1>, vector<16xi32>
      %eq3A_1576 = arith.constant 5 : i32
      %eq3A_1577 = vector.broadcast %eq3A_1576 : i32 to vector<16xi32>
      %eq3A_1578 = arith.cmpi eq, %get3A_1515, %eq3A_1577 : vector<16xi32>
      %jit3A_1579 = arith.constant 3 : i32
      %broadcast_in_dim3A_1580 = vector.broadcast %jit3A_1579 : i32 to vector<16xi32>
      %select_n3A_1581 = arith.select %eq3A_1578, %broadcast_in_dim3A_1580, %select_n3A_1575 : vector<16xi1>, vector<16xi32>
      %eq3A_1582 = arith.constant 6 : i32
      %eq3A_1583 = vector.broadcast %eq3A_1582 : i32 to vector<16xi32>
      %eq3A_1584 = arith.cmpi eq, %get3A_1515, %eq3A_1583 : vector<16xi32>
      %jit3A_1585 = arith.constant 4 : i32
      %broadcast_in_dim3A_1586 = vector.broadcast %jit3A_1585 : i32 to vector<16xi32>
      %select_n3A_1587 = arith.select %eq3A_1584, %broadcast_in_dim3A_1586, %select_n3A_1581 : vector<16xi1>, vector<16xi32>
      %eq3A_1588 = arith.constant 7 : i32
      %eq3A_1589 = vector.broadcast %eq3A_1588 : i32 to vector<16xi32>
      %eq3A_1590 = arith.cmpi eq, %get3A_1515, %eq3A_1589 : vector<16xi32>
      %jit3A_1591 = arith.constant 5 : i32
      %broadcast_in_dim3A_1592 = vector.broadcast %jit3A_1591 : i32 to vector<16xi32>
      %select_n3A_1593 = arith.select %eq3A_1590, %broadcast_in_dim3A_1592, %select_n3A_1587 : vector<16xi1>, vector<16xi32>
      %eq3A_1594 = arith.constant 8 : i32
      %eq3A_1595 = vector.broadcast %eq3A_1594 : i32 to vector<16xi32>
      %eq3A_1596 = arith.cmpi eq, %get3A_1515, %eq3A_1595 : vector<16xi32>
      %jit3A_1597 = arith.constant 6 : i32
      %broadcast_in_dim3A_1598 = vector.broadcast %jit3A_1597 : i32 to vector<16xi32>
      %select_n3A_1599 = arith.select %eq3A_1596, %broadcast_in_dim3A_1598, %select_n3A_1593 : vector<16xi1>, vector<16xi32>
      %add3A_1600 = arith.constant 1728 : i32
      %add3A_1601 = vector.broadcast %add3A_1600 : i32 to vector<16xi32>
      %add3A_1602 = arith.addi %add3A_1601, %select_n3A_1599 : vector<16xi32>
      %add3A_1603 = arith.constant 1735 : i32
      %add3A_1604 = vector.broadcast %add3A_1603 : i32 to vector<16xi32>
      %add3A_1605 = arith.addi %add3A_1604, %min3A_1557 : vector<16xi32>
      %add3A_1606 = arith.constant 1737 : i32
      %add3A_1607 = vector.broadcast %add3A_1606 : i32 to vector<16xi32>
      %add3A_1608 = arith.addi %add3A_1607, %min3A_1557 : vector<16xi32>
      %eq3A_1609 = arith.constant 27 : i32
      %eq3A_1610 = vector.broadcast %eq3A_1609 : i32 to vector<16xi32>
      %eq3A_1611 = arith.cmpi eq, %select_n3A_1545, %eq3A_1610 : vector<16xi32>
      %select_n3A_1612 = arith.select %eq3A_1611, %add3A_1602, %add3A_1561 : vector<16xi1>, vector<16xi32>
      %eq3A_1613 = arith.constant 28 : i32
      %eq3A_1614 = vector.broadcast %eq3A_1613 : i32 to vector<16xi32>
      %eq3A_1615 = arith.cmpi eq, %select_n3A_1545, %eq3A_1614 : vector<16xi32>
      %select_n3A_1616 = arith.select %eq3A_1615, %add3A_1605, %select_n3A_1612 : vector<16xi1>, vector<16xi32>
      %eq3A_1617 = arith.constant 29 : i32
      %eq3A_1618 = vector.broadcast %eq3A_1617 : i32 to vector<16xi32>
      %eq3A_1619 = arith.cmpi eq, %select_n3A_1545, %eq3A_1618 : vector<16xi32>
      %select_n3A_1620 = arith.select %eq3A_1619, %add3A_1608, %select_n3A_1616 : vector<16xi1>, vector<16xi32>
      %swap3A_1621 = arith.constant 1 : i32
      %swap3A_1622 = arith.index_cast %swap3A_1621 : i32 to index
      %swap3A_1623 = arith.constant 80 : index
      %swap3A_1624 = tpu.vector_load %arg7[%swap3A_1622, %swap3A_1623] {strides = array<i32>} : memref<4x128xi32, #tpu.memory_space<vmem>>, vector<1x16xi32>,
      %swap3A_1625 = vector.shape_cast %swap3A_1624 : vector<1x16xi32> to vector<16xi32>
      %swap3A_1626 = vector.shape_cast %select_n3A_1620 : vector<16xi32> to vector<1x16xi32>
      tpu.vector_store %arg7[%swap3A_1622, %swap3A_1623], %swap3A_1626 {strides = array<i32>} : memref<4x128xi32, #tpu.memory_space<vmem>>, vector<1x16xi32>,
      %get3A_1627 = arith.constant 1 : i32
      %get3A_1628 = arith.index_cast %get3A_1627 : i32 to index
      %get3A_1629 = arith.constant 96 : index
      %get3A_1630 = tpu.vector_load %arg6[%get3A_1628, %get3A_1629] {strides = array<i32>} : memref<4x128xi32, #tpu.memory_space<vmem>>, vector<1x16xi32>,
      %get3A_1631 = vector.shape_cast %get3A_1630 : vector<1x16xi32> to vector<16xi32>
      %add3A_1632 = arith.constant 1 : i32
      %add3A_1633 = arith.addi %add3A_13, %add3A_1632 : i32
      %mul3A_1634 = arith.constant 128 : i32
      %mul3A_1635 = arith.muli %add3A_1633, %mul3A_1634 : i32
      %add3A_1636 = arith.constant 96 : i32
      %add3A_1637 = arith.addi %mul3A_1635, %add3A_1636 : i32
      %add3A_1638 = vector.broadcast %add3A_1637 : i32 to vector<16xi32>
      %add3A_1639 = arith.addi %add3A_1638, %iota3A : vector<16xi32>
      %jit3A_1640 = arith.constant 30 : i32
      %eq3A_1641 = arith.constant 0 : i32
      %eq3A_1642 = arith.cmpi eq, %jit3A_1640, %eq3A_1641 : i32
      %jit3A_1643 = arith.constant 1 : i32
      %select_n3A_1644 = arith.select %eq3A_1642, %jit3A_1643, %jit3A_1640 : i32
      %rem3A_1645 = vector.broadcast %select_n3A_1644 : i32 to vector<16xi32>
      %rem3A_1646 = arith.remsi %add3A_1639, %rem3A_1645 : vector<16xi32>
      %ne3A_1647 = arith.constant 0 : i32
      %ne3A_1648 = vector.broadcast %ne3A_1647 : i32 to vector<16xi32>
      %ne3A_1649 = arith.cmpi ne, %rem3A_1646, %ne3A_1648 : vector<16xi32>
      %lt3A_1650 = arith.constant 0 : i32
      %lt3A_1651 = vector.broadcast %lt3A_1650 : i32 to vector<16xi32>
      %lt3A_1652 = arith.cmpi slt, %rem3A_1646, %lt3A_1651 : vector<16xi32>
      %lt3A_1653 = arith.constant 0 : i32
      %lt3A_1654 = arith.cmpi slt, %select_n3A_1644, %lt3A_1653 : i32
      %ne3A_1655 = vector.broadcast %lt3A_1654 : i1 to vector<16xi1>
      %ne3A_1656 = vector.broadcast %ne3A_1655 : vector<16xi1> to vector<16xi1>
      %ne3A_1657 = arith.xori %lt3A_1652, %ne3A_1656 : vector<16xi1>
      %and3A_1658 = arith.andi %ne3A_1657, %ne3A_1649 : vector<16xi1>
      %add3A_1659 = vector.broadcast %select_n3A_1644 : i32 to vector<16xi32>
      %add3A_1660 = arith.addi %rem3A_1646, %add3A_1659 : vector<16xi32>
      %select_n3A_1661 = arith.select %and3A_1658, %add3A_1660, %rem3A_1646 : vector<16xi1>, vector<16xi32>
      %max3A_1662 = arith.constant 0 : i32
      %max3A_1663 = vector.broadcast %max3A_1662 : i32 to vector<16xi32>
      %max3A_1664 = arith.maxsi %get3A_1631, %max3A_1663 : vector<16xi32>
      %min3A_1665 = arith.constant 63 : i32
      %min3A_1666 = vector.broadcast %min3A_1665 : i32 to vector<16xi32>
      %min3A_1667 = arith.minsi %max3A_1664, %min3A_1666 : vector<16xi32>
      %max3A_1668 = arith.constant 0 : i32
      %max3A_1669 = vector.broadcast %max3A_1668 : i32 to vector<16xi32>
      %max3A_1670 = arith.maxsi %get3A_1631, %max3A_1669 : vector<16xi32>
      %min3A_1671 = arith.constant 1 : i32
      %min3A_1672 = vector.broadcast %min3A_1671 : i32 to vector<16xi32>
      %min3A_1673 = arith.minsi %max3A_1670, %min3A_1672 : vector<16xi32>
      %mul3A_1674 = arith.constant 64 : i32
      %mul3A_1675 = vector.broadcast %mul3A_1674 : i32 to vector<16xi32>
      %mul3A_1676 = arith.muli %select_n3A_1661, %mul3A_1675 : vector<16xi32>
      %add3A_1677 = arith.addi %mul3A_1676, %min3A_1667 : vector<16xi32>
      %broadcast_in_dim3A_1678 = arith.constant 0 : i32
      %broadcast_in_dim3A_1679 = vector.broadcast %broadcast_in_dim3A_1678 : i32 to vector<16xi32>
      %eq3A_1680 = arith.constant 3 : i32
      %eq3A_1681 = vector.broadcast %eq3A_1680 : i32 to vector<16xi32>
      %eq3A_1682 = arith.cmpi eq, %get3A_1631, %eq3A_1681 : vector<16xi32>
      %jit3A_1683 = arith.constant 1 : i32
      %broadcast_in_dim3A_1684 = vector.broadcast %jit3A_1683 : i32 to vector<16xi32>
      %select_n3A_1685 = arith.select %eq3A_1682, %broadcast_in_dim3A_1684, %broadcast_in_dim3A_1679 : vector<16xi1>, vector<16xi32>
      %eq3A_1686 = arith.constant 4 : i32
      %eq3A_1687 = vector.broadcast %eq3A_1686 : i32 to vector<16xi32>
      %eq3A_1688 = arith.cmpi eq, %get3A_1631, %eq3A_1687 : vector<16xi32>
      %jit3A_1689 = arith.constant 2 : i32
      %broadcast_in_dim3A_1690 = vector.broadcast %jit3A_1689 : i32 to vector<16xi32>
      %select_n3A_1691 = arith.select %eq3A_1688, %broadcast_in_dim3A_1690, %select_n3A_1685 : vector<16xi1>, vector<16xi32>
      %eq3A_1692 = arith.constant 5 : i32
      %eq3A_1693 = vector.broadcast %eq3A_1692 : i32 to vector<16xi32>
      %eq3A_1694 = arith.cmpi eq, %get3A_1631, %eq3A_1693 : vector<16xi32>
      %jit3A_1695 = arith.constant 3 : i32
      %broadcast_in_dim3A_1696 = vector.broadcast %jit3A_1695 : i32 to vector<16xi32>
      %select_n3A_1697 = arith.select %eq3A_1694, %broadcast_in_dim3A_1696, %select_n3A_1691 : vector<16xi1>, vector<16xi32>
      %eq3A_1698 = arith.constant 6 : i32
      %eq3A_1699 = vector.broadcast %eq3A_1698 : i32 to vector<16xi32>
      %eq3A_1700 = arith.cmpi eq, %get3A_1631, %eq3A_1699 : vector<16xi32>
      %jit3A_1701 = arith.constant 4 : i32
      %broadcast_in_dim3A_1702 = vector.broadcast %jit3A_1701 : i32 to vector<16xi32>
      %select_n3A_1703 = arith.select %eq3A_1700, %broadcast_in_dim3A_1702, %select_n3A_1697 : vector<16xi1>, vector<16xi32>
      %eq3A_1704 = arith.constant 7 : i32
      %eq3A_1705 = vector.broadcast %eq3A_1704 : i32 to vector<16xi32>
      %eq3A_1706 = arith.cmpi eq, %get3A_1631, %eq3A_1705 : vector<16xi32>
      %jit3A_1707 = arith.constant 5 : i32
      %broadcast_in_dim3A_1708 = vector.broadcast %jit3A_1707 : i32 to vector<16xi32>
      %select_n3A_1709 = arith.select %eq3A_1706, %broadcast_in_dim3A_1708, %select_n3A_1703 : vector<16xi1>, vector<16xi32>
      %eq3A_1710 = arith.constant 8 : i32
      %eq3A_1711 = vector.broadcast %eq3A_1710 : i32 to vector<16xi32>
      %eq3A_1712 = arith.cmpi eq, %get3A_1631, %eq3A_1711 : vector<16xi32>
      %jit3A_1713 = arith.constant 6 : i32
      %broadcast_in_dim3A_1714 = vector.broadcast %jit3A_1713 : i32 to vector<16xi32>
      %select_n3A_1715 = arith.select %eq3A_1712, %broadcast_in_dim3A_1714, %select_n3A_1709 : vector<16xi1>, vector<16xi32>
      %add3A_1716 = arith.constant 1728 : i32
      %add3A_1717 = vector.broadcast %add3A_1716 : i32 to vector<16xi32>
      %add3A_1718 = arith.addi %add3A_1717, %select_n3A_1715 : vector<16xi32>
      %add3A_1719 = arith.constant 1735 : i32
      %add3A_1720 = vector.broadcast %add3A_1719 : i32 to vector<16xi32>
      %add3A_1721 = arith.addi %add3A_1720, %min3A_1673 : vector<16xi32>
      %add3A_1722 = arith.constant 1737 : i32
      %add3A_1723 = vector.broadcast %add3A_1722 : i32 to vector<16xi32>
      %add3A_1724 = arith.addi %add3A_1723, %min3A_1673 : vector<16xi32>
      %eq3A_1725 = arith.constant 27 : i32
      %eq3A_1726 = vector.broadcast %eq3A_1725 : i32 to vector<16xi32>
      %eq3A_1727 = arith.cmpi eq, %select_n3A_1661, %eq3A_1726 : vector<16xi32>
      %select_n3A_1728 = arith.select %eq3A_1727, %add3A_1718, %add3A_1677 : vector<16xi1>, vector<16xi32>
      %eq3A_1729 = arith.constant 28 : i32
      %eq3A_1730 = vector.broadcast %eq3A_1729 : i32 to vector<16xi32>
      %eq3A_1731 = arith.cmpi eq, %select_n3A_1661, %eq3A_1730 : vector<16xi32>
      %select_n3A_1732 = arith.select %eq3A_1731, %add3A_1721, %select_n3A_1728 : vector<16xi1>, vector<16xi32>
      %eq3A_1733 = arith.constant 29 : i32
      %eq3A_1734 = vector.broadcast %eq3A_1733 : i32 to vector<16xi32>
      %eq3A_1735 = arith.cmpi eq, %select_n3A_1661, %eq3A_1734 : vector<16xi32>
      %select_n3A_1736 = arith.select %eq3A_1735, %add3A_1724, %select_n3A_1732 : vector<16xi1>, vector<16xi32>
      %swap3A_1737 = arith.constant 1 : i32
      %swap3A_1738 = arith.index_cast %swap3A_1737 : i32 to index
      %swap3A_1739 = arith.constant 96 : index
      %swap3A_1740 = tpu.vector_load %arg7[%swap3A_1738, %swap3A_1739] {strides = array<i32>} : memref<4x128xi32, #tpu.memory_space<vmem>>, vector<1x16xi32>,
      %swap3A_1741 = vector.shape_cast %swap3A_1740 : vector<1x16xi32> to vector<16xi32>
      %swap3A_1742 = vector.shape_cast %select_n3A_1736 : vector<16xi32> to vector<1x16xi32>
      tpu.vector_store %arg7[%swap3A_1738, %swap3A_1739], %swap3A_1742 {strides = array<i32>} : memref<4x128xi32, #tpu.memory_space<vmem>>, vector<1x16xi32>,
      %get3A_1743 = arith.constant 1 : i32
      %get3A_1744 = arith.index_cast %get3A_1743 : i32 to index
      %get3A_1745 = arith.constant 112 : index
      %get3A_1746 = tpu.vector_load %arg6[%get3A_1744, %get3A_1745] {strides = array<i32>} : memref<4x128xi32, #tpu.memory_space<vmem>>, vector<1x16xi32>,
      %get3A_1747 = vector.shape_cast %get3A_1746 : vector<1x16xi32> to vector<16xi32>
      %add3A_1748 = arith.constant 1 : i32
      %add3A_1749 = arith.addi %add3A_13, %add3A_1748 : i32
      %mul3A_1750 = arith.constant 128 : i32
      %mul3A_1751 = arith.muli %add3A_1749, %mul3A_1750 : i32
      %add3A_1752 = arith.constant 112 : i32
      %add3A_1753 = arith.addi %mul3A_1751, %add3A_1752 : i32
      %add3A_1754 = vector.broadcast %add3A_1753 : i32 to vector<16xi32>
      %add3A_1755 = arith.addi %add3A_1754, %iota3A : vector<16xi32>
      %jit3A_1756 = arith.constant 30 : i32
      %eq3A_1757 = arith.constant 0 : i32
      %eq3A_1758 = arith.cmpi eq, %jit3A_1756, %eq3A_1757 : i32
      %jit3A_1759 = arith.constant 1 : i32
      %select_n3A_1760 = arith.select %eq3A_1758, %jit3A_1759, %jit3A_1756 : i32
      %rem3A_1761 = vector.broadcast %select_n3A_1760 : i32 to vector<16xi32>
      %rem3A_1762 = arith.remsi %add3A_1755, %rem3A_1761 : vector<16xi32>
      %ne3A_1763 = arith.constant 0 : i32
      %ne3A_1764 = vector.broadcast %ne3A_1763 : i32 to vector<16xi32>
      %ne3A_1765 = arith.cmpi ne, %rem3A_1762, %ne3A_1764 : vector<16xi32>
      %lt3A_1766 = arith.constant 0 : i32
      %lt3A_1767 = vector.broadcast %lt3A_1766 : i32 to vector<16xi32>
      %lt3A_1768 = arith.cmpi slt, %rem3A_1762, %lt3A_1767 : vector<16xi32>
      %lt3A_1769 = arith.constant 0 : i32
      %lt3A_1770 = arith.cmpi slt, %select_n3A_1760, %lt3A_1769 : i32
      %ne3A_1771 = vector.broadcast %lt3A_1770 : i1 to vector<16xi1>
      %ne3A_1772 = vector.broadcast %ne3A_1771 : vector<16xi1> to vector<16xi1>
      %ne3A_1773 = arith.xori %lt3A_1768, %ne3A_1772 : vector<16xi1>
      %and3A_1774 = arith.andi %ne3A_1773, %ne3A_1765 : vector<16xi1>
      %add3A_1775 = vector.broadcast %select_n3A_1760 : i32 to vector<16xi32>
      %add3A_1776 = arith.addi %rem3A_1762, %add3A_1775 : vector<16xi32>
      %select_n3A_1777 = arith.select %and3A_1774, %add3A_1776, %rem3A_1762 : vector<16xi1>, vector<16xi32>
      %max3A_1778 = arith.constant 0 : i32
      %max3A_1779 = vector.broadcast %max3A_1778 : i32 to vector<16xi32>
      %max3A_1780 = arith.maxsi %get3A_1747, %max3A_1779 : vector<16xi32>
      %min3A_1781 = arith.constant 63 : i32
      %min3A_1782 = vector.broadcast %min3A_1781 : i32 to vector<16xi32>
      %min3A_1783 = arith.minsi %max3A_1780, %min3A_1782 : vector<16xi32>
      %max3A_1784 = arith.constant 0 : i32
      %max3A_1785 = vector.broadcast %max3A_1784 : i32 to vector<16xi32>
      %max3A_1786 = arith.maxsi %get3A_1747, %max3A_1785 : vector<16xi32>
      %min3A_1787 = arith.constant 1 : i32
      %min3A_1788 = vector.broadcast %min3A_1787 : i32 to vector<16xi32>
      %min3A_1789 = arith.minsi %max3A_1786, %min3A_1788 : vector<16xi32>
      %mul3A_1790 = arith.constant 64 : i32
      %mul3A_1791 = vector.broadcast %mul3A_1790 : i32 to vector<16xi32>
      %mul3A_1792 = arith.muli %select_n3A_1777, %mul3A_1791 : vector<16xi32>
      %add3A_1793 = arith.addi %mul3A_1792, %min3A_1783 : vector<16xi32>
      %broadcast_in_dim3A_1794 = arith.constant 0 : i32
      %broadcast_in_dim3A_1795 = vector.broadcast %broadcast_in_dim3A_1794 : i32 to vector<16xi32>
      %eq3A_1796 = arith.constant 3 : i32
      %eq3A_1797 = vector.broadcast %eq3A_1796 : i32 to vector<16xi32>
      %eq3A_1798 = arith.cmpi eq, %get3A_1747, %eq3A_1797 : vector<16xi32>
      %jit3A_1799 = arith.constant 1 : i32
      %broadcast_in_dim3A_1800 = vector.broadcast %jit3A_1799 : i32 to vector<16xi32>
      %select_n3A_1801 = arith.select %eq3A_1798, %broadcast_in_dim3A_1800, %broadcast_in_dim3A_1795 : vector<16xi1>, vector<16xi32>
      %eq3A_1802 = arith.constant 4 : i32
      %eq3A_1803 = vector.broadcast %eq3A_1802 : i32 to vector<16xi32>
      %eq3A_1804 = arith.cmpi eq, %get3A_1747, %eq3A_1803 : vector<16xi32>
      %jit3A_1805 = arith.constant 2 : i32
      %broadcast_in_dim3A_1806 = vector.broadcast %jit3A_1805 : i32 to vector<16xi32>
      %select_n3A_1807 = arith.select %eq3A_1804, %broadcast_in_dim3A_1806, %select_n3A_1801 : vector<16xi1>, vector<16xi32>
      %eq3A_1808 = arith.constant 5 : i32
      %eq3A_1809 = vector.broadcast %eq3A_1808 : i32 to vector<16xi32>
      %eq3A_1810 = arith.cmpi eq, %get3A_1747, %eq3A_1809 : vector<16xi32>
      %jit3A_1811 = arith.constant 3 : i32
      %broadcast_in_dim3A_1812 = vector.broadcast %jit3A_1811 : i32 to vector<16xi32>
      %select_n3A_1813 = arith.select %eq3A_1810, %broadcast_in_dim3A_1812, %select_n3A_1807 : vector<16xi1>, vector<16xi32>
      %eq3A_1814 = arith.constant 6 : i32
      %eq3A_1815 = vector.broadcast %eq3A_1814 : i32 to vector<16xi32>
      %eq3A_1816 = arith.cmpi eq, %get3A_1747, %eq3A_1815 : vector<16xi32>
      %jit3A_1817 = arith.constant 4 : i32
      %broadcast_in_dim3A_1818 = vector.broadcast %jit3A_1817 : i32 to vector<16xi32>
      %select_n3A_1819 = arith.select %eq3A_1816, %broadcast_in_dim3A_1818, %select_n3A_1813 : vector<16xi1>, vector<16xi32>
      %eq3A_1820 = arith.constant 7 : i32
      %eq3A_1821 = vector.broadcast %eq3A_1820 : i32 to vector<16xi32>
      %eq3A_1822 = arith.cmpi eq, %get3A_1747, %eq3A_1821 : vector<16xi32>
      %jit3A_1823 = arith.constant 5 : i32
      %broadcast_in_dim3A_1824 = vector.broadcast %jit3A_1823 : i32 to vector<16xi32>
      %select_n3A_1825 = arith.select %eq3A_1822, %broadcast_in_dim3A_1824, %select_n3A_1819 : vector<16xi1>, vector<16xi32>
      %eq3A_1826 = arith.constant 8 : i32
      %eq3A_1827 = vector.broadcast %eq3A_1826 : i32 to vector<16xi32>
      %eq3A_1828 = arith.cmpi eq, %get3A_1747, %eq3A_1827 : vector<16xi32>
      %jit3A_1829 = arith.constant 6 : i32
      %broadcast_in_dim3A_1830 = vector.broadcast %jit3A_1829 : i32 to vector<16xi32>
      %select_n3A_1831 = arith.select %eq3A_1828, %broadcast_in_dim3A_1830, %select_n3A_1825 : vector<16xi1>, vector<16xi32>
      %add3A_1832 = arith.constant 1728 : i32
      %add3A_1833 = vector.broadcast %add3A_1832 : i32 to vector<16xi32>
      %add3A_1834 = arith.addi %add3A_1833, %select_n3A_1831 : vector<16xi32>
      %add3A_1835 = arith.constant 1735 : i32
      %add3A_1836 = vector.broadcast %add3A_1835 : i32 to vector<16xi32>
      %add3A_1837 = arith.addi %add3A_1836, %min3A_1789 : vector<16xi32>
      %add3A_1838 = arith.constant 1737 : i32
      %add3A_1839 = vector.broadcast %add3A_1838 : i32 to vector<16xi32>
      %add3A_1840 = arith.addi %add3A_1839, %min3A_1789 : vector<16xi32>
      %eq3A_1841 = arith.constant 27 : i32
      %eq3A_1842 = vector.broadcast %eq3A_1841 : i32 to vector<16xi32>
      %eq3A_1843 = arith.cmpi eq, %select_n3A_1777, %eq3A_1842 : vector<16xi32>
      %select_n3A_1844 = arith.select %eq3A_1843, %add3A_1834, %add3A_1793 : vector<16xi1>, vector<16xi32>
      %eq3A_1845 = arith.constant 28 : i32
      %eq3A_1846 = vector.broadcast %eq3A_1845 : i32 to vector<16xi32>
      %eq3A_1847 = arith.cmpi eq, %select_n3A_1777, %eq3A_1846 : vector<16xi32>
      %select_n3A_1848 = arith.select %eq3A_1847, %add3A_1837, %select_n3A_1844 : vector<16xi1>, vector<16xi32>
      %eq3A_1849 = arith.constant 29 : i32
      %eq3A_1850 = vector.broadcast %eq3A_1849 : i32 to vector<16xi32>
      %eq3A_1851 = arith.cmpi eq, %select_n3A_1777, %eq3A_1850 : vector<16xi32>
      %select_n3A_1852 = arith.select %eq3A_1851, %add3A_1840, %select_n3A_1848 : vector<16xi1>, vector<16xi32>
      %swap3A_1853 = arith.constant 1 : i32
      %swap3A_1854 = arith.index_cast %swap3A_1853 : i32 to index
      %swap3A_1855 = arith.constant 112 : index
      %swap3A_1856 = tpu.vector_load %arg7[%swap3A_1854, %swap3A_1855] {strides = array<i32>} : memref<4x128xi32, #tpu.memory_space<vmem>>, vector<1x16xi32>,
      %swap3A_1857 = vector.shape_cast %swap3A_1856 : vector<1x16xi32> to vector<16xi32>
      %swap3A_1858 = vector.shape_cast %select_n3A_1852 : vector<16xi32> to vector<1x16xi32>
      tpu.vector_store %arg7[%swap3A_1854, %swap3A_1855], %swap3A_1858 {strides = array<i32>} : memref<4x128xi32, #tpu.memory_space<vmem>>, vector<1x16xi32>,
      %get3A_1859 = arith.constant 2 : i32
      %get3A_1860 = arith.index_cast %get3A_1859 : i32 to index
      %get3A_1861 = arith.constant 0 : index
      %get3A_1862 = tpu.vector_load %arg6[%get3A_1860, %get3A_1861] {strides = array<i32>} : memref<4x128xi32, #tpu.memory_space<vmem>>, vector<1x16xi32>,
      %get3A_1863 = vector.shape_cast %get3A_1862 : vector<1x16xi32> to vector<16xi32>
      %add3A_1864 = arith.constant 2 : i32
      %add3A_1865 = arith.addi %add3A_13, %add3A_1864 : i32
      %mul3A_1866 = arith.constant 128 : i32
      %mul3A_1867 = arith.muli %add3A_1865, %mul3A_1866 : i32
      %add3A_1868 = arith.constant 0 : i32
      %add3A_1869 = arith.addi %mul3A_1867, %add3A_1868 : i32
      %add3A_1870 = vector.broadcast %add3A_1869 : i32 to vector<16xi32>
      %add3A_1871 = arith.addi %add3A_1870, %iota3A : vector<16xi32>
      %jit3A_1872 = arith.constant 30 : i32
      %eq3A_1873 = arith.constant 0 : i32
      %eq3A_1874 = arith.cmpi eq, %jit3A_1872, %eq3A_1873 : i32
      %jit3A_1875 = arith.constant 1 : i32
      %select_n3A_1876 = arith.select %eq3A_1874, %jit3A_1875, %jit3A_1872 : i32
      %rem3A_1877 = vector.broadcast %select_n3A_1876 : i32 to vector<16xi32>
      %rem3A_1878 = arith.remsi %add3A_1871, %rem3A_1877 : vector<16xi32>
      %ne3A_1879 = arith.constant 0 : i32
      %ne3A_1880 = vector.broadcast %ne3A_1879 : i32 to vector<16xi32>
      %ne3A_1881 = arith.cmpi ne, %rem3A_1878, %ne3A_1880 : vector<16xi32>
      %lt3A_1882 = arith.constant 0 : i32
      %lt3A_1883 = vector.broadcast %lt3A_1882 : i32 to vector<16xi32>
      %lt3A_1884 = arith.cmpi slt, %rem3A_1878, %lt3A_1883 : vector<16xi32>
      %lt3A_1885 = arith.constant 0 : i32
      %lt3A_1886 = arith.cmpi slt, %select_n3A_1876, %lt3A_1885 : i32
      %ne3A_1887 = vector.broadcast %lt3A_1886 : i1 to vector<16xi1>
      %ne3A_1888 = vector.broadcast %ne3A_1887 : vector<16xi1> to vector<16xi1>
      %ne3A_1889 = arith.xori %lt3A_1884, %ne3A_1888 : vector<16xi1>
      %and3A_1890 = arith.andi %ne3A_1889, %ne3A_1881 : vector<16xi1>
      %add3A_1891 = vector.broadcast %select_n3A_1876 : i32 to vector<16xi32>
      %add3A_1892 = arith.addi %rem3A_1878, %add3A_1891 : vector<16xi32>
      %select_n3A_1893 = arith.select %and3A_1890, %add3A_1892, %rem3A_1878 : vector<16xi1>, vector<16xi32>
      %max3A_1894 = arith.constant 0 : i32
      %max3A_1895 = vector.broadcast %max3A_1894 : i32 to vector<16xi32>
      %max3A_1896 = arith.maxsi %get3A_1863, %max3A_1895 : vector<16xi32>
      %min3A_1897 = arith.constant 63 : i32
      %min3A_1898 = vector.broadcast %min3A_1897 : i32 to vector<16xi32>
      %min3A_1899 = arith.minsi %max3A_1896, %min3A_1898 : vector<16xi32>
      %max3A_1900 = arith.constant 0 : i32
      %max3A_1901 = vector.broadcast %max3A_1900 : i32 to vector<16xi32>
      %max3A_1902 = arith.maxsi %get3A_1863, %max3A_1901 : vector<16xi32>
      %min3A_1903 = arith.constant 1 : i32
      %min3A_1904 = vector.broadcast %min3A_1903 : i32 to vector<16xi32>
      %min3A_1905 = arith.minsi %max3A_1902, %min3A_1904 : vector<16xi32>
      %mul3A_1906 = arith.constant 64 : i32
      %mul3A_1907 = vector.broadcast %mul3A_1906 : i32 to vector<16xi32>
      %mul3A_1908 = arith.muli %select_n3A_1893, %mul3A_1907 : vector<16xi32>
      %add3A_1909 = arith.addi %mul3A_1908, %min3A_1899 : vector<16xi32>
      %broadcast_in_dim3A_1910 = arith.constant 0 : i32
      %broadcast_in_dim3A_1911 = vector.broadcast %broadcast_in_dim3A_1910 : i32 to vector<16xi32>
      %eq3A_1912 = arith.constant 3 : i32
      %eq3A_1913 = vector.broadcast %eq3A_1912 : i32 to vector<16xi32>
      %eq3A_1914 = arith.cmpi eq, %get3A_1863, %eq3A_1913 : vector<16xi32>
      %jit3A_1915 = arith.constant 1 : i32
      %broadcast_in_dim3A_1916 = vector.broadcast %jit3A_1915 : i32 to vector<16xi32>
      %select_n3A_1917 = arith.select %eq3A_1914, %broadcast_in_dim3A_1916, %broadcast_in_dim3A_1911 : vector<16xi1>, vector<16xi32>
      %eq3A_1918 = arith.constant 4 : i32
      %eq3A_1919 = vector.broadcast %eq3A_1918 : i32 to vector<16xi32>
      %eq3A_1920 = arith.cmpi eq, %get3A_1863, %eq3A_1919 : vector<16xi32>
      %jit3A_1921 = arith.constant 2 : i32
      %broadcast_in_dim3A_1922 = vector.broadcast %jit3A_1921 : i32 to vector<16xi32>
      %select_n3A_1923 = arith.select %eq3A_1920, %broadcast_in_dim3A_1922, %select_n3A_1917 : vector<16xi1>, vector<16xi32>
      %eq3A_1924 = arith.constant 5 : i32
      %eq3A_1925 = vector.broadcast %eq3A_1924 : i32 to vector<16xi32>
      %eq3A_1926 = arith.cmpi eq, %get3A_1863, %eq3A_1925 : vector<16xi32>
      %jit3A_1927 = arith.constant 3 : i32
      %broadcast_in_dim3A_1928 = vector.broadcast %jit3A_1927 : i32 to vector<16xi32>
      %select_n3A_1929 = arith.select %eq3A_1926, %broadcast_in_dim3A_1928, %select_n3A_1923 : vector<16xi1>, vector<16xi32>
      %eq3A_1930 = arith.constant 6 : i32
      %eq3A_1931 = vector.broadcast %eq3A_1930 : i32 to vector<16xi32>
      %eq3A_1932 = arith.cmpi eq, %get3A_1863, %eq3A_1931 : vector<16xi32>
      %jit3A_1933 = arith.constant 4 : i32
      %broadcast_in_dim3A_1934 = vector.broadcast %jit3A_1933 : i32 to vector<16xi32>
      %select_n3A_1935 = arith.select %eq3A_1932, %broadcast_in_dim3A_1934, %select_n3A_1929 : vector<16xi1>, vector<16xi32>
      %eq3A_1936 = arith.constant 7 : i32
      %eq3A_1937 = vector.broadcast %eq3A_1936 : i32 to vector<16xi32>
      %eq3A_1938 = arith.cmpi eq, %get3A_1863, %eq3A_1937 : vector<16xi32>
      %jit3A_1939 = arith.constant 5 : i32
      %broadcast_in_dim3A_1940 = vector.broadcast %jit3A_1939 : i32 to vector<16xi32>
      %select_n3A_1941 = arith.select %eq3A_1938, %broadcast_in_dim3A_1940, %select_n3A_1935 : vector<16xi1>, vector<16xi32>
      %eq3A_1942 = arith.constant 8 : i32
      %eq3A_1943 = vector.broadcast %eq3A_1942 : i32 to vector<16xi32>
      %eq3A_1944 = arith.cmpi eq, %get3A_1863, %eq3A_1943 : vector<16xi32>
      %jit3A_1945 = arith.constant 6 : i32
      %broadcast_in_dim3A_1946 = vector.broadcast %jit3A_1945 : i32 to vector<16xi32>
      %select_n3A_1947 = arith.select %eq3A_1944, %broadcast_in_dim3A_1946, %select_n3A_1941 : vector<16xi1>, vector<16xi32>
      %add3A_1948 = arith.constant 1728 : i32
      %add3A_1949 = vector.broadcast %add3A_1948 : i32 to vector<16xi32>
      %add3A_1950 = arith.addi %add3A_1949, %select_n3A_1947 : vector<16xi32>
      %add3A_1951 = arith.constant 1735 : i32
      %add3A_1952 = vector.broadcast %add3A_1951 : i32 to vector<16xi32>
      %add3A_1953 = arith.addi %add3A_1952, %min3A_1905 : vector<16xi32>
      %add3A_1954 = arith.constant 1737 : i32
      %add3A_1955 = vector.broadcast %add3A_1954 : i32 to vector<16xi32>
      %add3A_1956 = arith.addi %add3A_1955, %min3A_1905 : vector<16xi32>
      %eq3A_1957 = arith.constant 27 : i32
      %eq3A_1958 = vector.broadcast %eq3A_1957 : i32 to vector<16xi32>
      %eq3A_1959 = arith.cmpi eq, %select_n3A_1893, %eq3A_1958 : vector<16xi32>
      %select_n3A_1960 = arith.select %eq3A_1959, %add3A_1950, %add3A_1909 : vector<16xi1>, vector<16xi32>
      %eq3A_1961 = arith.constant 28 : i32
      %eq3A_1962 = vector.broadcast %eq3A_1961 : i32 to vector<16xi32>
      %eq3A_1963 = arith.cmpi eq, %select_n3A_1893, %eq3A_1962 : vector<16xi32>
      %select_n3A_1964 = arith.select %eq3A_1963, %add3A_1953, %select_n3A_1960 : vector<16xi1>, vector<16xi32>
      %eq3A_1965 = arith.constant 29 : i32
      %eq3A_1966 = vector.broadcast %eq3A_1965 : i32 to vector<16xi32>
      %eq3A_1967 = arith.cmpi eq, %select_n3A_1893, %eq3A_1966 : vector<16xi32>
      %select_n3A_1968 = arith.select %eq3A_1967, %add3A_1956, %select_n3A_1964 : vector<16xi1>, vector<16xi32>
      %swap3A_1969 = arith.constant 2 : i32
      %swap3A_1970 = arith.index_cast %swap3A_1969 : i32 to index
      %swap3A_1971 = arith.constant 0 : index
      %swap3A_1972 = tpu.vector_load %arg7[%swap3A_1970, %swap3A_1971] {strides = array<i32>} : memref<4x128xi32, #tpu.memory_space<vmem>>, vector<1x16xi32>,
      %swap3A_1973 = vector.shape_cast %swap3A_1972 : vector<1x16xi32> to vector<16xi32>
      %swap3A_1974 = vector.shape_cast %select_n3A_1968 : vector<16xi32> to vector<1x16xi32>
      tpu.vector_store %arg7[%swap3A_1970, %swap3A_1971], %swap3A_1974 {strides = array<i32>} : memref<4x128xi32, #tpu.memory_space<vmem>>, vector<1x16xi32>,
      %get3A_1975 = arith.constant 2 : i32
      %get3A_1976 = arith.index_cast %get3A_1975 : i32 to index
      %get3A_1977 = arith.constant 16 : index
      %get3A_1978 = tpu.vector_load %arg6[%get3A_1976, %get3A_1977] {strides = array<i32>} : memref<4x128xi32, #tpu.memory_space<vmem>>, vector<1x16xi32>,
      %get3A_1979 = vector.shape_cast %get3A_1978 : vector<1x16xi32> to vector<16xi32>
      %add3A_1980 = arith.constant 2 : i32
      %add3A_1981 = arith.addi %add3A_13, %add3A_1980 : i32
      %mul3A_1982 = arith.constant 128 : i32
      %mul3A_1983 = arith.muli %add3A_1981, %mul3A_1982 : i32
      %add3A_1984 = arith.constant 16 : i32
      %add3A_1985 = arith.addi %mul3A_1983, %add3A_1984 : i32
      %add3A_1986 = vector.broadcast %add3A_1985 : i32 to vector<16xi32>
      %add3A_1987 = arith.addi %add3A_1986, %iota3A : vector<16xi32>
      %jit3A_1988 = arith.constant 30 : i32
      %eq3A_1989 = arith.constant 0 : i32
      %eq3A_1990 = arith.cmpi eq, %jit3A_1988, %eq3A_1989 : i32
      %jit3A_1991 = arith.constant 1 : i32
      %select_n3A_1992 = arith.select %eq3A_1990, %jit3A_1991, %jit3A_1988 : i32
      %rem3A_1993 = vector.broadcast %select_n3A_1992 : i32 to vector<16xi32>
      %rem3A_1994 = arith.remsi %add3A_1987, %rem3A_1993 : vector<16xi32>
      %ne3A_1995 = arith.constant 0 : i32
      %ne3A_1996 = vector.broadcast %ne3A_1995 : i32 to vector<16xi32>
      %ne3A_1997 = arith.cmpi ne, %rem3A_1994, %ne3A_1996 : vector<16xi32>
      %lt3A_1998 = arith.constant 0 : i32
      %lt3A_1999 = vector.broadcast %lt3A_1998 : i32 to vector<16xi32>
      %lt3A_2000 = arith.cmpi slt, %rem3A_1994, %lt3A_1999 : vector<16xi32>
      %lt3A_2001 = arith.constant 0 : i32
      %lt3A_2002 = arith.cmpi slt, %select_n3A_1992, %lt3A_2001 : i32
      %ne3A_2003 = vector.broadcast %lt3A_2002 : i1 to vector<16xi1>
      %ne3A_2004 = vector.broadcast %ne3A_2003 : vector<16xi1> to vector<16xi1>
      %ne3A_2005 = arith.xori %lt3A_2000, %ne3A_2004 : vector<16xi1>
      %and3A_2006 = arith.andi %ne3A_2005, %ne3A_1997 : vector<16xi1>
      %add3A_2007 = vector.broadcast %select_n3A_1992 : i32 to vector<16xi32>
      %add3A_2008 = arith.addi %rem3A_1994, %add3A_2007 : vector<16xi32>
      %select_n3A_2009 = arith.select %and3A_2006, %add3A_2008, %rem3A_1994 : vector<16xi1>, vector<16xi32>
      %max3A_2010 = arith.constant 0 : i32
      %max3A_2011 = vector.broadcast %max3A_2010 : i32 to vector<16xi32>
      %max3A_2012 = arith.maxsi %get3A_1979, %max3A_2011 : vector<16xi32>
      %min3A_2013 = arith.constant 63 : i32
      %min3A_2014 = vector.broadcast %min3A_2013 : i32 to vector<16xi32>
      %min3A_2015 = arith.minsi %max3A_2012, %min3A_2014 : vector<16xi32>
      %max3A_2016 = arith.constant 0 : i32
      %max3A_2017 = vector.broadcast %max3A_2016 : i32 to vector<16xi32>
      %max3A_2018 = arith.maxsi %get3A_1979, %max3A_2017 : vector<16xi32>
      %min3A_2019 = arith.constant 1 : i32
      %min3A_2020 = vector.broadcast %min3A_2019 : i32 to vector<16xi32>
      %min3A_2021 = arith.minsi %max3A_2018, %min3A_2020 : vector<16xi32>
      %mul3A_2022 = arith.constant 64 : i32
      %mul3A_2023 = vector.broadcast %mul3A_2022 : i32 to vector<16xi32>
      %mul3A_2024 = arith.muli %select_n3A_2009, %mul3A_2023 : vector<16xi32>
      %add3A_2025 = arith.addi %mul3A_2024, %min3A_2015 : vector<16xi32>
      %broadcast_in_dim3A_2026 = arith.constant 0 : i32
      %broadcast_in_dim3A_2027 = vector.broadcast %broadcast_in_dim3A_2026 : i32 to vector<16xi32>
      %eq3A_2028 = arith.constant 3 : i32
      %eq3A_2029 = vector.broadcast %eq3A_2028 : i32 to vector<16xi32>
      %eq3A_2030 = arith.cmpi eq, %get3A_1979, %eq3A_2029 : vector<16xi32>
      %jit3A_2031 = arith.constant 1 : i32
      %broadcast_in_dim3A_2032 = vector.broadcast %jit3A_2031 : i32 to vector<16xi32>
      %select_n3A_2033 = arith.select %eq3A_2030, %broadcast_in_dim3A_2032, %broadcast_in_dim3A_2027 : vector<16xi1>, vector<16xi32>
      %eq3A_2034 = arith.constant 4 : i32
      %eq3A_2035 = vector.broadcast %eq3A_2034 : i32 to vector<16xi32>
      %eq3A_2036 = arith.cmpi eq, %get3A_1979, %eq3A_2035 : vector<16xi32>
      %jit3A_2037 = arith.constant 2 : i32
      %broadcast_in_dim3A_2038 = vector.broadcast %jit3A_2037 : i32 to vector<16xi32>
      %select_n3A_2039 = arith.select %eq3A_2036, %broadcast_in_dim3A_2038, %select_n3A_2033 : vector<16xi1>, vector<16xi32>
      %eq3A_2040 = arith.constant 5 : i32
      %eq3A_2041 = vector.broadcast %eq3A_2040 : i32 to vector<16xi32>
      %eq3A_2042 = arith.cmpi eq, %get3A_1979, %eq3A_2041 : vector<16xi32>
      %jit3A_2043 = arith.constant 3 : i32
      %broadcast_in_dim3A_2044 = vector.broadcast %jit3A_2043 : i32 to vector<16xi32>
      %select_n3A_2045 = arith.select %eq3A_2042, %broadcast_in_dim3A_2044, %select_n3A_2039 : vector<16xi1>, vector<16xi32>
      %eq3A_2046 = arith.constant 6 : i32
      %eq3A_2047 = vector.broadcast %eq3A_2046 : i32 to vector<16xi32>
      %eq3A_2048 = arith.cmpi eq, %get3A_1979, %eq3A_2047 : vector<16xi32>
      %jit3A_2049 = arith.constant 4 : i32
      %broadcast_in_dim3A_2050 = vector.broadcast %jit3A_2049 : i32 to vector<16xi32>
      %select_n3A_2051 = arith.select %eq3A_2048, %broadcast_in_dim3A_2050, %select_n3A_2045 : vector<16xi1>, vector<16xi32>
      %eq3A_2052 = arith.constant 7 : i32
      %eq3A_2053 = vector.broadcast %eq3A_2052 : i32 to vector<16xi32>
      %eq3A_2054 = arith.cmpi eq, %get3A_1979, %eq3A_2053 : vector<16xi32>
      %jit3A_2055 = arith.constant 5 : i32
      %broadcast_in_dim3A_2056 = vector.broadcast %jit3A_2055 : i32 to vector<16xi32>
      %select_n3A_2057 = arith.select %eq3A_2054, %broadcast_in_dim3A_2056, %select_n3A_2051 : vector<16xi1>, vector<16xi32>
      %eq3A_2058 = arith.constant 8 : i32
      %eq3A_2059 = vector.broadcast %eq3A_2058 : i32 to vector<16xi32>
      %eq3A_2060 = arith.cmpi eq, %get3A_1979, %eq3A_2059 : vector<16xi32>
      %jit3A_2061 = arith.constant 6 : i32
      %broadcast_in_dim3A_2062 = vector.broadcast %jit3A_2061 : i32 to vector<16xi32>
      %select_n3A_2063 = arith.select %eq3A_2060, %broadcast_in_dim3A_2062, %select_n3A_2057 : vector<16xi1>, vector<16xi32>
      %add3A_2064 = arith.constant 1728 : i32
      %add3A_2065 = vector.broadcast %add3A_2064 : i32 to vector<16xi32>
      %add3A_2066 = arith.addi %add3A_2065, %select_n3A_2063 : vector<16xi32>
      %add3A_2067 = arith.constant 1735 : i32
      %add3A_2068 = vector.broadcast %add3A_2067 : i32 to vector<16xi32>
      %add3A_2069 = arith.addi %add3A_2068, %min3A_2021 : vector<16xi32>
      %add3A_2070 = arith.constant 1737 : i32
      %add3A_2071 = vector.broadcast %add3A_2070 : i32 to vector<16xi32>
      %add3A_2072 = arith.addi %add3A_2071, %min3A_2021 : vector<16xi32>
      %eq3A_2073 = arith.constant 27 : i32
      %eq3A_2074 = vector.broadcast %eq3A_2073 : i32 to vector<16xi32>
      %eq3A_2075 = arith.cmpi eq, %select_n3A_2009, %eq3A_2074 : vector<16xi32>
      %select_n3A_2076 = arith.select %eq3A_2075, %add3A_2066, %add3A_2025 : vector<16xi1>, vector<16xi32>
      %eq3A_2077 = arith.constant 28 : i32
      %eq3A_2078 = vector.broadcast %eq3A_2077 : i32 to vector<16xi32>
      %eq3A_2079 = arith.cmpi eq, %select_n3A_2009, %eq3A_2078 : vector<16xi32>
      %select_n3A_2080 = arith.select %eq3A_2079, %add3A_2069, %select_n3A_2076 : vector<16xi1>, vector<16xi32>
      %eq3A_2081 = arith.constant 29 : i32
      %eq3A_2082 = vector.broadcast %eq3A_2081 : i32 to vector<16xi32>
      %eq3A_2083 = arith.cmpi eq, %select_n3A_2009, %eq3A_2082 : vector<16xi32>
      %select_n3A_2084 = arith.select %eq3A_2083, %add3A_2072, %select_n3A_2080 : vector<16xi1>, vector<16xi32>
      %swap3A_2085 = arith.constant 2 : i32
      %swap3A_2086 = arith.index_cast %swap3A_2085 : i32 to index
      %swap3A_2087 = arith.constant 16 : index
      %swap3A_2088 = tpu.vector_load %arg7[%swap3A_2086, %swap3A_2087] {strides = array<i32>} : memref<4x128xi32, #tpu.memory_space<vmem>>, vector<1x16xi32>,
      %swap3A_2089 = vector.shape_cast %swap3A_2088 : vector<1x16xi32> to vector<16xi32>
      %swap3A_2090 = vector.shape_cast %select_n3A_2084 : vector<16xi32> to vector<1x16xi32>
      tpu.vector_store %arg7[%swap3A_2086, %swap3A_2087], %swap3A_2090 {strides = array<i32>} : memref<4x128xi32, #tpu.memory_space<vmem>>, vector<1x16xi32>,
      %get3A_2091 = arith.constant 2 : i32
      %get3A_2092 = arith.index_cast %get3A_2091 : i32 to index
      %get3A_2093 = arith.constant 32 : index
      %get3A_2094 = tpu.vector_load %arg6[%get3A_2092, %get3A_2093] {strides = array<i32>} : memref<4x128xi32, #tpu.memory_space<vmem>>, vector<1x16xi32>,
      %get3A_2095 = vector.shape_cast %get3A_2094 : vector<1x16xi32> to vector<16xi32>
      %add3A_2096 = arith.constant 2 : i32
      %add3A_2097 = arith.addi %add3A_13, %add3A_2096 : i32
      %mul3A_2098 = arith.constant 128 : i32
      %mul3A_2099 = arith.muli %add3A_2097, %mul3A_2098 : i32
      %add3A_2100 = arith.constant 32 : i32
      %add3A_2101 = arith.addi %mul3A_2099, %add3A_2100 : i32
      %add3A_2102 = vector.broadcast %add3A_2101 : i32 to vector<16xi32>
      %add3A_2103 = arith.addi %add3A_2102, %iota3A : vector<16xi32>
      %jit3A_2104 = arith.constant 30 : i32
      %eq3A_2105 = arith.constant 0 : i32
      %eq3A_2106 = arith.cmpi eq, %jit3A_2104, %eq3A_2105 : i32
      %jit3A_2107 = arith.constant 1 : i32
      %select_n3A_2108 = arith.select %eq3A_2106, %jit3A_2107, %jit3A_2104 : i32
      %rem3A_2109 = vector.broadcast %select_n3A_2108 : i32 to vector<16xi32>
      %rem3A_2110 = arith.remsi %add3A_2103, %rem3A_2109 : vector<16xi32>
      %ne3A_2111 = arith.constant 0 : i32
      %ne3A_2112 = vector.broadcast %ne3A_2111 : i32 to vector<16xi32>
      %ne3A_2113 = arith.cmpi ne, %rem3A_2110, %ne3A_2112 : vector<16xi32>
      %lt3A_2114 = arith.constant 0 : i32
      %lt3A_2115 = vector.broadcast %lt3A_2114 : i32 to vector<16xi32>
      %lt3A_2116 = arith.cmpi slt, %rem3A_2110, %lt3A_2115 : vector<16xi32>
      %lt3A_2117 = arith.constant 0 : i32
      %lt3A_2118 = arith.cmpi slt, %select_n3A_2108, %lt3A_2117 : i32
      %ne3A_2119 = vector.broadcast %lt3A_2118 : i1 to vector<16xi1>
      %ne3A_2120 = vector.broadcast %ne3A_2119 : vector<16xi1> to vector<16xi1>
      %ne3A_2121 = arith.xori %lt3A_2116, %ne3A_2120 : vector<16xi1>
      %and3A_2122 = arith.andi %ne3A_2121, %ne3A_2113 : vector<16xi1>
      %add3A_2123 = vector.broadcast %select_n3A_2108 : i32 to vector<16xi32>
      %add3A_2124 = arith.addi %rem3A_2110, %add3A_2123 : vector<16xi32>
      %select_n3A_2125 = arith.select %and3A_2122, %add3A_2124, %rem3A_2110 : vector<16xi1>, vector<16xi32>
      %max3A_2126 = arith.constant 0 : i32
      %max3A_2127 = vector.broadcast %max3A_2126 : i32 to vector<16xi32>
      %max3A_2128 = arith.maxsi %get3A_2095, %max3A_2127 : vector<16xi32>
      %min3A_2129 = arith.constant 63 : i32
      %min3A_2130 = vector.broadcast %min3A_2129 : i32 to vector<16xi32>
      %min3A_2131 = arith.minsi %max3A_2128, %min3A_2130 : vector<16xi32>
      %max3A_2132 = arith.constant 0 : i32
      %max3A_2133 = vector.broadcast %max3A_2132 : i32 to vector<16xi32>
      %max3A_2134 = arith.maxsi %get3A_2095, %max3A_2133 : vector<16xi32>
      %min3A_2135 = arith.constant 1 : i32
      %min3A_2136 = vector.broadcast %min3A_2135 : i32 to vector<16xi32>
      %min3A_2137 = arith.minsi %max3A_2134, %min3A_2136 : vector<16xi32>
      %mul3A_2138 = arith.constant 64 : i32
      %mul3A_2139 = vector.broadcast %mul3A_2138 : i32 to vector<16xi32>
      %mul3A_2140 = arith.muli %select_n3A_2125, %mul3A_2139 : vector<16xi32>
      %add3A_2141 = arith.addi %mul3A_2140, %min3A_2131 : vector<16xi32>
      %broadcast_in_dim3A_2142 = arith.constant 0 : i32
      %broadcast_in_dim3A_2143 = vector.broadcast %broadcast_in_dim3A_2142 : i32 to vector<16xi32>
      %eq3A_2144 = arith.constant 3 : i32
      %eq3A_2145 = vector.broadcast %eq3A_2144 : i32 to vector<16xi32>
      %eq3A_2146 = arith.cmpi eq, %get3A_2095, %eq3A_2145 : vector<16xi32>
      %jit3A_2147 = arith.constant 1 : i32
      %broadcast_in_dim3A_2148 = vector.broadcast %jit3A_2147 : i32 to vector<16xi32>
      %select_n3A_2149 = arith.select %eq3A_2146, %broadcast_in_dim3A_2148, %broadcast_in_dim3A_2143 : vector<16xi1>, vector<16xi32>
      %eq3A_2150 = arith.constant 4 : i32
      %eq3A_2151 = vector.broadcast %eq3A_2150 : i32 to vector<16xi32>
      %eq3A_2152 = arith.cmpi eq, %get3A_2095, %eq3A_2151 : vector<16xi32>
      %jit3A_2153 = arith.constant 2 : i32
      %broadcast_in_dim3A_2154 = vector.broadcast %jit3A_2153 : i32 to vector<16xi32>
      %select_n3A_2155 = arith.select %eq3A_2152, %broadcast_in_dim3A_2154, %select_n3A_2149 : vector<16xi1>, vector<16xi32>
      %eq3A_2156 = arith.constant 5 : i32
      %eq3A_2157 = vector.broadcast %eq3A_2156 : i32 to vector<16xi32>
      %eq3A_2158 = arith.cmpi eq, %get3A_2095, %eq3A_2157 : vector<16xi32>
      %jit3A_2159 = arith.constant 3 : i32
      %broadcast_in_dim3A_2160 = vector.broadcast %jit3A_2159 : i32 to vector<16xi32>
      %select_n3A_2161 = arith.select %eq3A_2158, %broadcast_in_dim3A_2160, %select_n3A_2155 : vector<16xi1>, vector<16xi32>
      %eq3A_2162 = arith.constant 6 : i32
      %eq3A_2163 = vector.broadcast %eq3A_2162 : i32 to vector<16xi32>
      %eq3A_2164 = arith.cmpi eq, %get3A_2095, %eq3A_2163 : vector<16xi32>
      %jit3A_2165 = arith.constant 4 : i32
      %broadcast_in_dim3A_2166 = vector.broadcast %jit3A_2165 : i32 to vector<16xi32>
      %select_n3A_2167 = arith.select %eq3A_2164, %broadcast_in_dim3A_2166, %select_n3A_2161 : vector<16xi1>, vector<16xi32>
      %eq3A_2168 = arith.constant 7 : i32
      %eq3A_2169 = vector.broadcast %eq3A_2168 : i32 to vector<16xi32>
      %eq3A_2170 = arith.cmpi eq, %get3A_2095, %eq3A_2169 : vector<16xi32>
      %jit3A_2171 = arith.constant 5 : i32
      %broadcast_in_dim3A_2172 = vector.broadcast %jit3A_2171 : i32 to vector<16xi32>
      %select_n3A_2173 = arith.select %eq3A_2170, %broadcast_in_dim3A_2172, %select_n3A_2167 : vector<16xi1>, vector<16xi32>
      %eq3A_2174 = arith.constant 8 : i32
      %eq3A_2175 = vector.broadcast %eq3A_2174 : i32 to vector<16xi32>
      %eq3A_2176 = arith.cmpi eq, %get3A_2095, %eq3A_2175 : vector<16xi32>
      %jit3A_2177 = arith.constant 6 : i32
      %broadcast_in_dim3A_2178 = vector.broadcast %jit3A_2177 : i32 to vector<16xi32>
      %select_n3A_2179 = arith.select %eq3A_2176, %broadcast_in_dim3A_2178, %select_n3A_2173 : vector<16xi1>, vector<16xi32>
      %add3A_2180 = arith.constant 1728 : i32
      %add3A_2181 = vector.broadcast %add3A_2180 : i32 to vector<16xi32>
      %add3A_2182 = arith.addi %add3A_2181, %select_n3A_2179 : vector<16xi32>
      %add3A_2183 = arith.constant 1735 : i32
      %add3A_2184 = vector.broadcast %add3A_2183 : i32 to vector<16xi32>
      %add3A_2185 = arith.addi %add3A_2184, %min3A_2137 : vector<16xi32>
      %add3A_2186 = arith.constant 1737 : i32
      %add3A_2187 = vector.broadcast %add3A_2186 : i32 to vector<16xi32>
      %add3A_2188 = arith.addi %add3A_2187, %min3A_2137 : vector<16xi32>
      %eq3A_2189 = arith.constant 27 : i32
      %eq3A_2190 = vector.broadcast %eq3A_2189 : i32 to vector<16xi32>
      %eq3A_2191 = arith.cmpi eq, %select_n3A_2125, %eq3A_2190 : vector<16xi32>
      %select_n3A_2192 = arith.select %eq3A_2191, %add3A_2182, %add3A_2141 : vector<16xi1>, vector<16xi32>
      %eq3A_2193 = arith.constant 28 : i32
      %eq3A_2194 = vector.broadcast %eq3A_2193 : i32 to vector<16xi32>
      %eq3A_2195 = arith.cmpi eq, %select_n3A_2125, %eq3A_2194 : vector<16xi32>
      %select_n3A_2196 = arith.select %eq3A_2195, %add3A_2185, %select_n3A_2192 : vector<16xi1>, vector<16xi32>
      %eq3A_2197 = arith.constant 29 : i32
      %eq3A_2198 = vector.broadcast %eq3A_2197 : i32 to vector<16xi32>
      %eq3A_2199 = arith.cmpi eq, %select_n3A_2125, %eq3A_2198 : vector<16xi32>
      %select_n3A_2200 = arith.select %eq3A_2199, %add3A_2188, %select_n3A_2196 : vector<16xi1>, vector<16xi32>
      %swap3A_2201 = arith.constant 2 : i32
      %swap3A_2202 = arith.index_cast %swap3A_2201 : i32 to index
      %swap3A_2203 = arith.constant 32 : index
      %swap3A_2204 = tpu.vector_load %arg7[%swap3A_2202, %swap3A_2203] {strides = array<i32>} : memref<4x128xi32, #tpu.memory_space<vmem>>, vector<1x16xi32>,
      %swap3A_2205 = vector.shape_cast %swap3A_2204 : vector<1x16xi32> to vector<16xi32>
      %swap3A_2206 = vector.shape_cast %select_n3A_2200 : vector<16xi32> to vector<1x16xi32>
      tpu.vector_store %arg7[%swap3A_2202, %swap3A_2203], %swap3A_2206 {strides = array<i32>} : memref<4x128xi32, #tpu.memory_space<vmem>>, vector<1x16xi32>,
      %get3A_2207 = arith.constant 2 : i32
      %get3A_2208 = arith.index_cast %get3A_2207 : i32 to index
      %get3A_2209 = arith.constant 48 : index
      %get3A_2210 = tpu.vector_load %arg6[%get3A_2208, %get3A_2209] {strides = array<i32>} : memref<4x128xi32, #tpu.memory_space<vmem>>, vector<1x16xi32>,
      %get3A_2211 = vector.shape_cast %get3A_2210 : vector<1x16xi32> to vector<16xi32>
      %add3A_2212 = arith.constant 2 : i32
      %add3A_2213 = arith.addi %add3A_13, %add3A_2212 : i32
      %mul3A_2214 = arith.constant 128 : i32
      %mul3A_2215 = arith.muli %add3A_2213, %mul3A_2214 : i32
      %add3A_2216 = arith.constant 48 : i32
      %add3A_2217 = arith.addi %mul3A_2215, %add3A_2216 : i32
      %add3A_2218 = vector.broadcast %add3A_2217 : i32 to vector<16xi32>
      %add3A_2219 = arith.addi %add3A_2218, %iota3A : vector<16xi32>
      %jit3A_2220 = arith.constant 30 : i32
      %eq3A_2221 = arith.constant 0 : i32
      %eq3A_2222 = arith.cmpi eq, %jit3A_2220, %eq3A_2221 : i32
      %jit3A_2223 = arith.constant 1 : i32
      %select_n3A_2224 = arith.select %eq3A_2222, %jit3A_2223, %jit3A_2220 : i32
      %rem3A_2225 = vector.broadcast %select_n3A_2224 : i32 to vector<16xi32>
      %rem3A_2226 = arith.remsi %add3A_2219, %rem3A_2225 : vector<16xi32>
      %ne3A_2227 = arith.constant 0 : i32
      %ne3A_2228 = vector.broadcast %ne3A_2227 : i32 to vector<16xi32>
      %ne3A_2229 = arith.cmpi ne, %rem3A_2226, %ne3A_2228 : vector<16xi32>
      %lt3A_2230 = arith.constant 0 : i32
      %lt3A_2231 = vector.broadcast %lt3A_2230 : i32 to vector<16xi32>
      %lt3A_2232 = arith.cmpi slt, %rem3A_2226, %lt3A_2231 : vector<16xi32>
      %lt3A_2233 = arith.constant 0 : i32
      %lt3A_2234 = arith.cmpi slt, %select_n3A_2224, %lt3A_2233 : i32
      %ne3A_2235 = vector.broadcast %lt3A_2234 : i1 to vector<16xi1>
      %ne3A_2236 = vector.broadcast %ne3A_2235 : vector<16xi1> to vector<16xi1>
      %ne3A_2237 = arith.xori %lt3A_2232, %ne3A_2236 : vector<16xi1>
      %and3A_2238 = arith.andi %ne3A_2237, %ne3A_2229 : vector<16xi1>
      %add3A_2239 = vector.broadcast %select_n3A_2224 : i32 to vector<16xi32>
      %add3A_2240 = arith.addi %rem3A_2226, %add3A_2239 : vector<16xi32>
      %select_n3A_2241 = arith.select %and3A_2238, %add3A_2240, %rem3A_2226 : vector<16xi1>, vector<16xi32>
      %max3A_2242 = arith.constant 0 : i32
      %max3A_2243 = vector.broadcast %max3A_2242 : i32 to vector<16xi32>
      %max3A_2244 = arith.maxsi %get3A_2211, %max3A_2243 : vector<16xi32>
      %min3A_2245 = arith.constant 63 : i32
      %min3A_2246 = vector.broadcast %min3A_2245 : i32 to vector<16xi32>
      %min3A_2247 = arith.minsi %max3A_2244, %min3A_2246 : vector<16xi32>
      %max3A_2248 = arith.constant 0 : i32
      %max3A_2249 = vector.broadcast %max3A_2248 : i32 to vector<16xi32>
      %max3A_2250 = arith.maxsi %get3A_2211, %max3A_2249 : vector<16xi32>
      %min3A_2251 = arith.constant 1 : i32
      %min3A_2252 = vector.broadcast %min3A_2251 : i32 to vector<16xi32>
      %min3A_2253 = arith.minsi %max3A_2250, %min3A_2252 : vector<16xi32>
      %mul3A_2254 = arith.constant 64 : i32
      %mul3A_2255 = vector.broadcast %mul3A_2254 : i32 to vector<16xi32>
      %mul3A_2256 = arith.muli %select_n3A_2241, %mul3A_2255 : vector<16xi32>
      %add3A_2257 = arith.addi %mul3A_2256, %min3A_2247 : vector<16xi32>
      %broadcast_in_dim3A_2258 = arith.constant 0 : i32
      %broadcast_in_dim3A_2259 = vector.broadcast %broadcast_in_dim3A_2258 : i32 to vector<16xi32>
      %eq3A_2260 = arith.constant 3 : i32
      %eq3A_2261 = vector.broadcast %eq3A_2260 : i32 to vector<16xi32>
      %eq3A_2262 = arith.cmpi eq, %get3A_2211, %eq3A_2261 : vector<16xi32>
      %jit3A_2263 = arith.constant 1 : i32
      %broadcast_in_dim3A_2264 = vector.broadcast %jit3A_2263 : i32 to vector<16xi32>
      %select_n3A_2265 = arith.select %eq3A_2262, %broadcast_in_dim3A_2264, %broadcast_in_dim3A_2259 : vector<16xi1>, vector<16xi32>
      %eq3A_2266 = arith.constant 4 : i32
      %eq3A_2267 = vector.broadcast %eq3A_2266 : i32 to vector<16xi32>
      %eq3A_2268 = arith.cmpi eq, %get3A_2211, %eq3A_2267 : vector<16xi32>
      %jit3A_2269 = arith.constant 2 : i32
      %broadcast_in_dim3A_2270 = vector.broadcast %jit3A_2269 : i32 to vector<16xi32>
      %select_n3A_2271 = arith.select %eq3A_2268, %broadcast_in_dim3A_2270, %select_n3A_2265 : vector<16xi1>, vector<16xi32>
      %eq3A_2272 = arith.constant 5 : i32
      %eq3A_2273 = vector.broadcast %eq3A_2272 : i32 to vector<16xi32>
      %eq3A_2274 = arith.cmpi eq, %get3A_2211, %eq3A_2273 : vector<16xi32>
      %jit3A_2275 = arith.constant 3 : i32
      %broadcast_in_dim3A_2276 = vector.broadcast %jit3A_2275 : i32 to vector<16xi32>
      %select_n3A_2277 = arith.select %eq3A_2274, %broadcast_in_dim3A_2276, %select_n3A_2271 : vector<16xi1>, vector<16xi32>
      %eq3A_2278 = arith.constant 6 : i32
      %eq3A_2279 = vector.broadcast %eq3A_2278 : i32 to vector<16xi32>
      %eq3A_2280 = arith.cmpi eq, %get3A_2211, %eq3A_2279 : vector<16xi32>
      %jit3A_2281 = arith.constant 4 : i32
      %broadcast_in_dim3A_2282 = vector.broadcast %jit3A_2281 : i32 to vector<16xi32>
      %select_n3A_2283 = arith.select %eq3A_2280, %broadcast_in_dim3A_2282, %select_n3A_2277 : vector<16xi1>, vector<16xi32>
      %eq3A_2284 = arith.constant 7 : i32
      %eq3A_2285 = vector.broadcast %eq3A_2284 : i32 to vector<16xi32>
      %eq3A_2286 = arith.cmpi eq, %get3A_2211, %eq3A_2285 : vector<16xi32>
      %jit3A_2287 = arith.constant 5 : i32
      %broadcast_in_dim3A_2288 = vector.broadcast %jit3A_2287 : i32 to vector<16xi32>
      %select_n3A_2289 = arith.select %eq3A_2286, %broadcast_in_dim3A_2288, %select_n3A_2283 : vector<16xi1>, vector<16xi32>
      %eq3A_2290 = arith.constant 8 : i32
      %eq3A_2291 = vector.broadcast %eq3A_2290 : i32 to vector<16xi32>
      %eq3A_2292 = arith.cmpi eq, %get3A_2211, %eq3A_2291 : vector<16xi32>
      %jit3A_2293 = arith.constant 6 : i32
      %broadcast_in_dim3A_2294 = vector.broadcast %jit3A_2293 : i32 to vector<16xi32>
      %select_n3A_2295 = arith.select %eq3A_2292, %broadcast_in_dim3A_2294, %select_n3A_2289 : vector<16xi1>, vector<16xi32>
      %add3A_2296 = arith.constant 1728 : i32
      %add3A_2297 = vector.broadcast %add3A_2296 : i32 to vector<16xi32>
      %add3A_2298 = arith.addi %add3A_2297, %select_n3A_2295 : vector<16xi32>
      %add3A_2299 = arith.constant 1735 : i32
      %add3A_2300 = vector.broadcast %add3A_2299 : i32 to vector<16xi32>
      %add3A_2301 = arith.addi %add3A_2300, %min3A_2253 : vector<16xi32>
      %add3A_2302 = arith.constant 1737 : i32
      %add3A_2303 = vector.broadcast %add3A_2302 : i32 to vector<16xi32>
      %add3A_2304 = arith.addi %add3A_2303, %min3A_2253 : vector<16xi32>
      %eq3A_2305 = arith.constant 27 : i32
      %eq3A_2306 = vector.broadcast %eq3A_2305 : i32 to vector<16xi32>
      %eq3A_2307 = arith.cmpi eq, %select_n3A_2241, %eq3A_2306 : vector<16xi32>
      %select_n3A_2308 = arith.select %eq3A_2307, %add3A_2298, %add3A_2257 : vector<16xi1>, vector<16xi32>
      %eq3A_2309 = arith.constant 28 : i32
      %eq3A_2310 = vector.broadcast %eq3A_2309 : i32 to vector<16xi32>
      %eq3A_2311 = arith.cmpi eq, %select_n3A_2241, %eq3A_2310 : vector<16xi32>
      %select_n3A_2312 = arith.select %eq3A_2311, %add3A_2301, %select_n3A_2308 : vector<16xi1>, vector<16xi32>
      %eq3A_2313 = arith.constant 29 : i32
      %eq3A_2314 = vector.broadcast %eq3A_2313 : i32 to vector<16xi32>
      %eq3A_2315 = arith.cmpi eq, %select_n3A_2241, %eq3A_2314 : vector<16xi32>
      %select_n3A_2316 = arith.select %eq3A_2315, %add3A_2304, %select_n3A_2312 : vector<16xi1>, vector<16xi32>
      %swap3A_2317 = arith.constant 2 : i32
      %swap3A_2318 = arith.index_cast %swap3A_2317 : i32 to index
      %swap3A_2319 = arith.constant 48 : index
      %swap3A_2320 = tpu.vector_load %arg7[%swap3A_2318, %swap3A_2319] {strides = array<i32>} : memref<4x128xi32, #tpu.memory_space<vmem>>, vector<1x16xi32>,
      %swap3A_2321 = vector.shape_cast %swap3A_2320 : vector<1x16xi32> to vector<16xi32>
      %swap3A_2322 = vector.shape_cast %select_n3A_2316 : vector<16xi32> to vector<1x16xi32>
      tpu.vector_store %arg7[%swap3A_2318, %swap3A_2319], %swap3A_2322 {strides = array<i32>} : memref<4x128xi32, #tpu.memory_space<vmem>>, vector<1x16xi32>,
      %get3A_2323 = arith.constant 2 : i32
      %get3A_2324 = arith.index_cast %get3A_2323 : i32 to index
      %get3A_2325 = arith.constant 64 : index
      %get3A_2326 = tpu.vector_load %arg6[%get3A_2324, %get3A_2325] {strides = array<i32>} : memref<4x128xi32, #tpu.memory_space<vmem>>, vector<1x16xi32>,
      %get3A_2327 = vector.shape_cast %get3A_2326 : vector<1x16xi32> to vector<16xi32>
      %add3A_2328 = arith.constant 2 : i32
      %add3A_2329 = arith.addi %add3A_13, %add3A_2328 : i32
      %mul3A_2330 = arith.constant 128 : i32
      %mul3A_2331 = arith.muli %add3A_2329, %mul3A_2330 : i32
      %add3A_2332 = arith.constant 64 : i32
      %add3A_2333 = arith.addi %mul3A_2331, %add3A_2332 : i32
      %add3A_2334 = vector.broadcast %add3A_2333 : i32 to vector<16xi32>
      %add3A_2335 = arith.addi %add3A_2334, %iota3A : vector<16xi32>
      %jit3A_2336 = arith.constant 30 : i32
      %eq3A_2337 = arith.constant 0 : i32
      %eq3A_2338 = arith.cmpi eq, %jit3A_2336, %eq3A_2337 : i32
      %jit3A_2339 = arith.constant 1 : i32
      %select_n3A_2340 = arith.select %eq3A_2338, %jit3A_2339, %jit3A_2336 : i32
      %rem3A_2341 = vector.broadcast %select_n3A_2340 : i32 to vector<16xi32>
      %rem3A_2342 = arith.remsi %add3A_2335, %rem3A_2341 : vector<16xi32>
      %ne3A_2343 = arith.constant 0 : i32
      %ne3A_2344 = vector.broadcast %ne3A_2343 : i32 to vector<16xi32>
      %ne3A_2345 = arith.cmpi ne, %rem3A_2342, %ne3A_2344 : vector<16xi32>
      %lt3A_2346 = arith.constant 0 : i32
      %lt3A_2347 = vector.broadcast %lt3A_2346 : i32 to vector<16xi32>
      %lt3A_2348 = arith.cmpi slt, %rem3A_2342, %lt3A_2347 : vector<16xi32>
      %lt3A_2349 = arith.constant 0 : i32
      %lt3A_2350 = arith.cmpi slt, %select_n3A_2340, %lt3A_2349 : i32
      %ne3A_2351 = vector.broadcast %lt3A_2350 : i1 to vector<16xi1>
      %ne3A_2352 = vector.broadcast %ne3A_2351 : vector<16xi1> to vector<16xi1>
      %ne3A_2353 = arith.xori %lt3A_2348, %ne3A_2352 : vector<16xi1>
      %and3A_2354 = arith.andi %ne3A_2353, %ne3A_2345 : vector<16xi1>
      %add3A_2355 = vector.broadcast %select_n3A_2340 : i32 to vector<16xi32>
      %add3A_2356 = arith.addi %rem3A_2342, %add3A_2355 : vector<16xi32>
      %select_n3A_2357 = arith.select %and3A_2354, %add3A_2356, %rem3A_2342 : vector<16xi1>, vector<16xi32>
      %max3A_2358 = arith.constant 0 : i32
      %max3A_2359 = vector.broadcast %max3A_2358 : i32 to vector<16xi32>
      %max3A_2360 = arith.maxsi %get3A_2327, %max3A_2359 : vector<16xi32>
      %min3A_2361 = arith.constant 63 : i32
      %min3A_2362 = vector.broadcast %min3A_2361 : i32 to vector<16xi32>
      %min3A_2363 = arith.minsi %max3A_2360, %min3A_2362 : vector<16xi32>
      %max3A_2364 = arith.constant 0 : i32
      %max3A_2365 = vector.broadcast %max3A_2364 : i32 to vector<16xi32>
      %max3A_2366 = arith.maxsi %get3A_2327, %max3A_2365 : vector<16xi32>
      %min3A_2367 = arith.constant 1 : i32
      %min3A_2368 = vector.broadcast %min3A_2367 : i32 to vector<16xi32>
      %min3A_2369 = arith.minsi %max3A_2366, %min3A_2368 : vector<16xi32>
      %mul3A_2370 = arith.constant 64 : i32
      %mul3A_2371 = vector.broadcast %mul3A_2370 : i32 to vector<16xi32>
      %mul3A_2372 = arith.muli %select_n3A_2357, %mul3A_2371 : vector<16xi32>
      %add3A_2373 = arith.addi %mul3A_2372, %min3A_2363 : vector<16xi32>
      %broadcast_in_dim3A_2374 = arith.constant 0 : i32
      %broadcast_in_dim3A_2375 = vector.broadcast %broadcast_in_dim3A_2374 : i32 to vector<16xi32>
      %eq3A_2376 = arith.constant 3 : i32
      %eq3A_2377 = vector.broadcast %eq3A_2376 : i32 to vector<16xi32>
      %eq3A_2378 = arith.cmpi eq, %get3A_2327, %eq3A_2377 : vector<16xi32>
      %jit3A_2379 = arith.constant 1 : i32
      %broadcast_in_dim3A_2380 = vector.broadcast %jit3A_2379 : i32 to vector<16xi32>
      %select_n3A_2381 = arith.select %eq3A_2378, %broadcast_in_dim3A_2380, %broadcast_in_dim3A_2375 : vector<16xi1>, vector<16xi32>
      %eq3A_2382 = arith.constant 4 : i32
      %eq3A_2383 = vector.broadcast %eq3A_2382 : i32 to vector<16xi32>
      %eq3A_2384 = arith.cmpi eq, %get3A_2327, %eq3A_2383 : vector<16xi32>
      %jit3A_2385 = arith.constant 2 : i32
      %broadcast_in_dim3A_2386 = vector.broadcast %jit3A_2385 : i32 to vector<16xi32>
      %select_n3A_2387 = arith.select %eq3A_2384, %broadcast_in_dim3A_2386, %select_n3A_2381 : vector<16xi1>, vector<16xi32>
      %eq3A_2388 = arith.constant 5 : i32
      %eq3A_2389 = vector.broadcast %eq3A_2388 : i32 to vector<16xi32>
      %eq3A_2390 = arith.cmpi eq, %get3A_2327, %eq3A_2389 : vector<16xi32>
      %jit3A_2391 = arith.constant 3 : i32
      %broadcast_in_dim3A_2392 = vector.broadcast %jit3A_2391 : i32 to vector<16xi32>
      %select_n3A_2393 = arith.select %eq3A_2390, %broadcast_in_dim3A_2392, %select_n3A_2387 : vector<16xi1>, vector<16xi32>
      %eq3A_2394 = arith.constant 6 : i32
      %eq3A_2395 = vector.broadcast %eq3A_2394 : i32 to vector<16xi32>
      %eq3A_2396 = arith.cmpi eq, %get3A_2327, %eq3A_2395 : vector<16xi32>
      %jit3A_2397 = arith.constant 4 : i32
      %broadcast_in_dim3A_2398 = vector.broadcast %jit3A_2397 : i32 to vector<16xi32>
      %select_n3A_2399 = arith.select %eq3A_2396, %broadcast_in_dim3A_2398, %select_n3A_2393 : vector<16xi1>, vector<16xi32>
      %eq3A_2400 = arith.constant 7 : i32
      %eq3A_2401 = vector.broadcast %eq3A_2400 : i32 to vector<16xi32>
      %eq3A_2402 = arith.cmpi eq, %get3A_2327, %eq3A_2401 : vector<16xi32>
      %jit3A_2403 = arith.constant 5 : i32
      %broadcast_in_dim3A_2404 = vector.broadcast %jit3A_2403 : i32 to vector<16xi32>
      %select_n3A_2405 = arith.select %eq3A_2402, %broadcast_in_dim3A_2404, %select_n3A_2399 : vector<16xi1>, vector<16xi32>
      %eq3A_2406 = arith.constant 8 : i32
      %eq3A_2407 = vector.broadcast %eq3A_2406 : i32 to vector<16xi32>
      %eq3A_2408 = arith.cmpi eq, %get3A_2327, %eq3A_2407 : vector<16xi32>
      %jit3A_2409 = arith.constant 6 : i32
      %broadcast_in_dim3A_2410 = vector.broadcast %jit3A_2409 : i32 to vector<16xi32>
      %select_n3A_2411 = arith.select %eq3A_2408, %broadcast_in_dim3A_2410, %select_n3A_2405 : vector<16xi1>, vector<16xi32>
      %add3A_2412 = arith.constant 1728 : i32
      %add3A_2413 = vector.broadcast %add3A_2412 : i32 to vector<16xi32>
      %add3A_2414 = arith.addi %add3A_2413, %select_n3A_2411 : vector<16xi32>
      %add3A_2415 = arith.constant 1735 : i32
      %add3A_2416 = vector.broadcast %add3A_2415 : i32 to vector<16xi32>
      %add3A_2417 = arith.addi %add3A_2416, %min3A_2369 : vector<16xi32>
      %add3A_2418 = arith.constant 1737 : i32
      %add3A_2419 = vector.broadcast %add3A_2418 : i32 to vector<16xi32>
      %add3A_2420 = arith.addi %add3A_2419, %min3A_2369 : vector<16xi32>
      %eq3A_2421 = arith.constant 27 : i32
      %eq3A_2422 = vector.broadcast %eq3A_2421 : i32 to vector<16xi32>
      %eq3A_2423 = arith.cmpi eq, %select_n3A_2357, %eq3A_2422 : vector<16xi32>
      %select_n3A_2424 = arith.select %eq3A_2423, %add3A_2414, %add3A_2373 : vector<16xi1>, vector<16xi32>
      %eq3A_2425 = arith.constant 28 : i32
      %eq3A_2426 = vector.broadcast %eq3A_2425 : i32 to vector<16xi32>
      %eq3A_2427 = arith.cmpi eq, %select_n3A_2357, %eq3A_2426 : vector<16xi32>
      %select_n3A_2428 = arith.select %eq3A_2427, %add3A_2417, %select_n3A_2424 : vector<16xi1>, vector<16xi32>
      %eq3A_2429 = arith.constant 29 : i32
      %eq3A_2430 = vector.broadcast %eq3A_2429 : i32 to vector<16xi32>
      %eq3A_2431 = arith.cmpi eq, %select_n3A_2357, %eq3A_2430 : vector<16xi32>
      %select_n3A_2432 = arith.select %eq3A_2431, %add3A_2420, %select_n3A_2428 : vector<16xi1>, vector<16xi32>
      %swap3A_2433 = arith.constant 2 : i32
      %swap3A_2434 = arith.index_cast %swap3A_2433 : i32 to index
      %swap3A_2435 = arith.constant 64 : index
      %swap3A_2436 = tpu.vector_load %arg7[%swap3A_2434, %swap3A_2435] {strides = array<i32>} : memref<4x128xi32, #tpu.memory_space<vmem>>, vector<1x16xi32>,
      %swap3A_2437 = vector.shape_cast %swap3A_2436 : vector<1x16xi32> to vector<16xi32>
      %swap3A_2438 = vector.shape_cast %select_n3A_2432 : vector<16xi32> to vector<1x16xi32>
      tpu.vector_store %arg7[%swap3A_2434, %swap3A_2435], %swap3A_2438 {strides = array<i32>} : memref<4x128xi32, #tpu.memory_space<vmem>>, vector<1x16xi32>,
      %get3A_2439 = arith.constant 2 : i32
      %get3A_2440 = arith.index_cast %get3A_2439 : i32 to index
      %get3A_2441 = arith.constant 80 : index
      %get3A_2442 = tpu.vector_load %arg6[%get3A_2440, %get3A_2441] {strides = array<i32>} : memref<4x128xi32, #tpu.memory_space<vmem>>, vector<1x16xi32>,
      %get3A_2443 = vector.shape_cast %get3A_2442 : vector<1x16xi32> to vector<16xi32>
      %add3A_2444 = arith.constant 2 : i32
      %add3A_2445 = arith.addi %add3A_13, %add3A_2444 : i32
      %mul3A_2446 = arith.constant 128 : i32
      %mul3A_2447 = arith.muli %add3A_2445, %mul3A_2446 : i32
      %add3A_2448 = arith.constant 80 : i32
      %add3A_2449 = arith.addi %mul3A_2447, %add3A_2448 : i32
      %add3A_2450 = vector.broadcast %add3A_2449 : i32 to vector<16xi32>
      %add3A_2451 = arith.addi %add3A_2450, %iota3A : vector<16xi32>
      %jit3A_2452 = arith.constant 30 : i32
      %eq3A_2453 = arith.constant 0 : i32
      %eq3A_2454 = arith.cmpi eq, %jit3A_2452, %eq3A_2453 : i32
      %jit3A_2455 = arith.constant 1 : i32
      %select_n3A_2456 = arith.select %eq3A_2454, %jit3A_2455, %jit3A_2452 : i32
      %rem3A_2457 = vector.broadcast %select_n3A_2456 : i32 to vector<16xi32>
      %rem3A_2458 = arith.remsi %add3A_2451, %rem3A_2457 : vector<16xi32>
      %ne3A_2459 = arith.constant 0 : i32
      %ne3A_2460 = vector.broadcast %ne3A_2459 : i32 to vector<16xi32>
      %ne3A_2461 = arith.cmpi ne, %rem3A_2458, %ne3A_2460 : vector<16xi32>
      %lt3A_2462 = arith.constant 0 : i32
      %lt3A_2463 = vector.broadcast %lt3A_2462 : i32 to vector<16xi32>
      %lt3A_2464 = arith.cmpi slt, %rem3A_2458, %lt3A_2463 : vector<16xi32>
      %lt3A_2465 = arith.constant 0 : i32
      %lt3A_2466 = arith.cmpi slt, %select_n3A_2456, %lt3A_2465 : i32
      %ne3A_2467 = vector.broadcast %lt3A_2466 : i1 to vector<16xi1>
      %ne3A_2468 = vector.broadcast %ne3A_2467 : vector<16xi1> to vector<16xi1>
      %ne3A_2469 = arith.xori %lt3A_2464, %ne3A_2468 : vector<16xi1>
      %and3A_2470 = arith.andi %ne3A_2469, %ne3A_2461 : vector<16xi1>
      %add3A_2471 = vector.broadcast %select_n3A_2456 : i32 to vector<16xi32>
      %add3A_2472 = arith.addi %rem3A_2458, %add3A_2471 : vector<16xi32>
      %select_n3A_2473 = arith.select %and3A_2470, %add3A_2472, %rem3A_2458 : vector<16xi1>, vector<16xi32>
      %max3A_2474 = arith.constant 0 : i32
      %max3A_2475 = vector.broadcast %max3A_2474 : i32 to vector<16xi32>
      %max3A_2476 = arith.maxsi %get3A_2443, %max3A_2475 : vector<16xi32>
      %min3A_2477 = arith.constant 63 : i32
      %min3A_2478 = vector.broadcast %min3A_2477 : i32 to vector<16xi32>
      %min3A_2479 = arith.minsi %max3A_2476, %min3A_2478 : vector<16xi32>
      %max3A_2480 = arith.constant 0 : i32
      %max3A_2481 = vector.broadcast %max3A_2480 : i32 to vector<16xi32>
      %max3A_2482 = arith.maxsi %get3A_2443, %max3A_2481 : vector<16xi32>
      %min3A_2483 = arith.constant 1 : i32
      %min3A_2484 = vector.broadcast %min3A_2483 : i32 to vector<16xi32>
      %min3A_2485 = arith.minsi %max3A_2482, %min3A_2484 : vector<16xi32>
      %mul3A_2486 = arith.constant 64 : i32
      %mul3A_2487 = vector.broadcast %mul3A_2486 : i32 to vector<16xi32>
      %mul3A_2488 = arith.muli %select_n3A_2473, %mul3A_2487 : vector<16xi32>
      %add3A_2489 = arith.addi %mul3A_2488, %min3A_2479 : vector<16xi32>
      %broadcast_in_dim3A_2490 = arith.constant 0 : i32
      %broadcast_in_dim3A_2491 = vector.broadcast %broadcast_in_dim3A_2490 : i32 to vector<16xi32>
      %eq3A_2492 = arith.constant 3 : i32
      %eq3A_2493 = vector.broadcast %eq3A_2492 : i32 to vector<16xi32>
      %eq3A_2494 = arith.cmpi eq, %get3A_2443, %eq3A_2493 : vector<16xi32>
      %jit3A_2495 = arith.constant 1 : i32
      %broadcast_in_dim3A_2496 = vector.broadcast %jit3A_2495 : i32 to vector<16xi32>
      %select_n3A_2497 = arith.select %eq3A_2494, %broadcast_in_dim3A_2496, %broadcast_in_dim3A_2491 : vector<16xi1>, vector<16xi32>
      %eq3A_2498 = arith.constant 4 : i32
      %eq3A_2499 = vector.broadcast %eq3A_2498 : i32 to vector<16xi32>
      %eq3A_2500 = arith.cmpi eq, %get3A_2443, %eq3A_2499 : vector<16xi32>
      %jit3A_2501 = arith.constant 2 : i32
      %broadcast_in_dim3A_2502 = vector.broadcast %jit3A_2501 : i32 to vector<16xi32>
      %select_n3A_2503 = arith.select %eq3A_2500, %broadcast_in_dim3A_2502, %select_n3A_2497 : vector<16xi1>, vector<16xi32>
      %eq3A_2504 = arith.constant 5 : i32
      %eq3A_2505 = vector.broadcast %eq3A_2504 : i32 to vector<16xi32>
      %eq3A_2506 = arith.cmpi eq, %get3A_2443, %eq3A_2505 : vector<16xi32>
      %jit3A_2507 = arith.constant 3 : i32
      %broadcast_in_dim3A_2508 = vector.broadcast %jit3A_2507 : i32 to vector<16xi32>
      %select_n3A_2509 = arith.select %eq3A_2506, %broadcast_in_dim3A_2508, %select_n3A_2503 : vector<16xi1>, vector<16xi32>
      %eq3A_2510 = arith.constant 6 : i32
      %eq3A_2511 = vector.broadcast %eq3A_2510 : i32 to vector<16xi32>
      %eq3A_2512 = arith.cmpi eq, %get3A_2443, %eq3A_2511 : vector<16xi32>
      %jit3A_2513 = arith.constant 4 : i32
      %broadcast_in_dim3A_2514 = vector.broadcast %jit3A_2513 : i32 to vector<16xi32>
      %select_n3A_2515 = arith.select %eq3A_2512, %broadcast_in_dim3A_2514, %select_n3A_2509 : vector<16xi1>, vector<16xi32>
      %eq3A_2516 = arith.constant 7 : i32
      %eq3A_2517 = vector.broadcast %eq3A_2516 : i32 to vector<16xi32>
      %eq3A_2518 = arith.cmpi eq, %get3A_2443, %eq3A_2517 : vector<16xi32>
      %jit3A_2519 = arith.constant 5 : i32
      %broadcast_in_dim3A_2520 = vector.broadcast %jit3A_2519 : i32 to vector<16xi32>
      %select_n3A_2521 = arith.select %eq3A_2518, %broadcast_in_dim3A_2520, %select_n3A_2515 : vector<16xi1>, vector<16xi32>
      %eq3A_2522 = arith.constant 8 : i32
      %eq3A_2523 = vector.broadcast %eq3A_2522 : i32 to vector<16xi32>
      %eq3A_2524 = arith.cmpi eq, %get3A_2443, %eq3A_2523 : vector<16xi32>
      %jit3A_2525 = arith.constant 6 : i32
      %broadcast_in_dim3A_2526 = vector.broadcast %jit3A_2525 : i32 to vector<16xi32>
      %select_n3A_2527 = arith.select %eq3A_2524, %broadcast_in_dim3A_2526, %select_n3A_2521 : vector<16xi1>, vector<16xi32>
      %add3A_2528 = arith.constant 1728 : i32
      %add3A_2529 = vector.broadcast %add3A_2528 : i32 to vector<16xi32>
      %add3A_2530 = arith.addi %add3A_2529, %select_n3A_2527 : vector<16xi32>
      %add3A_2531 = arith.constant 1735 : i32
      %add3A_2532 = vector.broadcast %add3A_2531 : i32 to vector<16xi32>
      %add3A_2533 = arith.addi %add3A_2532, %min3A_2485 : vector<16xi32>
      %add3A_2534 = arith.constant 1737 : i32
      %add3A_2535 = vector.broadcast %add3A_2534 : i32 to vector<16xi32>
      %add3A_2536 = arith.addi %add3A_2535, %min3A_2485 : vector<16xi32>
      %eq3A_2537 = arith.constant 27 : i32
      %eq3A_2538 = vector.broadcast %eq3A_2537 : i32 to vector<16xi32>
      %eq3A_2539 = arith.cmpi eq, %select_n3A_2473, %eq3A_2538 : vector<16xi32>
      %select_n3A_2540 = arith.select %eq3A_2539, %add3A_2530, %add3A_2489 : vector<16xi1>, vector<16xi32>
      %eq3A_2541 = arith.constant 28 : i32
      %eq3A_2542 = vector.broadcast %eq3A_2541 : i32 to vector<16xi32>
      %eq3A_2543 = arith.cmpi eq, %select_n3A_2473, %eq3A_2542 : vector<16xi32>
      %select_n3A_2544 = arith.select %eq3A_2543, %add3A_2533, %select_n3A_2540 : vector<16xi1>, vector<16xi32>
      %eq3A_2545 = arith.constant 29 : i32
      %eq3A_2546 = vector.broadcast %eq3A_2545 : i32 to vector<16xi32>
      %eq3A_2547 = arith.cmpi eq, %select_n3A_2473, %eq3A_2546 : vector<16xi32>
      %select_n3A_2548 = arith.select %eq3A_2547, %add3A_2536, %select_n3A_2544 : vector<16xi1>, vector<16xi32>
      %swap3A_2549 = arith.constant 2 : i32
      %swap3A_2550 = arith.index_cast %swap3A_2549 : i32 to index
      %swap3A_2551 = arith.constant 80 : index
      %swap3A_2552 = tpu.vector_load %arg7[%swap3A_2550, %swap3A_2551] {strides = array<i32>} : memref<4x128xi32, #tpu.memory_space<vmem>>, vector<1x16xi32>,
      %swap3A_2553 = vector.shape_cast %swap3A_2552 : vector<1x16xi32> to vector<16xi32>
      %swap3A_2554 = vector.shape_cast %select_n3A_2548 : vector<16xi32> to vector<1x16xi32>
      tpu.vector_store %arg7[%swap3A_2550, %swap3A_2551], %swap3A_2554 {strides = array<i32>} : memref<4x128xi32, #tpu.memory_space<vmem>>, vector<1x16xi32>,
      %get3A_2555 = arith.constant 2 : i32
      %get3A_2556 = arith.index_cast %get3A_2555 : i32 to index
      %get3A_2557 = arith.constant 96 : index
      %get3A_2558 = tpu.vector_load %arg6[%get3A_2556, %get3A_2557] {strides = array<i32>} : memref<4x128xi32, #tpu.memory_space<vmem>>, vector<1x16xi32>,
      %get3A_2559 = vector.shape_cast %get3A_2558 : vector<1x16xi32> to vector<16xi32>
      %add3A_2560 = arith.constant 2 : i32
      %add3A_2561 = arith.addi %add3A_13, %add3A_2560 : i32
      %mul3A_2562 = arith.constant 128 : i32
      %mul3A_2563 = arith.muli %add3A_2561, %mul3A_2562 : i32
      %add3A_2564 = arith.constant 96 : i32
      %add3A_2565 = arith.addi %mul3A_2563, %add3A_2564 : i32
      %add3A_2566 = vector.broadcast %add3A_2565 : i32 to vector<16xi32>
      %add3A_2567 = arith.addi %add3A_2566, %iota3A : vector<16xi32>
      %jit3A_2568 = arith.constant 30 : i32
      %eq3A_2569 = arith.constant 0 : i32
      %eq3A_2570 = arith.cmpi eq, %jit3A_2568, %eq3A_2569 : i32
      %jit3A_2571 = arith.constant 1 : i32
      %select_n3A_2572 = arith.select %eq3A_2570, %jit3A_2571, %jit3A_2568 : i32
      %rem3A_2573 = vector.broadcast %select_n3A_2572 : i32 to vector<16xi32>
      %rem3A_2574 = arith.remsi %add3A_2567, %rem3A_2573 : vector<16xi32>
      %ne3A_2575 = arith.constant 0 : i32
      %ne3A_2576 = vector.broadcast %ne3A_2575 : i32 to vector<16xi32>
      %ne3A_2577 = arith.cmpi ne, %rem3A_2574, %ne3A_2576 : vector<16xi32>
      %lt3A_2578 = arith.constant 0 : i32
      %lt3A_2579 = vector.broadcast %lt3A_2578 : i32 to vector<16xi32>
      %lt3A_2580 = arith.cmpi slt, %rem3A_2574, %lt3A_2579 : vector<16xi32>
      %lt3A_2581 = arith.constant 0 : i32
      %lt3A_2582 = arith.cmpi slt, %select_n3A_2572, %lt3A_2581 : i32
      %ne3A_2583 = vector.broadcast %lt3A_2582 : i1 to vector<16xi1>
      %ne3A_2584 = vector.broadcast %ne3A_2583 : vector<16xi1> to vector<16xi1>
      %ne3A_2585 = arith.xori %lt3A_2580, %ne3A_2584 : vector<16xi1>
      %and3A_2586 = arith.andi %ne3A_2585, %ne3A_2577 : vector<16xi1>
      %add3A_2587 = vector.broadcast %select_n3A_2572 : i32 to vector<16xi32>
      %add3A_2588 = arith.addi %rem3A_2574, %add3A_2587 : vector<16xi32>
      %select_n3A_2589 = arith.select %and3A_2586, %add3A_2588, %rem3A_2574 : vector<16xi1>, vector<16xi32>
      %max3A_2590 = arith.constant 0 : i32
      %max3A_2591 = vector.broadcast %max3A_2590 : i32 to vector<16xi32>
      %max3A_2592 = arith.maxsi %get3A_2559, %max3A_2591 : vector<16xi32>
      %min3A_2593 = arith.constant 63 : i32
      %min3A_2594 = vector.broadcast %min3A_2593 : i32 to vector<16xi32>
      %min3A_2595 = arith.minsi %max3A_2592, %min3A_2594 : vector<16xi32>
      %max3A_2596 = arith.constant 0 : i32
      %max3A_2597 = vector.broadcast %max3A_2596 : i32 to vector<16xi32>
      %max3A_2598 = arith.maxsi %get3A_2559, %max3A_2597 : vector<16xi32>
      %min3A_2599 = arith.constant 1 : i32
      %min3A_2600 = vector.broadcast %min3A_2599 : i32 to vector<16xi32>
      %min3A_2601 = arith.minsi %max3A_2598, %min3A_2600 : vector<16xi32>
      %mul3A_2602 = arith.constant 64 : i32
      %mul3A_2603 = vector.broadcast %mul3A_2602 : i32 to vector<16xi32>
      %mul3A_2604 = arith.muli %select_n3A_2589, %mul3A_2603 : vector<16xi32>
      %add3A_2605 = arith.addi %mul3A_2604, %min3A_2595 : vector<16xi32>
      %broadcast_in_dim3A_2606 = arith.constant 0 : i32
      %broadcast_in_dim3A_2607 = vector.broadcast %broadcast_in_dim3A_2606 : i32 to vector<16xi32>
      %eq3A_2608 = arith.constant 3 : i32
      %eq3A_2609 = vector.broadcast %eq3A_2608 : i32 to vector<16xi32>
      %eq3A_2610 = arith.cmpi eq, %get3A_2559, %eq3A_2609 : vector<16xi32>
      %jit3A_2611 = arith.constant 1 : i32
      %broadcast_in_dim3A_2612 = vector.broadcast %jit3A_2611 : i32 to vector<16xi32>
      %select_n3A_2613 = arith.select %eq3A_2610, %broadcast_in_dim3A_2612, %broadcast_in_dim3A_2607 : vector<16xi1>, vector<16xi32>
      %eq3A_2614 = arith.constant 4 : i32
      %eq3A_2615 = vector.broadcast %eq3A_2614 : i32 to vector<16xi32>
      %eq3A_2616 = arith.cmpi eq, %get3A_2559, %eq3A_2615 : vector<16xi32>
      %jit3A_2617 = arith.constant 2 : i32
      %broadcast_in_dim3A_2618 = vector.broadcast %jit3A_2617 : i32 to vector<16xi32>
      %select_n3A_2619 = arith.select %eq3A_2616, %broadcast_in_dim3A_2618, %select_n3A_2613 : vector<16xi1>, vector<16xi32>
      %eq3A_2620 = arith.constant 5 : i32
      %eq3A_2621 = vector.broadcast %eq3A_2620 : i32 to vector<16xi32>
      %eq3A_2622 = arith.cmpi eq, %get3A_2559, %eq3A_2621 : vector<16xi32>
      %jit3A_2623 = arith.constant 3 : i32
      %broadcast_in_dim3A_2624 = vector.broadcast %jit3A_2623 : i32 to vector<16xi32>
      %select_n3A_2625 = arith.select %eq3A_2622, %broadcast_in_dim3A_2624, %select_n3A_2619 : vector<16xi1>, vector<16xi32>
      %eq3A_2626 = arith.constant 6 : i32
      %eq3A_2627 = vector.broadcast %eq3A_2626 : i32 to vector<16xi32>
      %eq3A_2628 = arith.cmpi eq, %get3A_2559, %eq3A_2627 : vector<16xi32>
      %jit3A_2629 = arith.constant 4 : i32
      %broadcast_in_dim3A_2630 = vector.broadcast %jit3A_2629 : i32 to vector<16xi32>
      %select_n3A_2631 = arith.select %eq3A_2628, %broadcast_in_dim3A_2630, %select_n3A_2625 : vector<16xi1>, vector<16xi32>
      %eq3A_2632 = arith.constant 7 : i32
      %eq3A_2633 = vector.broadcast %eq3A_2632 : i32 to vector<16xi32>
      %eq3A_2634 = arith.cmpi eq, %get3A_2559, %eq3A_2633 : vector<16xi32>
      %jit3A_2635 = arith.constant 5 : i32
      %broadcast_in_dim3A_2636 = vector.broadcast %jit3A_2635 : i32 to vector<16xi32>
      %select_n3A_2637 = arith.select %eq3A_2634, %broadcast_in_dim3A_2636, %select_n3A_2631 : vector<16xi1>, vector<16xi32>
      %eq3A_2638 = arith.constant 8 : i32
      %eq3A_2639 = vector.broadcast %eq3A_2638 : i32 to vector<16xi32>
      %eq3A_2640 = arith.cmpi eq, %get3A_2559, %eq3A_2639 : vector<16xi32>
      %jit3A_2641 = arith.constant 6 : i32
      %broadcast_in_dim3A_2642 = vector.broadcast %jit3A_2641 : i32 to vector<16xi32>
      %select_n3A_2643 = arith.select %eq3A_2640, %broadcast_in_dim3A_2642, %select_n3A_2637 : vector<16xi1>, vector<16xi32>
      %add3A_2644 = arith.constant 1728 : i32
      %add3A_2645 = vector.broadcast %add3A_2644 : i32 to vector<16xi32>
      %add3A_2646 = arith.addi %add3A_2645, %select_n3A_2643 : vector<16xi32>
      %add3A_2647 = arith.constant 1735 : i32
      %add3A_2648 = vector.broadcast %add3A_2647 : i32 to vector<16xi32>
      %add3A_2649 = arith.addi %add3A_2648, %min3A_2601 : vector<16xi32>
      %add3A_2650 = arith.constant 1737 : i32
      %add3A_2651 = vector.broadcast %add3A_2650 : i32 to vector<16xi32>
      %add3A_2652 = arith.addi %add3A_2651, %min3A_2601 : vector<16xi32>
      %eq3A_2653 = arith.constant 27 : i32
      %eq3A_2654 = vector.broadcast %eq3A_2653 : i32 to vector<16xi32>
      %eq3A_2655 = arith.cmpi eq, %select_n3A_2589, %eq3A_2654 : vector<16xi32>
      %select_n3A_2656 = arith.select %eq3A_2655, %add3A_2646, %add3A_2605 : vector<16xi1>, vector<16xi32>
      %eq3A_2657 = arith.constant 28 : i32
      %eq3A_2658 = vector.broadcast %eq3A_2657 : i32 to vector<16xi32>
      %eq3A_2659 = arith.cmpi eq, %select_n3A_2589, %eq3A_2658 : vector<16xi32>
      %select_n3A_2660 = arith.select %eq3A_2659, %add3A_2649, %select_n3A_2656 : vector<16xi1>, vector<16xi32>
      %eq3A_2661 = arith.constant 29 : i32
      %eq3A_2662 = vector.broadcast %eq3A_2661 : i32 to vector<16xi32>
      %eq3A_2663 = arith.cmpi eq, %select_n3A_2589, %eq3A_2662 : vector<16xi32>
      %select_n3A_2664 = arith.select %eq3A_2663, %add3A_2652, %select_n3A_2660 : vector<16xi1>, vector<16xi32>
      %swap3A_2665 = arith.constant 2 : i32
      %swap3A_2666 = arith.index_cast %swap3A_2665 : i32 to index
      %swap3A_2667 = arith.constant 96 : index
      %swap3A_2668 = tpu.vector_load %arg7[%swap3A_2666, %swap3A_2667] {strides = array<i32>} : memref<4x128xi32, #tpu.memory_space<vmem>>, vector<1x16xi32>,
      %swap3A_2669 = vector.shape_cast %swap3A_2668 : vector<1x16xi32> to vector<16xi32>
      %swap3A_2670 = vector.shape_cast %select_n3A_2664 : vector<16xi32> to vector<1x16xi32>
      tpu.vector_store %arg7[%swap3A_2666, %swap3A_2667], %swap3A_2670 {strides = array<i32>} : memref<4x128xi32, #tpu.memory_space<vmem>>, vector<1x16xi32>,
      %get3A_2671 = arith.constant 2 : i32
      %get3A_2672 = arith.index_cast %get3A_2671 : i32 to index
      %get3A_2673 = arith.constant 112 : index
      %get3A_2674 = tpu.vector_load %arg6[%get3A_2672, %get3A_2673] {strides = array<i32>} : memref<4x128xi32, #tpu.memory_space<vmem>>, vector<1x16xi32>,
      %get3A_2675 = vector.shape_cast %get3A_2674 : vector<1x16xi32> to vector<16xi32>
      %add3A_2676 = arith.constant 2 : i32
      %add3A_2677 = arith.addi %add3A_13, %add3A_2676 : i32
      %mul3A_2678 = arith.constant 128 : i32
      %mul3A_2679 = arith.muli %add3A_2677, %mul3A_2678 : i32
      %add3A_2680 = arith.constant 112 : i32
      %add3A_2681 = arith.addi %mul3A_2679, %add3A_2680 : i32
      %add3A_2682 = vector.broadcast %add3A_2681 : i32 to vector<16xi32>
      %add3A_2683 = arith.addi %add3A_2682, %iota3A : vector<16xi32>
      %jit3A_2684 = arith.constant 30 : i32
      %eq3A_2685 = arith.constant 0 : i32
      %eq3A_2686 = arith.cmpi eq, %jit3A_2684, %eq3A_2685 : i32
      %jit3A_2687 = arith.constant 1 : i32
      %select_n3A_2688 = arith.select %eq3A_2686, %jit3A_2687, %jit3A_2684 : i32
      %rem3A_2689 = vector.broadcast %select_n3A_2688 : i32 to vector<16xi32>
      %rem3A_2690 = arith.remsi %add3A_2683, %rem3A_2689 : vector<16xi32>
      %ne3A_2691 = arith.constant 0 : i32
      %ne3A_2692 = vector.broadcast %ne3A_2691 : i32 to vector<16xi32>
      %ne3A_2693 = arith.cmpi ne, %rem3A_2690, %ne3A_2692 : vector<16xi32>
      %lt3A_2694 = arith.constant 0 : i32
      %lt3A_2695 = vector.broadcast %lt3A_2694 : i32 to vector<16xi32>
      %lt3A_2696 = arith.cmpi slt, %rem3A_2690, %lt3A_2695 : vector<16xi32>
      %lt3A_2697 = arith.constant 0 : i32
      %lt3A_2698 = arith.cmpi slt, %select_n3A_2688, %lt3A_2697 : i32
      %ne3A_2699 = vector.broadcast %lt3A_2698 : i1 to vector<16xi1>
      %ne3A_2700 = vector.broadcast %ne3A_2699 : vector<16xi1> to vector<16xi1>
      %ne3A_2701 = arith.xori %lt3A_2696, %ne3A_2700 : vector<16xi1>
      %and3A_2702 = arith.andi %ne3A_2701, %ne3A_2693 : vector<16xi1>
      %add3A_2703 = vector.broadcast %select_n3A_2688 : i32 to vector<16xi32>
      %add3A_2704 = arith.addi %rem3A_2690, %add3A_2703 : vector<16xi32>
      %select_n3A_2705 = arith.select %and3A_2702, %add3A_2704, %rem3A_2690 : vector<16xi1>, vector<16xi32>
      %max3A_2706 = arith.constant 0 : i32
      %max3A_2707 = vector.broadcast %max3A_2706 : i32 to vector<16xi32>
      %max3A_2708 = arith.maxsi %get3A_2675, %max3A_2707 : vector<16xi32>
      %min3A_2709 = arith.constant 63 : i32
      %min3A_2710 = vector.broadcast %min3A_2709 : i32 to vector<16xi32>
      %min3A_2711 = arith.minsi %max3A_2708, %min3A_2710 : vector<16xi32>
      %max3A_2712 = arith.constant 0 : i32
      %max3A_2713 = vector.broadcast %max3A_2712 : i32 to vector<16xi32>
      %max3A_2714 = arith.maxsi %get3A_2675, %max3A_2713 : vector<16xi32>
      %min3A_2715 = arith.constant 1 : i32
      %min3A_2716 = vector.broadcast %min3A_2715 : i32 to vector<16xi32>
      %min3A_2717 = arith.minsi %max3A_2714, %min3A_2716 : vector<16xi32>
      %mul3A_2718 = arith.constant 64 : i32
      %mul3A_2719 = vector.broadcast %mul3A_2718 : i32 to vector<16xi32>
      %mul3A_2720 = arith.muli %select_n3A_2705, %mul3A_2719 : vector<16xi32>
      %add3A_2721 = arith.addi %mul3A_2720, %min3A_2711 : vector<16xi32>
      %broadcast_in_dim3A_2722 = arith.constant 0 : i32
      %broadcast_in_dim3A_2723 = vector.broadcast %broadcast_in_dim3A_2722 : i32 to vector<16xi32>
      %eq3A_2724 = arith.constant 3 : i32
      %eq3A_2725 = vector.broadcast %eq3A_2724 : i32 to vector<16xi32>
      %eq3A_2726 = arith.cmpi eq, %get3A_2675, %eq3A_2725 : vector<16xi32>
      %jit3A_2727 = arith.constant 1 : i32
      %broadcast_in_dim3A_2728 = vector.broadcast %jit3A_2727 : i32 to vector<16xi32>
      %select_n3A_2729 = arith.select %eq3A_2726, %broadcast_in_dim3A_2728, %broadcast_in_dim3A_2723 : vector<16xi1>, vector<16xi32>
      %eq3A_2730 = arith.constant 4 : i32
      %eq3A_2731 = vector.broadcast %eq3A_2730 : i32 to vector<16xi32>
      %eq3A_2732 = arith.cmpi eq, %get3A_2675, %eq3A_2731 : vector<16xi32>
      %jit3A_2733 = arith.constant 2 : i32
      %broadcast_in_dim3A_2734 = vector.broadcast %jit3A_2733 : i32 to vector<16xi32>
      %select_n3A_2735 = arith.select %eq3A_2732, %broadcast_in_dim3A_2734, %select_n3A_2729 : vector<16xi1>, vector<16xi32>
      %eq3A_2736 = arith.constant 5 : i32
      %eq3A_2737 = vector.broadcast %eq3A_2736 : i32 to vector<16xi32>
      %eq3A_2738 = arith.cmpi eq, %get3A_2675, %eq3A_2737 : vector<16xi32>
      %jit3A_2739 = arith.constant 3 : i32
      %broadcast_in_dim3A_2740 = vector.broadcast %jit3A_2739 : i32 to vector<16xi32>
      %select_n3A_2741 = arith.select %eq3A_2738, %broadcast_in_dim3A_2740, %select_n3A_2735 : vector<16xi1>, vector<16xi32>
      %eq3A_2742 = arith.constant 6 : i32
      %eq3A_2743 = vector.broadcast %eq3A_2742 : i32 to vector<16xi32>
      %eq3A_2744 = arith.cmpi eq, %get3A_2675, %eq3A_2743 : vector<16xi32>
      %jit3A_2745 = arith.constant 4 : i32
      %broadcast_in_dim3A_2746 = vector.broadcast %jit3A_2745 : i32 to vector<16xi32>
      %select_n3A_2747 = arith.select %eq3A_2744, %broadcast_in_dim3A_2746, %select_n3A_2741 : vector<16xi1>, vector<16xi32>
      %eq3A_2748 = arith.constant 7 : i32
      %eq3A_2749 = vector.broadcast %eq3A_2748 : i32 to vector<16xi32>
      %eq3A_2750 = arith.cmpi eq, %get3A_2675, %eq3A_2749 : vector<16xi32>
      %jit3A_2751 = arith.constant 5 : i32
      %broadcast_in_dim3A_2752 = vector.broadcast %jit3A_2751 : i32 to vector<16xi32>
      %select_n3A_2753 = arith.select %eq3A_2750, %broadcast_in_dim3A_2752, %select_n3A_2747 : vector<16xi1>, vector<16xi32>
      %eq3A_2754 = arith.constant 8 : i32
      %eq3A_2755 = vector.broadcast %eq3A_2754 : i32 to vector<16xi32>
      %eq3A_2756 = arith.cmpi eq, %get3A_2675, %eq3A_2755 : vector<16xi32>
      %jit3A_2757 = arith.constant 6 : i32
      %broadcast_in_dim3A_2758 = vector.broadcast %jit3A_2757 : i32 to vector<16xi32>
      %select_n3A_2759 = arith.select %eq3A_2756, %broadcast_in_dim3A_2758, %select_n3A_2753 : vector<16xi1>, vector<16xi32>
      %add3A_2760 = arith.constant 1728 : i32
      %add3A_2761 = vector.broadcast %add3A_2760 : i32 to vector<16xi32>
      %add3A_2762 = arith.addi %add3A_2761, %select_n3A_2759 : vector<16xi32>
      %add3A_2763 = arith.constant 1735 : i32
      %add3A_2764 = vector.broadcast %add3A_2763 : i32 to vector<16xi32>
      %add3A_2765 = arith.addi %add3A_2764, %min3A_2717 : vector<16xi32>
      %add3A_2766 = arith.constant 1737 : i32
      %add3A_2767 = vector.broadcast %add3A_2766 : i32 to vector<16xi32>
      %add3A_2768 = arith.addi %add3A_2767, %min3A_2717 : vector<16xi32>
      %eq3A_2769 = arith.constant 27 : i32
      %eq3A_2770 = vector.broadcast %eq3A_2769 : i32 to vector<16xi32>
      %eq3A_2771 = arith.cmpi eq, %select_n3A_2705, %eq3A_2770 : vector<16xi32>
      %select_n3A_2772 = arith.select %eq3A_2771, %add3A_2762, %add3A_2721 : vector<16xi1>, vector<16xi32>
      %eq3A_2773 = arith.constant 28 : i32
      %eq3A_2774 = vector.broadcast %eq3A_2773 : i32 to vector<16xi32>
      %eq3A_2775 = arith.cmpi eq, %select_n3A_2705, %eq3A_2774 : vector<16xi32>
      %select_n3A_2776 = arith.select %eq3A_2775, %add3A_2765, %select_n3A_2772 : vector<16xi1>, vector<16xi32>
      %eq3A_2777 = arith.constant 29 : i32
      %eq3A_2778 = vector.broadcast %eq3A_2777 : i32 to vector<16xi32>
      %eq3A_2779 = arith.cmpi eq, %select_n3A_2705, %eq3A_2778 : vector<16xi32>
      %select_n3A_2780 = arith.select %eq3A_2779, %add3A_2768, %select_n3A_2776 : vector<16xi1>, vector<16xi32>
      %swap3A_2781 = arith.constant 2 : i32
      %swap3A_2782 = arith.index_cast %swap3A_2781 : i32 to index
      %swap3A_2783 = arith.constant 112 : index
      %swap3A_2784 = tpu.vector_load %arg7[%swap3A_2782, %swap3A_2783] {strides = array<i32>} : memref<4x128xi32, #tpu.memory_space<vmem>>, vector<1x16xi32>,
      %swap3A_2785 = vector.shape_cast %swap3A_2784 : vector<1x16xi32> to vector<16xi32>
      %swap3A_2786 = vector.shape_cast %select_n3A_2780 : vector<16xi32> to vector<1x16xi32>
      tpu.vector_store %arg7[%swap3A_2782, %swap3A_2783], %swap3A_2786 {strides = array<i32>} : memref<4x128xi32, #tpu.memory_space<vmem>>, vector<1x16xi32>,
      %get3A_2787 = arith.constant 3 : i32
      %get3A_2788 = arith.index_cast %get3A_2787 : i32 to index
      %get3A_2789 = arith.constant 0 : index
      %get3A_2790 = tpu.vector_load %arg6[%get3A_2788, %get3A_2789] {strides = array<i32>} : memref<4x128xi32, #tpu.memory_space<vmem>>, vector<1x16xi32>,
      %get3A_2791 = vector.shape_cast %get3A_2790 : vector<1x16xi32> to vector<16xi32>
      %add3A_2792 = arith.constant 3 : i32
      %add3A_2793 = arith.addi %add3A_13, %add3A_2792 : i32
      %mul3A_2794 = arith.constant 128 : i32
      %mul3A_2795 = arith.muli %add3A_2793, %mul3A_2794 : i32
      %add3A_2796 = arith.constant 0 : i32
      %add3A_2797 = arith.addi %mul3A_2795, %add3A_2796 : i32
      %add3A_2798 = vector.broadcast %add3A_2797 : i32 to vector<16xi32>
      %add3A_2799 = arith.addi %add3A_2798, %iota3A : vector<16xi32>
      %jit3A_2800 = arith.constant 30 : i32
      %eq3A_2801 = arith.constant 0 : i32
      %eq3A_2802 = arith.cmpi eq, %jit3A_2800, %eq3A_2801 : i32
      %jit3A_2803 = arith.constant 1 : i32
      %select_n3A_2804 = arith.select %eq3A_2802, %jit3A_2803, %jit3A_2800 : i32
      %rem3A_2805 = vector.broadcast %select_n3A_2804 : i32 to vector<16xi32>
      %rem3A_2806 = arith.remsi %add3A_2799, %rem3A_2805 : vector<16xi32>
      %ne3A_2807 = arith.constant 0 : i32
      %ne3A_2808 = vector.broadcast %ne3A_2807 : i32 to vector<16xi32>
      %ne3A_2809 = arith.cmpi ne, %rem3A_2806, %ne3A_2808 : vector<16xi32>
      %lt3A_2810 = arith.constant 0 : i32
      %lt3A_2811 = vector.broadcast %lt3A_2810 : i32 to vector<16xi32>
      %lt3A_2812 = arith.cmpi slt, %rem3A_2806, %lt3A_2811 : vector<16xi32>
      %lt3A_2813 = arith.constant 0 : i32
      %lt3A_2814 = arith.cmpi slt, %select_n3A_2804, %lt3A_2813 : i32
      %ne3A_2815 = vector.broadcast %lt3A_2814 : i1 to vector<16xi1>
      %ne3A_2816 = vector.broadcast %ne3A_2815 : vector<16xi1> to vector<16xi1>
      %ne3A_2817 = arith.xori %lt3A_2812, %ne3A_2816 : vector<16xi1>
      %and3A_2818 = arith.andi %ne3A_2817, %ne3A_2809 : vector<16xi1>
      %add3A_2819 = vector.broadcast %select_n3A_2804 : i32 to vector<16xi32>
      %add3A_2820 = arith.addi %rem3A_2806, %add3A_2819 : vector<16xi32>
      %select_n3A_2821 = arith.select %and3A_2818, %add3A_2820, %rem3A_2806 : vector<16xi1>, vector<16xi32>
      %max3A_2822 = arith.constant 0 : i32
      %max3A_2823 = vector.broadcast %max3A_2822 : i32 to vector<16xi32>
      %max3A_2824 = arith.maxsi %get3A_2791, %max3A_2823 : vector<16xi32>
      %min3A_2825 = arith.constant 63 : i32
      %min3A_2826 = vector.broadcast %min3A_2825 : i32 to vector<16xi32>
      %min3A_2827 = arith.minsi %max3A_2824, %min3A_2826 : vector<16xi32>
      %max3A_2828 = arith.constant 0 : i32
      %max3A_2829 = vector.broadcast %max3A_2828 : i32 to vector<16xi32>
      %max3A_2830 = arith.maxsi %get3A_2791, %max3A_2829 : vector<16xi32>
      %min3A_2831 = arith.constant 1 : i32
      %min3A_2832 = vector.broadcast %min3A_2831 : i32 to vector<16xi32>
      %min3A_2833 = arith.minsi %max3A_2830, %min3A_2832 : vector<16xi32>
      %mul3A_2834 = arith.constant 64 : i32
      %mul3A_2835 = vector.broadcast %mul3A_2834 : i32 to vector<16xi32>
      %mul3A_2836 = arith.muli %select_n3A_2821, %mul3A_2835 : vector<16xi32>
      %add3A_2837 = arith.addi %mul3A_2836, %min3A_2827 : vector<16xi32>
      %broadcast_in_dim3A_2838 = arith.constant 0 : i32
      %broadcast_in_dim3A_2839 = vector.broadcast %broadcast_in_dim3A_2838 : i32 to vector<16xi32>
      %eq3A_2840 = arith.constant 3 : i32
      %eq3A_2841 = vector.broadcast %eq3A_2840 : i32 to vector<16xi32>
      %eq3A_2842 = arith.cmpi eq, %get3A_2791, %eq3A_2841 : vector<16xi32>
      %jit3A_2843 = arith.constant 1 : i32
      %broadcast_in_dim3A_2844 = vector.broadcast %jit3A_2843 : i32 to vector<16xi32>
      %select_n3A_2845 = arith.select %eq3A_2842, %broadcast_in_dim3A_2844, %broadcast_in_dim3A_2839 : vector<16xi1>, vector<16xi32>
      %eq3A_2846 = arith.constant 4 : i32
      %eq3A_2847 = vector.broadcast %eq3A_2846 : i32 to vector<16xi32>
      %eq3A_2848 = arith.cmpi eq, %get3A_2791, %eq3A_2847 : vector<16xi32>
      %jit3A_2849 = arith.constant 2 : i32
      %broadcast_in_dim3A_2850 = vector.broadcast %jit3A_2849 : i32 to vector<16xi32>
      %select_n3A_2851 = arith.select %eq3A_2848, %broadcast_in_dim3A_2850, %select_n3A_2845 : vector<16xi1>, vector<16xi32>
      %eq3A_2852 = arith.constant 5 : i32
      %eq3A_2853 = vector.broadcast %eq3A_2852 : i32 to vector<16xi32>
      %eq3A_2854 = arith.cmpi eq, %get3A_2791, %eq3A_2853 : vector<16xi32>
      %jit3A_2855 = arith.constant 3 : i32
      %broadcast_in_dim3A_2856 = vector.broadcast %jit3A_2855 : i32 to vector<16xi32>
      %select_n3A_2857 = arith.select %eq3A_2854, %broadcast_in_dim3A_2856, %select_n3A_2851 : vector<16xi1>, vector<16xi32>
      %eq3A_2858 = arith.constant 6 : i32
      %eq3A_2859 = vector.broadcast %eq3A_2858 : i32 to vector<16xi32>
      %eq3A_2860 = arith.cmpi eq, %get3A_2791, %eq3A_2859 : vector<16xi32>
      %jit3A_2861 = arith.constant 4 : i32
      %broadcast_in_dim3A_2862 = vector.broadcast %jit3A_2861 : i32 to vector<16xi32>
      %select_n3A_2863 = arith.select %eq3A_2860, %broadcast_in_dim3A_2862, %select_n3A_2857 : vector<16xi1>, vector<16xi32>
      %eq3A_2864 = arith.constant 7 : i32
      %eq3A_2865 = vector.broadcast %eq3A_2864 : i32 to vector<16xi32>
      %eq3A_2866 = arith.cmpi eq, %get3A_2791, %eq3A_2865 : vector<16xi32>
      %jit3A_2867 = arith.constant 5 : i32
      %broadcast_in_dim3A_2868 = vector.broadcast %jit3A_2867 : i32 to vector<16xi32>
      %select_n3A_2869 = arith.select %eq3A_2866, %broadcast_in_dim3A_2868, %select_n3A_2863 : vector<16xi1>, vector<16xi32>
      %eq3A_2870 = arith.constant 8 : i32
      %eq3A_2871 = vector.broadcast %eq3A_2870 : i32 to vector<16xi32>
      %eq3A_2872 = arith.cmpi eq, %get3A_2791, %eq3A_2871 : vector<16xi32>
      %jit3A_2873 = arith.constant 6 : i32
      %broadcast_in_dim3A_2874 = vector.broadcast %jit3A_2873 : i32 to vector<16xi32>
      %select_n3A_2875 = arith.select %eq3A_2872, %broadcast_in_dim3A_2874, %select_n3A_2869 : vector<16xi1>, vector<16xi32>
      %add3A_2876 = arith.constant 1728 : i32
      %add3A_2877 = vector.broadcast %add3A_2876 : i32 to vector<16xi32>
      %add3A_2878 = arith.addi %add3A_2877, %select_n3A_2875 : vector<16xi32>
      %add3A_2879 = arith.constant 1735 : i32
      %add3A_2880 = vector.broadcast %add3A_2879 : i32 to vector<16xi32>
      %add3A_2881 = arith.addi %add3A_2880, %min3A_2833 : vector<16xi32>
      %add3A_2882 = arith.constant 1737 : i32
      %add3A_2883 = vector.broadcast %add3A_2882 : i32 to vector<16xi32>
      %add3A_2884 = arith.addi %add3A_2883, %min3A_2833 : vector<16xi32>
      %eq3A_2885 = arith.constant 27 : i32
      %eq3A_2886 = vector.broadcast %eq3A_2885 : i32 to vector<16xi32>
      %eq3A_2887 = arith.cmpi eq, %select_n3A_2821, %eq3A_2886 : vector<16xi32>
      %select_n3A_2888 = arith.select %eq3A_2887, %add3A_2878, %add3A_2837 : vector<16xi1>, vector<16xi32>
      %eq3A_2889 = arith.constant 28 : i32
      %eq3A_2890 = vector.broadcast %eq3A_2889 : i32 to vector<16xi32>
      %eq3A_2891 = arith.cmpi eq, %select_n3A_2821, %eq3A_2890 : vector<16xi32>
      %select_n3A_2892 = arith.select %eq3A_2891, %add3A_2881, %select_n3A_2888 : vector<16xi1>, vector<16xi32>
      %eq3A_2893 = arith.constant 29 : i32
      %eq3A_2894 = vector.broadcast %eq3A_2893 : i32 to vector<16xi32>
      %eq3A_2895 = arith.cmpi eq, %select_n3A_2821, %eq3A_2894 : vector<16xi32>
      %select_n3A_2896 = arith.select %eq3A_2895, %add3A_2884, %select_n3A_2892 : vector<16xi1>, vector<16xi32>
      %swap3A_2897 = arith.constant 3 : i32
      %swap3A_2898 = arith.index_cast %swap3A_2897 : i32 to index
      %swap3A_2899 = arith.constant 0 : index
      %swap3A_2900 = tpu.vector_load %arg7[%swap3A_2898, %swap3A_2899] {strides = array<i32>} : memref<4x128xi32, #tpu.memory_space<vmem>>, vector<1x16xi32>,
      %swap3A_2901 = vector.shape_cast %swap3A_2900 : vector<1x16xi32> to vector<16xi32>
      %swap3A_2902 = vector.shape_cast %select_n3A_2896 : vector<16xi32> to vector<1x16xi32>
      tpu.vector_store %arg7[%swap3A_2898, %swap3A_2899], %swap3A_2902 {strides = array<i32>} : memref<4x128xi32, #tpu.memory_space<vmem>>, vector<1x16xi32>,
      %get3A_2903 = arith.constant 3 : i32
      %get3A_2904 = arith.index_cast %get3A_2903 : i32 to index
      %get3A_2905 = arith.constant 16 : index
      %get3A_2906 = tpu.vector_load %arg6[%get3A_2904, %get3A_2905] {strides = array<i32>} : memref<4x128xi32, #tpu.memory_space<vmem>>, vector<1x16xi32>,
      %get3A_2907 = vector.shape_cast %get3A_2906 : vector<1x16xi32> to vector<16xi32>
      %add3A_2908 = arith.constant 3 : i32
      %add3A_2909 = arith.addi %add3A_13, %add3A_2908 : i32
      %mul3A_2910 = arith.constant 128 : i32
      %mul3A_2911 = arith.muli %add3A_2909, %mul3A_2910 : i32
      %add3A_2912 = arith.constant 16 : i32
      %add3A_2913 = arith.addi %mul3A_2911, %add3A_2912 : i32
      %add3A_2914 = vector.broadcast %add3A_2913 : i32 to vector<16xi32>
      %add3A_2915 = arith.addi %add3A_2914, %iota3A : vector<16xi32>
      %jit3A_2916 = arith.constant 30 : i32
      %eq3A_2917 = arith.constant 0 : i32
      %eq3A_2918 = arith.cmpi eq, %jit3A_2916, %eq3A_2917 : i32
      %jit3A_2919 = arith.constant 1 : i32
      %select_n3A_2920 = arith.select %eq3A_2918, %jit3A_2919, %jit3A_2916 : i32
      %rem3A_2921 = vector.broadcast %select_n3A_2920 : i32 to vector<16xi32>
      %rem3A_2922 = arith.remsi %add3A_2915, %rem3A_2921 : vector<16xi32>
      %ne3A_2923 = arith.constant 0 : i32
      %ne3A_2924 = vector.broadcast %ne3A_2923 : i32 to vector<16xi32>
      %ne3A_2925 = arith.cmpi ne, %rem3A_2922, %ne3A_2924 : vector<16xi32>
      %lt3A_2926 = arith.constant 0 : i32
      %lt3A_2927 = vector.broadcast %lt3A_2926 : i32 to vector<16xi32>
      %lt3A_2928 = arith.cmpi slt, %rem3A_2922, %lt3A_2927 : vector<16xi32>
      %lt3A_2929 = arith.constant 0 : i32
      %lt3A_2930 = arith.cmpi slt, %select_n3A_2920, %lt3A_2929 : i32
      %ne3A_2931 = vector.broadcast %lt3A_2930 : i1 to vector<16xi1>
      %ne3A_2932 = vector.broadcast %ne3A_2931 : vector<16xi1> to vector<16xi1>
      %ne3A_2933 = arith.xori %lt3A_2928, %ne3A_2932 : vector<16xi1>
      %and3A_2934 = arith.andi %ne3A_2933, %ne3A_2925 : vector<16xi1>
      %add3A_2935 = vector.broadcast %select_n3A_2920 : i32 to vector<16xi32>
      %add3A_2936 = arith.addi %rem3A_2922, %add3A_2935 : vector<16xi32>
      %select_n3A_2937 = arith.select %and3A_2934, %add3A_2936, %rem3A_2922 : vector<16xi1>, vector<16xi32>
      %max3A_2938 = arith.constant 0 : i32
      %max3A_2939 = vector.broadcast %max3A_2938 : i32 to vector<16xi32>
      %max3A_2940 = arith.maxsi %get3A_2907, %max3A_2939 : vector<16xi32>
      %min3A_2941 = arith.constant 63 : i32
      %min3A_2942 = vector.broadcast %min3A_2941 : i32 to vector<16xi32>
      %min3A_2943 = arith.minsi %max3A_2940, %min3A_2942 : vector<16xi32>
      %max3A_2944 = arith.constant 0 : i32
      %max3A_2945 = vector.broadcast %max3A_2944 : i32 to vector<16xi32>
      %max3A_2946 = arith.maxsi %get3A_2907, %max3A_2945 : vector<16xi32>
      %min3A_2947 = arith.constant 1 : i32
      %min3A_2948 = vector.broadcast %min3A_2947 : i32 to vector<16xi32>
      %min3A_2949 = arith.minsi %max3A_2946, %min3A_2948 : vector<16xi32>
      %mul3A_2950 = arith.constant 64 : i32
      %mul3A_2951 = vector.broadcast %mul3A_2950 : i32 to vector<16xi32>
      %mul3A_2952 = arith.muli %select_n3A_2937, %mul3A_2951 : vector<16xi32>
      %add3A_2953 = arith.addi %mul3A_2952, %min3A_2943 : vector<16xi32>
      %broadcast_in_dim3A_2954 = arith.constant 0 : i32
      %broadcast_in_dim3A_2955 = vector.broadcast %broadcast_in_dim3A_2954 : i32 to vector<16xi32>
      %eq3A_2956 = arith.constant 3 : i32
      %eq3A_2957 = vector.broadcast %eq3A_2956 : i32 to vector<16xi32>
      %eq3A_2958 = arith.cmpi eq, %get3A_2907, %eq3A_2957 : vector<16xi32>
      %jit3A_2959 = arith.constant 1 : i32
      %broadcast_in_dim3A_2960 = vector.broadcast %jit3A_2959 : i32 to vector<16xi32>
      %select_n3A_2961 = arith.select %eq3A_2958, %broadcast_in_dim3A_2960, %broadcast_in_dim3A_2955 : vector<16xi1>, vector<16xi32>
      %eq3A_2962 = arith.constant 4 : i32
      %eq3A_2963 = vector.broadcast %eq3A_2962 : i32 to vector<16xi32>
      %eq3A_2964 = arith.cmpi eq, %get3A_2907, %eq3A_2963 : vector<16xi32>
      %jit3A_2965 = arith.constant 2 : i32
      %broadcast_in_dim3A_2966 = vector.broadcast %jit3A_2965 : i32 to vector<16xi32>
      %select_n3A_2967 = arith.select %eq3A_2964, %broadcast_in_dim3A_2966, %select_n3A_2961 : vector<16xi1>, vector<16xi32>
      %eq3A_2968 = arith.constant 5 : i32
      %eq3A_2969 = vector.broadcast %eq3A_2968 : i32 to vector<16xi32>
      %eq3A_2970 = arith.cmpi eq, %get3A_2907, %eq3A_2969 : vector<16xi32>
      %jit3A_2971 = arith.constant 3 : i32
      %broadcast_in_dim3A_2972 = vector.broadcast %jit3A_2971 : i32 to vector<16xi32>
      %select_n3A_2973 = arith.select %eq3A_2970, %broadcast_in_dim3A_2972, %select_n3A_2967 : vector<16xi1>, vector<16xi32>
      %eq3A_2974 = arith.constant 6 : i32
      %eq3A_2975 = vector.broadcast %eq3A_2974 : i32 to vector<16xi32>
      %eq3A_2976 = arith.cmpi eq, %get3A_2907, %eq3A_2975 : vector<16xi32>
      %jit3A_2977 = arith.constant 4 : i32
      %broadcast_in_dim3A_2978 = vector.broadcast %jit3A_2977 : i32 to vector<16xi32>
      %select_n3A_2979 = arith.select %eq3A_2976, %broadcast_in_dim3A_2978, %select_n3A_2973 : vector<16xi1>, vector<16xi32>
      %eq3A_2980 = arith.constant 7 : i32
      %eq3A_2981 = vector.broadcast %eq3A_2980 : i32 to vector<16xi32>
      %eq3A_2982 = arith.cmpi eq, %get3A_2907, %eq3A_2981 : vector<16xi32>
      %jit3A_2983 = arith.constant 5 : i32
      %broadcast_in_dim3A_2984 = vector.broadcast %jit3A_2983 : i32 to vector<16xi32>
      %select_n3A_2985 = arith.select %eq3A_2982, %broadcast_in_dim3A_2984, %select_n3A_2979 : vector<16xi1>, vector<16xi32>
      %eq3A_2986 = arith.constant 8 : i32
      %eq3A_2987 = vector.broadcast %eq3A_2986 : i32 to vector<16xi32>
      %eq3A_2988 = arith.cmpi eq, %get3A_2907, %eq3A_2987 : vector<16xi32>
      %jit3A_2989 = arith.constant 6 : i32
      %broadcast_in_dim3A_2990 = vector.broadcast %jit3A_2989 : i32 to vector<16xi32>
      %select_n3A_2991 = arith.select %eq3A_2988, %broadcast_in_dim3A_2990, %select_n3A_2985 : vector<16xi1>, vector<16xi32>
      %add3A_2992 = arith.constant 1728 : i32
      %add3A_2993 = vector.broadcast %add3A_2992 : i32 to vector<16xi32>
      %add3A_2994 = arith.addi %add3A_2993, %select_n3A_2991 : vector<16xi32>
      %add3A_2995 = arith.constant 1735 : i32
      %add3A_2996 = vector.broadcast %add3A_2995 : i32 to vector<16xi32>
      %add3A_2997 = arith.addi %add3A_2996, %min3A_2949 : vector<16xi32>
      %add3A_2998 = arith.constant 1737 : i32
      %add3A_2999 = vector.broadcast %add3A_2998 : i32 to vector<16xi32>
      %add3A_3000 = arith.addi %add3A_2999, %min3A_2949 : vector<16xi32>
      %eq3A_3001 = arith.constant 27 : i32
      %eq3A_3002 = vector.broadcast %eq3A_3001 : i32 to vector<16xi32>
      %eq3A_3003 = arith.cmpi eq, %select_n3A_2937, %eq3A_3002 : vector<16xi32>
      %select_n3A_3004 = arith.select %eq3A_3003, %add3A_2994, %add3A_2953 : vector<16xi1>, vector<16xi32>
      %eq3A_3005 = arith.constant 28 : i32
      %eq3A_3006 = vector.broadcast %eq3A_3005 : i32 to vector<16xi32>
      %eq3A_3007 = arith.cmpi eq, %select_n3A_2937, %eq3A_3006 : vector<16xi32>
      %select_n3A_3008 = arith.select %eq3A_3007, %add3A_2997, %select_n3A_3004 : vector<16xi1>, vector<16xi32>
      %eq3A_3009 = arith.constant 29 : i32
      %eq3A_3010 = vector.broadcast %eq3A_3009 : i32 to vector<16xi32>
      %eq3A_3011 = arith.cmpi eq, %select_n3A_2937, %eq3A_3010 : vector<16xi32>
      %select_n3A_3012 = arith.select %eq3A_3011, %add3A_3000, %select_n3A_3008 : vector<16xi1>, vector<16xi32>
      %swap3A_3013 = arith.constant 3 : i32
      %swap3A_3014 = arith.index_cast %swap3A_3013 : i32 to index
      %swap3A_3015 = arith.constant 16 : index
      %swap3A_3016 = tpu.vector_load %arg7[%swap3A_3014, %swap3A_3015] {strides = array<i32>} : memref<4x128xi32, #tpu.memory_space<vmem>>, vector<1x16xi32>,
      %swap3A_3017 = vector.shape_cast %swap3A_3016 : vector<1x16xi32> to vector<16xi32>
      %swap3A_3018 = vector.shape_cast %select_n3A_3012 : vector<16xi32> to vector<1x16xi32>
      tpu.vector_store %arg7[%swap3A_3014, %swap3A_3015], %swap3A_3018 {strides = array<i32>} : memref<4x128xi32, #tpu.memory_space<vmem>>, vector<1x16xi32>,
      %get3A_3019 = arith.constant 3 : i32
      %get3A_3020 = arith.index_cast %get3A_3019 : i32 to index
      %get3A_3021 = arith.constant 32 : index
      %get3A_3022 = tpu.vector_load %arg6[%get3A_3020, %get3A_3021] {strides = array<i32>} : memref<4x128xi32, #tpu.memory_space<vmem>>, vector<1x16xi32>,
      %get3A_3023 = vector.shape_cast %get3A_3022 : vector<1x16xi32> to vector<16xi32>
      %add3A_3024 = arith.constant 3 : i32
      %add3A_3025 = arith.addi %add3A_13, %add3A_3024 : i32
      %mul3A_3026 = arith.constant 128 : i32
      %mul3A_3027 = arith.muli %add3A_3025, %mul3A_3026 : i32
      %add3A_3028 = arith.constant 32 : i32
      %add3A_3029 = arith.addi %mul3A_3027, %add3A_3028 : i32
      %add3A_3030 = vector.broadcast %add3A_3029 : i32 to vector<16xi32>
      %add3A_3031 = arith.addi %add3A_3030, %iota3A : vector<16xi32>
      %jit3A_3032 = arith.constant 30 : i32
      %eq3A_3033 = arith.constant 0 : i32
      %eq3A_3034 = arith.cmpi eq, %jit3A_3032, %eq3A_3033 : i32
      %jit3A_3035 = arith.constant 1 : i32
      %select_n3A_3036 = arith.select %eq3A_3034, %jit3A_3035, %jit3A_3032 : i32
      %rem3A_3037 = vector.broadcast %select_n3A_3036 : i32 to vector<16xi32>
      %rem3A_3038 = arith.remsi %add3A_3031, %rem3A_3037 : vector<16xi32>
      %ne3A_3039 = arith.constant 0 : i32
      %ne3A_3040 = vector.broadcast %ne3A_3039 : i32 to vector<16xi32>
      %ne3A_3041 = arith.cmpi ne, %rem3A_3038, %ne3A_3040 : vector<16xi32>
      %lt3A_3042 = arith.constant 0 : i32
      %lt3A_3043 = vector.broadcast %lt3A_3042 : i32 to vector<16xi32>
      %lt3A_3044 = arith.cmpi slt, %rem3A_3038, %lt3A_3043 : vector<16xi32>
      %lt3A_3045 = arith.constant 0 : i32
      %lt3A_3046 = arith.cmpi slt, %select_n3A_3036, %lt3A_3045 : i32
      %ne3A_3047 = vector.broadcast %lt3A_3046 : i1 to vector<16xi1>
      %ne3A_3048 = vector.broadcast %ne3A_3047 : vector<16xi1> to vector<16xi1>
      %ne3A_3049 = arith.xori %lt3A_3044, %ne3A_3048 : vector<16xi1>
      %and3A_3050 = arith.andi %ne3A_3049, %ne3A_3041 : vector<16xi1>
      %add3A_3051 = vector.broadcast %select_n3A_3036 : i32 to vector<16xi32>
      %add3A_3052 = arith.addi %rem3A_3038, %add3A_3051 : vector<16xi32>
      %select_n3A_3053 = arith.select %and3A_3050, %add3A_3052, %rem3A_3038 : vector<16xi1>, vector<16xi32>
      %max3A_3054 = arith.constant 0 : i32
      %max3A_3055 = vector.broadcast %max3A_3054 : i32 to vector<16xi32>
      %max3A_3056 = arith.maxsi %get3A_3023, %max3A_3055 : vector<16xi32>
      %min3A_3057 = arith.constant 63 : i32
      %min3A_3058 = vector.broadcast %min3A_3057 : i32 to vector<16xi32>
      %min3A_3059 = arith.minsi %max3A_3056, %min3A_3058 : vector<16xi32>
      %max3A_3060 = arith.constant 0 : i32
      %max3A_3061 = vector.broadcast %max3A_3060 : i32 to vector<16xi32>
      %max3A_3062 = arith.maxsi %get3A_3023, %max3A_3061 : vector<16xi32>
      %min3A_3063 = arith.constant 1 : i32
      %min3A_3064 = vector.broadcast %min3A_3063 : i32 to vector<16xi32>
      %min3A_3065 = arith.minsi %max3A_3062, %min3A_3064 : vector<16xi32>
      %mul3A_3066 = arith.constant 64 : i32
      %mul3A_3067 = vector.broadcast %mul3A_3066 : i32 to vector<16xi32>
      %mul3A_3068 = arith.muli %select_n3A_3053, %mul3A_3067 : vector<16xi32>
      %add3A_3069 = arith.addi %mul3A_3068, %min3A_3059 : vector<16xi32>
      %broadcast_in_dim3A_3070 = arith.constant 0 : i32
      %broadcast_in_dim3A_3071 = vector.broadcast %broadcast_in_dim3A_3070 : i32 to vector<16xi32>
      %eq3A_3072 = arith.constant 3 : i32
      %eq3A_3073 = vector.broadcast %eq3A_3072 : i32 to vector<16xi32>
      %eq3A_3074 = arith.cmpi eq, %get3A_3023, %eq3A_3073 : vector<16xi32>
      %jit3A_3075 = arith.constant 1 : i32
      %broadcast_in_dim3A_3076 = vector.broadcast %jit3A_3075 : i32 to vector<16xi32>
      %select_n3A_3077 = arith.select %eq3A_3074, %broadcast_in_dim3A_3076, %broadcast_in_dim3A_3071 : vector<16xi1>, vector<16xi32>
      %eq3A_3078 = arith.constant 4 : i32
      %eq3A_3079 = vector.broadcast %eq3A_3078 : i32 to vector<16xi32>
      %eq3A_3080 = arith.cmpi eq, %get3A_3023, %eq3A_3079 : vector<16xi32>
      %jit3A_3081 = arith.constant 2 : i32
      %broadcast_in_dim3A_3082 = vector.broadcast %jit3A_3081 : i32 to vector<16xi32>
      %select_n3A_3083 = arith.select %eq3A_3080, %broadcast_in_dim3A_3082, %select_n3A_3077 : vector<16xi1>, vector<16xi32>
      %eq3A_3084 = arith.constant 5 : i32
      %eq3A_3085 = vector.broadcast %eq3A_3084 : i32 to vector<16xi32>
      %eq3A_3086 = arith.cmpi eq, %get3A_3023, %eq3A_3085 : vector<16xi32>
      %jit3A_3087 = arith.constant 3 : i32
      %broadcast_in_dim3A_3088 = vector.broadcast %jit3A_3087 : i32 to vector<16xi32>
      %select_n3A_3089 = arith.select %eq3A_3086, %broadcast_in_dim3A_3088, %select_n3A_3083 : vector<16xi1>, vector<16xi32>
      %eq3A_3090 = arith.constant 6 : i32
      %eq3A_3091 = vector.broadcast %eq3A_3090 : i32 to vector<16xi32>
      %eq3A_3092 = arith.cmpi eq, %get3A_3023, %eq3A_3091 : vector<16xi32>
      %jit3A_3093 = arith.constant 4 : i32
      %broadcast_in_dim3A_3094 = vector.broadcast %jit3A_3093 : i32 to vector<16xi32>
      %select_n3A_3095 = arith.select %eq3A_3092, %broadcast_in_dim3A_3094, %select_n3A_3089 : vector<16xi1>, vector<16xi32>
      %eq3A_3096 = arith.constant 7 : i32
      %eq3A_3097 = vector.broadcast %eq3A_3096 : i32 to vector<16xi32>
      %eq3A_3098 = arith.cmpi eq, %get3A_3023, %eq3A_3097 : vector<16xi32>
      %jit3A_3099 = arith.constant 5 : i32
      %broadcast_in_dim3A_3100 = vector.broadcast %jit3A_3099 : i32 to vector<16xi32>
      %select_n3A_3101 = arith.select %eq3A_3098, %broadcast_in_dim3A_3100, %select_n3A_3095 : vector<16xi1>, vector<16xi32>
      %eq3A_3102 = arith.constant 8 : i32
      %eq3A_3103 = vector.broadcast %eq3A_3102 : i32 to vector<16xi32>
      %eq3A_3104 = arith.cmpi eq, %get3A_3023, %eq3A_3103 : vector<16xi32>
      %jit3A_3105 = arith.constant 6 : i32
      %broadcast_in_dim3A_3106 = vector.broadcast %jit3A_3105 : i32 to vector<16xi32>
      %select_n3A_3107 = arith.select %eq3A_3104, %broadcast_in_dim3A_3106, %select_n3A_3101 : vector<16xi1>, vector<16xi32>
      %add3A_3108 = arith.constant 1728 : i32
      %add3A_3109 = vector.broadcast %add3A_3108 : i32 to vector<16xi32>
      %add3A_3110 = arith.addi %add3A_3109, %select_n3A_3107 : vector<16xi32>
      %add3A_3111 = arith.constant 1735 : i32
      %add3A_3112 = vector.broadcast %add3A_3111 : i32 to vector<16xi32>
      %add3A_3113 = arith.addi %add3A_3112, %min3A_3065 : vector<16xi32>
      %add3A_3114 = arith.constant 1737 : i32
      %add3A_3115 = vector.broadcast %add3A_3114 : i32 to vector<16xi32>
      %add3A_3116 = arith.addi %add3A_3115, %min3A_3065 : vector<16xi32>
      %eq3A_3117 = arith.constant 27 : i32
      %eq3A_3118 = vector.broadcast %eq3A_3117 : i32 to vector<16xi32>
      %eq3A_3119 = arith.cmpi eq, %select_n3A_3053, %eq3A_3118 : vector<16xi32>
      %select_n3A_3120 = arith.select %eq3A_3119, %add3A_3110, %add3A_3069 : vector<16xi1>, vector<16xi32>
      %eq3A_3121 = arith.constant 28 : i32
      %eq3A_3122 = vector.broadcast %eq3A_3121 : i32 to vector<16xi32>
      %eq3A_3123 = arith.cmpi eq, %select_n3A_3053, %eq3A_3122 : vector<16xi32>
      %select_n3A_3124 = arith.select %eq3A_3123, %add3A_3113, %select_n3A_3120 : vector<16xi1>, vector<16xi32>
      %eq3A_3125 = arith.constant 29 : i32
      %eq3A_3126 = vector.broadcast %eq3A_3125 : i32 to vector<16xi32>
      %eq3A_3127 = arith.cmpi eq, %select_n3A_3053, %eq3A_3126 : vector<16xi32>
      %select_n3A_3128 = arith.select %eq3A_3127, %add3A_3116, %select_n3A_3124 : vector<16xi1>, vector<16xi32>
      %swap3A_3129 = arith.constant 3 : i32
      %swap3A_3130 = arith.index_cast %swap3A_3129 : i32 to index
      %swap3A_3131 = arith.constant 32 : index
      %swap3A_3132 = tpu.vector_load %arg7[%swap3A_3130, %swap3A_3131] {strides = array<i32>} : memref<4x128xi32, #tpu.memory_space<vmem>>, vector<1x16xi32>,
      %swap3A_3133 = vector.shape_cast %swap3A_3132 : vector<1x16xi32> to vector<16xi32>
      %swap3A_3134 = vector.shape_cast %select_n3A_3128 : vector<16xi32> to vector<1x16xi32>
      tpu.vector_store %arg7[%swap3A_3130, %swap3A_3131], %swap3A_3134 {strides = array<i32>} : memref<4x128xi32, #tpu.memory_space<vmem>>, vector<1x16xi32>,
      %get3A_3135 = arith.constant 3 : i32
      %get3A_3136 = arith.index_cast %get3A_3135 : i32 to index
      %get3A_3137 = arith.constant 48 : index
      %get3A_3138 = tpu.vector_load %arg6[%get3A_3136, %get3A_3137] {strides = array<i32>} : memref<4x128xi32, #tpu.memory_space<vmem>>, vector<1x16xi32>,
      %get3A_3139 = vector.shape_cast %get3A_3138 : vector<1x16xi32> to vector<16xi32>
      %add3A_3140 = arith.constant 3 : i32
      %add3A_3141 = arith.addi %add3A_13, %add3A_3140 : i32
      %mul3A_3142 = arith.constant 128 : i32
      %mul3A_3143 = arith.muli %add3A_3141, %mul3A_3142 : i32
      %add3A_3144 = arith.constant 48 : i32
      %add3A_3145 = arith.addi %mul3A_3143, %add3A_3144 : i32
      %add3A_3146 = vector.broadcast %add3A_3145 : i32 to vector<16xi32>
      %add3A_3147 = arith.addi %add3A_3146, %iota3A : vector<16xi32>
      %jit3A_3148 = arith.constant 30 : i32
      %eq3A_3149 = arith.constant 0 : i32
      %eq3A_3150 = arith.cmpi eq, %jit3A_3148, %eq3A_3149 : i32
      %jit3A_3151 = arith.constant 1 : i32
      %select_n3A_3152 = arith.select %eq3A_3150, %jit3A_3151, %jit3A_3148 : i32
      %rem3A_3153 = vector.broadcast %select_n3A_3152 : i32 to vector<16xi32>
      %rem3A_3154 = arith.remsi %add3A_3147, %rem3A_3153 : vector<16xi32>
      %ne3A_3155 = arith.constant 0 : i32
      %ne3A_3156 = vector.broadcast %ne3A_3155 : i32 to vector<16xi32>
      %ne3A_3157 = arith.cmpi ne, %rem3A_3154, %ne3A_3156 : vector<16xi32>
      %lt3A_3158 = arith.constant 0 : i32
      %lt3A_3159 = vector.broadcast %lt3A_3158 : i32 to vector<16xi32>
      %lt3A_3160 = arith.cmpi slt, %rem3A_3154, %lt3A_3159 : vector<16xi32>
      %lt3A_3161 = arith.constant 0 : i32
      %lt3A_3162 = arith.cmpi slt, %select_n3A_3152, %lt3A_3161 : i32
      %ne3A_3163 = vector.broadcast %lt3A_3162 : i1 to vector<16xi1>
      %ne3A_3164 = vector.broadcast %ne3A_3163 : vector<16xi1> to vector<16xi1>
      %ne3A_3165 = arith.xori %lt3A_3160, %ne3A_3164 : vector<16xi1>
      %and3A_3166 = arith.andi %ne3A_3165, %ne3A_3157 : vector<16xi1>
      %add3A_3167 = vector.broadcast %select_n3A_3152 : i32 to vector<16xi32>
      %add3A_3168 = arith.addi %rem3A_3154, %add3A_3167 : vector<16xi32>
      %select_n3A_3169 = arith.select %and3A_3166, %add3A_3168, %rem3A_3154 : vector<16xi1>, vector<16xi32>
      %max3A_3170 = arith.constant 0 : i32
      %max3A_3171 = vector.broadcast %max3A_3170 : i32 to vector<16xi32>
      %max3A_3172 = arith.maxsi %get3A_3139, %max3A_3171 : vector<16xi32>
      %min3A_3173 = arith.constant 63 : i32
      %min3A_3174 = vector.broadcast %min3A_3173 : i32 to vector<16xi32>
      %min3A_3175 = arith.minsi %max3A_3172, %min3A_3174 : vector<16xi32>
      %max3A_3176 = arith.constant 0 : i32
      %max3A_3177 = vector.broadcast %max3A_3176 : i32 to vector<16xi32>
      %max3A_3178 = arith.maxsi %get3A_3139, %max3A_3177 : vector<16xi32>
      %min3A_3179 = arith.constant 1 : i32
      %min3A_3180 = vector.broadcast %min3A_3179 : i32 to vector<16xi32>
      %min3A_3181 = arith.minsi %max3A_3178, %min3A_3180 : vector<16xi32>
      %mul3A_3182 = arith.constant 64 : i32
      %mul3A_3183 = vector.broadcast %mul3A_3182 : i32 to vector<16xi32>
      %mul3A_3184 = arith.muli %select_n3A_3169, %mul3A_3183 : vector<16xi32>
      %add3A_3185 = arith.addi %mul3A_3184, %min3A_3175 : vector<16xi32>
      %broadcast_in_dim3A_3186 = arith.constant 0 : i32
      %broadcast_in_dim3A_3187 = vector.broadcast %broadcast_in_dim3A_3186 : i32 to vector<16xi32>
      %eq3A_3188 = arith.constant 3 : i32
      %eq3A_3189 = vector.broadcast %eq3A_3188 : i32 to vector<16xi32>
      %eq3A_3190 = arith.cmpi eq, %get3A_3139, %eq3A_3189 : vector<16xi32>
      %jit3A_3191 = arith.constant 1 : i32
      %broadcast_in_dim3A_3192 = vector.broadcast %jit3A_3191 : i32 to vector<16xi32>
      %select_n3A_3193 = arith.select %eq3A_3190, %broadcast_in_dim3A_3192, %broadcast_in_dim3A_3187 : vector<16xi1>, vector<16xi32>
      %eq3A_3194 = arith.constant 4 : i32
      %eq3A_3195 = vector.broadcast %eq3A_3194 : i32 to vector<16xi32>
      %eq3A_3196 = arith.cmpi eq, %get3A_3139, %eq3A_3195 : vector<16xi32>
      %jit3A_3197 = arith.constant 2 : i32
      %broadcast_in_dim3A_3198 = vector.broadcast %jit3A_3197 : i32 to vector<16xi32>
      %select_n3A_3199 = arith.select %eq3A_3196, %broadcast_in_dim3A_3198, %select_n3A_3193 : vector<16xi1>, vector<16xi32>
      %eq3A_3200 = arith.constant 5 : i32
      %eq3A_3201 = vector.broadcast %eq3A_3200 : i32 to vector<16xi32>
      %eq3A_3202 = arith.cmpi eq, %get3A_3139, %eq3A_3201 : vector<16xi32>
      %jit3A_3203 = arith.constant 3 : i32
      %broadcast_in_dim3A_3204 = vector.broadcast %jit3A_3203 : i32 to vector<16xi32>
      %select_n3A_3205 = arith.select %eq3A_3202, %broadcast_in_dim3A_3204, %select_n3A_3199 : vector<16xi1>, vector<16xi32>
      %eq3A_3206 = arith.constant 6 : i32
      %eq3A_3207 = vector.broadcast %eq3A_3206 : i32 to vector<16xi32>
      %eq3A_3208 = arith.cmpi eq, %get3A_3139, %eq3A_3207 : vector<16xi32>
      %jit3A_3209 = arith.constant 4 : i32
      %broadcast_in_dim3A_3210 = vector.broadcast %jit3A_3209 : i32 to vector<16xi32>
      %select_n3A_3211 = arith.select %eq3A_3208, %broadcast_in_dim3A_3210, %select_n3A_3205 : vector<16xi1>, vector<16xi32>
      %eq3A_3212 = arith.constant 7 : i32
      %eq3A_3213 = vector.broadcast %eq3A_3212 : i32 to vector<16xi32>
      %eq3A_3214 = arith.cmpi eq, %get3A_3139, %eq3A_3213 : vector<16xi32>
      %jit3A_3215 = arith.constant 5 : i32
      %broadcast_in_dim3A_3216 = vector.broadcast %jit3A_3215 : i32 to vector<16xi32>
      %select_n3A_3217 = arith.select %eq3A_3214, %broadcast_in_dim3A_3216, %select_n3A_3211 : vector<16xi1>, vector<16xi32>
      %eq3A_3218 = arith.constant 8 : i32
      %eq3A_3219 = vector.broadcast %eq3A_3218 : i32 to vector<16xi32>
      %eq3A_3220 = arith.cmpi eq, %get3A_3139, %eq3A_3219 : vector<16xi32>
      %jit3A_3221 = arith.constant 6 : i32
      %broadcast_in_dim3A_3222 = vector.broadcast %jit3A_3221 : i32 to vector<16xi32>
      %select_n3A_3223 = arith.select %eq3A_3220, %broadcast_in_dim3A_3222, %select_n3A_3217 : vector<16xi1>, vector<16xi32>
      %add3A_3224 = arith.constant 1728 : i32
      %add3A_3225 = vector.broadcast %add3A_3224 : i32 to vector<16xi32>
      %add3A_3226 = arith.addi %add3A_3225, %select_n3A_3223 : vector<16xi32>
      %add3A_3227 = arith.constant 1735 : i32
      %add3A_3228 = vector.broadcast %add3A_3227 : i32 to vector<16xi32>
      %add3A_3229 = arith.addi %add3A_3228, %min3A_3181 : vector<16xi32>
      %add3A_3230 = arith.constant 1737 : i32
      %add3A_3231 = vector.broadcast %add3A_3230 : i32 to vector<16xi32>
      %add3A_3232 = arith.addi %add3A_3231, %min3A_3181 : vector<16xi32>
      %eq3A_3233 = arith.constant 27 : i32
      %eq3A_3234 = vector.broadcast %eq3A_3233 : i32 to vector<16xi32>
      %eq3A_3235 = arith.cmpi eq, %select_n3A_3169, %eq3A_3234 : vector<16xi32>
      %select_n3A_3236 = arith.select %eq3A_3235, %add3A_3226, %add3A_3185 : vector<16xi1>, vector<16xi32>
      %eq3A_3237 = arith.constant 28 : i32
      %eq3A_3238 = vector.broadcast %eq3A_3237 : i32 to vector<16xi32>
      %eq3A_3239 = arith.cmpi eq, %select_n3A_3169, %eq3A_3238 : vector<16xi32>
      %select_n3A_3240 = arith.select %eq3A_3239, %add3A_3229, %select_n3A_3236 : vector<16xi1>, vector<16xi32>
      %eq3A_3241 = arith.constant 29 : i32
      %eq3A_3242 = vector.broadcast %eq3A_3241 : i32 to vector<16xi32>
      %eq3A_3243 = arith.cmpi eq, %select_n3A_3169, %eq3A_3242 : vector<16xi32>
      %select_n3A_3244 = arith.select %eq3A_3243, %add3A_3232, %select_n3A_3240 : vector<16xi1>, vector<16xi32>
      %swap3A_3245 = arith.constant 3 : i32
      %swap3A_3246 = arith.index_cast %swap3A_3245 : i32 to index
      %swap3A_3247 = arith.constant 48 : index
      %swap3A_3248 = tpu.vector_load %arg7[%swap3A_3246, %swap3A_3247] {strides = array<i32>} : memref<4x128xi32, #tpu.memory_space<vmem>>, vector<1x16xi32>,
      %swap3A_3249 = vector.shape_cast %swap3A_3248 : vector<1x16xi32> to vector<16xi32>
      %swap3A_3250 = vector.shape_cast %select_n3A_3244 : vector<16xi32> to vector<1x16xi32>
      tpu.vector_store %arg7[%swap3A_3246, %swap3A_3247], %swap3A_3250 {strides = array<i32>} : memref<4x128xi32, #tpu.memory_space<vmem>>, vector<1x16xi32>,
      %get3A_3251 = arith.constant 3 : i32
      %get3A_3252 = arith.index_cast %get3A_3251 : i32 to index
      %get3A_3253 = arith.constant 64 : index
      %get3A_3254 = tpu.vector_load %arg6[%get3A_3252, %get3A_3253] {strides = array<i32>} : memref<4x128xi32, #tpu.memory_space<vmem>>, vector<1x16xi32>,
      %get3A_3255 = vector.shape_cast %get3A_3254 : vector<1x16xi32> to vector<16xi32>
      %add3A_3256 = arith.constant 3 : i32
      %add3A_3257 = arith.addi %add3A_13, %add3A_3256 : i32
      %mul3A_3258 = arith.constant 128 : i32
      %mul3A_3259 = arith.muli %add3A_3257, %mul3A_3258 : i32
      %add3A_3260 = arith.constant 64 : i32
      %add3A_3261 = arith.addi %mul3A_3259, %add3A_3260 : i32
      %add3A_3262 = vector.broadcast %add3A_3261 : i32 to vector<16xi32>
      %add3A_3263 = arith.addi %add3A_3262, %iota3A : vector<16xi32>
      %jit3A_3264 = arith.constant 30 : i32
      %eq3A_3265 = arith.constant 0 : i32
      %eq3A_3266 = arith.cmpi eq, %jit3A_3264, %eq3A_3265 : i32
      %jit3A_3267 = arith.constant 1 : i32
      %select_n3A_3268 = arith.select %eq3A_3266, %jit3A_3267, %jit3A_3264 : i32
      %rem3A_3269 = vector.broadcast %select_n3A_3268 : i32 to vector<16xi32>
      %rem3A_3270 = arith.remsi %add3A_3263, %rem3A_3269 : vector<16xi32>
      %ne3A_3271 = arith.constant 0 : i32
      %ne3A_3272 = vector.broadcast %ne3A_3271 : i32 to vector<16xi32>
      %ne3A_3273 = arith.cmpi ne, %rem3A_3270, %ne3A_3272 : vector<16xi32>
      %lt3A_3274 = arith.constant 0 : i32
      %lt3A_3275 = vector.broadcast %lt3A_3274 : i32 to vector<16xi32>
      %lt3A_3276 = arith.cmpi slt, %rem3A_3270, %lt3A_3275 : vector<16xi32>
      %lt3A_3277 = arith.constant 0 : i32
      %lt3A_3278 = arith.cmpi slt, %select_n3A_3268, %lt3A_3277 : i32
      %ne3A_3279 = vector.broadcast %lt3A_3278 : i1 to vector<16xi1>
      %ne3A_3280 = vector.broadcast %ne3A_3279 : vector<16xi1> to vector<16xi1>
      %ne3A_3281 = arith.xori %lt3A_3276, %ne3A_3280 : vector<16xi1>
      %and3A_3282 = arith.andi %ne3A_3281, %ne3A_3273 : vector<16xi1>
      %add3A_3283 = vector.broadcast %select_n3A_3268 : i32 to vector<16xi32>
      %add3A_3284 = arith.addi %rem3A_3270, %add3A_3283 : vector<16xi32>
      %select_n3A_3285 = arith.select %and3A_3282, %add3A_3284, %rem3A_3270 : vector<16xi1>, vector<16xi32>
      %max3A_3286 = arith.constant 0 : i32
      %max3A_3287 = vector.broadcast %max3A_3286 : i32 to vector<16xi32>
      %max3A_3288 = arith.maxsi %get3A_3255, %max3A_3287 : vector<16xi32>
      %min3A_3289 = arith.constant 63 : i32
      %min3A_3290 = vector.broadcast %min3A_3289 : i32 to vector<16xi32>
      %min3A_3291 = arith.minsi %max3A_3288, %min3A_3290 : vector<16xi32>
      %max3A_3292 = arith.constant 0 : i32
      %max3A_3293 = vector.broadcast %max3A_3292 : i32 to vector<16xi32>
      %max3A_3294 = arith.maxsi %get3A_3255, %max3A_3293 : vector<16xi32>
      %min3A_3295 = arith.constant 1 : i32
      %min3A_3296 = vector.broadcast %min3A_3295 : i32 to vector<16xi32>
      %min3A_3297 = arith.minsi %max3A_3294, %min3A_3296 : vector<16xi32>
      %mul3A_3298 = arith.constant 64 : i32
      %mul3A_3299 = vector.broadcast %mul3A_3298 : i32 to vector<16xi32>
      %mul3A_3300 = arith.muli %select_n3A_3285, %mul3A_3299 : vector<16xi32>
      %add3A_3301 = arith.addi %mul3A_3300, %min3A_3291 : vector<16xi32>
      %broadcast_in_dim3A_3302 = arith.constant 0 : i32
      %broadcast_in_dim3A_3303 = vector.broadcast %broadcast_in_dim3A_3302 : i32 to vector<16xi32>
      %eq3A_3304 = arith.constant 3 : i32
      %eq3A_3305 = vector.broadcast %eq3A_3304 : i32 to vector<16xi32>
      %eq3A_3306 = arith.cmpi eq, %get3A_3255, %eq3A_3305 : vector<16xi32>
      %jit3A_3307 = arith.constant 1 : i32
      %broadcast_in_dim3A_3308 = vector.broadcast %jit3A_3307 : i32 to vector<16xi32>
      %select_n3A_3309 = arith.select %eq3A_3306, %broadcast_in_dim3A_3308, %broadcast_in_dim3A_3303 : vector<16xi1>, vector<16xi32>
      %eq3A_3310 = arith.constant 4 : i32
      %eq3A_3311 = vector.broadcast %eq3A_3310 : i32 to vector<16xi32>
      %eq3A_3312 = arith.cmpi eq, %get3A_3255, %eq3A_3311 : vector<16xi32>
      %jit3A_3313 = arith.constant 2 : i32
      %broadcast_in_dim3A_3314 = vector.broadcast %jit3A_3313 : i32 to vector<16xi32>
      %select_n3A_3315 = arith.select %eq3A_3312, %broadcast_in_dim3A_3314, %select_n3A_3309 : vector<16xi1>, vector<16xi32>
      %eq3A_3316 = arith.constant 5 : i32
      %eq3A_3317 = vector.broadcast %eq3A_3316 : i32 to vector<16xi32>
      %eq3A_3318 = arith.cmpi eq, %get3A_3255, %eq3A_3317 : vector<16xi32>
      %jit3A_3319 = arith.constant 3 : i32
      %broadcast_in_dim3A_3320 = vector.broadcast %jit3A_3319 : i32 to vector<16xi32>
      %select_n3A_3321 = arith.select %eq3A_3318, %broadcast_in_dim3A_3320, %select_n3A_3315 : vector<16xi1>, vector<16xi32>
      %eq3A_3322 = arith.constant 6 : i32
      %eq3A_3323 = vector.broadcast %eq3A_3322 : i32 to vector<16xi32>
      %eq3A_3324 = arith.cmpi eq, %get3A_3255, %eq3A_3323 : vector<16xi32>
      %jit3A_3325 = arith.constant 4 : i32
      %broadcast_in_dim3A_3326 = vector.broadcast %jit3A_3325 : i32 to vector<16xi32>
      %select_n3A_3327 = arith.select %eq3A_3324, %broadcast_in_dim3A_3326, %select_n3A_3321 : vector<16xi1>, vector<16xi32>
      %eq3A_3328 = arith.constant 7 : i32
      %eq3A_3329 = vector.broadcast %eq3A_3328 : i32 to vector<16xi32>
      %eq3A_3330 = arith.cmpi eq, %get3A_3255, %eq3A_3329 : vector<16xi32>
      %jit3A_3331 = arith.constant 5 : i32
      %broadcast_in_dim3A_3332 = vector.broadcast %jit3A_3331 : i32 to vector<16xi32>
      %select_n3A_3333 = arith.select %eq3A_3330, %broadcast_in_dim3A_3332, %select_n3A_3327 : vector<16xi1>, vector<16xi32>
      %eq3A_3334 = arith.constant 8 : i32
      %eq3A_3335 = vector.broadcast %eq3A_3334 : i32 to vector<16xi32>
      %eq3A_3336 = arith.cmpi eq, %get3A_3255, %eq3A_3335 : vector<16xi32>
      %jit3A_3337 = arith.constant 6 : i32
      %broadcast_in_dim3A_3338 = vector.broadcast %jit3A_3337 : i32 to vector<16xi32>
      %select_n3A_3339 = arith.select %eq3A_3336, %broadcast_in_dim3A_3338, %select_n3A_3333 : vector<16xi1>, vector<16xi32>
      %add3A_3340 = arith.constant 1728 : i32
      %add3A_3341 = vector.broadcast %add3A_3340 : i32 to vector<16xi32>
      %add3A_3342 = arith.addi %add3A_3341, %select_n3A_3339 : vector<16xi32>
      %add3A_3343 = arith.constant 1735 : i32
      %add3A_3344 = vector.broadcast %add3A_3343 : i32 to vector<16xi32>
      %add3A_3345 = arith.addi %add3A_3344, %min3A_3297 : vector<16xi32>
      %add3A_3346 = arith.constant 1737 : i32
      %add3A_3347 = vector.broadcast %add3A_3346 : i32 to vector<16xi32>
      %add3A_3348 = arith.addi %add3A_3347, %min3A_3297 : vector<16xi32>
      %eq3A_3349 = arith.constant 27 : i32
      %eq3A_3350 = vector.broadcast %eq3A_3349 : i32 to vector<16xi32>
      %eq3A_3351 = arith.cmpi eq, %select_n3A_3285, %eq3A_3350 : vector<16xi32>
      %select_n3A_3352 = arith.select %eq3A_3351, %add3A_3342, %add3A_3301 : vector<16xi1>, vector<16xi32>
      %eq3A_3353 = arith.constant 28 : i32
      %eq3A_3354 = vector.broadcast %eq3A_3353 : i32 to vector<16xi32>
      %eq3A_3355 = arith.cmpi eq, %select_n3A_3285, %eq3A_3354 : vector<16xi32>
      %select_n3A_3356 = arith.select %eq3A_3355, %add3A_3345, %select_n3A_3352 : vector<16xi1>, vector<16xi32>
      %eq3A_3357 = arith.constant 29 : i32
      %eq3A_3358 = vector.broadcast %eq3A_3357 : i32 to vector<16xi32>
      %eq3A_3359 = arith.cmpi eq, %select_n3A_3285, %eq3A_3358 : vector<16xi32>
      %select_n3A_3360 = arith.select %eq3A_3359, %add3A_3348, %select_n3A_3356 : vector<16xi1>, vector<16xi32>
      %swap3A_3361 = arith.constant 3 : i32
      %swap3A_3362 = arith.index_cast %swap3A_3361 : i32 to index
      %swap3A_3363 = arith.constant 64 : index
      %swap3A_3364 = tpu.vector_load %arg7[%swap3A_3362, %swap3A_3363] {strides = array<i32>} : memref<4x128xi32, #tpu.memory_space<vmem>>, vector<1x16xi32>,
      %swap3A_3365 = vector.shape_cast %swap3A_3364 : vector<1x16xi32> to vector<16xi32>
      %swap3A_3366 = vector.shape_cast %select_n3A_3360 : vector<16xi32> to vector<1x16xi32>
      tpu.vector_store %arg7[%swap3A_3362, %swap3A_3363], %swap3A_3366 {strides = array<i32>} : memref<4x128xi32, #tpu.memory_space<vmem>>, vector<1x16xi32>,
      %get3A_3367 = arith.constant 3 : i32
      %get3A_3368 = arith.index_cast %get3A_3367 : i32 to index
      %get3A_3369 = arith.constant 80 : index
      %get3A_3370 = tpu.vector_load %arg6[%get3A_3368, %get3A_3369] {strides = array<i32>} : memref<4x128xi32, #tpu.memory_space<vmem>>, vector<1x16xi32>,
      %get3A_3371 = vector.shape_cast %get3A_3370 : vector<1x16xi32> to vector<16xi32>
      %add3A_3372 = arith.constant 3 : i32
      %add3A_3373 = arith.addi %add3A_13, %add3A_3372 : i32
      %mul3A_3374 = arith.constant 128 : i32
      %mul3A_3375 = arith.muli %add3A_3373, %mul3A_3374 : i32
      %add3A_3376 = arith.constant 80 : i32
      %add3A_3377 = arith.addi %mul3A_3375, %add3A_3376 : i32
      %add3A_3378 = vector.broadcast %add3A_3377 : i32 to vector<16xi32>
      %add3A_3379 = arith.addi %add3A_3378, %iota3A : vector<16xi32>
      %jit3A_3380 = arith.constant 30 : i32
      %eq3A_3381 = arith.constant 0 : i32
      %eq3A_3382 = arith.cmpi eq, %jit3A_3380, %eq3A_3381 : i32
      %jit3A_3383 = arith.constant 1 : i32
      %select_n3A_3384 = arith.select %eq3A_3382, %jit3A_3383, %jit3A_3380 : i32
      %rem3A_3385 = vector.broadcast %select_n3A_3384 : i32 to vector<16xi32>
      %rem3A_3386 = arith.remsi %add3A_3379, %rem3A_3385 : vector<16xi32>
      %ne3A_3387 = arith.constant 0 : i32
      %ne3A_3388 = vector.broadcast %ne3A_3387 : i32 to vector<16xi32>
      %ne3A_3389 = arith.cmpi ne, %rem3A_3386, %ne3A_3388 : vector<16xi32>
      %lt3A_3390 = arith.constant 0 : i32
      %lt3A_3391 = vector.broadcast %lt3A_3390 : i32 to vector<16xi32>
      %lt3A_3392 = arith.cmpi slt, %rem3A_3386, %lt3A_3391 : vector<16xi32>
      %lt3A_3393 = arith.constant 0 : i32
      %lt3A_3394 = arith.cmpi slt, %select_n3A_3384, %lt3A_3393 : i32
      %ne3A_3395 = vector.broadcast %lt3A_3394 : i1 to vector<16xi1>
      %ne3A_3396 = vector.broadcast %ne3A_3395 : vector<16xi1> to vector<16xi1>
      %ne3A_3397 = arith.xori %lt3A_3392, %ne3A_3396 : vector<16xi1>
      %and3A_3398 = arith.andi %ne3A_3397, %ne3A_3389 : vector<16xi1>
      %add3A_3399 = vector.broadcast %select_n3A_3384 : i32 to vector<16xi32>
      %add3A_3400 = arith.addi %rem3A_3386, %add3A_3399 : vector<16xi32>
      %select_n3A_3401 = arith.select %and3A_3398, %add3A_3400, %rem3A_3386 : vector<16xi1>, vector<16xi32>
      %max3A_3402 = arith.constant 0 : i32
      %max3A_3403 = vector.broadcast %max3A_3402 : i32 to vector<16xi32>
      %max3A_3404 = arith.maxsi %get3A_3371, %max3A_3403 : vector<16xi32>
      %min3A_3405 = arith.constant 63 : i32
      %min3A_3406 = vector.broadcast %min3A_3405 : i32 to vector<16xi32>
      %min3A_3407 = arith.minsi %max3A_3404, %min3A_3406 : vector<16xi32>
      %max3A_3408 = arith.constant 0 : i32
      %max3A_3409 = vector.broadcast %max3A_3408 : i32 to vector<16xi32>
      %max3A_3410 = arith.maxsi %get3A_3371, %max3A_3409 : vector<16xi32>
      %min3A_3411 = arith.constant 1 : i32
      %min3A_3412 = vector.broadcast %min3A_3411 : i32 to vector<16xi32>
      %min3A_3413 = arith.minsi %max3A_3410, %min3A_3412 : vector<16xi32>
      %mul3A_3414 = arith.constant 64 : i32
      %mul3A_3415 = vector.broadcast %mul3A_3414 : i32 to vector<16xi32>
      %mul3A_3416 = arith.muli %select_n3A_3401, %mul3A_3415 : vector<16xi32>
      %add3A_3417 = arith.addi %mul3A_3416, %min3A_3407 : vector<16xi32>
      %broadcast_in_dim3A_3418 = arith.constant 0 : i32
      %broadcast_in_dim3A_3419 = vector.broadcast %broadcast_in_dim3A_3418 : i32 to vector<16xi32>
      %eq3A_3420 = arith.constant 3 : i32
      %eq3A_3421 = vector.broadcast %eq3A_3420 : i32 to vector<16xi32>
      %eq3A_3422 = arith.cmpi eq, %get3A_3371, %eq3A_3421 : vector<16xi32>
      %jit3A_3423 = arith.constant 1 : i32
      %broadcast_in_dim3A_3424 = vector.broadcast %jit3A_3423 : i32 to vector<16xi32>
      %select_n3A_3425 = arith.select %eq3A_3422, %broadcast_in_dim3A_3424, %broadcast_in_dim3A_3419 : vector<16xi1>, vector<16xi32>
      %eq3A_3426 = arith.constant 4 : i32
      %eq3A_3427 = vector.broadcast %eq3A_3426 : i32 to vector<16xi32>
      %eq3A_3428 = arith.cmpi eq, %get3A_3371, %eq3A_3427 : vector<16xi32>
      %jit3A_3429 = arith.constant 2 : i32
      %broadcast_in_dim3A_3430 = vector.broadcast %jit3A_3429 : i32 to vector<16xi32>
      %select_n3A_3431 = arith.select %eq3A_3428, %broadcast_in_dim3A_3430, %select_n3A_3425 : vector<16xi1>, vector<16xi32>
      %eq3A_3432 = arith.constant 5 : i32
      %eq3A_3433 = vector.broadcast %eq3A_3432 : i32 to vector<16xi32>
      %eq3A_3434 = arith.cmpi eq, %get3A_3371, %eq3A_3433 : vector<16xi32>
      %jit3A_3435 = arith.constant 3 : i32
      %broadcast_in_dim3A_3436 = vector.broadcast %jit3A_3435 : i32 to vector<16xi32>
      %select_n3A_3437 = arith.select %eq3A_3434, %broadcast_in_dim3A_3436, %select_n3A_3431 : vector<16xi1>, vector<16xi32>
      %eq3A_3438 = arith.constant 6 : i32
      %eq3A_3439 = vector.broadcast %eq3A_3438 : i32 to vector<16xi32>
      %eq3A_3440 = arith.cmpi eq, %get3A_3371, %eq3A_3439 : vector<16xi32>
      %jit3A_3441 = arith.constant 4 : i32
      %broadcast_in_dim3A_3442 = vector.broadcast %jit3A_3441 : i32 to vector<16xi32>
      %select_n3A_3443 = arith.select %eq3A_3440, %broadcast_in_dim3A_3442, %select_n3A_3437 : vector<16xi1>, vector<16xi32>
      %eq3A_3444 = arith.constant 7 : i32
      %eq3A_3445 = vector.broadcast %eq3A_3444 : i32 to vector<16xi32>
      %eq3A_3446 = arith.cmpi eq, %get3A_3371, %eq3A_3445 : vector<16xi32>
      %jit3A_3447 = arith.constant 5 : i32
      %broadcast_in_dim3A_3448 = vector.broadcast %jit3A_3447 : i32 to vector<16xi32>
      %select_n3A_3449 = arith.select %eq3A_3446, %broadcast_in_dim3A_3448, %select_n3A_3443 : vector<16xi1>, vector<16xi32>
      %eq3A_3450 = arith.constant 8 : i32
      %eq3A_3451 = vector.broadcast %eq3A_3450 : i32 to vector<16xi32>
      %eq3A_3452 = arith.cmpi eq, %get3A_3371, %eq3A_3451 : vector<16xi32>
      %jit3A_3453 = arith.constant 6 : i32
      %broadcast_in_dim3A_3454 = vector.broadcast %jit3A_3453 : i32 to vector<16xi32>
      %select_n3A_3455 = arith.select %eq3A_3452, %broadcast_in_dim3A_3454, %select_n3A_3449 : vector<16xi1>, vector<16xi32>
      %add3A_3456 = arith.constant 1728 : i32
      %add3A_3457 = vector.broadcast %add3A_3456 : i32 to vector<16xi32>
      %add3A_3458 = arith.addi %add3A_3457, %select_n3A_3455 : vector<16xi32>
      %add3A_3459 = arith.constant 1735 : i32
      %add3A_3460 = vector.broadcast %add3A_3459 : i32 to vector<16xi32>
      %add3A_3461 = arith.addi %add3A_3460, %min3A_3413 : vector<16xi32>
      %add3A_3462 = arith.constant 1737 : i32
      %add3A_3463 = vector.broadcast %add3A_3462 : i32 to vector<16xi32>
      %add3A_3464 = arith.addi %add3A_3463, %min3A_3413 : vector<16xi32>
      %eq3A_3465 = arith.constant 27 : i32
      %eq3A_3466 = vector.broadcast %eq3A_3465 : i32 to vector<16xi32>
      %eq3A_3467 = arith.cmpi eq, %select_n3A_3401, %eq3A_3466 : vector<16xi32>
      %select_n3A_3468 = arith.select %eq3A_3467, %add3A_3458, %add3A_3417 : vector<16xi1>, vector<16xi32>
      %eq3A_3469 = arith.constant 28 : i32
      %eq3A_3470 = vector.broadcast %eq3A_3469 : i32 to vector<16xi32>
      %eq3A_3471 = arith.cmpi eq, %select_n3A_3401, %eq3A_3470 : vector<16xi32>
      %select_n3A_3472 = arith.select %eq3A_3471, %add3A_3461, %select_n3A_3468 : vector<16xi1>, vector<16xi32>
      %eq3A_3473 = arith.constant 29 : i32
      %eq3A_3474 = vector.broadcast %eq3A_3473 : i32 to vector<16xi32>
      %eq3A_3475 = arith.cmpi eq, %select_n3A_3401, %eq3A_3474 : vector<16xi32>
      %select_n3A_3476 = arith.select %eq3A_3475, %add3A_3464, %select_n3A_3472 : vector<16xi1>, vector<16xi32>
      %swap3A_3477 = arith.constant 3 : i32
      %swap3A_3478 = arith.index_cast %swap3A_3477 : i32 to index
      %swap3A_3479 = arith.constant 80 : index
      %swap3A_3480 = tpu.vector_load %arg7[%swap3A_3478, %swap3A_3479] {strides = array<i32>} : memref<4x128xi32, #tpu.memory_space<vmem>>, vector<1x16xi32>,
      %swap3A_3481 = vector.shape_cast %swap3A_3480 : vector<1x16xi32> to vector<16xi32>
      %swap3A_3482 = vector.shape_cast %select_n3A_3476 : vector<16xi32> to vector<1x16xi32>
      tpu.vector_store %arg7[%swap3A_3478, %swap3A_3479], %swap3A_3482 {strides = array<i32>} : memref<4x128xi32, #tpu.memory_space<vmem>>, vector<1x16xi32>,
      %get3A_3483 = arith.constant 3 : i32
      %get3A_3484 = arith.index_cast %get3A_3483 : i32 to index
      %get3A_3485 = arith.constant 96 : index
      %get3A_3486 = tpu.vector_load %arg6[%get3A_3484, %get3A_3485] {strides = array<i32>} : memref<4x128xi32, #tpu.memory_space<vmem>>, vector<1x16xi32>,
      %get3A_3487 = vector.shape_cast %get3A_3486 : vector<1x16xi32> to vector<16xi32>
      %add3A_3488 = arith.constant 3 : i32
      %add3A_3489 = arith.addi %add3A_13, %add3A_3488 : i32
      %mul3A_3490 = arith.constant 128 : i32
      %mul3A_3491 = arith.muli %add3A_3489, %mul3A_3490 : i32
      %add3A_3492 = arith.constant 96 : i32
      %add3A_3493 = arith.addi %mul3A_3491, %add3A_3492 : i32
      %add3A_3494 = vector.broadcast %add3A_3493 : i32 to vector<16xi32>
      %add3A_3495 = arith.addi %add3A_3494, %iota3A : vector<16xi32>
      %jit3A_3496 = arith.constant 30 : i32
      %eq3A_3497 = arith.constant 0 : i32
      %eq3A_3498 = arith.cmpi eq, %jit3A_3496, %eq3A_3497 : i32
      %jit3A_3499 = arith.constant 1 : i32
      %select_n3A_3500 = arith.select %eq3A_3498, %jit3A_3499, %jit3A_3496 : i32
      %rem3A_3501 = vector.broadcast %select_n3A_3500 : i32 to vector<16xi32>
      %rem3A_3502 = arith.remsi %add3A_3495, %rem3A_3501 : vector<16xi32>
      %ne3A_3503 = arith.constant 0 : i32
      %ne3A_3504 = vector.broadcast %ne3A_3503 : i32 to vector<16xi32>
      %ne3A_3505 = arith.cmpi ne, %rem3A_3502, %ne3A_3504 : vector<16xi32>
      %lt3A_3506 = arith.constant 0 : i32
      %lt3A_3507 = vector.broadcast %lt3A_3506 : i32 to vector<16xi32>
      %lt3A_3508 = arith.cmpi slt, %rem3A_3502, %lt3A_3507 : vector<16xi32>
      %lt3A_3509 = arith.constant 0 : i32
      %lt3A_3510 = arith.cmpi slt, %select_n3A_3500, %lt3A_3509 : i32
      %ne3A_3511 = vector.broadcast %lt3A_3510 : i1 to vector<16xi1>
      %ne3A_3512 = vector.broadcast %ne3A_3511 : vector<16xi1> to vector<16xi1>
      %ne3A_3513 = arith.xori %lt3A_3508, %ne3A_3512 : vector<16xi1>
      %and3A_3514 = arith.andi %ne3A_3513, %ne3A_3505 : vector<16xi1>
      %add3A_3515 = vector.broadcast %select_n3A_3500 : i32 to vector<16xi32>
      %add3A_3516 = arith.addi %rem3A_3502, %add3A_3515 : vector<16xi32>
      %select_n3A_3517 = arith.select %and3A_3514, %add3A_3516, %rem3A_3502 : vector<16xi1>, vector<16xi32>
      %max3A_3518 = arith.constant 0 : i32
      %max3A_3519 = vector.broadcast %max3A_3518 : i32 to vector<16xi32>
      %max3A_3520 = arith.maxsi %get3A_3487, %max3A_3519 : vector<16xi32>
      %min3A_3521 = arith.constant 63 : i32
      %min3A_3522 = vector.broadcast %min3A_3521 : i32 to vector<16xi32>
      %min3A_3523 = arith.minsi %max3A_3520, %min3A_3522 : vector<16xi32>
      %max3A_3524 = arith.constant 0 : i32
      %max3A_3525 = vector.broadcast %max3A_3524 : i32 to vector<16xi32>
      %max3A_3526 = arith.maxsi %get3A_3487, %max3A_3525 : vector<16xi32>
      %min3A_3527 = arith.constant 1 : i32
      %min3A_3528 = vector.broadcast %min3A_3527 : i32 to vector<16xi32>
      %min3A_3529 = arith.minsi %max3A_3526, %min3A_3528 : vector<16xi32>
      %mul3A_3530 = arith.constant 64 : i32
      %mul3A_3531 = vector.broadcast %mul3A_3530 : i32 to vector<16xi32>
      %mul3A_3532 = arith.muli %select_n3A_3517, %mul3A_3531 : vector<16xi32>
      %add3A_3533 = arith.addi %mul3A_3532, %min3A_3523 : vector<16xi32>
      %broadcast_in_dim3A_3534 = arith.constant 0 : i32
      %broadcast_in_dim3A_3535 = vector.broadcast %broadcast_in_dim3A_3534 : i32 to vector<16xi32>
      %eq3A_3536 = arith.constant 3 : i32
      %eq3A_3537 = vector.broadcast %eq3A_3536 : i32 to vector<16xi32>
      %eq3A_3538 = arith.cmpi eq, %get3A_3487, %eq3A_3537 : vector<16xi32>
      %jit3A_3539 = arith.constant 1 : i32
      %broadcast_in_dim3A_3540 = vector.broadcast %jit3A_3539 : i32 to vector<16xi32>
      %select_n3A_3541 = arith.select %eq3A_3538, %broadcast_in_dim3A_3540, %broadcast_in_dim3A_3535 : vector<16xi1>, vector<16xi32>
      %eq3A_3542 = arith.constant 4 : i32
      %eq3A_3543 = vector.broadcast %eq3A_3542 : i32 to vector<16xi32>
      %eq3A_3544 = arith.cmpi eq, %get3A_3487, %eq3A_3543 : vector<16xi32>
      %jit3A_3545 = arith.constant 2 : i32
      %broadcast_in_dim3A_3546 = vector.broadcast %jit3A_3545 : i32 to vector<16xi32>
      %select_n3A_3547 = arith.select %eq3A_3544, %broadcast_in_dim3A_3546, %select_n3A_3541 : vector<16xi1>, vector<16xi32>
      %eq3A_3548 = arith.constant 5 : i32
      %eq3A_3549 = vector.broadcast %eq3A_3548 : i32 to vector<16xi32>
      %eq3A_3550 = arith.cmpi eq, %get3A_3487, %eq3A_3549 : vector<16xi32>
      %jit3A_3551 = arith.constant 3 : i32
      %broadcast_in_dim3A_3552 = vector.broadcast %jit3A_3551 : i32 to vector<16xi32>
      %select_n3A_3553 = arith.select %eq3A_3550, %broadcast_in_dim3A_3552, %select_n3A_3547 : vector<16xi1>, vector<16xi32>
      %eq3A_3554 = arith.constant 6 : i32
      %eq3A_3555 = vector.broadcast %eq3A_3554 : i32 to vector<16xi32>
      %eq3A_3556 = arith.cmpi eq, %get3A_3487, %eq3A_3555 : vector<16xi32>
      %jit3A_3557 = arith.constant 4 : i32
      %broadcast_in_dim3A_3558 = vector.broadcast %jit3A_3557 : i32 to vector<16xi32>
      %select_n3A_3559 = arith.select %eq3A_3556, %broadcast_in_dim3A_3558, %select_n3A_3553 : vector<16xi1>, vector<16xi32>
      %eq3A_3560 = arith.constant 7 : i32
      %eq3A_3561 = vector.broadcast %eq3A_3560 : i32 to vector<16xi32>
      %eq3A_3562 = arith.cmpi eq, %get3A_3487, %eq3A_3561 : vector<16xi32>
      %jit3A_3563 = arith.constant 5 : i32
      %broadcast_in_dim3A_3564 = vector.broadcast %jit3A_3563 : i32 to vector<16xi32>
      %select_n3A_3565 = arith.select %eq3A_3562, %broadcast_in_dim3A_3564, %select_n3A_3559 : vector<16xi1>, vector<16xi32>
      %eq3A_3566 = arith.constant 8 : i32
      %eq3A_3567 = vector.broadcast %eq3A_3566 : i32 to vector<16xi32>
      %eq3A_3568 = arith.cmpi eq, %get3A_3487, %eq3A_3567 : vector<16xi32>
      %jit3A_3569 = arith.constant 6 : i32
      %broadcast_in_dim3A_3570 = vector.broadcast %jit3A_3569 : i32 to vector<16xi32>
      %select_n3A_3571 = arith.select %eq3A_3568, %broadcast_in_dim3A_3570, %select_n3A_3565 : vector<16xi1>, vector<16xi32>
      %add3A_3572 = arith.constant 1728 : i32
      %add3A_3573 = vector.broadcast %add3A_3572 : i32 to vector<16xi32>
      %add3A_3574 = arith.addi %add3A_3573, %select_n3A_3571 : vector<16xi32>
      %add3A_3575 = arith.constant 1735 : i32
      %add3A_3576 = vector.broadcast %add3A_3575 : i32 to vector<16xi32>
      %add3A_3577 = arith.addi %add3A_3576, %min3A_3529 : vector<16xi32>
      %add3A_3578 = arith.constant 1737 : i32
      %add3A_3579 = vector.broadcast %add3A_3578 : i32 to vector<16xi32>
      %add3A_3580 = arith.addi %add3A_3579, %min3A_3529 : vector<16xi32>
      %eq3A_3581 = arith.constant 27 : i32
      %eq3A_3582 = vector.broadcast %eq3A_3581 : i32 to vector<16xi32>
      %eq3A_3583 = arith.cmpi eq, %select_n3A_3517, %eq3A_3582 : vector<16xi32>
      %select_n3A_3584 = arith.select %eq3A_3583, %add3A_3574, %add3A_3533 : vector<16xi1>, vector<16xi32>
      %eq3A_3585 = arith.constant 28 : i32
      %eq3A_3586 = vector.broadcast %eq3A_3585 : i32 to vector<16xi32>
      %eq3A_3587 = arith.cmpi eq, %select_n3A_3517, %eq3A_3586 : vector<16xi32>
      %select_n3A_3588 = arith.select %eq3A_3587, %add3A_3577, %select_n3A_3584 : vector<16xi1>, vector<16xi32>
      %eq3A_3589 = arith.constant 29 : i32
      %eq3A_3590 = vector.broadcast %eq3A_3589 : i32 to vector<16xi32>
      %eq3A_3591 = arith.cmpi eq, %select_n3A_3517, %eq3A_3590 : vector<16xi32>
      %select_n3A_3592 = arith.select %eq3A_3591, %add3A_3580, %select_n3A_3588 : vector<16xi1>, vector<16xi32>
      %swap3A_3593 = arith.constant 3 : i32
      %swap3A_3594 = arith.index_cast %swap3A_3593 : i32 to index
      %swap3A_3595 = arith.constant 96 : index
      %swap3A_3596 = tpu.vector_load %arg7[%swap3A_3594, %swap3A_3595] {strides = array<i32>} : memref<4x128xi32, #tpu.memory_space<vmem>>, vector<1x16xi32>,
      %swap3A_3597 = vector.shape_cast %swap3A_3596 : vector<1x16xi32> to vector<16xi32>
      %swap3A_3598 = vector.shape_cast %select_n3A_3592 : vector<16xi32> to vector<1x16xi32>
      tpu.vector_store %arg7[%swap3A_3594, %swap3A_3595], %swap3A_3598 {strides = array<i32>} : memref<4x128xi32, #tpu.memory_space<vmem>>, vector<1x16xi32>,
      %get3A_3599 = arith.constant 3 : i32
      %get3A_3600 = arith.index_cast %get3A_3599 : i32 to index
      %get3A_3601 = arith.constant 112 : index
      %get3A_3602 = tpu.vector_load %arg6[%get3A_3600, %get3A_3601] {strides = array<i32>} : memref<4x128xi32, #tpu.memory_space<vmem>>, vector<1x16xi32>,
      %get3A_3603 = vector.shape_cast %get3A_3602 : vector<1x16xi32> to vector<16xi32>
      %add3A_3604 = arith.constant 3 : i32
      %add3A_3605 = arith.addi %add3A_13, %add3A_3604 : i32
      %mul3A_3606 = arith.constant 128 : i32
      %mul3A_3607 = arith.muli %add3A_3605, %mul3A_3606 : i32
      %add3A_3608 = arith.constant 112 : i32
      %add3A_3609 = arith.addi %mul3A_3607, %add3A_3608 : i32
      %add3A_3610 = vector.broadcast %add3A_3609 : i32 to vector<16xi32>
      %add3A_3611 = arith.addi %add3A_3610, %iota3A : vector<16xi32>
      %jit3A_3612 = arith.constant 30 : i32
      %eq3A_3613 = arith.constant 0 : i32
      %eq3A_3614 = arith.cmpi eq, %jit3A_3612, %eq3A_3613 : i32
      %jit3A_3615 = arith.constant 1 : i32
      %select_n3A_3616 = arith.select %eq3A_3614, %jit3A_3615, %jit3A_3612 : i32
      %rem3A_3617 = vector.broadcast %select_n3A_3616 : i32 to vector<16xi32>
      %rem3A_3618 = arith.remsi %add3A_3611, %rem3A_3617 : vector<16xi32>
      %ne3A_3619 = arith.constant 0 : i32
      %ne3A_3620 = vector.broadcast %ne3A_3619 : i32 to vector<16xi32>
      %ne3A_3621 = arith.cmpi ne, %rem3A_3618, %ne3A_3620 : vector<16xi32>
      %lt3A_3622 = arith.constant 0 : i32
      %lt3A_3623 = vector.broadcast %lt3A_3622 : i32 to vector<16xi32>
      %lt3A_3624 = arith.cmpi slt, %rem3A_3618, %lt3A_3623 : vector<16xi32>
      %lt3A_3625 = arith.constant 0 : i32
      %lt3A_3626 = arith.cmpi slt, %select_n3A_3616, %lt3A_3625 : i32
      %ne3A_3627 = vector.broadcast %lt3A_3626 : i1 to vector<16xi1>
      %ne3A_3628 = vector.broadcast %ne3A_3627 : vector<16xi1> to vector<16xi1>
      %ne3A_3629 = arith.xori %lt3A_3624, %ne3A_3628 : vector<16xi1>
      %and3A_3630 = arith.andi %ne3A_3629, %ne3A_3621 : vector<16xi1>
      %add3A_3631 = vector.broadcast %select_n3A_3616 : i32 to vector<16xi32>
      %add3A_3632 = arith.addi %rem3A_3618, %add3A_3631 : vector<16xi32>
      %select_n3A_3633 = arith.select %and3A_3630, %add3A_3632, %rem3A_3618 : vector<16xi1>, vector<16xi32>
      %max3A_3634 = arith.constant 0 : i32
      %max3A_3635 = vector.broadcast %max3A_3634 : i32 to vector<16xi32>
      %max3A_3636 = arith.maxsi %get3A_3603, %max3A_3635 : vector<16xi32>
      %min3A_3637 = arith.constant 63 : i32
      %min3A_3638 = vector.broadcast %min3A_3637 : i32 to vector<16xi32>
      %min3A_3639 = arith.minsi %max3A_3636, %min3A_3638 : vector<16xi32>
      %max3A_3640 = arith.constant 0 : i32
      %max3A_3641 = vector.broadcast %max3A_3640 : i32 to vector<16xi32>
      %max3A_3642 = arith.maxsi %get3A_3603, %max3A_3641 : vector<16xi32>
      %min3A_3643 = arith.constant 1 : i32
      %min3A_3644 = vector.broadcast %min3A_3643 : i32 to vector<16xi32>
      %min3A_3645 = arith.minsi %max3A_3642, %min3A_3644 : vector<16xi32>
      %mul3A_3646 = arith.constant 64 : i32
      %mul3A_3647 = vector.broadcast %mul3A_3646 : i32 to vector<16xi32>
      %mul3A_3648 = arith.muli %select_n3A_3633, %mul3A_3647 : vector<16xi32>
      %add3A_3649 = arith.addi %mul3A_3648, %min3A_3639 : vector<16xi32>
      %broadcast_in_dim3A_3650 = arith.constant 0 : i32
      %broadcast_in_dim3A_3651 = vector.broadcast %broadcast_in_dim3A_3650 : i32 to vector<16xi32>
      %eq3A_3652 = arith.constant 3 : i32
      %eq3A_3653 = vector.broadcast %eq3A_3652 : i32 to vector<16xi32>
      %eq3A_3654 = arith.cmpi eq, %get3A_3603, %eq3A_3653 : vector<16xi32>
      %jit3A_3655 = arith.constant 1 : i32
      %broadcast_in_dim3A_3656 = vector.broadcast %jit3A_3655 : i32 to vector<16xi32>
      %select_n3A_3657 = arith.select %eq3A_3654, %broadcast_in_dim3A_3656, %broadcast_in_dim3A_3651 : vector<16xi1>, vector<16xi32>
      %eq3A_3658 = arith.constant 4 : i32
      %eq3A_3659 = vector.broadcast %eq3A_3658 : i32 to vector<16xi32>
      %eq3A_3660 = arith.cmpi eq, %get3A_3603, %eq3A_3659 : vector<16xi32>
      %jit3A_3661 = arith.constant 2 : i32
      %broadcast_in_dim3A_3662 = vector.broadcast %jit3A_3661 : i32 to vector<16xi32>
      %select_n3A_3663 = arith.select %eq3A_3660, %broadcast_in_dim3A_3662, %select_n3A_3657 : vector<16xi1>, vector<16xi32>
      %eq3A_3664 = arith.constant 5 : i32
      %eq3A_3665 = vector.broadcast %eq3A_3664 : i32 to vector<16xi32>
      %eq3A_3666 = arith.cmpi eq, %get3A_3603, %eq3A_3665 : vector<16xi32>
      %jit3A_3667 = arith.constant 3 : i32
      %broadcast_in_dim3A_3668 = vector.broadcast %jit3A_3667 : i32 to vector<16xi32>
      %select_n3A_3669 = arith.select %eq3A_3666, %broadcast_in_dim3A_3668, %select_n3A_3663 : vector<16xi1>, vector<16xi32>
      %eq3A_3670 = arith.constant 6 : i32
      %eq3A_3671 = vector.broadcast %eq3A_3670 : i32 to vector<16xi32>
      %eq3A_3672 = arith.cmpi eq, %get3A_3603, %eq3A_3671 : vector<16xi32>
      %jit3A_3673 = arith.constant 4 : i32
      %broadcast_in_dim3A_3674 = vector.broadcast %jit3A_3673 : i32 to vector<16xi32>
      %select_n3A_3675 = arith.select %eq3A_3672, %broadcast_in_dim3A_3674, %select_n3A_3669 : vector<16xi1>, vector<16xi32>
      %eq3A_3676 = arith.constant 7 : i32
      %eq3A_3677 = vector.broadcast %eq3A_3676 : i32 to vector<16xi32>
      %eq3A_3678 = arith.cmpi eq, %get3A_3603, %eq3A_3677 : vector<16xi32>
      %jit3A_3679 = arith.constant 5 : i32
      %broadcast_in_dim3A_3680 = vector.broadcast %jit3A_3679 : i32 to vector<16xi32>
      %select_n3A_3681 = arith.select %eq3A_3678, %broadcast_in_dim3A_3680, %select_n3A_3675 : vector<16xi1>, vector<16xi32>
      %eq3A_3682 = arith.constant 8 : i32
      %eq3A_3683 = vector.broadcast %eq3A_3682 : i32 to vector<16xi32>
      %eq3A_3684 = arith.cmpi eq, %get3A_3603, %eq3A_3683 : vector<16xi32>
      %jit3A_3685 = arith.constant 6 : i32
      %broadcast_in_dim3A_3686 = vector.broadcast %jit3A_3685 : i32 to vector<16xi32>
      %select_n3A_3687 = arith.select %eq3A_3684, %broadcast_in_dim3A_3686, %select_n3A_3681 : vector<16xi1>, vector<16xi32>
      %add3A_3688 = arith.constant 1728 : i32
      %add3A_3689 = vector.broadcast %add3A_3688 : i32 to vector<16xi32>
      %add3A_3690 = arith.addi %add3A_3689, %select_n3A_3687 : vector<16xi32>
      %add3A_3691 = arith.constant 1735 : i32
      %add3A_3692 = vector.broadcast %add3A_3691 : i32 to vector<16xi32>
      %add3A_3693 = arith.addi %add3A_3692, %min3A_3645 : vector<16xi32>
      %add3A_3694 = arith.constant 1737 : i32
      %add3A_3695 = vector.broadcast %add3A_3694 : i32 to vector<16xi32>
      %add3A_3696 = arith.addi %add3A_3695, %min3A_3645 : vector<16xi32>
      %eq3A_3697 = arith.constant 27 : i32
      %eq3A_3698 = vector.broadcast %eq3A_3697 : i32 to vector<16xi32>
      %eq3A_3699 = arith.cmpi eq, %select_n3A_3633, %eq3A_3698 : vector<16xi32>
      %select_n3A_3700 = arith.select %eq3A_3699, %add3A_3690, %add3A_3649 : vector<16xi1>, vector<16xi32>
      %eq3A_3701 = arith.constant 28 : i32
      %eq3A_3702 = vector.broadcast %eq3A_3701 : i32 to vector<16xi32>
      %eq3A_3703 = arith.cmpi eq, %select_n3A_3633, %eq3A_3702 : vector<16xi32>
      %select_n3A_3704 = arith.select %eq3A_3703, %add3A_3693, %select_n3A_3700 : vector<16xi1>, vector<16xi32>
      %eq3A_3705 = arith.constant 29 : i32
      %eq3A_3706 = vector.broadcast %eq3A_3705 : i32 to vector<16xi32>
      %eq3A_3707 = arith.cmpi eq, %select_n3A_3633, %eq3A_3706 : vector<16xi32>
      %select_n3A_3708 = arith.select %eq3A_3707, %add3A_3696, %select_n3A_3704 : vector<16xi1>, vector<16xi32>
      %swap3A_3709 = arith.constant 3 : i32
      %swap3A_3710 = arith.index_cast %swap3A_3709 : i32 to index
      %swap3A_3711 = arith.constant 112 : index
      %swap3A_3712 = tpu.vector_load %arg7[%swap3A_3710, %swap3A_3711] {strides = array<i32>} : memref<4x128xi32, #tpu.memory_space<vmem>>, vector<1x16xi32>,
      %swap3A_3713 = vector.shape_cast %swap3A_3712 : vector<1x16xi32> to vector<16xi32>
      %swap3A_3714 = vector.shape_cast %select_n3A_3708 : vector<16xi32> to vector<1x16xi32>
      tpu.vector_store %arg7[%swap3A_3710, %swap3A_3711], %swap3A_3714 {strides = array<i32>} : memref<4x128xi32, #tpu.memory_space<vmem>>, vector<1x16xi32>,
      %dma_start3A = arith.constant 0 : i32
      %dma_start3A_3715 = arith.constant 0 : i32
      %dma_start3A_3716 = arith.constant 0 : i32
      %dma_start3A_3717 = arith.constant 0 : i32
      %dma_start3A_3718 = tpu.memref_slice %arg8[%dma_start3A_3715, %dma_start3A_3716, %dma_start3A_3717] : memref<4x128x16xf32, #tpu.memory_space<vmem>> -> memref<1x128x16xf32, #tpu.memory_space<vmem>>
      %dma_start3A_3719 = tpu.memref_squeeze %dma_start3A_3718 : memref<1x128x16xf32, #tpu.memory_space<vmem>> -> memref<128x16xf32, #tpu.memory_space<vmem>>
      %dma_start3A_3720 = arith.constant 0 : i32
      %dma_start3A_3721 = tpu.memref_slice %arg7[%dma_start3A, %dma_start3A_3720] : memref<4x128xi32, #tpu.memory_space<vmem>> -> memref<1x128xi32, #tpu.memory_space<vmem>>
      %dma_start3A_3722 = tpu.memref_squeeze %dma_start3A_3721 : memref<1x128xi32, #tpu.memory_space<vmem>> -> memref<128xi32, #tpu.memory_space<vmem>>
      %dma_start3A_3723 = arith.constant 0 : i32
      %dma_start3A_3724 = arith.constant 0 : i32
      %dma_start3A_3725 = tpu.memref_slice %arg5[%dma_start3A_3723, %dma_start3A_3724] : memref<1739x16xf32, #tpu.memory_space<vmem_shared>> -> memref<1739x16xf32, #tpu.memory_space<vmem_shared>>
      tpu.enqueue_indirect_dma source(%dma_start3A_3725 : memref<1739x16xf32, #tpu.memory_space<vmem_shared>>) target(%dma_start3A_3719 : memref<128x16xf32, #tpu.memory_space<vmem>>) offsets(%dma_start3A_3722 : memref<128xi32, #tpu.memory_space<vmem>>) semaphore(%arg9 : memref<!tpu.dma_semaphore, #tpu.memory_space<semaphore_mem>>)
      %dma_start3A_3726 = arith.constant 1 : i32
      %dma_start3A_3727 = arith.constant 1 : i32
      %dma_start3A_3728 = arith.constant 0 : i32
      %dma_start3A_3729 = arith.constant 0 : i32
      %dma_start3A_3730 = tpu.memref_slice %arg8[%dma_start3A_3727, %dma_start3A_3728, %dma_start3A_3729] : memref<4x128x16xf32, #tpu.memory_space<vmem>> -> memref<1x128x16xf32, #tpu.memory_space<vmem>>
      %dma_start3A_3731 = tpu.memref_squeeze %dma_start3A_3730 : memref<1x128x16xf32, #tpu.memory_space<vmem>> -> memref<128x16xf32, #tpu.memory_space<vmem>>
      %dma_start3A_3732 = arith.constant 0 : i32
      %dma_start3A_3733 = tpu.memref_slice %arg7[%dma_start3A_3726, %dma_start3A_3732] : memref<4x128xi32, #tpu.memory_space<vmem>> -> memref<1x128xi32, #tpu.memory_space<vmem>>
      %dma_start3A_3734 = tpu.memref_squeeze %dma_start3A_3733 : memref<1x128xi32, #tpu.memory_space<vmem>> -> memref<128xi32, #tpu.memory_space<vmem>>
      %dma_start3A_3735 = arith.constant 0 : i32
      %dma_start3A_3736 = arith.constant 0 : i32
      %dma_start3A_3737 = tpu.memref_slice %arg5[%dma_start3A_3735, %dma_start3A_3736] : memref<1739x16xf32, #tpu.memory_space<vmem_shared>> -> memref<1739x16xf32, #tpu.memory_space<vmem_shared>>
      tpu.enqueue_indirect_dma source(%dma_start3A_3737 : memref<1739x16xf32, #tpu.memory_space<vmem_shared>>) target(%dma_start3A_3731 : memref<128x16xf32, #tpu.memory_space<vmem>>) offsets(%dma_start3A_3734 : memref<128xi32, #tpu.memory_space<vmem>>) semaphore(%arg9 : memref<!tpu.dma_semaphore, #tpu.memory_space<semaphore_mem>>)
      %dma_start3A_3738 = arith.constant 2 : i32
      %dma_start3A_3739 = arith.constant 2 : i32
      %dma_start3A_3740 = arith.constant 0 : i32
      %dma_start3A_3741 = arith.constant 0 : i32
      %dma_start3A_3742 = tpu.memref_slice %arg8[%dma_start3A_3739, %dma_start3A_3740, %dma_start3A_3741] : memref<4x128x16xf32, #tpu.memory_space<vmem>> -> memref<1x128x16xf32, #tpu.memory_space<vmem>>
      %dma_start3A_3743 = tpu.memref_squeeze %dma_start3A_3742 : memref<1x128x16xf32, #tpu.memory_space<vmem>> -> memref<128x16xf32, #tpu.memory_space<vmem>>
      %dma_start3A_3744 = arith.constant 0 : i32
      %dma_start3A_3745 = tpu.memref_slice %arg7[%dma_start3A_3738, %dma_start3A_3744] : memref<4x128xi32, #tpu.memory_space<vmem>> -> memref<1x128xi32, #tpu.memory_space<vmem>>
      %dma_start3A_3746 = tpu.memref_squeeze %dma_start3A_3745 : memref<1x128xi32, #tpu.memory_space<vmem>> -> memref<128xi32, #tpu.memory_space<vmem>>
      %dma_start3A_3747 = arith.constant 0 : i32
      %dma_start3A_3748 = arith.constant 0 : i32
      %dma_start3A_3749 = tpu.memref_slice %arg5[%dma_start3A_3747, %dma_start3A_3748] : memref<1739x16xf32, #tpu.memory_space<vmem_shared>> -> memref<1739x16xf32, #tpu.memory_space<vmem_shared>>
      tpu.enqueue_indirect_dma source(%dma_start3A_3749 : memref<1739x16xf32, #tpu.memory_space<vmem_shared>>) target(%dma_start3A_3743 : memref<128x16xf32, #tpu.memory_space<vmem>>) offsets(%dma_start3A_3746 : memref<128xi32, #tpu.memory_space<vmem>>) semaphore(%arg9 : memref<!tpu.dma_semaphore, #tpu.memory_space<semaphore_mem>>)
      %dma_start3A_3750 = arith.constant 3 : i32
      %dma_start3A_3751 = arith.constant 3 : i32
      %dma_start3A_3752 = arith.constant 0 : i32
      %dma_start3A_3753 = arith.constant 0 : i32
      %dma_start3A_3754 = tpu.memref_slice %arg8[%dma_start3A_3751, %dma_start3A_3752, %dma_start3A_3753] : memref<4x128x16xf32, #tpu.memory_space<vmem>> -> memref<1x128x16xf32, #tpu.memory_space<vmem>>
      %dma_start3A_3755 = tpu.memref_squeeze %dma_start3A_3754 : memref<1x128x16xf32, #tpu.memory_space<vmem>> -> memref<128x16xf32, #tpu.memory_space<vmem>>
      %dma_start3A_3756 = arith.constant 0 : i32
      %dma_start3A_3757 = tpu.memref_slice %arg7[%dma_start3A_3750, %dma_start3A_3756] : memref<4x128xi32, #tpu.memory_space<vmem>> -> memref<1x128xi32, #tpu.memory_space<vmem>>
      %dma_start3A_3758 = tpu.memref_squeeze %dma_start3A_3757 : memref<1x128xi32, #tpu.memory_space<vmem>> -> memref<128xi32, #tpu.memory_space<vmem>>
      %dma_start3A_3759 = arith.constant 0 : i32
      %dma_start3A_3760 = arith.constant 0 : i32
      %dma_start3A_3761 = tpu.memref_slice %arg5[%dma_start3A_3759, %dma_start3A_3760] : memref<1739x16xf32, #tpu.memory_space<vmem_shared>> -> memref<1739x16xf32, #tpu.memory_space<vmem_shared>>
      tpu.enqueue_indirect_dma source(%dma_start3A_3761 : memref<1739x16xf32, #tpu.memory_space<vmem_shared>>) target(%dma_start3A_3755 : memref<128x16xf32, #tpu.memory_space<vmem>>) offsets(%dma_start3A_3758 : memref<128xi32, #tpu.memory_space<vmem>>) semaphore(%arg9 : memref<!tpu.dma_semaphore, #tpu.memory_space<semaphore_mem>>)
      %dma_wait3A = arith.constant 0 : i32
      %dma_wait3A_3762 = arith.constant 0 : i32
      %dma_wait3A_3763 = arith.constant 0 : i32
      %dma_wait3A_3764 = arith.constant 0 : i32
      %dma_wait3A_3765 = tpu.memref_slice %arg8[%dma_wait3A_3762, %dma_wait3A_3763, %dma_wait3A_3764] : memref<4x128x16xf32, #tpu.memory_space<vmem>> -> memref<1x128x16xf32, #tpu.memory_space<vmem>>
      %dma_wait3A_3766 = tpu.memref_squeeze %dma_wait3A_3765 : memref<1x128x16xf32, #tpu.memory_space<vmem>> -> memref<128x16xf32, #tpu.memory_space<vmem>>
      %dma_wait3A_3767 = arith.constant 0 : i32
      %dma_wait3A_3768 = tpu.memref_slice %arg7[%dma_wait3A, %dma_wait3A_3767] : memref<4x128xi32, #tpu.memory_space<vmem>> -> memref<1x128xi32, #tpu.memory_space<vmem>>
      %dma_wait3A_3769 = tpu.memref_squeeze %dma_wait3A_3768 : memref<1x128xi32, #tpu.memory_space<vmem>> -> memref<128xi32, #tpu.memory_space<vmem>>
      %dma_wait3A_3770 = arith.constant 0 : i32
      %dma_wait3A_3771 = arith.constant 0 : i32
      %dma_wait3A_3772 = tpu.memref_slice %arg5[%dma_wait3A_3770, %dma_wait3A_3771] : memref<1739x16xf32, #tpu.memory_space<vmem_shared>> -> memref<1739x16xf32, #tpu.memory_space<vmem_shared>>
      tpu.wait_indirect_dma semaphore(%arg9 : memref<!tpu.dma_semaphore, #tpu.memory_space<semaphore_mem>>) src(%dma_wait3A_3772 : memref<1739x16xf32, #tpu.memory_space<vmem_shared>>) dst(%dma_wait3A_3766 : memref<128x16xf32, #tpu.memory_space<vmem>>)
      %dma_wait3A_3773 = arith.constant 1 : i32
      %dma_wait3A_3774 = arith.constant 1 : i32
      %dma_wait3A_3775 = arith.constant 0 : i32
      %dma_wait3A_3776 = arith.constant 0 : i32
      %dma_wait3A_3777 = tpu.memref_slice %arg8[%dma_wait3A_3774, %dma_wait3A_3775, %dma_wait3A_3776] : memref<4x128x16xf32, #tpu.memory_space<vmem>> -> memref<1x128x16xf32, #tpu.memory_space<vmem>>
      %dma_wait3A_3778 = tpu.memref_squeeze %dma_wait3A_3777 : memref<1x128x16xf32, #tpu.memory_space<vmem>> -> memref<128x16xf32, #tpu.memory_space<vmem>>
      %dma_wait3A_3779 = arith.constant 0 : i32
      %dma_wait3A_3780 = tpu.memref_slice %arg7[%dma_wait3A_3773, %dma_wait3A_3779] : memref<4x128xi32, #tpu.memory_space<vmem>> -> memref<1x128xi32, #tpu.memory_space<vmem>>
      %dma_wait3A_3781 = tpu.memref_squeeze %dma_wait3A_3780 : memref<1x128xi32, #tpu.memory_space<vmem>> -> memref<128xi32, #tpu.memory_space<vmem>>
      %dma_wait3A_3782 = arith.constant 0 : i32
      %dma_wait3A_3783 = arith.constant 0 : i32
      %dma_wait3A_3784 = tpu.memref_slice %arg5[%dma_wait3A_3782, %dma_wait3A_3783] : memref<1739x16xf32, #tpu.memory_space<vmem_shared>> -> memref<1739x16xf32, #tpu.memory_space<vmem_shared>>
      tpu.wait_indirect_dma semaphore(%arg9 : memref<!tpu.dma_semaphore, #tpu.memory_space<semaphore_mem>>) src(%dma_wait3A_3784 : memref<1739x16xf32, #tpu.memory_space<vmem_shared>>) dst(%dma_wait3A_3778 : memref<128x16xf32, #tpu.memory_space<vmem>>)
      %dma_wait3A_3785 = arith.constant 2 : i32
      %dma_wait3A_3786 = arith.constant 2 : i32
      %dma_wait3A_3787 = arith.constant 0 : i32
      %dma_wait3A_3788 = arith.constant 0 : i32
      %dma_wait3A_3789 = tpu.memref_slice %arg8[%dma_wait3A_3786, %dma_wait3A_3787, %dma_wait3A_3788] : memref<4x128x16xf32, #tpu.memory_space<vmem>> -> memref<1x128x16xf32, #tpu.memory_space<vmem>>
      %dma_wait3A_3790 = tpu.memref_squeeze %dma_wait3A_3789 : memref<1x128x16xf32, #tpu.memory_space<vmem>> -> memref<128x16xf32, #tpu.memory_space<vmem>>
      %dma_wait3A_3791 = arith.constant 0 : i32
      %dma_wait3A_3792 = tpu.memref_slice %arg7[%dma_wait3A_3785, %dma_wait3A_3791] : memref<4x128xi32, #tpu.memory_space<vmem>> -> memref<1x128xi32, #tpu.memory_space<vmem>>
      %dma_wait3A_3793 = tpu.memref_squeeze %dma_wait3A_3792 : memref<1x128xi32, #tpu.memory_space<vmem>> -> memref<128xi32, #tpu.memory_space<vmem>>
      %dma_wait3A_3794 = arith.constant 0 : i32
      %dma_wait3A_3795 = arith.constant 0 : i32
      %dma_wait3A_3796 = tpu.memref_slice %arg5[%dma_wait3A_3794, %dma_wait3A_3795] : memref<1739x16xf32, #tpu.memory_space<vmem_shared>> -> memref<1739x16xf32, #tpu.memory_space<vmem_shared>>
      tpu.wait_indirect_dma semaphore(%arg9 : memref<!tpu.dma_semaphore, #tpu.memory_space<semaphore_mem>>) src(%dma_wait3A_3796 : memref<1739x16xf32, #tpu.memory_space<vmem_shared>>) dst(%dma_wait3A_3790 : memref<128x16xf32, #tpu.memory_space<vmem>>)
      %dma_wait3A_3797 = arith.constant 3 : i32
      %dma_wait3A_3798 = arith.constant 3 : i32
      %dma_wait3A_3799 = arith.constant 0 : i32
      %dma_wait3A_3800 = arith.constant 0 : i32
      %dma_wait3A_3801 = tpu.memref_slice %arg8[%dma_wait3A_3798, %dma_wait3A_3799, %dma_wait3A_3800] : memref<4x128x16xf32, #tpu.memory_space<vmem>> -> memref<1x128x16xf32, #tpu.memory_space<vmem>>
      %dma_wait3A_3802 = tpu.memref_squeeze %dma_wait3A_3801 : memref<1x128x16xf32, #tpu.memory_space<vmem>> -> memref<128x16xf32, #tpu.memory_space<vmem>>
      %dma_wait3A_3803 = arith.constant 0 : i32
      %dma_wait3A_3804 = tpu.memref_slice %arg7[%dma_wait3A_3797, %dma_wait3A_3803] : memref<4x128xi32, #tpu.memory_space<vmem>> -> memref<1x128xi32, #tpu.memory_space<vmem>>
      %dma_wait3A_3805 = tpu.memref_squeeze %dma_wait3A_3804 : memref<1x128xi32, #tpu.memory_space<vmem>> -> memref<128xi32, #tpu.memory_space<vmem>>
      %dma_wait3A_3806 = arith.constant 0 : i32
      %dma_wait3A_3807 = arith.constant 0 : i32
      %dma_wait3A_3808 = tpu.memref_slice %arg5[%dma_wait3A_3806, %dma_wait3A_3807] : memref<1739x16xf32, #tpu.memory_space<vmem_shared>> -> memref<1739x16xf32, #tpu.memory_space<vmem_shared>>
      tpu.wait_indirect_dma semaphore(%arg9 : memref<!tpu.dma_semaphore, #tpu.memory_space<semaphore_mem>>) src(%dma_wait3A_3808 : memref<1739x16xf32, #tpu.memory_space<vmem_shared>>) dst(%dma_wait3A_3802 : memref<128x16xf32, #tpu.memory_space<vmem>>)
      "tpu.region"() ({
        %run_scoped3A = tpu.sem_alloc : memref<!tpu.dma_semaphore, #tpu.memory_space<semaphore_mem>>
        %dma_start3A_3809 = arith.constant 0 : i32
        %dma_start3A_3810 = arith.constant 0 : i32
        %dma_start3A_3811 = tpu.memref_slice %arg4[%add3A_13, %dma_start3A_3809, %dma_start3A_3810] : memref<23552x128x16xf32, #tpu.memory_space<hbm>> -> memref<4x128x16xf32, #tpu.memory_space<hbm>>
        %dma_start3A_3812 = arith.constant 0 : i32
        %dma_start3A_3813 = arith.constant 0 : i32
        %dma_start3A_3814 = tpu.memref_slice %arg4[%add3A_13, %dma_start3A_3812, %dma_start3A_3813] : memref<23552x128x16xf32, #tpu.memory_space<hbm>> -> memref<4x128x16xf32, #tpu.memory_space<hbm>>
        tpu.enqueue_dma source(%arg8 : memref<4x128x16xf32, #tpu.memory_space<vmem>>) target(%dma_start3A_3814 : memref<4x128x16xf32, #tpu.memory_space<hbm>>) target_semaphore(%run_scoped3A : memref<!tpu.dma_semaphore, #tpu.memory_space<semaphore_mem>>)
        %dma_wait3A_3815 = arith.constant 0 : i32
        %dma_wait3A_3816 = arith.constant 0 : i32
        %dma_wait3A_3817 = tpu.memref_slice %arg4[%add3A_13, %dma_wait3A_3815, %dma_wait3A_3816] : memref<23552x128x16xf32, #tpu.memory_space<hbm>> -> memref<4x128x16xf32, #tpu.memory_space<hbm>>
        %dma_wait3A_3818 = arith.constant 0 : i32
        %dma_wait3A_3819 = arith.constant 0 : i32
        %dma_wait3A_3820 = tpu.memref_slice %arg4[%add3A_13, %dma_wait3A_3818, %dma_wait3A_3819] : memref<23552x128x16xf32, #tpu.memory_space<hbm>> -> memref<4x128x16xf32, #tpu.memory_space<hbm>>
        tpu.wait_dma2 semaphore(%run_scoped3A : memref<!tpu.dma_semaphore, #tpu.memory_space<semaphore_mem>>) src(%arg8 : memref<4x128x16xf32, #tpu.memory_space<vmem>>) dst(%dma_wait3A_3820 : memref<4x128x16xf32, #tpu.memory_space<hbm>>)
        tpu.yield
      }) : () -> ()
    }
    %scan3A_9 = arith.constant 184 : i32
    return
  }
}

</mosaic_0001>

<sc_bundles>
// kernel: _sc_gather.3.cloned.1.call-start
scs
__scs_entry_jumppad:
0x0: {  	(pc) =	sbr.rel $0x88, $3  }
0x1: {  	(tag) =	ssettag $0x0;
	lr =	simm.s32 $0x1  }
0x2: {  	[smem:$0x3F9F] =	sst lr;
	_ =	strace $0xD0000000  }
0x3: {  	_ = 	snop  }
0x4: {  	_ = 	snop  }
0x5: {  	_ = 	snop  }
0x6: {  	_ = 	snop  }
0x7: {  	_ = 	snop  }
__scs_overlays_trampoline_lowered:
0x8: {  	[smem:$0x3FAE] =	sst s0  }
0x9: {  	[smem:$0x3FAF] =	sst s1  }
0xa: {  	[smem:$0x3FB0] =	sst s2  }
0xb: {  	[smem:$0x3FB1] =	sst s3  }
0xc: {  	[smem:$0x3FB2] =	sst s4  }
0xd: {  	[smem:$0x3FB3] =	sst s5  }
0xe: {  	[smem:$0x3FB4] =	sst s6  }
0xf: {  	[smem:$0x3FB5] =	sst s7  }
0x10: {  	[smem:$0x3FB6] =	sst s8  }
0x11: {  	[smem:$0x3FB7] =	sst s9;
	s0 =	simm.s32 @!p0 $0x0  }
0x12: {  	s1 =	sld [smem:$0x3F9D];
	s0 =	simm.s32 @p0 $0x1  }
0x13: {  	[smem:$0x3FB8] =	sst s0;
	s0 =	simm.s32 @!p1 $0x0  }
0x14: {  	s2 =	sld [smem:$0x3F9C];
	s0 =	simm.s32 @p1 $0x1  }
0x15: {  	[smem:$0x3FB9] =	sst s0;
	s0 =	simm.s32 @!p2 $0x0  }
0x16: {  	s3 =	sld [smem:$0x3FDB];
	s0 =	simm.s32 @p2 $0x1  }
0x17: {  	s4 =	simm.s32 $0x1BF5;
	[smem:$0x3FBB] =	sst s0  }
0x18: {  	s0 =	sld [smem:$0x3F9E];
	_ =	swait.ge [sflag:s4], $0x0  }
0x19: {  	s7 =	sld [smem:$0x3F9F]  }
0x1a: {  	s8 =	sadd.s32 $0xFFFFE003, lr  }
0x1b: {  	s9 =	sadd.s32 $0xFFFFFEF7, lr;
	s5 =	simm.s32 $0xFFFFFFFF;
	p2 =	slt.u32 s8, $0xFFFFF086  }
0x1c: {  	p1 =	slt.u32 s9, $0xF7A;
	s5 =	simm.s32 @!p2 $0x0  }
0x1d: {  	s5 =	simm.s32 @p1 $0x1;
	p0 =	seq.s32 s7, s2  }
0x1e: {  	s7 =	smul.u32 @!p0 $0xF7A, s2;
	p2 =	seq.s32 @!p0 s5, $0x0  }
0x1f: {  	s9 =	smul.u32 $0xF7A, s1;
	s8 =	simm.s32 @!p0 $0x1BF5;
	p2 =	por !p2, p0  }
0x20: {  	[sflag:s8] =	ssyncset.s32 @!p0 $0xFFFFF086;
	s6 =	sadd.s32 @!p0 s3, s7;
	s7 =	simm.s32 @!p0 $0x108  }
0x21: {  	s3 =	sadd.s32 s3, s9;
	s6 =	sadd.s32 @!p0 $0x88, s6;
	s7 =	simm.s32 @p2 $0x1082  }
0x22: {  	[simem:s7], [sflag:s8] =	dma.local @!p0 [hbm:s6], $0xF7A  }
0x23: {  	s9 =	sor.u32 $0xD0000000, s2;
	s6 =	simm.s32 $0x108;
	_ =	swait.ge @!p0 [sflag:s8], $0x0  }
0x24: {  	s3 =	sadd.s32 $0x88, s3;
	s6 =	simm.s32 @!p1 $0x1082;
	[sflag:s4] =	ssyncset.s32 $0xFFFFF086  }
0x25: {  	[simem:s6], [sflag:s4] =	dma.local [hbm:s3], $0xF7A  }
0x26: {  	[smem:$0x3F9F] =	sst s1;
	(tag) =	ssettag s2;
	_ =	strace s9  }
0x27: {  	s1 =	sld [smem:$0x3FAF]  }
0x28: {  	s2 =	sld [smem:$0x3FB0]  }
0x29: {  	s4 =	sld [smem:$0x3FB2]  }
0x2a: {  	p0 =	seq.s32 s5, $0x0;
	s5 =	sld [smem:$0x3FB3]  }
0x2b: {  	s6 =	sld [smem:$0x3FB4]  }
0x2c: {  	s7 =	sld [smem:$0x3FB5]  }
0x2d: {  	s3 =	simm.s32 $0x108;
	s8 =	sld [smem:$0x3FB6]  }
0x2e: {  	s3 =	simm.s32 @!p0 $0x1082;
	s9 =	sld [smem:$0x3FB7]  }
0x2f: {  	lr =	sadd.s32 s0, s3;
	s0 =	sld [smem:$0x3FAE]  }
0x30: {  	s3 =	sld [smem:$0x3FB1]  }
0x31: {  	[smem:$0x3FBA] =	sst s10  }
0x32: {  	s10 =	sld [smem:$0x3FB8];
	_ =	sdelay $0x3  }
0x33: {  	p0 =	seq.s32 s10, $0x1;
	s10 =	sld [smem:$0x3FBA];
	_ =	sdelay $0x3  }
0x34: {  	[smem:$0x3FBA] =	sst s10  }
0x35: {  	s10 =	sld [smem:$0x3FB9];
	_ =	sdelay $0x3  }
0x36: {  	p1 =	seq.s32 s10, $0x1;
	s10 =	sld [smem:$0x3FBA];
	_ =	sdelay $0x3  }
0x37: {  	[smem:$0x3FBA] =	sst s10  }
0x38: {  	s10 =	sld [smem:$0x3FBB]  }
0x39: {  	_ = 	snop;
	(pc) =	sbr.ind lr, $3  }
0x3a: {  	_ = 	snop  }
0x3b: {  	_ = 	snop  }
0x3c: {  	p2 =	seq.s32 s10, $0x1;
	s10 =	sld [smem:$0x3FBA]  }
0x3d: {  	_ =	shalt  }
0x3e: {  	_ =	shalt  }
0x3f: {  	_ =	shalt  }
0x40: {  	_ =	shalt  }
0x41: {  	_ =	shalt  }
0x42: {  	_ =	shalt  }
0x43: {  	_ =	shalt  }
0x44: {  	_ =	shalt  }
0x45: {  	_ =	shalt  }
0x46: {  	_ =	shalt  }
0x47: {  	_ =	shalt  }
0x48: {  	_ =	shalt  }
0x49: {  	_ =	shalt  }
0x4a: {  	_ =	shalt  }
0x4b: {  	_ =	shalt  }
0x4c: {  	_ =	shalt  }
0x4d: {  	_ =	shalt  }
0x4e: {  	_ =	shalt  }
0x4f: {  	_ =	shalt  }
0x50: {  	_ =	shalt  }
0x51: {  	_ =	shalt  }
0x52: {  	_ =	shalt  }
0x53: {  	_ =	shalt  }
0x54: {  	_ =	shalt  }
0x55: {  	_ =	shalt  }
0x56: {  	_ =	shalt  }
0x57: {  	_ =	shalt  }
0x58: {  	_ =	shalt  }
0x59: {  	_ =	shalt  }
0x5a: {  	_ =	shalt  }
0x5b: {  	_ =	shalt  }
0x5c: {  	_ =	shalt  }
0x5d: {  	_ =	shalt  }
0x5e: {  	_ =	shalt  }
0x5f: {  	_ =	shalt  }
0x60: {  	_ =	shalt  }
0x61: {  	_ =	shalt  }
0x62: {  	_ =	shalt  }
0x63: {  	_ =	shalt  }
0x64: {  	_ =	shalt  }
0x65: {  	_ =	shalt  }
0x66: {  	_ =	shalt  }
0x67: {  	_ =	shalt  }
0x68: {  	_ =	shalt  }
0x69: {  	_ =	shalt  }
0x6a: {  	_ =	shalt  }
0x6b: {  	_ =	shalt  }
0x6c: {  	_ =	shalt  }
0x6d: {  	_ =	shalt  }
0x6e: {  	_ =	shalt  }
0x6f: {  	_ =	shalt  }
0x70: {  	_ =	shalt  }
0x71: {  	_ =	shalt  }
0x72: {  	_ =	shalt  }
0x73: {  	_ =	shalt  }
0x74: {  	_ =	shalt  }
0x75: {  	_ =	shalt  }
0x76: {  	_ =	shalt  }
0x77: {  	_ =	shalt  }
0x78: {  	_ =	shalt  }
0x79: {  	_ =	shalt  }
0x7a: {  	_ =	shalt  }
0x7b: {  	_ =	shalt  }
0x7c: {  	_ =	shalt  }
0x7d: {  	_ =	shalt  }
0x7e: {  	_ =	shalt  }
0x7f: {  	_ =	shalt  }
0x80: {  	_ =	shalt  }
0x81: {  	_ =	shalt  }
0x82: {  	_ =	shalt  }
0x83: {  	_ =	shalt  }
0x84: {  	_ =	shalt  }
0x85: {  	_ =	shalt  }
0x86: {  	_ =	shalt  }
0x87: {  	_ =	shalt  }
.Lfunc_end0:
.L_simem_size_0:
called_computation.1_lowered:
.L_overlay_start_0:
0x88: {  	s2 =	sld [smem:$0x3FD9]  }
0x89: {  	s3 =	sld [smem:$0x3FFE];
	_ =	sdelay $0x1  }
0x8a: {  	s1 =	srdreg.scid  }
0x8b: {  	s0 =	sand.u32 $0x1, s1  }
0x8c: {  	s17 =	sshll.u32 s0, $0xA;
	s2 =	sadd.s32 s3, s2  }
0x8d: {  	s2 =	sadd.s32 s2, s17  }
0x8e: {  	[smem:$0x3FC6] =	sst s2  }
0x8f: {  	_ = 	snop  }
0x90: {  	s2 =	sld [smem:$0x3FC8]  }
0x91: {  	s18 =	sld [smem:$0x3FD0];
	(tm) =	ssettm $0x1  }
0x92: {  	s4 =	sld [smem:$0x3FFB];
	_ =	sdelay $0x3  }
0x93: {  	_ =	strace s4  }
0x94: {  	s4 =	sld [smem:$0x3FFC];
	_ =	sdelay $0x3  }
0x95: {  	_ =	strace s4  }
0x96: {  	s4 =	sld [smem:$0x3FFD];
	_ =	sdelay $0x3  }
0x97: {  	_ =	strace s4  }
0x98: {  	_ =	strace $0x8FFFFFFF  }
0x99: {  	s19 =	sld [smem:$0x3FDB];
	_ =	sdelay $0x1  }
0x9a: {  	s5 =	simm.s32 $_scs_section_size  }
0x9b: {  	s6 =	simm.s32 $_size__tile_overlayer_lowered;
	s7 =	simm.s32 $_tile_overlayer_lowered  }
0x9c: {  	s22 =	simm.s32 $0x1BFF;
	s21 =	sshll.u32 s7, $0x1;
	s4 =	sadd.s32 s5, s19  }
0x9d: {  	s8 =	simm.s32 $0x0;
	s20 =	sshll.u32 s6, $0x1;
	s6 =	sadd.s32 s21, s4  }
0x9e: {  	[timem:s8], [sflag:s22] =	dma.local [hbm:s6], s20  }
0x9f: {  	_ =	swait.ge [sflag:s22], s20  }
0xa0: {  	s5 =	ssub.s32 $0x0, s20;
	[sflag:s22] =	ssyncset.done $0x0  }
0xa1: {  	[sflag:s22] =	ssyncadd.s32 s5;
	_ =	sdelay $0x1  }
0xa2: {  	s23 =	simm.s32 $0x1B8B  }
0xa3: {  	_ =	swait.ge [sflag:s23], $0x1  }
0xa4: {  	[sflag:s23] =	ssyncset.done $0x0  }
0xa5: {  	s25 =	simm.s32 $0x1B8E;
	s24 =	sld [smem:$0x3FFE];
	[sflag:s23] =	ssyncadd.s32 $0xFFFFFFFF  }
0xa6: {  	s26 =	simm.s32 $execute0_lowered;
	[smem:$0x3FD2] =	sst s25  }
0xa7: {  	s6 =	sshll.u32 s26, $0x1;
	_ =	strace $0x80000046;
	[dreg:$0x1] =	wrdreg $0xFFFFFFFF  }
0xa8: {  	s28 =	simm.s32 $_size_execute0_lowered;
	s4 =	sadd.s32 s4, s6;
	[dreg:$0x0] =	wrdreg $0x0  }
0xa9: {  	s6 =	sshll.u32 s28, $0x1;
	[dreg:$0x2] =	wrdreg s4  }
0xaa: {  	[dreg:$0x3] =	wrdreg s6  }
0xab: {  	[dreg:$0x4] =	wrdreg $0xC0  }
0xac: {  	_ =	task [dreg:s8], $0x5FFFF  }
0xad: {  	[dreg:$0x1] =	wrdreg $0xFFFFFFFF  }
0xae: {  	[dreg:$0x0] =	wrdreg $0x60  }
0xaf: {  	[dreg:$0x2] =	wrdreg s24  }
0xb0: {  	[dreg:$0x3] =	wrdreg s2  }
0xb1: {  	[dreg:$0x4] =	wrdreg s18  }
0xb2: {  	[dreg:$0x5] =	wrdreg $0x0  }
0xb3: {  	[dreg:$0x6] =	wrdreg $0x9  }
0xb4: {  	_ =	task.clear_ibuf [dreg:s8], $0x7FFFF;
	_ =	strace $0x90000046  }
0xb5: {  	s29 =	simm.s32 $0x9;
	_ =	strace $0x80000048  }
0xb6: {  	_ =	swait.ge [sflag:s29], $0x1  }
0xb7: {  	[sflag:s29] =	ssyncadd.s32 $0xFFFFFFFF  }
0xb8: {  	_ =	strace $0x90000048  }
0xb9: {  	_ =	sfence  }
0xba: {  	s30 =	sld [smem:$0x0];
	_ =	sdelay $0x2  }
0xbb: {  	s31 =	sshll.u32 s1, $0xD;
	s1 =	sshrl.u32 s1, $0x2  }
0xbc: {  	s3 =	sand.u32 $0x4000, s31;
	s1 =	sadd.s32 s1, s30  }
0xbd: {  	s0 =	sor.u32 s3, s0;
	s1 =	sshll.u32 s1, $0x11  }
0xbe: {  	s0 =	sor.u32 s1, s0  }
0xbf: {  	s0 =	sadd.s32 $0x8F2B, s0  }
0xc0: {  	[sflag:s0] =	ssyncadd.remote.s32 $0x1  }
0xc1: {  	_ =	sfence.sel $0xFFFF  }
0xc2: {  	[dreg:$0x0] =	wrdreg $0xFFFFFFFF;
	(pc) =	sbr.abs _section_cstart, $3  }
0xc3: {  	[dreg:$0x1] =	wrdreg $0xFFFFFFFF  }
0xc4: {  	_ =	task.clear_ibuf [dreg:s8], $0x2FFFF;
	_ =	strace $0x9FFFFFFF  }
0xc5: {  	(tm) =	ssettm $0x7FFFFFFF  }
tec
execute0_lowered:
.L_overlay_start_1:
0x0: {  	(tag) =	ssettag $0x1  }
0x1: {  	s3 =	rddreg [dreg:$0x0]  }
0x2: {  	s5 =	rddreg [dreg:$0x1]  }
0x3: {  	s6 =	rddreg [dreg:$0x2]  }
0x4: {  	s1 =	rddreg [dreg:$0x3]  }
0x5: {  	s2 =	srdreg.scid;
	s7 =	stileid.u32  }
0x6: {  	s0 =	rddreg [dreg:$0x4];
	s23 =	simm.s32 $0x6D0;
	s24 =	simm.s32 $0x8D0  }
0x7: {  	s25 =	simm.s32 $0x950;
	s26 =	simm.s32 $0x12D0;
	s28 =	simm.s32 $0x9D0  }
0x8: {  	s29 =	simm.s32 $0x1AD0;
	s8 =	sand.u32 $0x1, s2;
	s2 =	simm.s32 $0x0  }
0x9: {  	s30 =	simm.s32 $0xA50;
	s9 =	smul.u32 $0x5C00, s7;
	[smem:$0x7FF] =	sst s2  }
0xa: {  	s12 =	smul.u32 $0x2E000, s7;
	_ =	strace $0x80000047;
	[dreg:$0x6] =	wrdreg s23  }
0xb: {  	s31 =	simm.s32 $0x22D0;
	s21 =	smul.u32 $0x5C000, s7;
	[dreg:$0x7] =	wrdreg s24  }
0xc: {  	s3 =	sadd.s32 $0x800, s3;
	s10 =	smul.u32 $0x2E00, s8;
	[dreg:$0x9] =	wrdreg s25  }
0xd: {  	p0 =	sne.s32 s7, $0x0;
	s20 =	smul.u32 $0x17000, s8;
	[dreg:$0x8] =	wrdreg s26  }
0xe: {  	s4 =	ssub.s32 $0x2, s8;
	s8 =	smul.u32 $0x2E000, s8;
	[dreg:$0xb] =	wrdreg s28  }
0xf: {  	s7 =	sshrl.u32 @!p0 s1, $0x3;
	s11 =	sshrl.u32 s4, $0x1;
	[dreg:$0xa] =	wrdreg s29  }
0x10: {  	s5 =	sadd.s32 s9, s5;
	s6 =	sadd.s32 s21, s6;
	[dreg:$0xd] =	wrdreg s30  }
0x11: {  	s9 =	simm.s32 $0x80;
	[dreg:$0xc] =	wrdreg s31;
	s4 =	ssub.s32 s4, s11  }
0x12: {  	s5 =	sadd.s32 s10, s5;
	s22 =	sadd.s32 s20, s12;
	s6 =	sadd.s32 s8, s6  }
0x13: {  	v0 =	vlaneseq.u32;
	s8 =	simm.s32 $0x2;
	s10 =	simm.s32 $0xAD0;
	s11 =	simm.s32 $0x1  }
0x14: {  	v1 =	vimm.s32 $0x6C0;
	v2 =	vimm.s32 $0x6C7;
	v3 =	vimm.s32 $0x6C9;
	s12 =	simm.s32 $0x0;
	s4 =	smax.u32 s4, $0x1;
	[dreg:$0x5] =	wrdreg s22  }
.LBB2_1:
0x15: {  	s13 =	simm.s32 @!p0 $0x1C02  }
0x16: {  	[spmem:s7], [sflag:s13] =	dma.local @!p0 [hbm:s3], $0xD96  }
0x17: {  	s13 =	simm.s32 @!p0 $0x2  }
0x18: {  	_ =	swait.ge @!p0 [sflag:s13], $0xD96  }
0x19: {  	[sflag:s13] =	ssyncset.done @!p0 $0x0  }
0x1a: {  	s14 =	smov.u32 s5;
	[sflag:s13] =	ssyncadd.s32 @!p0 $0xFFFFF26A  }
0x1b: {  	s15 =	simm.s32 $0x0;
	s13 =	smov.u32 s6;
	[bflag:$0x0] =	sbarrier.arrive $0xFFFF  }
.LBB2_2:
0x1c: {  	s16 =	rddreg [dreg:$0x6]  }
0x1d: {  	s17 =	rddreg [dreg:$0x5]  }
0x1e: {  	[tilespmem:s16], [sflag:$0x2] =	stream.linear.gather [hbm4b:s14+s2], $0x200, $0x38;
	[tilespmem:$0x2AD0] =	vst v63  }
0x1f: {  	s16 =	sadd.s32 s15, s17  }
0x20: {  	v4 =	vor.u32 s16, v0;
	s17 =	sadd.s32 $0x10, s16  }
0x21: {  	s23 =	sadd.s32 $0x20, s16;
	v6 =	vmulhi.u32 $0x88888889, v4;
	v9 =	vor.u32 s17, v0  }
0x22: {  	s24 =	sadd.s32 $0x30, s16;
	v12 =	vor.u32 s23, v0;
	v10 =	vmulhi.u32 $0x88888889, v9  }
0x23: {  	_ =	swait.ge [sflag:s8], $0x200;
	s25 =	sadd.s32 $0x40, s16;
	v41 =	vor.u32 s24, v0;
	v13 =	vmulhi.u32 $0x88888889, v12  }
0x24: {  	s26 =	sadd.s32 $0x50, s16;
	[sflag:s8] =	ssyncset.done $0x0;
	v51 =	vor.u32 s25, v0;
	v14 =	vmulhi.u32 $0x88888889, v41  }
0x25: {  	v62 =	vor.u32 s26, v0;
	[sflag:s8] =	ssyncadd.s32 $0xFFFFFE00;
	v15 =	vmulhi.u32 $0x88888889, v51;
	v6 =	vshrl.u32 v6, $0x4  }
0x26: {  	v16 =	vmulhi.u32 $0x88888889, v62;
	v5 =	vld [tilespmem:$0x6D0];
	v6 =	vmul.u32 $0x1E, v6  }
0x27: {  	v10 =	vshrl.u32 v10, $0x4;
	v37 =	vshrl.u32 v13, $0x4;
	v46 =	vshrl.u32 v14, $0x4  }
0x28: {  	v28 =	vld [tilespmem:$0x6E0];
	v57 =	vshrl.u32 v15, $0x4;
	v24 =	vshrl.u32 v16, $0x4;
	v30 =	vmul.u32 $0x1E, v10  }
0x29: {  	v47 =	vmul.u32 $0x1E, v46;
	v58 =	vmul.u32 $0x1E, v57;
	v4 =	vsub.s32 v4, v6  }
0x2a: {  	v25 =	vmul.u32 $0x1E, v24;
	v8 =	vshll.u32 v4, $0x6;
	vm15 =	veq.s32 v4, $0x1B  }
0x2b: {  	vm4 =	veq.s32 v4, $0x1C;
	vm0 =	vgt.s32 v5, $0x0;
	vm1 =	veq.s32 v5, $0x3  }
0x2c: {  	vm2 =	veq.s32 v5, $0x4;
	vm11 =	veq.s32 v5, $0x5;
	vm12 =	veq.s32 v5, $0x6  }
0x2d: {  	vm13 =	veq.s32 v5, $0x7;
	vm14 =	veq.s32 v5, $0x8;
	vm5 =	vgt.s32 v28, $0x0  }
0x2e: {  	v35 =	vld [tilespmem:$0x6F0];
	vm6 =	veq.s32 v28, $0x3;
	vm7 =	veq.s32 v28, $0x4;
	vm8 =	veq.s32 v28, $0x5  }
0x2f: {  	vm9 =	veq.s32 v28, $0x6;
	vm10 =	veq.s32 v28, $0x7;
	v7 =	vsel vm1, $0x6C1, v1  }
0x30: {  	v27 =	vnsel vm0, $0x0, v5;
	v29 =	vsel vm0, $0x6C8, v2;
	v7 =	vsel vm2, $0x6C2, v7  }
0x31: {  	v31 =	vsel vm0, $0x6CA, v3;
	v32 =	vnsel vm5, $0x0, v28;
	v7 =	vsel vm11, $0x6C3, v7  }
0x32: {  	v33 =	vsel vm6, $0x6C1, v1;
	v36 =	vsel vm5, $0x6C8, v2;
	v7 =	vsel vm12, $0x6C4, v7  }
0x33: {  	vm6 =	veq.s32 v35, $0x5;
	v6 =	vmin.u32 v27, $0x3F;
	v5 =	vsel vm13, $0x6C5, v7  }
0x34: {  	v6 =	vor.u32 v8, v6;
	v8 =	vmin.u32 v32, $0x3F;
	v5 =	vsel vm14, $0x6C6, v5  }
0x35: {  	v43 =	vld [tilespmem:$0x700];
	vm11 =	veq.s32 v28, $0x8;
	vm12 =	veq.s32 v4, $0x1D;
	v5 =	vsel vm15, v5, v6  }
0x36: {  	v6 =	vsub.s32 v9, v30;
	v9 =	vsel vm7, $0x6C2, v33;
	vm15 =	vgt.s32 v35, $0x0  }
0x37: {  	vm7 =	veq.s32 v35, $0x6;
	v5 =	vsel vm4, v29, v5;
	v11 =	vshll.u32 v6, $0x6  }
0x38: {  	v9 =	vsel vm8, $0x6C3, v9;
	vm13 =	veq.s32 v6, $0x1B;
	vm14 =	veq.s32 v6, $0x1C  }
0x39: {  	vm4 =	veq.s32 v35, $0x3;
	v39 =	vnsel vm15, $0x0, v35;
	vm8 =	veq.s32 v35, $0x7  }
0x3a: {  	s28 =	sadd.s32 $0x60, s16;
	v45 =	vsel vm15, $0x6C8, v2;
	v48 =	vsel vm15, $0x6CA, v3;
	vm15 =	veq.s32 v43, $0x4  }
0x3b: {  	v29 =	vor.u32 s28, v0;
	v9 =	vsel vm9, $0x6C4, v9;
	v4 =	vor.u32 v11, v8  }
0x3c: {  	v11 =	vmul.u32 $0x1E, v37;
	v40 =	vsel vm4, $0x6C1, v1;
	v10 =	vmin.u32 v39, $0x3F  }
0x3d: {  	vm9 =	veq.s32 v35, $0x8;
	vm4 =	veq.s32 v43, $0x5;
	v34 =	vsel vm10, $0x6C5, v9  }
0x3e: {  	v17 =	vmulhi.u32 $0x88888889, v29;
	vm10 =	veq.s32 v6, $0x1D;
	v7 =	vsel vm11, $0x6C6, v34  }
0x3f: {  	v38 =	vsub.s32 v12, v11;
	v7 =	vsel vm13, v7, v4;
	v4 =	vsel vm12, v31, v5  }
0x40: {  	v53 =	vld [tilespmem:$0x710];
	v5 =	vsel vm5, $0x6CA, v3;
	vm5 =	veq.s32 v35, $0x4;
	v12 =	vshll.u32 v38, $0x6  }
0x41: {  	vm11 =	veq.s32 v38, $0x1B;
	vm12 =	veq.s32 v38, $0x1C;
	vm13 =	vgt.s32 v43, $0x0  }
0x42: {  	v35 =	vshrl.u32 v17, $0x4;
	v7 =	vsel vm14, v36, v7;
	v11 =	vsel vm5, $0x6C2, v40  }
0x43: {  	v44 =	vor.u32 v12, v10;
	vm14 =	veq.s32 v43, $0x3;
	v49 =	vnsel vm13, $0x0, v43  }
0x44: {  	s29 =	sadd.s32 $0x70, s16;
	vm5 =	veq.s32 v43, $0x6;
	v56 =	vsel vm13, $0x6C8, v2;
	v59 =	vsel vm13, $0x6CA, v3  }
0x45: {  	vm13 =	veq.s32 v53, $0x4;
	v36 =	vmul.u32 $0x1E, v35;
	v40 =	vor.u32 s29, v0  }
0x46: {  	v11 =	vsel vm6, $0x6C3, v11;
	v5 =	vsel vm10, v5, v7;
	v50 =	vsel vm14, $0x6C1, v1  }
0x47: {  	v10 =	vmin.u32 v49, $0x3F;
	vm6 =	veq.s32 v43, $0x7;
	vm14 =	veq.s32 v53, $0x5  }
0x48: {  	v18 =	vmulhi.u32 $0x88888889, v40;
	v11 =	vsel vm7, $0x6C4, v11;
	v12 =	vsel vm15, $0x6C2, v50  }
0x49: {  	vm7 =	veq.s32 v43, $0x8;
	vm15 =	veq.s32 v53, $0x6;
	v42 =	vsel vm8, $0x6C5, v11  }
0x4a: {  	v12 =	vsel vm4, $0x6C3, v12;
	vm8 =	veq.s32 v38, $0x1D;
	vm4 =	veq.s32 v53, $0x7  }
0x4b: {  	v46 =	vshrl.u32 v18, $0x4;
	v9 =	vsel vm9, $0x6C6, v42;
	v12 =	vsel vm5, $0x6C4, v12  }
0x4c: {  	v20 =	vld [tilespmem:$0x720];
	vm5 =	veq.s32 v53, $0x8;
	v6 =	vsel vm11, v9, v44;
	v9 =	vsub.s32 v41, v47  }
0x4d: {  	v52 =	vsel vm6, $0x6C5, v12;
	vm11 =	vgt.s32 v53, $0x0;
	v47 =	vmul.u32 $0x1E, v46  }
0x4e: {  	v6 =	vsel vm12, v45, v6;
	v13 =	vshll.u32 v9, $0x6;
	v55 =	vsel vm7, $0x6C6, v52  }
0x4f: {  	vm9 =	veq.s32 v9, $0x1B;
	vm10 =	veq.s32 v9, $0x1C;
	vm12 =	veq.s32 v53, $0x3  }
0x50: {  	v60 =	vnsel vm11, $0x0, v53;
	vm6 =	veq.s32 v9, $0x1D;
	v23 =	vsel vm11, $0x6C8, v2  }
0x51: {  	v26 =	vsel vm11, $0x6CA, v3;
	vm11 =	veq.s32 v20, $0x4;
	v54 =	vor.u32 v13, v10  }
0x52: {  	s30 =	sadd.s32 $0x80, s16;
	v6 =	vsel vm8, v48, v6;
	v10 =	vsub.s32 v51, v58;
	v61 =	vsel vm12, $0x6C1, v1  }
0x53: {  	v11 =	vmin.u32 v60, $0x3F;
	vm12 =	veq.s32 v20, $0x5;
	v51 =	vor.u32 s30, v0  }
0x54: {  	v31 =	vld [tilespmem:$0x730];
	v8 =	vsel vm9, v55, v54;
	v13 =	vsel vm13, $0x6C2, v61;
	v14 =	vshll.u32 v10, $0x6  }
0x55: {  	vm7 =	veq.s32 v10, $0x1B;
	vm8 =	veq.s32 v10, $0x1C;
	vm9 =	vgt.s32 v20, $0x0  }
0x56: {  	vm13 =	veq.s32 v20, $0x6;
	v19 =	vmulhi.u32 $0x88888889, v51;
	v8 =	vsel vm10, v56, v8  }
0x57: {  	v13 =	vsel vm14, $0x6C3, v13;
	v21 =	vor.u32 v14, v11;
	v11 =	vsub.s32 v62, v25  }
0x58: {  	vm10 =	veq.s32 v20, $0x3;
	v27 =	vnsel vm9, $0x0, v20;
	vm14 =	veq.s32 v20, $0x7  }
0x59: {  	s31 =	sadd.s32 $0x90, s16;
	v34 =	vsel vm9, $0x6C8, v2;
	v37 =	vsel vm9, $0x6CA, v3;
	vm9 =	veq.s32 v31, $0x4  }
0x5a: {  	v62 =	vor.u32 s31, v0;
	v13 =	vsel vm15, $0x6C4, v13;
	v7 =	vsel vm6, v59, v8  }
0x5b: {  	v28 =	vsel vm10, $0x6C1, v1;
	v12 =	vmin.u32 v27, $0x3F;
	v15 =	vshll.u32 v11, $0x6  }
0x5c: {  	vm15 =	veq.s32 v20, $0x8;
	vm6 =	veq.s32 v11, $0x1C;
	vm10 =	veq.s32 v31, $0x5  }
0x5d: {  	v57 =	vshrl.u32 v19, $0x4;
	v20 =	vmulhi.u32 $0x88888889, v62;
	v63 =	vsel vm4, $0x6C5, v13  }
0x5e: {  	v14 =	vsel vm11, $0x6C2, v28;
	vm4 =	veq.s32 v10, $0x1D;
	v32 =	vor.u32 v15, v12  }
0x5f: {  	v12 =	vsub.s32 v29, v36;
	vm11 =	veq.s32 v31, $0x6;
	v58 =	vmul.u32 $0x1E, v57  }
0x60: {  	v22 =	vsel vm5, $0x6C6, v63;
	v14 =	vsel vm12, $0x6C3, v14;
	vm5 =	veq.s32 v11, $0x1B  }
0x61: {  	v42 =	vld [tilespmem:$0x740];
	v16 =	vshll.u32 v12, $0x6;
	vm12 =	veq.s32 v31, $0x7;
	v28 =	vshrl.u32 v20, $0x4  }
0x62: {  	s21 =	sadd.s32 $0xD0, s16;
	v9 =	vsel vm7, v22, v21;
	v14 =	vsel vm13, $0x6C4, v14;
	vm7 =	vgt.s32 v31, $0x0  }
0x63: {  	vm13 =	veq.s32 v31, $0x8;
	v29 =	vmul.u32 $0x1E, v28;
	v28 =	vor.u32 s21, v0  }
0x64: {  	v9 =	vsel vm8, v23, v9;
	v30 =	vsel vm14, $0x6C5, v14;
	vm8 =	veq.s32 v31, $0x3  }
0x65: {  	v38 =	vnsel vm7, $0x0, v31;
	vm14 =	veq.s32 v11, $0x1D;
	v45 =	vsel vm7, $0x6C8, v2  }
0x66: {  	v48 =	vsel vm7, $0x6CA, v3;
	vm7 =	veq.s32 v42, $0x4;
	v33 =	vsel vm15, $0x6C6, v30  }
0x67: {  	v8 =	vsel vm4, v26, v9;
	v39 =	vsel vm8, $0x6C1, v1;
	v13 =	vmin.u32 v38, $0x3F  }
0x68: {  	vm15 =	veq.s32 v12, $0x1B;
	vm4 =	veq.s32 v12, $0x1C;
	vm8 =	veq.s32 v42, $0x5  }
0x69: {  	v53 =	vld [tilespmem:$0x750];
	v10 =	vsel vm5, v33, v32;
	v15 =	vsel vm9, $0x6C2, v39;
	v43 =	vor.u32 v16, v13  }
0x6a: {  	s18 =	sadd.s32 $0xA0, s16;
	v13 =	vsub.s32 v40, v47;
	vm5 =	vgt.s32 v42, $0x0;
	vm9 =	veq.s32 v42, $0x6  }
0x6b: {  	v33 =	vor.u32 s18, v0;
	v10 =	vsel vm6, v34, v10;
	v15 =	vsel vm10, $0x6C3, v15  }
0x6c: {  	vm6 =	veq.s32 v42, $0x3;
	v49 =	vnsel vm5, $0x0, v42;
	v17 =	vshll.u32 v13, $0x6  }
0x6d: {  	vm10 =	veq.s32 v42, $0x7;
	v56 =	vsel vm5, $0x6C8, v2;
	v59 =	vsel vm5, $0x6CA, v3  }
0x6e: {  	vm5 =	veq.s32 v53, $0x4;
	v21 =	vmulhi.u32 $0x88888889, v33;
	v15 =	vsel vm11, $0x6C4, v15  }
0x6f: {  	v9 =	vsel vm14, v37, v10;
	v50 =	vsel vm6, $0x6C1, v1;
	v14 =	vmin.u32 v49, $0x3F  }
0x70: {  	vm11 =	veq.s32 v42, $0x8;
	vm14 =	veq.s32 v13, $0x1C;
	vm6 =	veq.s32 v53, $0x5  }
0x71: {  	v41 =	vsel vm12, $0x6C5, v15;
	v16 =	vsel vm7, $0x6C2, v50;
	vm12 =	veq.s32 v12, $0x1D  }
0x72: {  	v54 =	vor.u32 v17, v14;
	v14 =	vsub.s32 v51, v58;
	vm7 =	veq.s32 v53, $0x6  }
0x73: {  	v39 =	vshrl.u32 v21, $0x4;
	v44 =	vsel vm13, $0x6C6, v41;
	v16 =	vsel vm8, $0x6C3, v16  }
0x74: {  	s22 =	sadd.s32 $0xE0, s16;
	v24 =	vld [tilespmem:$0x760];
	vm13 =	veq.s32 v13, $0x1B;
	v18 =	vshll.u32 v14, $0x6;
	vm8 =	veq.s32 v53, $0x7  }
0x75: {  	v40 =	vmul.u32 $0x1E, v39;
	v39 =	vor.u32 s22, v0;
	v11 =	vsel vm15, v44, v43  }
0x76: {  	s19 =	sadd.s32 $0xB0, s16;
	v16 =	vsel vm9, $0x6C4, v16;
	vm15 =	vgt.s32 v53, $0x0;
	vm9 =	veq.s32 v53, $0x8  }
0x77: {  	v44 =	vor.u32 s19, v0;
	v11 =	vsel vm4, v45, v11;
	v52 =	vsel vm10, $0x6C5, v16  }
0x78: {  	vm4 =	veq.s32 v53, $0x3;
	v60 =	vnsel vm15, $0x0, v53;
	vm10 =	veq.s32 v13, $0x1D  }
0x79: {  	v27 =	vsel vm15, $0x6C8, v2;
	v30 =	vsel vm15, $0x6CA, v3;
	vm15 =	veq.s32 v24, $0x4  }
0x7a: {  	v22 =	vmulhi.u32 $0x88888889, v44;
	v55 =	vsel vm11, $0x6C6, v52;
	v10 =	vsel vm12, v48, v11  }
0x7b: {  	v61 =	vsel vm4, $0x6C1, v1;
	v15 =	vmin.u32 v60, $0x3F;
	vm11 =	veq.s32 v14, $0x1B  }
0x7c: {  	vm12 =	veq.s32 v14, $0x1C;
	vm4 =	veq.s32 v24, $0x5;
	v12 =	vsel vm13, v55, v54  }
0x7d: {  	v35 =	vld [tilespmem:$0x770];
	v17 =	vsel vm5, $0x6C2, v61;
	v25 =	vor.u32 v18, v15;
	v15 =	vsub.s32 v62, v29  }
0x7e: {  	s20 =	sadd.s32 $0xC0, s16;
	vm13 =	vgt.s32 v24, $0x0;
	vm5 =	veq.s32 v24, $0x6;
	v50 =	vshrl.u32 v22, $0x4  }
0x7f: {  	v55 =	vor.u32 s20, v0;
	v12 =	vsel vm14, v56, v12;
	v17 =	vsel vm6, $0x6C3, v17  }
0x80: {  	vm14 =	veq.s32 v24, $0x3;
	v31 =	vnsel vm13, $0x0, v24;
	v19 =	vshll.u32 v15, $0x6  }
0x81: {  	vm6 =	veq.s32 v24, $0x7;
	v38 =	vsel vm13, $0x6C8, v2;
	v41 =	vsel vm13, $0x6CA, v3  }
0x82: {  	s23 =	sadd.s32 $0xF0, s16;
	vm13 =	veq.s32 v35, $0x4;
	v51 =	vmul.u32 $0x1E, v50;
	v23 =	vmulhi.u32 $0x88888889, v55  }
0x83: {  	v50 =	vor.u32 s23, v0;
	v17 =	vsel vm7, $0x6C4, v17;
	v11 =	vsel vm10, v59, v12  }
0x84: {  	v32 =	vsel vm14, $0x6C1, v1;
	v16 =	vmin.u32 v31, $0x3F;
	vm7 =	veq.s32 v24, $0x8  }
0x85: {  	vm10 =	veq.s32 v15, $0x1C;
	vm14 =	veq.s32 v35, $0x5;
	v24 =	vmulhi.u32 $0x88888889, v28  }
0x86: {  	v63 =	vsel vm8, $0x6C5, v17;
	v18 =	vsel vm15, $0x6C2, v32;
	vm8 =	veq.s32 v14, $0x1D  }
0x87: {  	v36 =	vor.u32 v19, v16;
	v16 =	vsub.s32 v33, v40;
	vm15 =	veq.s32 v35, $0x6  }
0x88: {  	v61 =	vshrl.u32 v23, $0x4;
	v26 =	vsel vm9, $0x6C6, v63;
	v18 =	vsel vm4, $0x6C3, v18  }
0x89: {  	s24 =	sadd.s32 $0x100, s16;
	v46 =	vld [tilespmem:$0x780];
	vm9 =	veq.s32 v15, $0x1B;
	v20 =	vshll.u32 v16, $0x6;
	vm4 =	veq.s32 v35, $0x7  }
0x8a: {  	v62 =	vmul.u32 $0x1E, v61;
	v61 =	vor.u32 s24, v0;
	v13 =	vsel vm11, v26, v25  }
0x8b: {  	v18 =	vsel vm5, $0x6C4, v18;
	vm11 =	vgt.s32 v35, $0x0;
	vm5 =	veq.s32 v35, $0x8  }
0x8c: {  	v25 =	vmulhi.u32 $0x88888889, v39;
	v13 =	vsel vm12, v27, v13;
	v34 =	vsel vm6, $0x6C5, v18  }
0x8d: {  	vm12 =	veq.s32 v35, $0x3;
	v42 =	vnsel vm11, $0x0, v35;
	vm6 =	veq.s32 v15, $0x1D  }
0x8e: {  	v49 =	vsel vm11, $0x6C8, v2;
	v52 =	vsel vm11, $0x6CA, v3;
	vm11 =	veq.s32 v46, $0x4  }
0x8f: {  	v37 =	vsel vm7, $0x6C6, v34;
	v12 =	vsel vm8, v30, v13;
	v43 =	vsel vm12, $0x6C1, v1  }
0x90: {  	v17 =	vmin.u32 v42, $0x3F;
	vm7 =	veq.s32 v16, $0x1B;
	vm8 =	veq.s32 v16, $0x1C  }
0x91: {  	v57 =	vld [tilespmem:$0x790];
	vm12 =	veq.s32 v46, $0x5;
	v34 =	vshrl.u32 v24, $0x4;
	v14 =	vsel vm9, v37, v36  }
0x92: {  	v19 =	vsel vm13, $0x6C2, v43;
	v47 =	vor.u32 v20, v17;
	v17 =	vsub.s32 v44, v51  }
0x93: {  	vm9 =	vgt.s32 v46, $0x0;
	vm13 =	veq.s32 v46, $0x6;
	v35 =	vmul.u32 $0x1E, v34  }
0x94: {  	v14 =	vsel vm10, v38, v14;
	v19 =	vsel vm14, $0x6C3, v19;
	vm10 =	veq.s32 v46, $0x3  }
0x95: {  	v53 =	vnsel vm9, $0x0, v46;
	v21 =	vshll.u32 v17, $0x6;
	vm14 =	veq.s32 v46, $0x7  }
0x96: {  	v60 =	vsel vm9, $0x6C8, v2;
	v63 =	vsel vm9, $0x6CA, v3;
	vm9 =	veq.s32 v57, $0x4  }
0x97: {  	v19 =	vsel vm15, $0x6C4, v19;
	v13 =	vsel vm6, v41, v14;
	v54 =	vsel vm10, $0x6C1, v1  }
0x98: {  	v18 =	vmin.u32 v53, $0x3F;
	vm15 =	veq.s32 v46, $0x8;
	vm6 =	veq.s32 v17, $0x1C  }
0x99: {  	vm10 =	veq.s32 v57, $0x5;
	v45 =	vsel vm4, $0x6C5, v19;
	v20 =	vsel vm11, $0x6C2, v54  }
0x9a: {  	vm4 =	veq.s32 v16, $0x1D;
	v58 =	vor.u32 v21, v18;
	v18 =	vsub.s32 v55, v62  }
0x9b: {  	vm11 =	veq.s32 v57, $0x6;
	v48 =	vsel vm5, $0x6C6, v45;
	v20 =	vsel vm12, $0x6C3, v20  }
0x9c: {  	v30 =	vld [tilespmem:$0x7A0];
	vm5 =	veq.s32 v17, $0x1B;
	v22 =	vshll.u32 v18, $0x6;
	vm12 =	veq.s32 v57, $0x7  }
0x9d: {  	v45 =	vshrl.u32 v25, $0x4;
	v15 =	vsel vm7, v48, v47;
	v20 =	vsel vm13, $0x6C4, v20  }
0x9e: {  	vm7 =	vgt.s32 v57, $0x0;
	vm13 =	veq.s32 v57, $0x8;
	v46 =	vmul.u32 $0x1E, v45  }
0x9f: {  	v15 =	vsel vm8, v49, v15;
	v56 =	vsel vm14, $0x6C5, v20;
	vm8 =	veq.s32 v57, $0x3  }
0xa0: {  	v26 =	vnsel vm7, $0x0, v57;
	vm14 =	veq.s32 v17, $0x1D;
	v33 =	vsel vm7, $0x6C8, v2  }
0xa1: {  	v36 =	vsel vm7, $0x6CA, v3;
	vm7 =	veq.s32 v30, $0x4;
	v59 =	vsel vm15, $0x6C6, v56  }
0xa2: {  	v14 =	vsel vm4, v52, v15;
	v27 =	vsel vm8, $0x6C1, v1;
	v19 =	vmin.u32 v26, $0x3F  }
0xa3: {  	vm15 =	veq.s32 v18, $0x1B;
	vm4 =	veq.s32 v18, $0x1C;
	vm8 =	veq.s32 v30, $0x5  }
0xa4: {  	v41 =	vld [tilespmem:$0x7B0];
	v26 =	vmulhi.u32 $0x88888889, v50;
	v16 =	vsel vm5, v59, v58;
	v21 =	vsel vm9, $0x6C2, v27  }
0xa5: {  	v31 =	vor.u32 v22, v19;
	v19 =	vsub.s32 v28, v35;
	vm5 =	vgt.s32 v30, $0x0  }
0xa6: {  	vm9 =	veq.s32 v30, $0x6;
	v27 =	vmulhi.u32 $0x88888889, v61;
	v16 =	vsel vm6, v60, v16  }
0xa7: {  	v21 =	vsel vm10, $0x6C3, v21;
	vm6 =	veq.s32 v30, $0x3;
	v37 =	vnsel vm5, $0x0, v30  }
0xa8: {  	v23 =	vshll.u32 v19, $0x6;
	vm10 =	veq.s32 v30, $0x7;
	v44 =	vsel vm5, $0x6C8, v2  }
0xa9: {  	v47 =	vsel vm5, $0x6CA, v3;
	vm5 =	veq.s32 v41, $0x4;
	v56 =	vshrl.u32 v26, $0x4  }
0xaa: {  	v21 =	vsel vm11, $0x6C4, v21;
	v15 =	vsel vm14, v63, v16;
	v38 =	vsel vm6, $0x6C1, v1  }
0xab: {  	v20 =	vmin.u32 v37, $0x3F;
	vm11 =	veq.s32 v30, $0x8;
	vm14 =	veq.s32 v19, $0x1C  }
0xac: {  	vm6 =	veq.s32 v41, $0x5;
	v57 =	vmul.u32 $0x1E, v56;
	v29 =	vsel vm12, $0x6C5, v21  }
0xad: {  	v22 =	vsel vm7, $0x6C2, v38;
	vm12 =	veq.s32 v18, $0x1D;
	v42 =	vor.u32 v23, v20  }
0xae: {  	v20 =	vsub.s32 v39, v46;
	vm7 =	veq.s32 v41, $0x6;
	v32 =	vsel vm13, $0x6C6, v29  }
0xaf: {  	v52 =	vld [tilespmem:$0x7C0];
	v22 =	vsel vm8, $0x6C3, v22;
	vm13 =	veq.s32 v19, $0x1B;
	v24 =	vshll.u32 v20, $0x6  }
0xb0: {  	vm8 =	veq.s32 v41, $0x7;
	v17 =	vsel vm15, v32, v31;
	v22 =	vsel vm9, $0x6C4, v22  }
0xb1: {  	vm15 =	vgt.s32 v41, $0x0;
	vm9 =	veq.s32 v41, $0x8;
	v31 =	vshrl.u32 v27, $0x4  }
0xb2: {  	v17 =	vsel vm4, v33, v17;
	v40 =	vsel vm10, $0x6C5, v22;
	vm4 =	veq.s32 v41, $0x3  }
0xb3: {  	v48 =	vnsel vm15, $0x0, v41;
	vm10 =	veq.s32 v19, $0x1D;
	v55 =	vsel vm15, $0x6C8, v2  }
0xb4: {  	v58 =	vsel vm15, $0x6CA, v3;
	vm15 =	veq.s32 v52, $0x4;
	v32 =	vmul.u32 $0x1E, v31  }
0xb5: {  	v43 =	vsel vm11, $0x6C6, v40;
	v16 =	vsel vm12, v36, v17;
	v49 =	vsel vm4, $0x6C1, v1  }
0xb6: {  	s25 =	sadd.s32 $0x110, s16;
	v21 =	vmin.u32 v48, $0x3F;
	vm11 =	veq.s32 v20, $0x1B;
	vm12 =	veq.s32 v20, $0x1C  }
0xb7: {  	v63 =	vld [tilespmem:$0x7D0];
	vm4 =	veq.s32 v52, $0x5;
	v36 =	vor.u32 s25, v0;
	v18 =	vsel vm13, v43, v42  }
0xb8: {  	v23 =	vsel vm5, $0x6C2, v49;
	v53 =	vor.u32 v24, v21;
	v21 =	vsub.s32 v50, v57  }
0xb9: {  	vm13 =	vgt.s32 v52, $0x0;
	vm5 =	veq.s32 v52, $0x6;
	v18 =	vsel vm14, v44, v18  }
0xba: {  	v23 =	vsel vm6, $0x6C3, v23;
	vm14 =	veq.s32 v52, $0x3;
	v59 =	vnsel vm13, $0x0, v52  }
0xbb: {  	v25 =	vshll.u32 v21, $0x6;
	vm6 =	veq.s32 v52, $0x7;
	v30 =	vsel vm13, $0x6C8, v2  }
0xbc: {  	v33 =	vsel vm13, $0x6CA, v3;
	vm13 =	veq.s32 v63, $0x4;
	v23 =	vsel vm7, $0x6C4, v23  }
0xbd: {  	v17 =	vsel vm10, v47, v18;
	v60 =	vsel vm14, $0x6C1, v1;
	v22 =	vmin.u32 v59, $0x3F  }
0xbe: {  	s26 =	sadd.s32 $0x120, s16;
	vm7 =	veq.s32 v52, $0x8;
	vm10 =	veq.s32 v21, $0x1C;
	vm14 =	veq.s32 v63, $0x5  }
0xbf: {  	v47 =	vor.u32 s26, v0;
	v51 =	vsel vm8, $0x6C5, v23;
	v24 =	vsel vm15, $0x6C2, v60  }
0xc0: {  	vm8 =	veq.s32 v20, $0x1D;
	v28 =	vor.u32 v25, v22;
	v22 =	vsub.s32 v61, v32  }
0xc1: {  	v38 =	vld [tilespmem:$0x7E0];
	vm15 =	veq.s32 v63, $0x6;
	v54 =	vsel vm9, $0x6C6, v51;
	v24 =	vsel vm4, $0x6C3, v24  }
0xc2: {  	vm9 =	veq.s32 v21, $0x1B;
	v26 =	vshll.u32 v22, $0x6;
	vm4 =	veq.s32 v63, $0x7  }
0xc3: {  	v19 =	vsel vm11, v54, v53;
	v24 =	vsel vm5, $0x6C4, v24;
	vm11 =	vgt.s32 v63, $0x0  }
0xc4: {  	vm5 =	veq.s32 v63, $0x8;
	v19 =	vsel vm12, v55, v19;
	v62 =	vsel vm6, $0x6C5, v24  }
0xc5: {  	vm12 =	veq.s32 v63, $0x3;
	v34 =	vnsel vm11, $0x0, v63;
	vm6 =	veq.s32 v21, $0x1D  }
0xc6: {  	v41 =	vsel vm11, $0x6C8, v2;
	v44 =	vsel vm11, $0x6CA, v3;
	vm11 =	veq.s32 v38, $0x4  }
0xc7: {  	v29 =	vsel vm7, $0x6C6, v62;
	v18 =	vsel vm8, v58, v19;
	v35 =	vsel vm12, $0x6C1, v1  }
0xc8: {  	s28 =	sadd.s32 $0x130, s16;
	v23 =	vmin.u32 v34, $0x3F;
	vm7 =	veq.s32 v22, $0x1B;
	vm8 =	veq.s32 v22, $0x1C  }
0xc9: {  	v49 =	vld [tilespmem:$0x7F0];
	vm12 =	veq.s32 v38, $0x5;
	v58 =	vor.u32 s28, v0;
	v20 =	vsel vm9, v29, v28  }
0xca: {  	v25 =	vsel vm13, $0x6C2, v35;
	v28 =	vmulhi.u32 $0x88888889, v36;
	v39 =	vor.u32 v26, v23  }
0xcb: {  	vm9 =	vgt.s32 v38, $0x0;
	vm13 =	veq.s32 v38, $0x6;
	v29 =	vmulhi.u32 $0x88888889, v47  }
0xcc: {  	v20 =	vsel vm10, v30, v20;
	v25 =	vsel vm14, $0x6C3, v25;
	vm10 =	veq.s32 v38, $0x3  }
0xcd: {  	v45 =	vnsel vm9, $0x0, v38;
	vm14 =	veq.s32 v38, $0x7;
	v52 =	vsel vm9, $0x6C8, v2  }
0xce: {  	v55 =	vsel vm9, $0x6CA, v3;
	vm9 =	veq.s32 v49, $0x4;
	v30 =	vmulhi.u32 $0x88888889, v58  }
0xcf: {  	v25 =	vsel vm15, $0x6C4, v25;
	v42 =	vshrl.u32 v28, $0x4;
	v19 =	vsel vm6, v33, v20  }
0xd0: {  	v46 =	vsel vm10, $0x6C1, v1;
	v24 =	vmin.u32 v45, $0x3F;
	vm15 =	veq.s32 v38, $0x8  }
0xd1: {  	v53 =	vshrl.u32 v29, $0x4;
	vm10 =	veq.s32 v49, $0x5;
	v37 =	vsel vm4, $0x6C5, v25  }
0xd2: {  	v43 =	vmul.u32 $0x1E, v42;
	v26 =	vsel vm11, $0x6C2, v46;
	vm4 =	veq.s32 v22, $0x1D  }
0xd3: {  	v54 =	vmul.u32 $0x1E, v53;
	vm11 =	veq.s32 v49, $0x6;
	v32 =	vshrl.u32 v30, $0x4  }
0xd4: {  	s29 =	sadd.s32 $0x140, s16;
	v40 =	vsel vm5, $0x6C6, v37;
	v26 =	vsel vm12, $0x6C3, v26;
	vm12 =	veq.s32 v49, $0x7  }
0xd5: {  	v33 =	vmul.u32 $0x1E, v32;
	v37 =	vor.u32 s29, v0;
	v21 =	vsel vm7, v40, v39  }
0xd6: {  	v60 =	vld [tilespmem:$0x800];
	v23 =	vsub.s32 v36, v43;
	v26 =	vsel vm13, $0x6C4, v26;
	vm7 =	vgt.s32 v49, $0x0  }
0xd7: {  	vm13 =	veq.s32 v49, $0x8;
	v31 =	vmulhi.u32 $0x88888889, v37;
	v21 =	vsel vm8, v41, v21  }
0xd8: {  	v27 =	vshll.u32 v23, $0x6;
	v48 =	vsel vm14, $0x6C5, v26;
	vm5 =	veq.s32 v23, $0x1B  }
0xd9: {  	vm6 =	veq.s32 v23, $0x1C;
	vm8 =	veq.s32 v49, $0x3;
	v56 =	vnsel vm7, $0x0, v49  }
0xda: {  	vm14 =	veq.s32 v23, $0x1D;
	v63 =	vsel vm7, $0x6C8, v2;
	v34 =	vsel vm7, $0x6CA, v3  }
0xdb: {  	vm7 =	veq.s32 v60, $0x4;
	v50 =	vor.u32 v27, v24;
	v51 =	vsel vm15, $0x6C6, v48  }
0xdc: {  	v20 =	vsel vm4, v44, v21;
	v24 =	vsub.s32 v47, v54;
	v57 =	vsel vm8, $0x6C1, v1  }
0xdd: {  	s30 =	sadd.s32 $0x150, s16;
	v25 =	vmin.u32 v56, $0x3F;
	vm8 =	veq.s32 v60, $0x5;
	v43 =	vshrl.u32 v31, $0x4  }
0xde: {  	v48 =	vor.u32 s30, v0;
	v22 =	vsel vm5, v51, v50;
	v27 =	vsel vm9, $0x6C2, v57  }
0xdf: {  	v28 =	vshll.u32 v24, $0x6;
	vm15 =	veq.s32 v24, $0x1B;
	vm4 =	veq.s32 v24, $0x1C  }
0xe0: {  	vm5 =	vgt.s32 v60, $0x0;
	vm9 =	veq.s32 v60, $0x6;
	v44 =	vmul.u32 $0x1E, v43  }
0xe1: {  	v39 =	vld [tilespmem:$0x810];
	v32 =	vmulhi.u32 $0x88888889, v48;
	v22 =	vsel vm6, v52, v22;
	v27 =	vsel vm10, $0x6C3, v27  }
0xe2: {  	v61 =	vor.u32 v28, v25;
	v25 =	vsub.s32 v58, v33;
	vm6 =	veq.s32 v60, $0x3  }
0xe3: {  	v35 =	vnsel vm5, $0x0, v60;
	vm10 =	veq.s32 v60, $0x7;
	v42 =	vsel vm5, $0x6C8, v2  }
0xe4: {  	v45 =	vsel vm5, $0x6CA, v3;
	v27 =	vsel vm11, $0x6C4, v27;
	v21 =	vsel vm14, v55, v22  }
0xe5: {  	v36 =	vsel vm6, $0x6C1, v1;
	v26 =	vmin.u32 v35, $0x3F;
	v29 =	vshll.u32 v25, $0x6  }
0xe6: {  	vm11 =	veq.s32 v60, $0x8;
	vm14 =	veq.s32 v25, $0x1C;
	vm5 =	veq.s32 v39, $0x4  }
0xe7: {  	vm6 =	veq.s32 v39, $0x5;
	v54 =	vshrl.u32 v32, $0x4;
	v59 =	vsel vm12, $0x6C5, v27  }
0xe8: {  	v28 =	vsel vm7, $0x6C2, v36;
	vm12 =	veq.s32 v24, $0x1D;
	v40 =	vor.u32 v29, v26  }
0xe9: {  	v26 =	vsub.s32 v37, v44;
	vm7 =	veq.s32 v39, $0x6;
	v55 =	vmul.u32 $0x1E, v54  }
0xea: {  	s31 =	sadd.s32 $0x160, s16;
	v62 =	vsel vm13, $0x6C6, v59;
	v28 =	vsel vm8, $0x6C3, v28;
	vm13 =	veq.s32 v25, $0x1B  }
0xeb: {  	v50 =	vld [tilespmem:$0x820];
	v30 =	vshll.u32 v26, $0x6;
	vm8 =	veq.s32 v39, $0x7;
	v59 =	vor.u32 s31, v0  }
0xec: {  	v23 =	vsel vm15, v62, v61;
	v28 =	vsel vm9, $0x6C4, v28;
	vm15 =	vgt.s32 v39, $0x0  }
0xed: {  	vm9 =	veq.s32 v39, $0x8;
	v33 =	vmulhi.u32 $0x88888889, v59;
	v23 =	vsel vm4, v63, v23  }
0xee: {  	v38 =	vsel vm10, $0x6C5, v28;
	vm4 =	veq.s32 v39, $0x3;
	v46 =	vnsel vm15, $0x0, v39  }
0xef: {  	vm10 =	veq.s32 v25, $0x1D;
	v53 =	vsel vm15, $0x6C8, v2;
	v56 =	vsel vm15, $0x6CA, v3  }
0xf0: {  	vm15 =	veq.s32 v50, $0x4;
	v41 =	vsel vm11, $0x6C6, v38;
	v22 =	vsel vm12, v34, v23  }
0xf1: {  	v47 =	vsel vm4, $0x6C1, v1;
	v27 =	vmin.u32 v46, $0x3F;
	vm11 =	veq.s32 v26, $0x1B  }
0xf2: {  	vm12 =	veq.s32 v26, $0x1C;
	vm4 =	veq.s32 v50, $0x5;
	v35 =	vshrl.u32 v33, $0x4  }
0xf3: {  	v24 =	vsel vm13, v41, v40;
	v29 =	vsel vm5, $0x6C2, v47;
	v51 =	vor.u32 v30, v27  }
0xf4: {  	s18 =	sadd.s32 $0x170, s16;
	v27 =	vsub.s32 v48, v55;
	vm13 =	vgt.s32 v50, $0x0;
	vm5 =	veq.s32 v50, $0x6  }
0xf5: {  	v61 =	vld [tilespmem:$0x830];
	v36 =	vmul.u32 $0x1E, v35;
	v40 =	vor.u32 s18, v0;
	v24 =	vsel vm14, v42, v24  }
0xf6: {  	v29 =	vsel vm6, $0x6C3, v29;
	vm14 =	veq.s32 v50, $0x3;
	v57 =	vnsel vm13, $0x0, v50  }
0xf7: {  	v31 =	vshll.u32 v27, $0x6;
	vm6 =	veq.s32 v50, $0x7;
	v34 =	vsel vm13, $0x6C8, v2  }
0xf8: {  	v37 =	vsel vm13, $0x6CA, v3;
	v29 =	vsel vm7, $0x6C4, v29;
	v23 =	vsel vm10, v45, v24  }
0xf9: {  	v58 =	vsel vm14, $0x6C1, v1;
	v28 =	vmin.u32 v57, $0x3F;
	vm7 =	veq.s32 v50, $0x8  }
0xfa: {  	vm10 =	veq.s32 v27, $0x1C;
	vm13 =	veq.s32 v61, $0x4;
	vm14 =	veq.s32 v61, $0x5  }
0xfb: {  	v49 =	vsel vm8, $0x6C5, v29;
	v30 =	vsel vm15, $0x6C2, v58;
	vm8 =	veq.s32 v26, $0x1D  }
0xfc: {  	v62 =	vor.u32 v31, v28;
	v28 =	vsub.s32 v59, v36;
	vm15 =	veq.s32 v61, $0x6  }
0xfd: {  	v42 =	vld [tilespmem:$0x840];
	v52 =	vsel vm9, $0x6C6, v49;
	v30 =	vsel vm4, $0x6C3, v30;
	vm9 =	veq.s32 v27, $0x1B  }
0xfe: {  	v32 =	vshll.u32 v28, $0x6;
	vm4 =	veq.s32 v61, $0x7;
	v25 =	vsel vm11, v52, v51  }
0xff: {  	s19 =	sadd.s32 $0x180, s16;
	v30 =	vsel vm5, $0x6C4, v30;
	vm11 =	vgt.s32 v61, $0x0;
	vm5 =	veq.s32 v61, $0x8  }
0x100: {  	v51 =	vor.u32 s19, v0;
	v25 =	vsel vm12, v53, v25;
	v60 =	vsel vm6, $0x6C5, v30  }
0x101: {  	vm12 =	veq.s32 v61, $0x3;
	v38 =	vnsel vm11, $0x0, v61;
	vm6 =	veq.s32 v27, $0x1D  }
0x102: {  	v45 =	vsel vm11, $0x6C8, v2;
	v48 =	vsel vm11, $0x6CA, v3;
	vm11 =	veq.s32 v42, $0x4  }
0x103: {  	v35 =	vmulhi.u32 $0x88888889, v51;
	v63 =	vsel vm7, $0x6C6, v60;
	v24 =	vsel vm8, v56, v25  }
0x104: {  	v39 =	vsel vm12, $0x6C1, v1;
	v29 =	vmin.u32 v38, $0x3F;
	vm7 =	veq.s32 v28, $0x1B  }
0x105: {  	vm8 =	veq.s32 v28, $0x1C;
	vm12 =	veq.s32 v42, $0x5;
	v26 =	vsel vm9, v63, v62  }
0x106: {  	s20 =	sadd.s32 $0x190, s16;
	v31 =	vsel vm13, $0x6C2, v39;
	v43 =	vor.u32 v32, v29;
	vm9 =	vgt.s32 v42, $0x0  }
0x107: {  	vm13 =	veq.s32 v42, $0x6;
	v57 =	vshrl.u32 v35, $0x4;
	v62 =	vor.u32 s20, v0  }
0x108: {  	v26 =	vsel vm10, v34, v26;
	v31 =	vsel vm14, $0x6C3, v31;
	v34 =	vmulhi.u32 $0x88888889, v40  }
0x109: {  	v53 =	vld [tilespmem:$0x850];
	vm10 =	veq.s32 v42, $0x3;
	v49 =	vnsel vm9, $0x0, v42;
	vm14 =	veq.s32 v42, $0x7  }
0x10a: {  	v56 =	vsel vm9, $0x6C8, v2;
	v58 =	vmul.u32 $0x1E, v57;
	v59 =	vsel vm9, $0x6CA, v3  }
0x10b: {  	v36 =	vmulhi.u32 $0x88888889, v62;
	v31 =	vsel vm15, $0x6C4, v31;
	v25 =	vsel vm6, v37, v26  }
0x10c: {  	s21 =	sadd.s32 $0x1A0, s16;
	v50 =	vsel vm10, $0x6C1, v1;
	v30 =	vmin.u32 v49, $0x3F;
	vm15 =	veq.s32 v42, $0x8  }
0x10d: {  	v49 =	vor.u32 s21, v0;
	v41 =	vsel vm4, $0x6C5, v31;
	v46 =	vshrl.u32 v34, $0x4  }
0x10e: {  	v32 =	vsel vm11, $0x6C2, v50;
	vm4 =	veq.s32 v28, $0x1D;
	vm9 =	veq.s32 v53, $0x4  }
0x10f: {  	vm10 =	veq.s32 v53, $0x5;
	vm11 =	veq.s32 v53, $0x6;
	v37 =	vmulhi.u32 $0x88888889, v49  }
0x110: {  	v44 =	vsel vm5, $0x6C6, v41;
	v47 =	vmul.u32 $0x1E, v46;
	v32 =	vsel vm12, $0x6C3, v32  }
0x111: {  	vm12 =	veq.s32 v53, $0x7;
	v27 =	vsel vm7, v44, v43;
	v32 =	vsel vm13, $0x6C4, v32  }
0x112: {  	vm7 =	vgt.s32 v53, $0x0;
	vm13 =	veq.s32 v53, $0x8;
	v44 =	vshrl.u32 v36, $0x4  }
0x113: {  	v27 =	vsel vm8, v45, v27;
	v29 =	vsub.s32 v40, v47;
	v52 =	vsel vm14, $0x6C5, v32  }
0x114: {  	vm8 =	veq.s32 v53, $0x3;
	v60 =	vnsel vm7, $0x0, v53;
	v43 =	vsel vm7, $0x6C8, v2  }
0x115: {  	v45 =	vmul.u32 $0x1E, v44;
	v46 =	vsel vm7, $0x6CA, v3;
	v33 =	vshll.u32 v29, $0x6  }
0x116: {  	v55 =	vsel vm15, $0x6C6, v52;
	vm5 =	veq.s32 v29, $0x1B;
	vm6 =	veq.s32 v29, $0x1C  }
0x117: {  	s22 =	sadd.s32 $0x1B0, s16;
	v26 =	vsel vm4, v48, v27;
	v61 =	vsel vm8, $0x6C1, v1;
	v31 =	vmin.u32 v60, $0x3F  }
0x118: {  	vm14 =	veq.s32 v29, $0x1D;
	v60 =	vor.u32 s22, v0;
	v54 =	vor.u32 v33, v30  }
0x119: {  	v40 =	vld [tilespmem:$0x860];
	v30 =	vsub.s32 v51, v58;
	v33 =	vsel vm9, $0x6C2, v61;
	v38 =	vmulhi.u32 $0x88888889, v60  }
0x11a: {  	v28 =	vsel vm5, v55, v54;
	v34 =	vshll.u32 v30, $0x6;
	v33 =	vsel vm10, $0x6C3, v33  }
0x11b: {  	vm15 =	veq.s32 v30, $0x1B;
	vm4 =	veq.s32 v30, $0x1C;
	v55 =	vshrl.u32 v37, $0x4  }
0x11c: {  	v28 =	vsel vm6, v56, v28;
	v33 =	vsel vm11, $0x6C4, v33;
	v41 =	vor.u32 v34, v31  }
0x11d: {  	v31 =	vsub.s32 v62, v45;
	v56 =	vmul.u32 $0x1E, v55;
	v63 =	vsel vm12, $0x6C5, v33  }
0x11e: {  	v27 =	vsel vm14, v59, v28;
	vm5 =	vgt.s32 v40, $0x0;
	vm6 =	veq.s32 v40, $0x3  }
0x11f: {  	v51 =	vld [tilespmem:$0x870];
	vm7 =	veq.s32 v40, $0x4;
	vm8 =	veq.s32 v40, $0x5;
	v35 =	vshll.u32 v31, $0x6  }
0x120: {  	vm9 =	veq.s32 v40, $0x6;
	vm10 =	veq.s32 v40, $0x7;
	vm11 =	veq.s32 v40, $0x8  }
0x121: {  	vm12 =	veq.s32 v30, $0x1D;
	vm14 =	veq.s32 v31, $0x1C;
	v42 =	vsel vm13, $0x6C6, v63  }
0x122: {  	v47 =	vnsel vm5, $0x0, v40;
	v48 =	vsel vm6, $0x6C1, v1;
	v54 =	vsel vm5, $0x6C8, v2  }
0x123: {  	vm13 =	veq.s32 v31, $0x1B;
	v57 =	vsel vm5, $0x6CA, v3;
	v29 =	vsel vm15, v42, v41  }
0x124: {  	v32 =	vmin.u32 v47, $0x3F;
	v34 =	vsel vm7, $0x6C2, v48;
	vm1 =	vgt.s32 v51, $0x0  }
0x125: {  	vm15 =	veq.s32 v51, $0x3;
	vm5 =	veq.s32 v51, $0x5;
	vm6 =	veq.s32 v51, $0x6  }
0x126: {  	vm7 =	veq.s32 v51, $0x7;
	v42 =	vshrl.u32 v38, $0x4;
	v29 =	vsel vm4, v43, v29  }
0x127: {  	v62 =	vld [tilespmem:$0x880];
	v34 =	vsel vm8, $0x6C3, v34;
	v52 =	vor.u32 v35, v32;
	v32 =	vsub.s32 v49, v56  }
0x128: {  	v58 =	vnsel vm1, $0x0, v51;
	vm4 =	veq.s32 v51, $0x4;
	v59 =	vsel vm15, $0x6C1, v1  }
0x129: {  	vm8 =	veq.s32 v51, $0x8;
	v41 =	vsel vm1, $0x6C8, v2;
	v43 =	vmul.u32 $0x1E, v42  }
0x12a: {  	v34 =	vsel vm9, $0x6C4, v34;
	v28 =	vsel vm12, v46, v29;
	v33 =	vmin.u32 v58, $0x3F  }
0x12b: {  	v35 =	vsel vm4, $0x6C2, v59;
	v36 =	vshll.u32 v32, $0x6;
	vm9 =	veq.s32 v31, $0x1D  }
0x12c: {  	s24 =	sadd.s32 $0x1D0, s16;
	vm12 =	veq.s32 v32, $0x1D;
	vm0 =	vgt.s32 v62, $0x0;
	vm3 =	veq.s32 v62, $0x3  }
0x12d: {  	vm4 =	veq.s32 v62, $0x4;
	vm15 =	veq.s32 v62, $0x7;
	v58 =	vor.u32 s24, v0  }
0x12e: {  	v50 =	vsel vm10, $0x6C5, v34;
	v35 =	vsel vm5, $0x6C3, v35;
	v63 =	vor.u32 v36, v33  }
0x12f: {  	s25 =	sadd.s32 $0x1E0, s16;
	vm10 =	veq.s32 v32, $0x1B;
	v45 =	vsub.s32 v60, v43;
	v46 =	vnsel vm0, $0x0, v62  }
0x130: {  	v47 =	vsel vm3, $0x6C1, v1;
	v59 =	vmulhi.u32 $0x88888889, v58;
	v43 =	vor.u32 s25, v0  }
0x131: {  	v53 =	vsel vm11, $0x6C6, v50;
	v35 =	vsel vm6, $0x6C4, v35;
	vm11 =	veq.s32 v32, $0x1C  }
0x132: {  	s23 =	sadd.s32 $0x1C0, s16;
	v49 =	vld [tilespmem:$0x890];
	v32 =	vmin.u32 v46, $0x3F;
	v33 =	vsel vm4, $0x6C2, v47;
	v48 =	vshll.u32 v45, $0x6  }
0x133: {  	v50 =	vor.u32 s23, v0;
	v30 =	vsel vm13, v53, v52;
	v61 =	vsel vm7, $0x6C5, v35  }
0x134: {  	vm13 =	veq.s32 v62, $0x5;
	v51 =	vmulhi.u32 $0x88888889, v50;
	v52 =	vsel vm1, $0x6CA, v3  }
0x135: {  	v32 =	vor.u32 v48, v32;
	v53 =	vsel vm0, $0x6C8, v2;
	vm7 =	veq.s32 v45, $0x1D  }
0x136: {  	v30 =	vsel vm14, v54, v30;
	v40 =	vsel vm8, $0x6C6, v61;
	vm14 =	veq.s32 v62, $0x6  }
0x137: {  	v33 =	vsel vm13, $0x6C3, v33;
	vm8 =	veq.s32 v62, $0x8;
	vm1 =	vgt.s32 v49, $0x0  }
0x138: {  	vm13 =	veq.s32 v49, $0x5;
	vm6 =	veq.s32 v49, $0x8;
	v61 =	vsel vm0, $0x6CA, v3  }
0x139: {  	v62 =	vshrl.u32 v59, $0x4;
	v31 =	vsel vm10, v40, v63;
	v29 =	vsel vm9, v57, v30  }
0x13a: {  	v33 =	vsel vm14, $0x6C4, v33;
	vm9 =	veq.s32 v45, $0x1B;
	v35 =	vshrl.u32 v51, $0x4  }
0x13b: {  	vm10 =	veq.s32 v45, $0x1C;
	v55 =	vnsel vm1, $0x0, v49;
	vm14 =	veq.s32 v49, $0x6  }
0x13c: {  	v63 =	vsel vm1, $0x6C8, v2;
	v46 =	vsel vm1, $0x6CA, v3;
	v44 =	vsel vm11, v41, v31  }
0x13d: {  	v33 =	vsel vm15, $0x6C5, v33;
	v54 =	vmul.u32 $0x1E, v35;
	vm11 =	veq.s32 v49, $0x3  }
0x13e: {  	v34 =	vmin.u32 v55, $0x3F;
	vm15 =	veq.s32 v49, $0x7;
	v33 =	vsel vm8, $0x6C6, v33  }
0x13f: {  	v30 =	vsel vm12, v52, v44;
	vm12 =	veq.s32 v49, $0x4;
	v56 =	vsel vm11, $0x6C1, v1  }
0x140: {  	v57 =	vld [tilespmem:$0x8A0];
	v44 =	vmulhi.u32 $0x88888889, v43;
	v32 =	vsel vm9, v33, v32;
	v33 =	vsub.s32 v50, v54  }
0x141: {  	v35 =	vsel vm12, $0x6C2, v56;
	v32 =	vsel vm10, v53, v32;
	v37 =	vshll.u32 v33, $0x6  }
0x142: {  	s16 =	sadd.s32 $0x1F0, s16;
	v42 =	vld [tilespmem:$0x8B0];
	v35 =	vsel vm13, $0x6C3, v35;
	vm8 =	veq.s32 v33, $0x1B;
	vm9 =	veq.s32 v33, $0x1C  }
0x143: {  	[tilespmem:$0x920] =	vst v9;
	vm2 =	veq.s32 v33, $0x1D;
	v9 =	vshrl.u32 v44, $0x4;
	v53 =	vor.u32 s16, v0  }
0x144: {  	[tilespmem:$0x8D0] =	vst v4;
	v34 =	vor.u32 v37, v34;
	v35 =	vsel vm14, $0x6C4, v35;
	v4 =	vsel vm7, v61, v32  }
0x145: {  	vm0 =	vgt.s32 v57, $0x0;
	vm10 =	veq.s32 v57, $0x3;
	vm11 =	veq.s32 v57, $0x4  }
0x146: {  	[tilespmem:$0x8E0] =	vst v5;
	vm12 =	veq.s32 v57, $0x5;
	vm13 =	veq.s32 v57, $0x6;
	vm14 =	veq.s32 v57, $0x7  }
0x147: {  	[tilespmem:$0x8F0] =	vst v6;
	v9 =	vmul.u32 $0x1E, v9;
	vm7 =	veq.s32 v42, $0x4;
	v54 =	vmulhi.u32 $0x88888889, v53  }
0x148: {  	[tilespmem:$0x900] =	vst v7;
	v35 =	vsel vm15, $0x6C5, v35;
	v36 =	vnsel vm0, $0x0, v57;
	v39 =	vsel vm10, $0x6C1, v1  }
0x149: {  	[tilespmem:$0x910] =	vst v8;
	v52 =	vld [tilespmem:$0x8C0];
	vm15 =	veq.s32 v57, $0x8;
	v47 =	vsel vm0, $0x6C8, v2;
	vm10 =	veq.s32 v42, $0x6  }
0x14a: {  	[tilespmem:$0x930] =	vst v10;
	v60 =	vsel vm6, $0x6C6, v35;
	v38 =	vmin.u32 v36, $0x3F;
	v32 =	vsel vm11, $0x6C2, v39  }
0x14b: {  	[tilespmem:$0x940] =	vst v11;
	vm6 =	veq.s32 v42, $0x3;
	v9 =	vsub.s32 v43, v9;
	vm11 =	veq.s32 v42, $0x7  }
0x14c: {  	[tilespmem:$0x950] =	vst v12;
	v56 =	vshrl.u32 v54, $0x4;
	v31 =	vsel vm8, v60, v34;
	v34 =	vmul.u32 $0x1E, v62  }
0x14d: {  	[tilespmem:$0x960] =	vst v13;
	v41 =	vsel vm12, $0x6C3, v32;
	v48 =	vsel vm6, $0x6C1, v1;
	vm8 =	vgt.s32 v42, $0x0  }
0x14e: {  	[tilespmem:$0x970] =	vst v14;
	vm12 =	veq.s32 v42, $0x8;
	v50 =	vshll.u32 v9, $0x6;
	vm6 =	veq.s32 v52, $0x3  }
0x14f: {  	[tilespmem:$0x980] =	vst v15;
	v31 =	vsel vm9, v63, v31;
	v8 =	vsel vm13, $0x6C4, v41;
	v10 =	vsel vm7, $0x6C2, v48  }
0x150: {  	[tilespmem:$0x990] =	vst v16;
	vm9 =	veq.s32 v42, $0x5;
	v49 =	vnsel vm8, $0x0, v42;
	v51 =	vsel vm8, $0x6C8, v2  }
0x151: {  	[tilespmem:$0x9A0] =	vst v17;
	v57 =	vsel vm8, $0x6CA, v3;
	vm7 =	veq.s32 v52, $0x4;
	v60 =	vsel vm6, $0x6C1, v1  }
0x152: {  	[tilespmem:$0x9B0] =	vst v18;
	vm8 =	vgt.s32 v52, $0x0;
	v5 =	vsub.s32 v58, v34;
	v45 =	vsel vm14, $0x6C5, v8  }
0x153: {  	[tilespmem:$0x9C0] =	vst v19;
	v10 =	vsel vm9, $0x6C3, v10;
	v11 =	vmin.u32 v49, $0x3F;
	vm14 =	veq.s32 v9, $0x1B  }
0x154: {  	[tilespmem:$0x9D0] =	vst v20;
	v8 =	vsel vm2, v46, v31;
	vm9 =	veq.s32 v52, $0x5;
	v61 =	vnsel vm8, $0x0, v52  }
0x155: {  	[tilespmem:$0x9E0] =	vst v21;
	v63 =	vsel vm8, $0x6C8, v2;
	v40 =	vshll.u32 v5, $0x6;
	v7 =	vsel vm15, $0x6C6, v45  }
0x156: {  	[tilespmem:$0x9F0] =	vst v22;
	vm5 =	veq.s32 v5, $0x1B;
	v10 =	vsel vm10, $0x6C4, v10;
	vm13 =	veq.s32 v5, $0x1C  }
0x157: {  	[tilespmem:$0xA00] =	vst v23;
	v11 =	vor.u32 v50, v11;
	vm15 =	veq.s32 v9, $0x1C;
	vm4 =	veq.s32 v5, $0x1D  }
0x158: {  	[tilespmem:$0xA10] =	vst v24;
	v5 =	vsel vm0, $0x6CA, v3;
	vm10 =	veq.s32 v52, $0x6;
	v10 =	vsel vm11, $0x6C5, v10  }
0x159: {  	[tilespmem:$0xA20] =	vst v25;
	v6 =	vor.u32 v40, v38;
	vm11 =	veq.s32 v52, $0x7;
	v10 =	vsel vm12, $0x6C6, v10  }
0x15a: {  	[tilespmem:$0xA30] =	vst v26;
	v6 =	vsel vm5, v7, v6;
	vm5 =	veq.s32 v9, $0x1D;
	v10 =	vsel vm14, v10, v11  }
0x15b: {  	[tilespmem:$0xA40] =	vst v27;
	v9 =	vsel vm7, $0x6C2, v60;
	v55 =	vsel vm15, v51, v10;
	v10 =	vmul.u32 $0x1E, v56  }
0x15c: {  	[tilespmem:$0xA50] =	vst v28;
	vm12 =	veq.s32 v52, $0x8;
	v6 =	vsel vm13, v47, v6;
	v9 =	vsel vm9, $0x6C3, v9  }
0x15d: {  	[tilespmem:$0xA60] =	vst v29;
	v5 =	vsel vm4, v5, v6;
	v9 =	vsel vm10, $0x6C4, v9;
	v59 =	vsub.s32 v53, v10  }
0x15e: {  	[tilespmem:$0xA70] =	vst v30;
	v9 =	vsel vm11, $0x6C5, v9;
	v10 =	vmin.u32 v61, $0x3F;
	v62 =	vshll.u32 v59, $0x6  }
0x15f: {  	[tilespmem:$0xA80] =	vst v4;
	v9 =	vsel vm12, $0x6C6, v9;
	vm13 =	veq.s32 v59, $0x1B;
	v4 =	vor.u32 v62, v10  }
0x160: {  	s26 =	rddreg [dreg:$0x7];
	[tilespmem:$0xA90] =	vst v8;
	v58 =	vsel vm5, v57, v55;
	vm14 =	veq.s32 v59, $0x1C;
	v4 =	vsel vm13, v9, v4  }
0x161: {  	s28 =	rddreg [dreg:$0x8];
	[tilespmem:$0xAA0] =	vst v5;
	v5 =	vsel vm8, $0x6CA, v3;
	vm15 =	veq.s32 v59, $0x1D;
	v4 =	vsel vm14, v63, v4  }
0x162: {  	s29 =	rddreg [dreg:$0xa];
	[tilespmem:$0xAB0] =	vst v58;
	v4 =	vsel vm15, v5, v4  }
0x163: {  	s30 =	rddreg [dreg:$0xb];
	[tilespmem:$0xAC0] =	vst v4  }
0x164: {  	[tilespmem:s10], [sflag:$0x1] =	stream.indirect.gather [spmem:s1], $0x10, s26, s9, $0xb8;
	[tilespmem:$0x2AD0] =	vst v63  }
0x165: {  	s18 =	rddreg [dreg:$0x9]  }
0x166: {  	[tilespmem:s28], [sflag:$0x1] =	stream.indirect.gather [spmem:s1], $0x10, s18, s9, $0xb8;
	[tilespmem:$0x2AD0] =	vst v63  }
0x167: {  	s31 =	rddreg [dreg:$0xc]  }
0x168: {  	[tilespmem:s29], [sflag:$0x1] =	stream.indirect.gather [spmem:s1], $0x10, s30, s9, $0xb8;
	[tilespmem:$0x2AD0] =	vst v63  }
0x169: {  	s19 =	rddreg [dreg:$0xd]  }
0x16a: {  	[tilespmem:s31], [sflag:$0x1] =	stream.indirect.gather [spmem:s1], $0x10, s19, s9, $0xb8;
	[tilespmem:$0x2AD0] =	vst v63  }
0x16b: {  	_ =	swait.ge [sflag:s11], $0x800  }
0x16c: {  	[sflag:s11] =	ssyncset.done $0x0  }
0x16d: {  	[sflag:s11] =	ssyncadd.s32 $0xFFFFF800  }
0x16e: {  	_ =	swait.ge [sflag:s11], $0x800  }
0x16f: {  	[sflag:s11] =	ssyncset.done $0x0  }
0x170: {  	[sflag:s11] =	ssyncadd.s32 $0xFFFFF800  }
0x171: {  	_ =	swait.ge [sflag:s11], $0x800  }
0x172: {  	[sflag:s11] =	ssyncset.done $0x0  }
0x173: {  	[sflag:s11] =	ssyncadd.s32 $0xFFFFF800  }
0x174: {  	_ =	swait.ge [sflag:s11], $0x800  }
0x175: {  	p1 =	sne.s32 s15, $0x16E00;
	[sflag:s11] =	ssyncset.done $0x0  }
.Ltmp0:
0x176: {  	[sflag:s11] =	ssyncadd.s32 $0xFFFFF800;
	(pc) =	sbr.rel @p1 .LBB2_2-.Ltmp0, $4  }
0x177: {  	[hbm4b:s13+s2] =	stream.linear.scatter [tilespmem:s10], [sflag:$0x2], $0x2000, $0x38;
	[tilespmem:$0x2AD0] =	vst v63  }
0x178: {  	_ =	swait.ge [sflag:s8], $0x2000  }
0x179: {  	s14 =	sadd.s32 $0x40, s14;
	[sflag:s8] =	ssyncset.done $0x0  }
0x17a: {  	s15 =	sadd.s32 $0x200, s15;
	s13 =	sadd.s32 $0x400, s13;
	[sflag:s8] =	ssyncadd.s32 $0xFFFFE000  }
0x17b: {  	s12 =	sadd.s32 $0x1, s12  }
0x17c: {  	p1 =	sne.s32 s12, s4  }
.Ltmp1:
0x17d: {  	_ = 	snop;
	(pc) =	sbr.rel @p1 .LBB2_1-.Ltmp1, $1  }
0x17e: {  	_ =	sdelay $0x3  }
0x17f: {  	_ =	sfence.sel $0x180000  }
0x180: {  	[bflag:$0x0] =	sbarrier.arrive $0xFFFF  }
0x181: {  	_ =	strace $0x90000047  }
0x182: {  	s0 =	sadd.s32 @!p0 $0x100000, s0;
	[bflag:$0x2] =	sbarrier.arrive $0xFFFF  }
0x183: {  	[sflag:s0] =	ssyncadd.tile.s32 @!p0 $0x1;
	_ =	shalt  }
.Lfunc_end2:
_tile_overlayer_lowered:
.L_overlay_start_2:
0x184: {  	(tag) =	ssettag $0x2  }
0x185: {  	s0 =	rddreg [dreg:$0x0];
	s2 =	stileid.u32  }
0x186: {  	s1 =	rddreg [dreg:$0x1];
	p0 =	sne.s32 s2, $0x0  }
0x187: {  	s3 =	rddreg [dreg:$0x2];
	[bflag:$0x3] =	sbarrier.arrive $0xFFFF;
	s2 =	simm.s32 @!p0 $0x1C02  }
0x188: {  	[timem:s3], [sflag:s2] =	dma.local @!p0 [hbm:s0], s1  }
0x189: {  	s0 =	simm.s32 @!p0 $0x2  }
0x18a: {  	_ =	swait.ge @!p0 [sflag:s0], s1  }
0x18b: {  	s1 =	ssub.s32 @!p0 $0x0, s1;
	[sflag:s0] =	ssyncset.done @!p0 $0x0  }
0x18c: {  	[sflag:s0] =	ssyncadd.s32 @!p0 s1  }
0x18d: {  	[bflag:$0x3] =	sbarrier.arrive $0xFFFF  }
0x18e: {  	_ =	shalt  }

// kernel: sparse-core-data-format-call.cloned.1.call-start
scs
called_computation_lowered:
.L_overlay_start_0:
0x0: {  	s2 =	sld [smem:$0x3FD9]  }
0x1: {  	s3 =	sld [smem:$0x3FFE];
	_ =	sdelay $0x1  }
0x2: {  	s1 =	srdreg.scid  }
0x3: {  	s0 =	sand.u32 $0x1, s1  }
0x4: {  	s18 =	sshll.u32 s0, $0xA;
	s2 =	sadd.s32 s3, s2  }
0x5: {  	s2 =	sadd.s32 s2, s18  }
0x6: {  	[smem:$0x3FC6] =	sst s2  }
0x7: {  	_ = 	snop  }
0x8: {  	s2 =	sld [smem:$0x3FD0];
	(tm) =	ssettm $0x1  }
0x9: {  	s19 =	sld [smem:$0x3FFB];
	_ =	sdelay $0x3  }
0xa: {  	_ =	strace s19  }
0xb: {  	s3 =	sld [smem:$0x3FFC];
	_ =	sdelay $0x3  }
0xc: {  	_ =	strace s3  }
0xd: {  	s3 =	sld [smem:$0x3FFD];
	_ =	sdelay $0x3  }
0xe: {  	_ =	strace s3  }
0xf: {  	_ =	strace $0x8FFFFFFF  }
0x10: {  	s20 =	sld [smem:$0x3FDB];
	_ =	sdelay $0x1  }
0x11: {  	s4 =	simm.s32 $_scs_section_size  }
0x12: {  	s5 =	simm.s32 $_size__tile_overlayer_lowered;
	s6 =	simm.s32 $_tile_overlayer_lowered  }
0x13: {  	s23 =	simm.s32 $0x1BFF;
	s22 =	sshll.u32 s6, $0x1;
	s3 =	sadd.s32 s4, s20  }
0x14: {  	s7 =	simm.s32 $0x0;
	s21 =	sshll.u32 s5, $0x1;
	s5 =	sadd.s32 s22, s3  }
0x15: {  	[timem:s7], [sflag:s23] =	dma.local [hbm:s5], s21  }
0x16: {  	_ =	swait.ge [sflag:s23], s21  }
0x17: {  	s4 =	ssub.s32 $0x0, s21;
	[sflag:s23] =	ssyncset.done $0x0  }
0x18: {  	[sflag:s23] =	ssyncadd.s32 s4;
	_ =	sdelay $0x1  }
0x19: {  	s24 =	simm.s32 $0x1B8B  }
0x1a: {  	_ =	swait.ge [sflag:s24], $0x1  }
0x1b: {  	[sflag:s24] =	ssyncset.done $0x0  }
0x1c: {  	s26 =	simm.s32 $0x1B8E;
	s25 =	sld [smem:$0x3FFE];
	[sflag:s24] =	ssyncadd.s32 $0xFFFFFFFF  }
0x1d: {  	s27 =	simm.s32 $execute0_lowered;
	[smem:$0x3FD2] =	sst s26  }
0x1e: {  	s5 =	sshll.u32 s27, $0x1;
	_ =	strace $0x80000049;
	[dreg:$0x1] =	wrdreg $0xFFFFFFFF  }
0x1f: {  	s28 =	simm.s32 $_size_execute0_lowered;
	s3 =	sadd.s32 s3, s5;
	[dreg:$0x0] =	wrdreg $0x0  }
0x20: {  	s5 =	sshll.u32 s28, $0x1;
	[dreg:$0x2] =	wrdreg s3  }
0x21: {  	[dreg:$0x3] =	wrdreg s5  }
0x22: {  	[dreg:$0x4] =	wrdreg $0xC0  }
0x23: {  	_ =	task [dreg:s7], $0x5FFFF  }
0x24: {  	[dreg:$0x1] =	wrdreg $0xFFFFFFFF  }
0x25: {  	[dreg:$0x0] =	wrdreg $0x60  }
0x26: {  	[dreg:$0x2] =	wrdreg s25  }
0x27: {  	[dreg:$0x3] =	wrdreg s2  }
0x28: {  	[dreg:$0x4] =	wrdreg $0x9  }
0x29: {  	_ =	task.clear_ibuf [dreg:s7], $0x5FFFF;
	_ =	strace $0x90000049  }
0x2a: {  	s29 =	simm.s32 $0x9;
	_ =	strace $0x8000004B  }
0x2b: {  	_ =	swait.ge [sflag:s29], $0x1  }
0x2c: {  	[sflag:s29] =	ssyncadd.s32 $0xFFFFFFFF  }
0x2d: {  	_ =	strace $0x9000004B  }
0x2e: {  	_ =	sfence  }
0x2f: {  	s30 =	sld [smem:$0x0];
	_ =	sdelay $0x2  }
0x30: {  	s31 =	sshll.u32 s1, $0xD;
	s1 =	sshrl.u32 s1, $0x2  }
0x31: {  	s3 =	sand.u32 $0x4000, s31;
	s1 =	sadd.s32 s1, s30  }
0x32: {  	s0 =	sor.u32 s3, s0;
	s1 =	sshll.u32 s1, $0x11  }
0x33: {  	s0 =	sor.u32 s1, s0  }
0x34: {  	s0 =	sadd.s32 $0x8F2B, s0  }
0x35: {  	[sflag:s0] =	ssyncadd.remote.s32 $0x1  }
0x36: {  	_ =	sfence.sel $0xFFFF  }
0x37: {  	[dreg:$0x0] =	wrdreg $0xFFFFFFFF;
	(pc) =	sbr.abs _section_cstart, $3  }
0x38: {  	[dreg:$0x1] =	wrdreg $0xFFFFFFFF  }
0x39: {  	_ =	task.clear_ibuf [dreg:s7], $0x2FFFF;
	_ =	strace $0x9FFFFFFF  }
0x3a: {  	(tm) =	ssettm $0x7FFFFFFF  }
0x3b: {  	_ =	shalt  }
tec
execute0_lowered:
.L_overlay_start_1:
0x0: {  	(tag) =	ssettag $0x1  }
0x1: {  	s0 =	srdreg.scid  }
0x2: {  	s1 =	sshll.u32 s0, $0x4  }
0x3: {  	s4 =	rddreg [dreg:$0x0];
	s0 =	stileid.u32;
	s1 =	sand.u32 $0x10, s1  }
0x4: {  	s2 =	rddreg [dreg:$0x1];
	s7 =	simm.s32 $0x1;
	s1 =	sor.u32 s0, s1  }
0x5: {  	s8 =	simm.s32 $0x2;
	s11 =	simm.s32 $0x0;
	s3 =	sshll.u32 s1, $0x3  }
0x6: {  	s10 =	simm.s32 $0x0;
	s4 =	sadd.s32 $0x800, s4;
	s6 =	ssub.s32 $0x5C00, s3  }
.Ltmp0:
0x7: {  	s1 =	rddreg [dreg:$0x2];
	s5 =	sand.u32 $0xF8, s6;
	(pc) =	sbr.rel .LBB1_1-.Ltmp0, $4  }
0x8: {  	_ =	strace $0x8000004A;
	s9 =	smov.u32 s3;
	p0 =	sne.s32 s5, $0x0  }
0x9: {  	s6 =	sshrl.u32 s6, $0x8;
	s5 =	simm.s32 $0x1;
	s7 =	simm.s32 @!p0 $0x0  }
0xa: {  	[sflag:s5] =	ssyncpa.u1 $0x0;
	p0 =	por $0x0, $0x0;
	s6 =	sadd.s32 s7, s6  }
0xb: {  	[sflag:s8] =	ssyncpa.u1 $0x0;
	s8 =	simm.s32 $0x0;
	s7 =	sadd.s32 $0x1, s6  }
.LBB1_7:
0xc: {  	s13 =	sadd.s32 $0x100, s9  }
0xd: {  	p2 =	sgt.s32 s13, $0x5BFF  }
0xe: {  	s13 =	smov.u32 @p2 s3;
	p2 =	sne.s32 s10, s7  }
.Ltmp1:
0xf: {  	p1 =	slt.u32 s10, $0x2;
	(pc) =	sbr.rel @!p2 .LBB1_8-.Ltmp1, $4  }
0x10: {  	s12 =	simm.s32 @!p1 $0x2  }
0x11: {  	s14 =	sadd.s32 $0x1, s10;
	_ =	swait.ge @!p1 [sflag:s12], $0x4000  }
0x12: {  	s11 =	smov.u32 s9;
	p0 =	por !p0, !p0;
	[sflag:s12] =	ssyncset.done @!p1 $0x0  }
0x13: {  	s10 =	smov.u32 s14;
	s9 =	smov.u32 s13;
	[sflag:s12] =	ssyncadd.s32 @!p1 $0xFFFFC000  }
.LBB1_1:
0x14: {  	p1 =	sge.u32 s10, s6  }
0x15: {  	s31 =	sadd.s32 $0xFFFFFFFF, s10;
	s12 =	sxor.u32 @!p1 $0xFFFFFFFF, s10  }
0x16: {  	s13 =	sshll.u32 @!p1 s9, $0xB;
	s14 =	simm.s32 @!p1 $0x10;
	s12 =	sshll.u32 @!p1 s12, $0xE  }
0x17: {  	s15 =	simm.s32 @!p1 $0x80;
	s13 =	sadd.s32 @!p1 s4, s13;
	s12 =	sand.u32 @!p1 $0x4000, s12  }
0x18: {  	[tilespmem:s12], [sflag:$0x1] =	stream.strided.gather @!p1 [hbm4b:s13+s14], $0x4000, s15, s14, $0x38;
	[tilespmem:$0x10100] =	vst v63  }
0x19: {  	p1 =	sge.u32 s31, s6  }
.Ltmp2:
0x1a: {  	_ = 	snop;
	(pc) =	sbr.rel @p1 .LBB1_7-.Ltmp2, $1  }
0x1b: {  	_ =	sdelay $0x3  }
0x1c: {  	s13 =	simm.s32 $0x1;
	s14 =	sand.u32 $0x1, s10  }
0x1d: {  	s13 =	simm.s32 @!p0 $0x0;
	s14 =	smul.u32 $0x10200, s14  }
0x1e: {  	_ =	swait.ge [sflag:s5], $0x4000;
	s12 =	smul.u32 $0x10200, s13  }
0x1f: {  	s15 =	simm.s32 $0x0;
	[sflag:s5] =	ssyncset.done $0x0;
	s13 =	sshll.u32 s13, $0xE  }
0x20: {  	[sflag:s5] =	ssyncadd.s32 $0xFFFFC000;
	s14 =	sshrl.u32 s14, $0x2;
	s12 =	sshrl.u32 s12, $0x2  }
0x21: {  	s13 =	sor.u32 $0x40, s13;
	s14 =	sor.u32 $0x8000, s14;
	s12 =	sor.u32 $0x8007, s12  }
.LBB1_3:
0x22: {  	v3 =	vld [tilespmem:s13+$0x30]  }
0x23: {  	v4 =	vld [tilespmem:s13+$0xFFFFFFD0]  }
0x24: {  	v5 =	vld [tilespmem:s13+$0xFFFFFFE0]  }
0x25: {  	v1 =	vld [tilespmem:s13+$0xFFFFFFF0]  }
0x26: {  	v0 =	vld [tilespmem:s13+$0x0]  }
0x27: {  	v2 =	vld [tilespmem:s13+$0x10];
	[tilespmem:s12+$0x0 ss:$0x81] =	vst.msk $0xffff, v3  }
0x28: {  	[tilespmem:s12+$0xFFFFFFFA ss:$0x81] =	vst.msk $0xffff, v4;
	v4 =	vld [tilespmem:s13+$0x20]  }
0x29: {  	s17 =	simm.s32 $0x0;
	s18 =	sadd.s32 $0x80, s13;
	s16 =	smov.u32 s12;
	v3 =	vld [tilespmem:s13+$0xFFFFFFC0];
	[tilespmem:s12+$0xFFFFFFFB ss:$0x81] =	vst.msk $0xffff, v5  }
.LBB1_4:
0x2a: {  	v5 =	vld [tilespmem:s18+$0x30];
	s17 =	sadd.s32 $0x8, s17;
	[tilespmem:s16+$0xFFFFFFFC ss:$0x81] =	vst.msk $0xffff, v1  }
0x2b: {  	v6 =	vld [tilespmem:s18+$0xFFFFFFD0];
	p1 =	slt.u32 s17, $0x78;
	[tilespmem:s16+$0xFFFFFFFD ss:$0x81] =	vst.msk $0xffff, v0  }
0x2c: {  	v7 =	vld [tilespmem:s18+$0xFFFFFFE0];
	[tilespmem:s16+$0xFFFFFFFE ss:$0x81] =	vst.msk $0xffff, v2  }
.Ltmp3:
0x2d: {  	v1 =	vld [tilespmem:s18+$0xFFFFFFF0];
	[tilespmem:s16+$0xFFFFFFFF ss:$0x81] =	vst.msk $0xffff, v4;
	(pc) =	sbr.rel @p1 .LBB1_4-.Ltmp3, $4  }
0x2e: {  	v0 =	vld [tilespmem:s18+$0x0];
	[tilespmem:s16+$0xFFFFFFF9 ss:$0x81] =	vst.msk $0xffff, v3;
	s16 =	sadd.s32 $0x8, s16  }
0x2f: {  	v2 =	vld [tilespmem:s18+$0x10];
	[tilespmem:s16+$0x0 ss:$0x81] =	vst.msk $0xffff, v5  }
0x30: {  	[tilespmem:s16+$0xFFFFFFFA ss:$0x81] =	vst.msk $0xffff, v6;
	v4 =	vld [tilespmem:s18+$0x20]  }
0x31: {  	v3 =	vld [tilespmem:s18+$0xFFFFFFC0];
	[tilespmem:s16+$0xFFFFFFFB ss:$0x81] =	vst.msk $0xffff, v7;
	s18 =	sadd.s32 $0x80, s18  }
0x32: {  	s15 =	sadd.s32 $0x1, s15  }
0x33: {  	p1 =	sne.s32 s15, $0x8  }
.Ltmp4:
0x34: {  	[tilespmem:s16+$0xFFFFFFFC ss:$0x81] =	vst.msk $0xffff, v1;
	(pc) =	sbr.rel @p1 .LBB1_3-.Ltmp4, $4  }
0x35: {  	[tilespmem:s16+$0xFFFFFFFD ss:$0x81] =	vst.msk $0xffff, v0  }
0x36: {  	[tilespmem:s16+$0xFFFFFFFE ss:$0x81] =	vst.msk $0xffff, v2  }
0x37: {  	[tilespmem:s16+$0xFFFFFFFF ss:$0x81] =	vst.msk $0xffff, v4  }
0x38: {  	s12 =	sadd.s32 $0x810, s12;
	s13 =	sadd.s32 $0x800, s13;
	[tilespmem:s16+$0xFFFFFFF9 ss:$0x81] =	vst.msk $0xffff, v3  }
.Ltmp5:
0x39: {  	(pc) =	sbr.rel .LBB1_7-.Ltmp5, $4  }
0x3a: {  	_ = 	snop  }
0x3b: {  	s11 =	sshll.u32 s11, $0x8  }
0x3c: {  	s11 =	sadd.s32 s2, s11  }
0x3d: {  	[hbm4b:s11+s8] =	stream.linear.scatter [tilespmem:s14], [sflag:$0x2], $0x4000, $0x20;
	[tilespmem:$0x10100] =	vst v63  }
.LBB1_8:
0x3e: {  	_ =	sfence.sel $0x180000  }
0x3f: {  	s2 =	simm.s32 $0x1;
	[bflag:$0x0] =	sbarrier.arrive $0xFFFF  }
0x40: {  	s31 =	simm.s32 $0x2;
	[sflag:s2] =	ssyncpa.u1 $0x1  }
0x41: {  	[sflag:s31] =	ssyncpa.u1 $0x1  }
0x42: {  	p0 =	sne.s32 s0, $0x0;
	_ =	strace $0x9000004A  }
0x43: {  	s0 =	sadd.s32 @!p0 $0x100000, s1;
	[bflag:$0x2] =	sbarrier.arrive $0xFFFF  }
0x44: {  	[sflag:s0] =	ssyncadd.tile.s32 @!p0 $0x1;
	_ =	shalt  }
.Lfunc_end1:
_tile_overlayer_lowered:
.L_overlay_start_2:
0x45: {  	(tag) =	ssettag $0x2  }
0x46: {  	s0 =	rddreg [dreg:$0x0];
	s2 =	stileid.u32  }
0x47: {  	s1 =	rddreg [dreg:$0x1];
	p0 =	sne.s32 s2, $0x0  }
0x48: {  	s3 =	rddreg [dreg:$0x2];
	[bflag:$0x3] =	sbarrier.arrive $0xFFFF;
	s2 =	simm.s32 @!p0 $0x1C01  }
0x49: {  	[timem:s3], [sflag:s2] =	dma.local @!p0 [hbm:s0], s1  }
0x4a: {  	s0 =	simm.s32 @!p0 $0x1  }
0x4b: {  	_ =	swait.ge @!p0 [sflag:s0], s1  }
0x4c: {  	s1 =	ssub.s32 @!p0 $0x0, s1;
	[sflag:s0] =	ssyncset.done @!p0 $0x0  }
0x4d: {  	[sflag:s0] =	ssyncadd.s32 @!p0 s1  }
0x4e: {  	[bflag:$0x3] =	sbarrier.arrive $0xFFFF  }
0x4f: {  	_ =	shalt  }

</sc_bundles>
